<compile_context>
chip_gen: v7x
topology: tpu7x:2x2x1
jax: 0.10.2.dev20260603
libtpu: 0.0.44.dev20260713+nightly
codegen_flags: <defaults>
</compile_context>

<pallas_src>
import functools

import jax
import jax.numpy as jnp
from jax import lax
from jax.experimental import pallas as pl
from jax.experimental.pallas import tpu as pltpu
from jax.experimental.pallas import tpu_sc as plsc

_E = 128
_V = 1001
_B = 4
_N = 512
_K = 16
_D = 2 * _E

_NC, _NS, _L = 2, 16, 16
_NW = _NC * _NS
_ROWS = _B * _N
_RPW = _ROWS // _NW
_HROWS = _ROWS // 2
_RPWH = _HROWS // _NW
_CH = 8
_NCHUNK = _RPWH // _CH
_CROWS = _CH * _K
_NBUF = 3

_F32 = jnp.float32
_BF16 = jnp.bfloat16


def _sc_mesh():
    return plsc.VectorSubcoreMesh(core_axis_name="c", subcore_axis_name="s",
                                  num_cores=_NC, num_subcores=_NS)


def _dot(x, w):
    return jax.lax.dot_general(
        x.astype(_BF16), w.astype(_BF16), (((x.ndim - 1,), (0,)), ((), ())),
        preferred_element_type=_F32)


def _mlp_chain(x, layers):
    n = len(layers)
    for i, (w, b) in enumerate(layers):
        x = _dot(x, w[...]) + b[...]
        if i < n - 1:
            x = jnp.maximum(x, 0.0)
    return x


def _wid():
    return lax.axis_index("s") * _NC + lax.axis_index("c")


@functools.cache
def _make_sc_class_gather():
    @functools.partial(
        pl.kernel,
        out_type=jax.ShapeDtypeStruct((_ROWS, _E), _F32),
        scratch_types=[pltpu.VMEM((_RPW,), jnp.int32),
                       pltpu.VMEM((_RPW, _E), _F32),
                       pltpu.SemaphoreType.DMA],
        mesh=_sc_mesh())
    def _sc_class_gather(table_hbm, idx_hbm, out_hbm, idx_v, rows_v, sem):
        base = _wid() * _RPW
        pltpu.sync_copy(idx_hbm.at[pl.ds(base, _RPW)], idx_v)
        pltpu.async_copy(table_hbm.at[idx_v], rows_v, sem).wait()
        pltpu.sync_copy(rows_v, out_hbm.at[pl.ds(base, _RPW)])
    return _sc_class_gather


@functools.cache
def _make_sc_gather():
    @functools.partial(
        pl.kernel,
        out_type=jax.ShapeDtypeStruct((_HROWS * _K, _D), _F32),
        scratch_types=[pltpu.VMEM((_RPWH * _K,), jnp.int32)]
                      + [pltpu.VMEM((_CROWS, _D), _F32)] * _NBUF
                      + [pltpu.SemaphoreType.DMA] * (2 * _NBUF),
        mesh=_sc_mesh())
    def _sc_gather(x_hbm, idx_hbm, out_hbm, idx_v, *bufsem):
        bufs = bufsem[:_NBUF]
        gsems = bufsem[_NBUF:2 * _NBUF]
        osems = bufsem[2 * _NBUF:]
        base = _wid() * _RPWH
        pltpu.sync_copy(idx_hbm.at[pl.ds(base * _K, _RPWH * _K)], idx_v)

        def gstart(c, s):
            return pltpu.async_copy(
                x_hbm.at[idx_v.at[pl.ds(c * _CROWS, _CROWS)]],
                bufs[s], gsems[s])

        def ostart(c, s):
            return pltpu.async_copy(
                bufs[s], out_hbm.at[pl.ds(base * _K + c * _CROWS, _CROWS)],
                osems[s])

        gcp = [gstart(c, c) for c in range(min(_NBUF, _NCHUNK))]
        ocp = [None] * _NBUF
        for c in range(_NCHUNK):
            s = c % _NBUF
            gcp[s].wait()
            ocp[s] = ostart(c, s)
            if c + _NBUF < _NCHUNK:
                ocp[s].wait()
                gcp[s] = gstart(c + _NBUF, s)
        for s in range(min(_NBUF, _NCHUNK)):
            ocp[s].wait()
    return _sc_gather


def _knn_select(x):
    xb = x.astype(_BF16)
    gram = jax.lax.dot_general(
        xb, xb, (((1,), (1,)), ((), ())),
        preferred_element_type=_F32)
    iota_j = jax.lax.broadcasted_iota(jnp.int32, (_N, _N), 1)
    iota_i = jax.lax.broadcasted_iota(jnp.int32, (_N, _N), 0)
    sq_col = jnp.sum(x * x, axis=1, keepdims=True)
    sq_row = jnp.sum(jnp.where(iota_i == iota_j, sq_col, 0.0),
                     axis=0, keepdims=True)
    dist = (sq_col + sq_row) - 2.0 * gram

    goff = pl.program_id(0) * _N
    cols = []
    inf = jnp.float32(jnp.inf)
    for _ in range(_K):
        m = jnp.min(dist, axis=1, keepdims=True)
        cand = jnp.where(dist <= m, iota_j, _N)
        jmin = jnp.min(cand, axis=1, keepdims=True)
        onehot = iota_j == jmin
        cols.append(jmin + goff)
        dist = jnp.where(onehot, inf, dist)
    idx = jnp.concatenate(cols, axis=1)
    return idx


def _cmax_from_xg(x, xg, ew):
    diffs = xg.reshape(_N, _K, _D) - x[:, None, :]
    c = _dot(diffs.reshape(_N * _K, _D), ew[_D:, :])
    return jnp.max(c.reshape(_N, _K, _D), axis=1)


def _cmax_inline(x, idx_local, ew):
    iota_j = jax.lax.broadcasted_iota(jnp.int32, (_N, _N), 1)
    w2 = ew[_D:, :]
    cacc = None
    for k in range(_K):
        oh = jnp.where(iota_j == idx_local[:, k:k + 1], 1.0, 0.0)
        xj = jax.lax.dot_general(
            oh, x, (((1,), (0,)), ((), ())),
            preferred_element_type=_F32,
            precision=jax.lax.Precision.HIGHEST)
        ck = _dot(xj - x, w2)
        cacc = ck if cacc is None else jnp.maximum(cacc, ck)
    return cacc


def _edge_next(b, x, xg_ref, idx_ref, a_nob, ew, eb, cmax_s):
    @pl.when(b < 2)
    def _():
        cmax_s[...] = _cmax_from_xg(x, xg_ref[0], ew)

    @pl.when(b >= 2)
    def _():
        cmax_s[...] = _cmax_inline(x, idx_ref[0] - b * _N, ew)

    return (a_nob + cmax_s[...]) + eb


def _stage_a_body(cemb_ref, pos_ref, desc_ref,
                  pw0, pb0, pw1, pb1, pw2, pb2, pw3, pb3, ew,
                  x_out, a_out, idx_out):
    p = pos_ref[0]
    p = jnp.maximum(_dot(p, pw0[...]) + pb0[...], 0.0)
    p = jnp.maximum(_dot(p, pw1[...]) + pb1[...], 0.0)
    p = jnp.maximum(_dot(p, pw2[...]) + pb2[...], 0.0)
    pos_emb = _dot(p, pw3[...]) + pb3[...]
    desc_b = jnp.broadcast_to(desc_ref[0], (_N, _E))
    x = jnp.concatenate([cemb_ref[0] + pos_emb, desc_b], axis=1)
    x_out[0] = x
    a_out[0] = _dot(x, ew[...][:_D, :])
    idx_out[0] = _knn_select(x)


def _stage_c_body(x0_ref, xg_ref, a0_ref, idx0_ref, ew0, eb0, ew1,
                  x_out, a_out, idx_out, cmax_s):
    b = pl.program_id(0)
    x = _edge_next(b, x0_ref[0], xg_ref, idx0_ref, a0_ref[0],
                   ew0[...], eb0[...], cmax_s)
    x_out[0] = x
    a_out[0] = _dot(x, ew1[...][:_D, :])
    idx_out[0] = _knn_select(x)


def _stage_e_body(x1_ref, xg_ref, a1_ref, idx1_ref, desc_ref, ew1, eb1,
                  fw, fb,
                  rw0, rb0, rw1, rb1, rw2, rb2, rw3, rb3,
                  tw0, tb0, tw1, tb1,
                  cw0, cb0, cw1, cb1, cw2, cb2,
                  ow0, ob0, ow1, ob1, ow2, ob2,
                  feats_out, ref_out, tcls_out, ocls_out, ooff_out, cmax_s):
    b = pl.program_id(0)
    desc = desc_ref[0]
    desc_b = jnp.broadcast_to(desc, (_N, _E))
    x2 = _edge_next(b, x1_ref[0], xg_ref, idx1_ref, a1_ref[0],
                    ew1[...], eb1[...], cmax_s)
    cat = jnp.concatenate([x1_ref[0], x2, desc_b], axis=1)
    feats = _dot(cat, fw[...]) + fb[...]
    feats_out[0] = feats
    ref_out[0] = _mlp_chain(
        feats, [(rw0, rb0), (rw1, rb1), (rw2, rb2), (rw3, rb3)])
    tcls_out[0] = _mlp_chain(desc, [(tw0, tb0), (tw1, tb1)])
    ocls_out[0] = _mlp_chain(feats, [(cw0, cb0), (cw1, cb1), (cw2, cb2)])
    ooff_out[0] = _mlp_chain(feats, [(ow0, ob0), (ow1, ob1), (ow2, ob2)])


def _batch_spec(shape):
    nd = len(shape)
    return pl.BlockSpec((1,) + shape[1:],
                        lambda b, _nd=nd: (b,) + (0,) * (_nd - 1))


def _full_spec(shape):
    nd = len(shape)
    return pl.BlockSpec(shape, lambda b, _nd=nd: (0,) * nd)


def _wb(layers):
    out = []
    for w, b in layers:
        out.append(w)
        out.append(b.reshape(1, -1))
    return out


@jax.jit
def kernel(class_indices, object_positions, description_encodings, params):
    desc3 = description_encodings.reshape(_B, 1, _E)
    cls_flat = class_indices.astype(jnp.int32).reshape(_ROWS)

    cemb = _make_sc_class_gather()(params["class_table"], cls_flat)
    cemb = cemb.reshape(_B, _N, _E)

    pos_w = _wb(params["pos_mlp"])
    arb = pltpu.CompilerParams(dimension_semantics=("arbitrary",))

    xai_specs = [_batch_spec((_B, _N, _D)),
                 _batch_spec((_B, _N, _D)),
                 _batch_spec((_B, _N, _K))]
    xai_shape = [jax.ShapeDtypeStruct((_B, _N, _D), _F32),
                 jax.ShapeDtypeStruct((_B, _N, _D), _F32),
                 jax.ShapeDtypeStruct((_B, _N, _K), jnp.int32)]

    ew0, eb0 = params["edge_mlps"][0][0]
    ew1, eb1 = params["edge_mlps"][1][0]

    x0, a0, idx0 = pl.pallas_call(
        _stage_a_body,
        grid=(_B,),
        in_specs=[_batch_spec((_B, _N, _E)),
                  _batch_spec((_B, _N, 2)),
                  _batch_spec((_B, 1, _E))]
                 + [_full_spec(w.shape) for w in pos_w]
                 + [_full_spec(ew0.shape)],
        out_specs=xai_specs,
        out_shape=xai_shape,
        compiler_params=arb,
    )(cemb, object_positions, desc3, *pos_w, ew0)

    def half_spec():
        return pl.BlockSpec((1, _N * _K, _D),
                            lambda b: (jnp.minimum(b, 1), 0, 0))

    xg0 = _make_sc_gather()(x0.reshape(_ROWS, _D),
                            idx0[:2].reshape(_HROWS * _K))
    xg0 = xg0.reshape(2, _N * _K, _D)

    x1, a1, idx1 = pl.pallas_call(
        _stage_c_body,
        grid=(_B,),
        in_specs=[_batch_spec((_B, _N, _D)),
                  half_spec(),
                  _batch_spec((_B, _N, _D)),
                  _batch_spec((_B, _N, _K)),
                  _full_spec(ew0.shape), _full_spec((1, _D)),
                  _full_spec(ew1.shape)],
        out_specs=xai_specs,
        out_shape=xai_shape,
        scratch_shapes=[pltpu.VMEM((_N, _D), _F32)],
        compiler_params=arb,
    )(x0, xg0, a0, idx0, ew0, eb0.reshape(1, -1), ew1)

    xg1 = _make_sc_gather()(x1.reshape(_ROWS, _D),
                            idx1[:2].reshape(_HROWS * _K))
    xg1 = xg1.reshape(2, _N * _K, _D)

    head_w = (_wb(params["mlp_features"]) + _wb(params["mlp_object_ref"])
              + _wb(params["mlp_target_class"])
              + _wb(params["mlp_object_class"])
              + _wb(params["mlp_object_offset"]))
    feats, oref, tcls, ocls, ooff = pl.pallas_call(
        _stage_e_body,
        grid=(_B,),
        in_specs=[_batch_spec((_B, _N, _D)),
                  half_spec(),
                  _batch_spec((_B, _N, _D)),
                  _batch_spec((_B, _N, _K)),
                  _batch_spec((_B, 1, _E)),
                  _full_spec(ew1.shape), _full_spec((1, _D))]
                 + [_full_spec(w.shape) for w in head_w],
        out_specs=[_batch_spec((_B, _N, _D)),
                   _batch_spec((_B, _N, 1)),
                   _batch_spec((_B, 1, _V)),
                   _batch_spec((_B, _N, _V)),
                   _batch_spec((_B, _N, 2))],
        out_shape=[jax.ShapeDtypeStruct((_B, _N, _D), _F32),
                   jax.ShapeDtypeStruct((_B, _N, 1), _F32),
                   jax.ShapeDtypeStruct((_B, 1, _V), _F32),
                   jax.ShapeDtypeStruct((_B, _N, _V), _F32),
                   jax.ShapeDtypeStruct((_B, _N, 2), _F32)],
        scratch_shapes=[pltpu.VMEM((_N, _D), _F32)],
        compiler_params=arb,
    )(x1, xg1, a1, idx1, desc3, ew1, eb1.reshape(1, -1), *head_w)

    return (feats, oref[..., 0], tcls[:, 0, :], ocls, ooff)

# --- scband reference (transcript-rebuilt; emitter-appended) ---
"""Pipeline reference for scband-dgmatch-38568806318768 (READ-ONLY COPY).

The authoritative reference and input builder live on the scoring server;
editing this copy changes nothing except your own understanding.
"""

import jax, jax.numpy as jnp
import numpy as np

E = 128
V = 1001
B = 4
N = 512
K = 16


def _init_linear(key, din, dout):
    k1, k2 = jax.random.split(key)
    lim = 1.0 / np.sqrt(din)
    W = jax.random.uniform(k1, (din, dout), minval=-lim, maxval=lim, dtype=jnp.float32)
    b = jax.random.uniform(k2, (dout,), minval=-lim, maxval=lim, dtype=jnp.float32)
    return (W, b)


def _init_mlp(key, dims):
    layers = []
    for i in range(len(dims) - 1):
        key, sk = jax.random.split(key)
        layers.append(_init_linear(sk, dims[i], dims[i + 1]))
    return layers


def _mlp(layers, x):
    n = len(layers)
    for i, (W, b) in enumerate(layers):
        x = x @ W + b
        if i < n - 1:
            x = jax.nn.relu(x)
    return x


def setup_inputs(seed: int = 0):
    key = jax.random.key(seed)
    ks = jax.random.split(key, 12)
    class_indices = jax.random.randint(ks[0], (B, N), 0, V)
    object_positions = jax.random.normal(ks[1], (B, N, 2), dtype=jnp.float32)
    description_encodings = jax.random.normal(ks[2], (B, E), dtype=jnp.float32)
    table = (jax.random.normal(ks[3], (V, E), dtype=jnp.float32) * 0.02).at[0].set(0.0)
    params = {
        "class_table": table,
        "pos_mlp": _init_mlp(ks[4], [2, 4, 8, 16, E]),
        "edge_mlps": [_init_mlp(ks[5], [4 * E, 2 * E]), _init_mlp(ks[6], [4 * E, 2 * E])],
        "mlp_features": _init_mlp(ks[7], [5 * E, 2 * E]),
        "mlp_object_ref": _init_mlp(ks[8], [2 * E, E, 64, 32, 1]),
        "mlp_target_class": _init_mlp(ks[9], [E, 16, V]),
        "mlp_object_class": _init_mlp(ks[10], [2 * E, E, 16, V]),
        "mlp_object_offset": _init_mlp(ks[11], [2 * E, E, 64, 2]),
    }
    return {
        "class_indices": class_indices,
        "object_positions": object_positions,
        "description_encodings": description_encodings,
        "params": params,
    }


def _edge_conv(layers, x):
    # DynamicEdgeConv: kNN in feature space, edge feature [x_i, x_j - x_i], MLP, max-aggregate
    sq = jnp.sum(x * x, axis=1)
    dist = sq[:, None] + sq[None, :] - 2.0 * (x @ x.T)
    _, idx = jax.lax.top_k(-dist, K)  # [N, K], includes self (dist 0)
    xj = x[idx]  # gather neighbor features [N, K, F]
    xi = jnp.broadcast_to(x[:, None, :], xj.shape)
    e = jnp.concatenate([xi, xj - xi], axis=-1)  # [N, K, 2F]
    h = _mlp(layers, e)
    return jnp.max(h, axis=1)


def _forward(class_indices, object_positions, description_encodings, params):
    class_emb = jnp.take(params["class_table"], class_indices, axis=0)  # [B, N, E]
    pos_emb = _mlp(params["pos_mlp"], object_positions)  # [B, N, E]
    obj = class_emb + pos_emb
    desc_rep = jnp.broadcast_to(description_encodings[:, None, :], (B, N, E))
    x = jnp.concatenate([obj, desc_rep], axis=-1)  # [B, N, 2E]
    outs = []
    for layers in params["edge_mlps"]:
        x = jax.vmap(lambda xb: _edge_conv(layers, xb))(x)  # per-scene kNN graph (batch-separated)
        outs.append(x)
    x = jnp.concatenate(outs, axis=-1)  # use_residual=True: concat all layer outputs -> [B, N, 4E]
    x = jnp.concatenate([x, desc_rep], axis=-1)  # [B, N, 5E]
    feats = _mlp(params["mlp_features"], x)  # [B, N, 2E]
    pred_object_ref = jnp.squeeze(_mlp(params["mlp_object_ref"], feats), axis=-1)  # [B, N]
    pred_target_class = _mlp(params["mlp_target_class"], description_encodings)  # [B, V]
    pred_object_class = _mlp(params["mlp_object_class"], feats)  # [B, N, V]
    pred_object_offset = _mlp(params["mlp_object_offset"], feats)  # [B, N, 2]
    return (feats, pred_object_ref, pred_target_class, pred_object_class, pred_object_offset)


def reference(class_indices, object_positions, description_encodings, params):
    return _forward(class_indices, object_positions, description_encodings, params)

if __name__ == "__main__":
    import jax
    _d = setup_inputs()
    print(jax.jit(kernel)(*tuple(_d.values())))

</pallas_src>

<mosaic_0001>
#map = affine_map<(d0, d1) -> (0, 0)>
#map1 = affine_map<(d0, d1) -> (0)>
module attributes {stable_mosaic.version = 14 : i64} {
  func.func @_sc_gather(%arg0: i32, %arg1: i32, %arg2: memref<2048x256xf32, #tpu.memory_space<hbm>>, %arg3: memref<16384xi32, #tpu.memory_space<hbm>>, %arg4: memref<16384x256xf32, #tpu.memory_space<hbm>>, %arg5: memref<512xi32, #tpu.memory_space<vmem>>, %arg6: memref<128x256xf32, #tpu.memory_space<vmem>>, %arg7: memref<128x256xf32, #tpu.memory_space<vmem>>, %arg8: memref<128x256xf32, #tpu.memory_space<vmem>>, %arg9: memref<!tpu.dma_semaphore, #tpu.memory_space<semaphore_mem>>, %arg10: memref<!tpu.dma_semaphore, #tpu.memory_space<semaphore_mem>>, %arg11: memref<!tpu.dma_semaphore, #tpu.memory_space<semaphore_mem>>, %arg12: memref<!tpu.dma_semaphore, #tpu.memory_space<semaphore_mem>>, %arg13: memref<!tpu.dma_semaphore, #tpu.memory_space<semaphore_mem>>, %arg14: memref<!tpu.dma_semaphore, #tpu.memory_space<semaphore_mem>>) attributes {dimension_semantics = [#tpu.dimension_semantics<core_parallel>, #tpu.dimension_semantics<subcore_parallel>], iteration_bounds = array<i64: 2, 16>, scalar_prefetch = 0 : i64, scratch_operands = 10 : i64, tpu.core_type = #tpu.core_type<sc_vector_subcore>, window_params = [{transform_indices = #map}, {transform_indices = #map1}, {transform_indices = #map}]} {
    %mul3A = arith.constant 2 : i32
    %mul3A_0 = arith.muli %arg1, %mul3A : i32
    %add3A = arith.addi %mul3A_0, %arg0 : i32
    %mul3A_1 = arith.constant 32 : i32
    %mul3A_2 = arith.muli %add3A, %mul3A_1 : i32
    %mul3A_3 = arith.constant 16 : i32
    %mul3A_4 = arith.muli %mul3A_2, %mul3A_3 : i32
    "tpu.region"() ({
      %run_scoped3A = tpu.sem_alloc : memref<!tpu.dma_semaphore, #tpu.memory_space<semaphore_mem>>
      %dma_start3A_91 = tpu.memref_slice %arg3[%mul3A_4] : memref<16384xi32, #tpu.memory_space<hbm>> -> memref<512xi32, #tpu.memory_space<hbm>>
      %dma_start3A_92 = tpu.memref_slice %arg3[%mul3A_4] : memref<16384xi32, #tpu.memory_space<hbm>> -> memref<512xi32, #tpu.memory_space<hbm>>
      tpu.enqueue_dma source(%dma_start3A_92 : memref<512xi32, #tpu.memory_space<hbm>>) target(%arg5 : memref<512xi32, #tpu.memory_space<vmem>>) target_semaphore(%run_scoped3A : memref<!tpu.dma_semaphore, #tpu.memory_space<semaphore_mem>>)
      %dma_wait3A_93 = tpu.memref_slice %arg3[%mul3A_4] : memref<16384xi32, #tpu.memory_space<hbm>> -> memref<512xi32, #tpu.memory_space<hbm>>
      %dma_wait3A_94 = tpu.memref_slice %arg3[%mul3A_4] : memref<16384xi32, #tpu.memory_space<hbm>> -> memref<512xi32, #tpu.memory_space<hbm>>
      tpu.wait_dma2 semaphore(%run_scoped3A : memref<!tpu.dma_semaphore, #tpu.memory_space<semaphore_mem>>) src(%dma_wait3A_94 : memref<512xi32, #tpu.memory_space<hbm>>) dst(%arg5 : memref<512xi32, #tpu.memory_space<vmem>>)
      tpu.yield
    }) : () -> ()
    %dma_start3A = arith.constant 0 : i32
    %dma_start3A_5 = tpu.memref_slice %arg5[%dma_start3A] : memref<512xi32, #tpu.memory_space<vmem>> -> memref<128xi32, #tpu.memory_space<vmem>>
    %dma_start3A_6 = arith.constant 0 : i32
    %dma_start3A_7 = arith.constant 0 : i32
    %dma_start3A_8 = tpu.memref_slice %arg2[%dma_start3A_6, %dma_start3A_7] : memref<2048x256xf32, #tpu.memory_space<hbm>> -> memref<2048x256xf32, #tpu.memory_space<hbm>>
    tpu.enqueue_indirect_dma source(%dma_start3A_8 : memref<2048x256xf32, #tpu.memory_space<hbm>>) target(%arg6 : memref<128x256xf32, #tpu.memory_space<vmem>>) offsets(%dma_start3A_5 : memref<128xi32, #tpu.memory_space<vmem>>) semaphore(%arg9 : memref<!tpu.dma_semaphore, #tpu.memory_space<semaphore_mem>>)
    %dma_start3A_9 = arith.constant 128 : i32
    %dma_start3A_10 = tpu.memref_slice %arg5[%dma_start3A_9] : memref<512xi32, #tpu.memory_space<vmem>> -> memref<128xi32, #tpu.memory_space<vmem>>
    %dma_start3A_11 = arith.constant 0 : i32
    %dma_start3A_12 = arith.constant 0 : i32
    %dma_start3A_13 = tpu.memref_slice %arg2[%dma_start3A_11, %dma_start3A_12] : memref<2048x256xf32, #tpu.memory_space<hbm>> -> memref<2048x256xf32, #tpu.memory_space<hbm>>
    tpu.enqueue_indirect_dma source(%dma_start3A_13 : memref<2048x256xf32, #tpu.memory_space<hbm>>) target(%arg7 : memref<128x256xf32, #tpu.memory_space<vmem>>) offsets(%dma_start3A_10 : memref<128xi32, #tpu.memory_space<vmem>>) semaphore(%arg10 : memref<!tpu.dma_semaphore, #tpu.memory_space<semaphore_mem>>)
    %dma_start3A_14 = arith.constant 256 : i32
    %dma_start3A_15 = tpu.memref_slice %arg5[%dma_start3A_14] : memref<512xi32, #tpu.memory_space<vmem>> -> memref<128xi32, #tpu.memory_space<vmem>>
    %dma_start3A_16 = arith.constant 0 : i32
    %dma_start3A_17 = arith.constant 0 : i32
    %dma_start3A_18 = tpu.memref_slice %arg2[%dma_start3A_16, %dma_start3A_17] : memref<2048x256xf32, #tpu.memory_space<hbm>> -> memref<2048x256xf32, #tpu.memory_space<hbm>>
    tpu.enqueue_indirect_dma source(%dma_start3A_18 : memref<2048x256xf32, #tpu.memory_space<hbm>>) target(%arg8 : memref<128x256xf32, #tpu.memory_space<vmem>>) offsets(%dma_start3A_15 : memref<128xi32, #tpu.memory_space<vmem>>) semaphore(%arg11 : memref<!tpu.dma_semaphore, #tpu.memory_space<semaphore_mem>>)
    %dma_wait3A = arith.constant 0 : i32
    %dma_wait3A_19 = tpu.memref_slice %arg5[%dma_wait3A] : memref<512xi32, #tpu.memory_space<vmem>> -> memref<128xi32, #tpu.memory_space<vmem>>
    %dma_wait3A_20 = arith.constant 0 : i32
    %dma_wait3A_21 = arith.constant 0 : i32
    %dma_wait3A_22 = tpu.memref_slice %arg2[%dma_wait3A_20, %dma_wait3A_21] : memref<2048x256xf32, #tpu.memory_space<hbm>> -> memref<2048x256xf32, #tpu.memory_space<hbm>>
    tpu.wait_indirect_dma semaphore(%arg9 : memref<!tpu.dma_semaphore, #tpu.memory_space<semaphore_mem>>) src(%dma_wait3A_22 : memref<2048x256xf32, #tpu.memory_space<hbm>>) dst(%arg6 : memref<128x256xf32, #tpu.memory_space<vmem>>)
    %mul3A_23 = arith.constant 16 : i32
    %mul3A_24 = arith.muli %mul3A_2, %mul3A_23 : i32
    %add3A_25 = arith.constant 0 : i32
    %add3A_26 = arith.addi %mul3A_24, %add3A_25 : i32
    %dma_start3A_27 = arith.constant 0 : i32
    %dma_start3A_28 = tpu.memref_slice %arg4[%add3A_26, %dma_start3A_27] : memref<16384x256xf32, #tpu.memory_space<hbm>> -> memref<128x256xf32, #tpu.memory_space<hbm>>
    %dma_start3A_29 = arith.constant 0 : i32
    %dma_start3A_30 = tpu.memref_slice %arg4[%add3A_26, %dma_start3A_29] : memref<16384x256xf32, #tpu.memory_space<hbm>> -> memref<128x256xf32, #tpu.memory_space<hbm>>
    tpu.enqueue_dma source(%arg6 : memref<128x256xf32, #tpu.memory_space<vmem>>) target(%dma_start3A_30 : memref<128x256xf32, #tpu.memory_space<hbm>>) target_semaphore(%arg12 : memref<!tpu.dma_semaphore, #tpu.memory_space<semaphore_mem>>)
    %dma_wait3A_31 = arith.constant 0 : i32
    %dma_wait3A_32 = tpu.memref_slice %arg4[%add3A_26, %dma_wait3A_31] : memref<16384x256xf32, #tpu.memory_space<hbm>> -> memref<128x256xf32, #tpu.memory_space<hbm>>
    %dma_wait3A_33 = arith.constant 0 : i32
    %dma_wait3A_34 = tpu.memref_slice %arg4[%add3A_26, %dma_wait3A_33] : memref<16384x256xf32, #tpu.memory_space<hbm>> -> memref<128x256xf32, #tpu.memory_space<hbm>>
    tpu.wait_dma2 semaphore(%arg12 : memref<!tpu.dma_semaphore, #tpu.memory_space<semaphore_mem>>) src(%arg6 : memref<128x256xf32, #tpu.memory_space<vmem>>) dst(%dma_wait3A_34 : memref<128x256xf32, #tpu.memory_space<hbm>>)
    %dma_start3A_35 = arith.constant 384 : i32
    %dma_start3A_36 = tpu.memref_slice %arg5[%dma_start3A_35] : memref<512xi32, #tpu.memory_space<vmem>> -> memref<128xi32, #tpu.memory_space<vmem>>
    %dma_start3A_37 = arith.constant 0 : i32
    %dma_start3A_38 = arith.constant 0 : i32
    %dma_start3A_39 = tpu.memref_slice %arg2[%dma_start3A_37, %dma_start3A_38] : memref<2048x256xf32, #tpu.memory_space<hbm>> -> memref<2048x256xf32, #tpu.memory_space<hbm>>
    tpu.enqueue_indirect_dma source(%dma_start3A_39 : memref<2048x256xf32, #tpu.memory_space<hbm>>) target(%arg6 : memref<128x256xf32, #tpu.memory_space<vmem>>) offsets(%dma_start3A_36 : memref<128xi32, #tpu.memory_space<vmem>>) semaphore(%arg9 : memref<!tpu.dma_semaphore, #tpu.memory_space<semaphore_mem>>)
    %dma_wait3A_40 = arith.constant 128 : i32
    %dma_wait3A_41 = tpu.memref_slice %arg5[%dma_wait3A_40] : memref<512xi32, #tpu.memory_space<vmem>> -> memref<128xi32, #tpu.memory_space<vmem>>
    %dma_wait3A_42 = arith.constant 0 : i32
    %dma_wait3A_43 = arith.constant 0 : i32
    %dma_wait3A_44 = tpu.memref_slice %arg2[%dma_wait3A_42, %dma_wait3A_43] : memref<2048x256xf32, #tpu.memory_space<hbm>> -> memref<2048x256xf32, #tpu.memory_space<hbm>>
    tpu.wait_indirect_dma semaphore(%arg10 : memref<!tpu.dma_semaphore, #tpu.memory_space<semaphore_mem>>) src(%dma_wait3A_44 : memref<2048x256xf32, #tpu.memory_space<hbm>>) dst(%arg7 : memref<128x256xf32, #tpu.memory_space<vmem>>)
    %mul3A_45 = arith.constant 16 : i32
    %mul3A_46 = arith.muli %mul3A_2, %mul3A_45 : i32
    %add3A_47 = arith.constant 128 : i32
    %add3A_48 = arith.addi %mul3A_46, %add3A_47 : i32
    %dma_start3A_49 = arith.constant 0 : i32
    %dma_start3A_50 = tpu.memref_slice %arg4[%add3A_48, %dma_start3A_49] : memref<16384x256xf32, #tpu.memory_space<hbm>> -> memref<128x256xf32, #tpu.memory_space<hbm>>
    %dma_start3A_51 = arith.constant 0 : i32
    %dma_start3A_52 = tpu.memref_slice %arg4[%add3A_48, %dma_start3A_51] : memref<16384x256xf32, #tpu.memory_space<hbm>> -> memref<128x256xf32, #tpu.memory_space<hbm>>
    tpu.enqueue_dma source(%arg7 : memref<128x256xf32, #tpu.memory_space<vmem>>) target(%dma_start3A_52 : memref<128x256xf32, #tpu.memory_space<hbm>>) target_semaphore(%arg13 : memref<!tpu.dma_semaphore, #tpu.memory_space<semaphore_mem>>)
    %dma_wait3A_53 = arith.constant 256 : i32
    %dma_wait3A_54 = tpu.memref_slice %arg5[%dma_wait3A_53] : memref<512xi32, #tpu.memory_space<vmem>> -> memref<128xi32, #tpu.memory_space<vmem>>
    %dma_wait3A_55 = arith.constant 0 : i32
    %dma_wait3A_56 = arith.constant 0 : i32
    %dma_wait3A_57 = tpu.memref_slice %arg2[%dma_wait3A_55, %dma_wait3A_56] : memref<2048x256xf32, #tpu.memory_space<hbm>> -> memref<2048x256xf32, #tpu.memory_space<hbm>>
    tpu.wait_indirect_dma semaphore(%arg11 : memref<!tpu.dma_semaphore, #tpu.memory_space<semaphore_mem>>) src(%dma_wait3A_57 : memref<2048x256xf32, #tpu.memory_space<hbm>>) dst(%arg8 : memref<128x256xf32, #tpu.memory_space<vmem>>)
    %mul3A_58 = arith.constant 16 : i32
    %mul3A_59 = arith.muli %mul3A_2, %mul3A_58 : i32
    %add3A_60 = arith.constant 256 : i32
    %add3A_61 = arith.addi %mul3A_59, %add3A_60 : i32
    %dma_start3A_62 = arith.constant 0 : i32
    %dma_start3A_63 = tpu.memref_slice %arg4[%add3A_61, %dma_start3A_62] : memref<16384x256xf32, #tpu.memory_space<hbm>> -> memref<128x256xf32, #tpu.memory_space<hbm>>
    %dma_start3A_64 = arith.constant 0 : i32
    %dma_start3A_65 = tpu.memref_slice %arg4[%add3A_61, %dma_start3A_64] : memref<16384x256xf32, #tpu.memory_space<hbm>> -> memref<128x256xf32, #tpu.memory_space<hbm>>
    tpu.enqueue_dma source(%arg8 : memref<128x256xf32, #tpu.memory_space<vmem>>) target(%dma_start3A_65 : memref<128x256xf32, #tpu.memory_space<hbm>>) target_semaphore(%arg14 : memref<!tpu.dma_semaphore, #tpu.memory_space<semaphore_mem>>)
    %dma_wait3A_66 = arith.constant 384 : i32
    %dma_wait3A_67 = tpu.memref_slice %arg5[%dma_wait3A_66] : memref<512xi32, #tpu.memory_space<vmem>> -> memref<128xi32, #tpu.memory_space<vmem>>
    %dma_wait3A_68 = arith.constant 0 : i32
    %dma_wait3A_69 = arith.constant 0 : i32
    %dma_wait3A_70 = tpu.memref_slice %arg2[%dma_wait3A_68, %dma_wait3A_69] : memref<2048x256xf32, #tpu.memory_space<hbm>> -> memref<2048x256xf32, #tpu.memory_space<hbm>>
    tpu.wait_indirect_dma semaphore(%arg9 : memref<!tpu.dma_semaphore, #tpu.memory_space<semaphore_mem>>) src(%dma_wait3A_70 : memref<2048x256xf32, #tpu.memory_space<hbm>>) dst(%arg6 : memref<128x256xf32, #tpu.memory_space<vmem>>)
    %mul3A_71 = arith.constant 16 : i32
    %mul3A_72 = arith.muli %mul3A_2, %mul3A_71 : i32
    %add3A_73 = arith.constant 384 : i32
    %add3A_74 = arith.addi %mul3A_72, %add3A_73 : i32
    %dma_start3A_75 = arith.constant 0 : i32
    %dma_start3A_76 = tpu.memref_slice %arg4[%add3A_74, %dma_start3A_75] : memref<16384x256xf32, #tpu.memory_space<hbm>> -> memref<128x256xf32, #tpu.memory_space<hbm>>
    %dma_start3A_77 = arith.constant 0 : i32
    %dma_start3A_78 = tpu.memref_slice %arg4[%add3A_74, %dma_start3A_77] : memref<16384x256xf32, #tpu.memory_space<hbm>> -> memref<128x256xf32, #tpu.memory_space<hbm>>
    tpu.enqueue_dma source(%arg6 : memref<128x256xf32, #tpu.memory_space<vmem>>) target(%dma_start3A_78 : memref<128x256xf32, #tpu.memory_space<hbm>>) target_semaphore(%arg12 : memref<!tpu.dma_semaphore, #tpu.memory_space<semaphore_mem>>)
    %dma_wait3A_79 = arith.constant 0 : i32
    %dma_wait3A_80 = tpu.memref_slice %arg4[%add3A_74, %dma_wait3A_79] : memref<16384x256xf32, #tpu.memory_space<hbm>> -> memref<128x256xf32, #tpu.memory_space<hbm>>
    %dma_wait3A_81 = arith.constant 0 : i32
    %dma_wait3A_82 = tpu.memref_slice %arg4[%add3A_74, %dma_wait3A_81] : memref<16384x256xf32, #tpu.memory_space<hbm>> -> memref<128x256xf32, #tpu.memory_space<hbm>>
    tpu.wait_dma2 semaphore(%arg12 : memref<!tpu.dma_semaphore, #tpu.memory_space<semaphore_mem>>) src(%arg6 : memref<128x256xf32, #tpu.memory_space<vmem>>) dst(%dma_wait3A_82 : memref<128x256xf32, #tpu.memory_space<hbm>>)
    %dma_wait3A_83 = arith.constant 0 : i32
    %dma_wait3A_84 = tpu.memref_slice %arg4[%add3A_48, %dma_wait3A_83] : memref<16384x256xf32, #tpu.memory_space<hbm>> -> memref<128x256xf32, #tpu.memory_space<hbm>>
    %dma_wait3A_85 = arith.constant 0 : i32
    %dma_wait3A_86 = tpu.memref_slice %arg4[%add3A_48, %dma_wait3A_85] : memref<16384x256xf32, #tpu.memory_space<hbm>> -> memref<128x256xf32, #tpu.memory_space<hbm>>
    tpu.wait_dma2 semaphore(%arg13 : memref<!tpu.dma_semaphore, #tpu.memory_space<semaphore_mem>>) src(%arg7 : memref<128x256xf32, #tpu.memory_space<vmem>>) dst(%dma_wait3A_86 : memref<128x256xf32, #tpu.memory_space<hbm>>)
    %dma_wait3A_87 = arith.constant 0 : i32
    %dma_wait3A_88 = tpu.memref_slice %arg4[%add3A_61, %dma_wait3A_87] : memref<16384x256xf32, #tpu.memory_space<hbm>> -> memref<128x256xf32, #tpu.memory_space<hbm>>
    %dma_wait3A_89 = arith.constant 0 : i32
    %dma_wait3A_90 = tpu.memref_slice %arg4[%add3A_61, %dma_wait3A_89] : memref<16384x256xf32, #tpu.memory_space<hbm>> -> memref<128x256xf32, #tpu.memory_space<hbm>>
    tpu.wait_dma2 semaphore(%arg14 : memref<!tpu.dma_semaphore, #tpu.memory_space<semaphore_mem>>) src(%arg8 : memref<128x256xf32, #tpu.memory_space<vmem>>) dst(%dma_wait3A_90 : memref<128x256xf32, #tpu.memory_space<hbm>>)
    return
  }
}

#map = affine_map<(d0, d1) -> (0, 0)>
#map1 = affine_map<(d0, d1) -> (0)>
module attributes {stable_mosaic.version = 14 : i64} {
  func.func @_sc_class_gather(%arg0: i32, %arg1: i32, %arg2: memref<1001x128xf32, #tpu.memory_space<hbm>>, %arg3: memref<2048xi32, #tpu.memory_space<hbm>>, %arg4: memref<2048x128xf32, #tpu.memory_space<hbm>>, %arg5: memref<64xi32, #tpu.memory_space<vmem>>, %arg6: memref<64x128xf32, #tpu.memory_space<vmem>>, %arg7: memref<!tpu.dma_semaphore, #tpu.memory_space<semaphore_mem>>) attributes {dimension_semantics = [#tpu.dimension_semantics<core_parallel>, #tpu.dimension_semantics<subcore_parallel>], iteration_bounds = array<i64: 2, 16>, scalar_prefetch = 0 : i64, scratch_operands = 3 : i64, tpu.core_type = #tpu.core_type<sc_vector_subcore>, window_params = [{transform_indices = #map}, {transform_indices = #map1}, {transform_indices = #map}]} {
    %mul3A = arith.constant 2 : i32
    %mul3A_0 = arith.muli %arg1, %mul3A : i32
    %add3A = arith.addi %mul3A_0, %arg0 : i32
    %mul3A_1 = arith.constant 64 : i32
    %mul3A_2 = arith.muli %add3A, %mul3A_1 : i32
    "tpu.region"() ({
      %run_scoped3A = tpu.sem_alloc : memref<!tpu.dma_semaphore, #tpu.memory_space<semaphore_mem>>
      %dma_start3A_7 = tpu.memref_slice %arg3[%mul3A_2] : memref<2048xi32, #tpu.memory_space<hbm>> -> memref<64xi32, #tpu.memory_space<hbm>>
      %dma_start3A_8 = tpu.memref_slice %arg3[%mul3A_2] : memref<2048xi32, #tpu.memory_space<hbm>> -> memref<64xi32, #tpu.memory_space<hbm>>
      tpu.enqueue_dma source(%dma_start3A_8 : memref<64xi32, #tpu.memory_space<hbm>>) target(%arg5 : memref<64xi32, #tpu.memory_space<vmem>>) target_semaphore(%run_scoped3A : memref<!tpu.dma_semaphore, #tpu.memory_space<semaphore_mem>>)
      %dma_wait3A_9 = tpu.memref_slice %arg3[%mul3A_2] : memref<2048xi32, #tpu.memory_space<hbm>> -> memref<64xi32, #tpu.memory_space<hbm>>
      %dma_wait3A_10 = tpu.memref_slice %arg3[%mul3A_2] : memref<2048xi32, #tpu.memory_space<hbm>> -> memref<64xi32, #tpu.memory_space<hbm>>
      tpu.wait_dma2 semaphore(%run_scoped3A : memref<!tpu.dma_semaphore, #tpu.memory_space<semaphore_mem>>) src(%dma_wait3A_10 : memref<64xi32, #tpu.memory_space<hbm>>) dst(%arg5 : memref<64xi32, #tpu.memory_space<vmem>>)
      tpu.yield
    }) : () -> ()
    %dma_start3A = arith.constant 0 : i32
    %dma_start3A_3 = arith.constant 0 : i32
    %dma_start3A_4 = tpu.memref_slice %arg2[%dma_start3A, %dma_start3A_3] : memref<1001x128xf32, #tpu.memory_space<hbm>> -> memref<1001x128xf32, #tpu.memory_space<hbm>>
    tpu.enqueue_indirect_dma source(%dma_start3A_4 : memref<1001x128xf32, #tpu.memory_space<hbm>>) target(%arg6 : memref<64x128xf32, #tpu.memory_space<vmem>>) offsets(%arg5 : memref<64xi32, #tpu.memory_space<vmem>>) semaphore(%arg7 : memref<!tpu.dma_semaphore, #tpu.memory_space<semaphore_mem>>)
    %dma_wait3A = arith.constant 0 : i32
    %dma_wait3A_5 = arith.constant 0 : i32
    %dma_wait3A_6 = tpu.memref_slice %arg2[%dma_wait3A, %dma_wait3A_5] : memref<1001x128xf32, #tpu.memory_space<hbm>> -> memref<1001x128xf32, #tpu.memory_space<hbm>>
    tpu.wait_indirect_dma semaphore(%arg7 : memref<!tpu.dma_semaphore, #tpu.memory_space<semaphore_mem>>) src(%dma_wait3A_6 : memref<1001x128xf32, #tpu.memory_space<hbm>>) dst(%arg6 : memref<64x128xf32, #tpu.memory_space<vmem>>)
    "tpu.region"() ({
      %run_scoped3A = tpu.sem_alloc : memref<!tpu.dma_semaphore, #tpu.memory_space<semaphore_mem>>
      %dma_start3A_7 = arith.constant 0 : i32
      %dma_start3A_8 = tpu.memref_slice %arg4[%mul3A_2, %dma_start3A_7] : memref<2048x128xf32, #tpu.memory_space<hbm>> -> memref<64x128xf32, #tpu.memory_space<hbm>>
      %dma_start3A_9 = arith.constant 0 : i32
      %dma_start3A_10 = tpu.memref_slice %arg4[%mul3A_2, %dma_start3A_9] : memref<2048x128xf32, #tpu.memory_space<hbm>> -> memref<64x128xf32, #tpu.memory_space<hbm>>
      tpu.enqueue_dma source(%arg6 : memref<64x128xf32, #tpu.memory_space<vmem>>) target(%dma_start3A_10 : memref<64x128xf32, #tpu.memory_space<hbm>>) target_semaphore(%run_scoped3A : memref<!tpu.dma_semaphore, #tpu.memory_space<semaphore_mem>>)
      %dma_wait3A_11 = arith.constant 0 : i32
      %dma_wait3A_12 = tpu.memref_slice %arg4[%mul3A_2, %dma_wait3A_11] : memref<2048x128xf32, #tpu.memory_space<hbm>> -> memref<64x128xf32, #tpu.memory_space<hbm>>
      %dma_wait3A_13 = arith.constant 0 : i32
      %dma_wait3A_14 = tpu.memref_slice %arg4[%mul3A_2, %dma_wait3A_13] : memref<2048x128xf32, #tpu.memory_space<hbm>> -> memref<64x128xf32, #tpu.memory_space<hbm>>
      tpu.wait_dma2 semaphore(%run_scoped3A : memref<!tpu.dma_semaphore, #tpu.memory_space<semaphore_mem>>) src(%arg6 : memref<64x128xf32, #tpu.memory_space<vmem>>) dst(%dma_wait3A_14 : memref<64x128xf32, #tpu.memory_space<hbm>>)
      tpu.yield
    }) : () -> ()
    return
  }
}

#map = affine_map<(d0, d1) -> (0, 0)>
#map1 = affine_map<(d0, d1) -> (0)>
module attributes {stable_mosaic.version = 14 : i64} {
  func.func @_sc_gather(%arg0: i32, %arg1: i32, %arg2: memref<2048x256xf32, #tpu.memory_space<hbm>>, %arg3: memref<16384xi32, #tpu.memory_space<hbm>>, %arg4: memref<16384x256xf32, #tpu.memory_space<hbm>>, %arg5: memref<512xi32, #tpu.memory_space<vmem>>, %arg6: memref<128x256xf32, #tpu.memory_space<vmem>>, %arg7: memref<128x256xf32, #tpu.memory_space<vmem>>, %arg8: memref<128x256xf32, #tpu.memory_space<vmem>>, %arg9: memref<!tpu.dma_semaphore, #tpu.memory_space<semaphore_mem>>, %arg10: memref<!tpu.dma_semaphore, #tpu.memory_space<semaphore_mem>>, %arg11: memref<!tpu.dma_semaphore, #tpu.memory_space<semaphore_mem>>, %arg12: memref<!tpu.dma_semaphore, #tpu.memory_space<semaphore_mem>>, %arg13: memref<!tpu.dma_semaphore, #tpu.memory_space<semaphore_mem>>, %arg14: memref<!tpu.dma_semaphore, #tpu.memory_space<semaphore_mem>>) attributes {dimension_semantics = [#tpu.dimension_semantics<core_parallel>, #tpu.dimension_semantics<subcore_parallel>], iteration_bounds = array<i64: 2, 16>, scalar_prefetch = 0 : i64, scratch_operands = 10 : i64, tpu.core_type = #tpu.core_type<sc_vector_subcore>, window_params = [{transform_indices = #map}, {transform_indices = #map1}, {transform_indices = #map}]} {
    %mul3A = arith.constant 2 : i32
    %mul3A_0 = arith.muli %arg1, %mul3A : i32
    %add3A = arith.addi %mul3A_0, %arg0 : i32
    %mul3A_1 = arith.constant 32 : i32
    %mul3A_2 = arith.muli %add3A, %mul3A_1 : i32
    %mul3A_3 = arith.constant 16 : i32
    %mul3A_4 = arith.muli %mul3A_2, %mul3A_3 : i32
    "tpu.region"() ({
      %run_scoped3A = tpu.sem_alloc : memref<!tpu.dma_semaphore, #tpu.memory_space<semaphore_mem>>
      %dma_start3A_91 = tpu.memref_slice %arg3[%mul3A_4] : memref<16384xi32, #tpu.memory_space<hbm>> -> memref<512xi32, #tpu.memory_space<hbm>>
      %dma_start3A_92 = tpu.memref_slice %arg3[%mul3A_4] : memref<16384xi32, #tpu.memory_space<hbm>> -> memref<512xi32, #tpu.memory_space<hbm>>
      tpu.enqueue_dma source(%dma_start3A_92 : memref<512xi32, #tpu.memory_space<hbm>>) target(%arg5 : memref<512xi32, #tpu.memory_space<vmem>>) target_semaphore(%run_scoped3A : memref<!tpu.dma_semaphore, #tpu.memory_space<semaphore_mem>>)
      %dma_wait3A_93 = tpu.memref_slice %arg3[%mul3A_4] : memref<16384xi32, #tpu.memory_space<hbm>> -> memref<512xi32, #tpu.memory_space<hbm>>
      %dma_wait3A_94 = tpu.memref_slice %arg3[%mul3A_4] : memref<16384xi32, #tpu.memory_space<hbm>> -> memref<512xi32, #tpu.memory_space<hbm>>
      tpu.wait_dma2 semaphore(%run_scoped3A : memref<!tpu.dma_semaphore, #tpu.memory_space<semaphore_mem>>) src(%dma_wait3A_94 : memref<512xi32, #tpu.memory_space<hbm>>) dst(%arg5 : memref<512xi32, #tpu.memory_space<vmem>>)
      tpu.yield
    }) : () -> ()
    %dma_start3A = arith.constant 0 : i32
    %dma_start3A_5 = tpu.memref_slice %arg5[%dma_start3A] : memref<512xi32, #tpu.memory_space<vmem>> -> memref<128xi32, #tpu.memory_space<vmem>>
    %dma_start3A_6 = arith.constant 0 : i32
    %dma_start3A_7 = arith.constant 0 : i32
    %dma_start3A_8 = tpu.memref_slice %arg2[%dma_start3A_6, %dma_start3A_7] : memref<2048x256xf32, #tpu.memory_space<hbm>> -> memref<2048x256xf32, #tpu.memory_space<hbm>>
    tpu.enqueue_indirect_dma source(%dma_start3A_8 : memref<2048x256xf32, #tpu.memory_space<hbm>>) target(%arg6 : memref<128x256xf32, #tpu.memory_space<vmem>>) offsets(%dma_start3A_5 : memref<128xi32, #tpu.memory_space<vmem>>) semaphore(%arg9 : memref<!tpu.dma_semaphore, #tpu.memory_space<semaphore_mem>>)
    %dma_start3A_9 = arith.constant 128 : i32
    %dma_start3A_10 = tpu.memref_slice %arg5[%dma_start3A_9] : memref<512xi32, #tpu.memory_space<vmem>> -> memref<128xi32, #tpu.memory_space<vmem>>
    %dma_start3A_11 = arith.constant 0 : i32
    %dma_start3A_12 = arith.constant 0 : i32
    %dma_start3A_13 = tpu.memref_slice %arg2[%dma_start3A_11, %dma_start3A_12] : memref<2048x256xf32, #tpu.memory_space<hbm>> -> memref<2048x256xf32, #tpu.memory_space<hbm>>
    tpu.enqueue_indirect_dma source(%dma_start3A_13 : memref<2048x256xf32, #tpu.memory_space<hbm>>) target(%arg7 : memref<128x256xf32, #tpu.memory_space<vmem>>) offsets(%dma_start3A_10 : memref<128xi32, #tpu.memory_space<vmem>>) semaphore(%arg10 : memref<!tpu.dma_semaphore, #tpu.memory_space<semaphore_mem>>)
    %dma_start3A_14 = arith.constant 256 : i32
    %dma_start3A_15 = tpu.memref_slice %arg5[%dma_start3A_14] : memref<512xi32, #tpu.memory_space<vmem>> -> memref<128xi32, #tpu.memory_space<vmem>>
    %dma_start3A_16 = arith.constant 0 : i32
    %dma_start3A_17 = arith.constant 0 : i32
    %dma_start3A_18 = tpu.memref_slice %arg2[%dma_start3A_16, %dma_start3A_17] : memref<2048x256xf32, #tpu.memory_space<hbm>> -> memref<2048x256xf32, #tpu.memory_space<hbm>>
    tpu.enqueue_indirect_dma source(%dma_start3A_18 : memref<2048x256xf32, #tpu.memory_space<hbm>>) target(%arg8 : memref<128x256xf32, #tpu.memory_space<vmem>>) offsets(%dma_start3A_15 : memref<128xi32, #tpu.memory_space<vmem>>) semaphore(%arg11 : memref<!tpu.dma_semaphore, #tpu.memory_space<semaphore_mem>>)
    %dma_wait3A = arith.constant 0 : i32
    %dma_wait3A_19 = tpu.memref_slice %arg5[%dma_wait3A] : memref<512xi32, #tpu.memory_space<vmem>> -> memref<128xi32, #tpu.memory_space<vmem>>
    %dma_wait3A_20 = arith.constant 0 : i32
    %dma_wait3A_21 = arith.constant 0 : i32
    %dma_wait3A_22 = tpu.memref_slice %arg2[%dma_wait3A_20, %dma_wait3A_21] : memref<2048x256xf32, #tpu.memory_space<hbm>> -> memref<2048x256xf32, #tpu.memory_space<hbm>>
    tpu.wait_indirect_dma semaphore(%arg9 : memref<!tpu.dma_semaphore, #tpu.memory_space<semaphore_mem>>) src(%dma_wait3A_22 : memref<2048x256xf32, #tpu.memory_space<hbm>>) dst(%arg6 : memref<128x256xf32, #tpu.memory_space<vmem>>)
    %mul3A_23 = arith.constant 16 : i32
    %mul3A_24 = arith.muli %mul3A_2, %mul3A_23 : i32
    %add3A_25 = arith.constant 0 : i32
    %add3A_26 = arith.addi %mul3A_24, %add3A_25 : i32
    %dma_start3A_27 = arith.constant 0 : i32
    %dma_start3A_28 = tpu.memref_slice %arg4[%add3A_26, %dma_start3A_27] : memref<16384x256xf32, #tpu.memory_space<hbm>> -> memref<128x256xf32, #tpu.memory_space<hbm>>
    %dma_start3A_29 = arith.constant 0 : i32
    %dma_start3A_30 = tpu.memref_slice %arg4[%add3A_26, %dma_start3A_29] : memref<16384x256xf32, #tpu.memory_space<hbm>> -> memref<128x256xf32, #tpu.memory_space<hbm>>
    tpu.enqueue_dma source(%arg6 : memref<128x256xf32, #tpu.memory_space<vmem>>) target(%dma_start3A_30 : memref<128x256xf32, #tpu.memory_space<hbm>>) target_semaphore(%arg12 : memref<!tpu.dma_semaphore, #tpu.memory_space<semaphore_mem>>)
    %dma_wait3A_31 = arith.constant 0 : i32
    %dma_wait3A_32 = tpu.memref_slice %arg4[%add3A_26, %dma_wait3A_31] : memref<16384x256xf32, #tpu.memory_space<hbm>> -> memref<128x256xf32, #tpu.memory_space<hbm>>
    %dma_wait3A_33 = arith.constant 0 : i32
    %dma_wait3A_34 = tpu.memref_slice %arg4[%add3A_26, %dma_wait3A_33] : memref<16384x256xf32, #tpu.memory_space<hbm>> -> memref<128x256xf32, #tpu.memory_space<hbm>>
    tpu.wait_dma2 semaphore(%arg12 : memref<!tpu.dma_semaphore, #tpu.memory_space<semaphore_mem>>) src(%arg6 : memref<128x256xf32, #tpu.memory_space<vmem>>) dst(%dma_wait3A_34 : memref<128x256xf32, #tpu.memory_space<hbm>>)
    %dma_start3A_35 = arith.constant 384 : i32
    %dma_start3A_36 = tpu.memref_slice %arg5[%dma_start3A_35] : memref<512xi32, #tpu.memory_space<vmem>> -> memref<128xi32, #tpu.memory_space<vmem>>
    %dma_start3A_37 = arith.constant 0 : i32
    %dma_start3A_38 = arith.constant 0 : i32
    %dma_start3A_39 = tpu.memref_slice %arg2[%dma_start3A_37, %dma_start3A_38] : memref<2048x256xf32, #tpu.memory_space<hbm>> -> memref<2048x256xf32, #tpu.memory_space<hbm>>
    tpu.enqueue_indirect_dma source(%dma_start3A_39 : memref<2048x256xf32, #tpu.memory_space<hbm>>) target(%arg6 : memref<128x256xf32, #tpu.memory_space<vmem>>) offsets(%dma_start3A_36 : memref<128xi32, #tpu.memory_space<vmem>>) semaphore(%arg9 : memref<!tpu.dma_semaphore, #tpu.memory_space<semaphore_mem>>)
    %dma_wait3A_40 = arith.constant 128 : i32
    %dma_wait3A_41 = tpu.memref_slice %arg5[%dma_wait3A_40] : memref<512xi32, #tpu.memory_space<vmem>> -> memref<128xi32, #tpu.memory_space<vmem>>
    %dma_wait3A_42 = arith.constant 0 : i32
    %dma_wait3A_43 = arith.constant 0 : i32
    %dma_wait3A_44 = tpu.memref_slice %arg2[%dma_wait3A_42, %dma_wait3A_43] : memref<2048x256xf32, #tpu.memory_space<hbm>> -> memref<2048x256xf32, #tpu.memory_space<hbm>>
    tpu.wait_indirect_dma semaphore(%arg10 : memref<!tpu.dma_semaphore, #tpu.memory_space<semaphore_mem>>) src(%dma_wait3A_44 : memref<2048x256xf32, #tpu.memory_space<hbm>>) dst(%arg7 : memref<128x256xf32, #tpu.memory_space<vmem>>)
    %mul3A_45 = arith.constant 16 : i32
    %mul3A_46 = arith.muli %mul3A_2, %mul3A_45 : i32
    %add3A_47 = arith.constant 128 : i32
    %add3A_48 = arith.addi %mul3A_46, %add3A_47 : i32
    %dma_start3A_49 = arith.constant 0 : i32
    %dma_start3A_50 = tpu.memref_slice %arg4[%add3A_48, %dma_start3A_49] : memref<16384x256xf32, #tpu.memory_space<hbm>> -> memref<128x256xf32, #tpu.memory_space<hbm>>
    %dma_start3A_51 = arith.constant 0 : i32
    %dma_start3A_52 = tpu.memref_slice %arg4[%add3A_48, %dma_start3A_51] : memref<16384x256xf32, #tpu.memory_space<hbm>> -> memref<128x256xf32, #tpu.memory_space<hbm>>
    tpu.enqueue_dma source(%arg7 : memref<128x256xf32, #tpu.memory_space<vmem>>) target(%dma_start3A_52 : memref<128x256xf32, #tpu.memory_space<hbm>>) target_semaphore(%arg13 : memref<!tpu.dma_semaphore, #tpu.memory_space<semaphore_mem>>)
    %dma_wait3A_53 = arith.constant 256 : i32
    %dma_wait3A_54 = tpu.memref_slice %arg5[%dma_wait3A_53] : memref<512xi32, #tpu.memory_space<vmem>> -> memref<128xi32, #tpu.memory_space<vmem>>
    %dma_wait3A_55 = arith.constant 0 : i32
    %dma_wait3A_56 = arith.constant 0 : i32
    %dma_wait3A_57 = tpu.memref_slice %arg2[%dma_wait3A_55, %dma_wait3A_56] : memref<2048x256xf32, #tpu.memory_space<hbm>> -> memref<2048x256xf32, #tpu.memory_space<hbm>>
    tpu.wait_indirect_dma semaphore(%arg11 : memref<!tpu.dma_semaphore, #tpu.memory_space<semaphore_mem>>) src(%dma_wait3A_57 : memref<2048x256xf32, #tpu.memory_space<hbm>>) dst(%arg8 : memref<128x256xf32, #tpu.memory_space<vmem>>)
    %mul3A_58 = arith.constant 16 : i32
    %mul3A_59 = arith.muli %mul3A_2, %mul3A_58 : i32
    %add3A_60 = arith.constant 256 : i32
    %add3A_61 = arith.addi %mul3A_59, %add3A_60 : i32
    %dma_start3A_62 = arith.constant 0 : i32
    %dma_start3A_63 = tpu.memref_slice %arg4[%add3A_61, %dma_start3A_62] : memref<16384x256xf32, #tpu.memory_space<hbm>> -> memref<128x256xf32, #tpu.memory_space<hbm>>
    %dma_start3A_64 = arith.constant 0 : i32
    %dma_start3A_65 = tpu.memref_slice %arg4[%add3A_61, %dma_start3A_64] : memref<16384x256xf32, #tpu.memory_space<hbm>> -> memref<128x256xf32, #tpu.memory_space<hbm>>
    tpu.enqueue_dma source(%arg8 : memref<128x256xf32, #tpu.memory_space<vmem>>) target(%dma_start3A_65 : memref<128x256xf32, #tpu.memory_space<hbm>>) target_semaphore(%arg14 : memref<!tpu.dma_semaphore, #tpu.memory_space<semaphore_mem>>)
    %dma_wait3A_66 = arith.constant 384 : i32
    %dma_wait3A_67 = tpu.memref_slice %arg5[%dma_wait3A_66] : memref<512xi32, #tpu.memory_space<vmem>> -> memref<128xi32, #tpu.memory_space<vmem>>
    %dma_wait3A_68 = arith.constant 0 : i32
    %dma_wait3A_69 = arith.constant 0 : i32
    %dma_wait3A_70 = tpu.memref_slice %arg2[%dma_wait3A_68, %dma_wait3A_69] : memref<2048x256xf32, #tpu.memory_space<hbm>> -> memref<2048x256xf32, #tpu.memory_space<hbm>>
    tpu.wait_indirect_dma semaphore(%arg9 : memref<!tpu.dma_semaphore, #tpu.memory_space<semaphore_mem>>) src(%dma_wait3A_70 : memref<2048x256xf32, #tpu.memory_space<hbm>>) dst(%arg6 : memref<128x256xf32, #tpu.memory_space<vmem>>)
    %mul3A_71 = arith.constant 16 : i32
    %mul3A_72 = arith.muli %mul3A_2, %mul3A_71 : i32
    %add3A_73 = arith.constant 384 : i32
    %add3A_74 = arith.addi %mul3A_72, %add3A_73 : i32
    %dma_start3A_75 = arith.constant 0 : i32
    %dma_start3A_76 = tpu.memref_slice %arg4[%add3A_74, %dma_start3A_75] : memref<16384x256xf32, #tpu.memory_space<hbm>> -> memref<128x256xf32, #tpu.memory_space<hbm>>
    %dma_start3A_77 = arith.constant 0 : i32
    %dma_start3A_78 = tpu.memref_slice %arg4[%add3A_74, %dma_start3A_77] : memref<16384x256xf32, #tpu.memory_space<hbm>> -> memref<128x256xf32, #tpu.memory_space<hbm>>
    tpu.enqueue_dma source(%arg6 : memref<128x256xf32, #tpu.memory_space<vmem>>) target(%dma_start3A_78 : memref<128x256xf32, #tpu.memory_space<hbm>>) target_semaphore(%arg12 : memref<!tpu.dma_semaphore, #tpu.memory_space<semaphore_mem>>)
    %dma_wait3A_79 = arith.constant 0 : i32
    %dma_wait3A_80 = tpu.memref_slice %arg4[%add3A_74, %dma_wait3A_79] : memref<16384x256xf32, #tpu.memory_space<hbm>> -> memref<128x256xf32, #tpu.memory_space<hbm>>
    %dma_wait3A_81 = arith.constant 0 : i32
    %dma_wait3A_82 = tpu.memref_slice %arg4[%add3A_74, %dma_wait3A_81] : memref<16384x256xf32, #tpu.memory_space<hbm>> -> memref<128x256xf32, #tpu.memory_space<hbm>>
    tpu.wait_dma2 semaphore(%arg12 : memref<!tpu.dma_semaphore, #tpu.memory_space<semaphore_mem>>) src(%arg6 : memref<128x256xf32, #tpu.memory_space<vmem>>) dst(%dma_wait3A_82 : memref<128x256xf32, #tpu.memory_space<hbm>>)
    %dma_wait3A_83 = arith.constant 0 : i32
    %dma_wait3A_84 = tpu.memref_slice %arg4[%add3A_48, %dma_wait3A_83] : memref<16384x256xf32, #tpu.memory_space<hbm>> -> memref<128x256xf32, #tpu.memory_space<hbm>>
    %dma_wait3A_85 = arith.constant 0 : i32
    %dma_wait3A_86 = tpu.memref_slice %arg4[%add3A_48, %dma_wait3A_85] : memref<16384x256xf32, #tpu.memory_space<hbm>> -> memref<128x256xf32, #tpu.memory_space<hbm>>
    tpu.wait_dma2 semaphore(%arg13 : memref<!tpu.dma_semaphore, #tpu.memory_space<semaphore_mem>>) src(%arg7 : memref<128x256xf32, #tpu.memory_space<vmem>>) dst(%dma_wait3A_86 : memref<128x256xf32, #tpu.memory_space<hbm>>)
    %dma_wait3A_87 = arith.constant 0 : i32
    %dma_wait3A_88 = tpu.memref_slice %arg4[%add3A_61, %dma_wait3A_87] : memref<16384x256xf32, #tpu.memory_space<hbm>> -> memref<128x256xf32, #tpu.memory_space<hbm>>
    %dma_wait3A_89 = arith.constant 0 : i32
    %dma_wait3A_90 = tpu.memref_slice %arg4[%add3A_61, %dma_wait3A_89] : memref<16384x256xf32, #tpu.memory_space<hbm>> -> memref<128x256xf32, #tpu.memory_space<hbm>>
    tpu.wait_dma2 semaphore(%arg14 : memref<!tpu.dma_semaphore, #tpu.memory_space<semaphore_mem>>) src(%arg8 : memref<128x256xf32, #tpu.memory_space<vmem>>) dst(%dma_wait3A_90 : memref<128x256xf32, #tpu.memory_space<hbm>>)
    return
  }
}

module attributes {stable_mosaic.version = 14 : i64} {
  func.func @_stage_a_body(%arg0: i32, %arg1: memref<1x512x128xf32, #tpu.memory_space<vmem>>, %arg2: memref<1x512x2xf32, #tpu.memory_space<vmem>>, %arg3: memref<1x1x128xf32, #tpu.memory_space<vmem>>, %arg4: memref<2x4xf32, #tpu.memory_space<vmem>>, %arg5: memref<1x4xf32, #tpu.memory_space<vmem>>, %arg6: memref<4x8xf32, #tpu.memory_space<vmem>>, %arg7: memref<1x8xf32, #tpu.memory_space<vmem>>, %arg8: memref<8x16xf32, #tpu.memory_space<vmem>>, %arg9: memref<1x16xf32, #tpu.memory_space<vmem>>, %arg10: memref<16x128xf32, #tpu.memory_space<vmem>>, %arg11: memref<1x128xf32, #tpu.memory_space<vmem>>, %arg12: memref<512x256xf32, #tpu.memory_space<vmem>>, %arg13: memref<1x512x256xf32, #tpu.memory_space<vmem>>, %arg14: memref<1x512x256xf32, #tpu.memory_space<vmem>>, %arg15: memref<1x512x16xi32, #tpu.memory_space<vmem>>) attributes {dimension_semantics = [#tpu.dimension_semantics<arbitrary>], iteration_bounds = array<i64: 4>, scalar_prefetch = 0 : i64, scratch_operands = 0 : i64, tpu.core_type = #tpu.core_type<tc>, window_params = [{transform_indices = @transform_0, window_bounds = array<i64: 1, 512, 128>}, {transform_indices = @transform_1, window_bounds = array<i64: 1, 512, 2>}, {transform_indices = @transform_2, window_bounds = array<i64: 1, 1, 128>}, {pipeline_mode = #tpu.pipeline_mode<synchronous>, transform_indices = @transform_3, window_bounds = array<i64: 2, 4>}, {pipeline_mode = #tpu.pipeline_mode<synchronous>, transform_indices = @transform_4, window_bounds = array<i64: 1, 4>}, {pipeline_mode = #tpu.pipeline_mode<synchronous>, transform_indices = @transform_5, window_bounds = array<i64: 4, 8>}, {pipeline_mode = #tpu.pipeline_mode<synchronous>, transform_indices = @transform_6, window_bounds = array<i64: 1, 8>}, {pipeline_mode = #tpu.pipeline_mode<synchronous>, transform_indices = @transform_7, window_bounds = array<i64: 8, 16>}, {pipeline_mode = #tpu.pipeline_mode<synchronous>, transform_indices = @transform_8, window_bounds = array<i64: 1, 16>}, {pipeline_mode = #tpu.pipeline_mode<synchronous>, transform_indices = @transform_9, window_bounds = array<i64: 16, 128>}, {pipeline_mode = #tpu.pipeline_mode<synchronous>, transform_indices = @transform_10, window_bounds = array<i64: 1, 128>}, {pipeline_mode = #tpu.pipeline_mode<synchronous>, transform_indices = @transform_11, window_bounds = array<i64: 512, 256>}, {transform_indices = @transform_12, window_bounds = array<i64: 1, 512, 256>}, {transform_indices = @transform_13, window_bounds = array<i64: 1, 512, 256>}, {transform_indices = @transform_14, window_bounds = array<i64: 1, 512, 16>}]} {
    %get3A = arith.constant 0 : index
    %get3A_0 = arith.constant 0 : index
    %get3A_1 = arith.constant 0 : index
    %get3A_2 = vector.load %arg2[%get3A, %get3A_0, %get3A_1] : memref<1x512x2xf32, #tpu.memory_space<vmem>>, vector<1x512x2xf32>
    %get3A_3 = vector.shape_cast %get3A_2 : vector<1x512x2xf32> to vector<512x2xf32>
    %get3A_4 = arith.constant 0 : index
    %get3A_5 = arith.constant 0 : index
    %get3A_6 = vector.load %arg4[%get3A_4, %get3A_5] : memref<2x4xf32, #tpu.memory_space<vmem>>, vector<2x4xf32>
    %convert_element_type3A = arith.truncf %get3A_3 : vector<512x2xf32> to vector<512x2xbf16>
    %convert_element_type3A_7 = arith.truncf %get3A_6 : vector<2x4xf32> to vector<2x4xbf16>
    %dot_general3A = arith.constant dense<0.000000e+00> : vector<512x4xf32>
    %dot_general3A_8 = tpu.matmul %convert_element_type3A, %convert_element_type3A_7, %dot_general3A {dimension_numbers = #tpu.dot_dimension_numbers<[1], [0], [0], [1], [0, 0, 1, 1], [], []>, transpose_lhs_hint = false} : vector<512x2xbf16>, vector<2x4xbf16>, vector<512x4xf32> -> vector<512x4xf32>
    %get3A_9 = arith.constant 0 : index
    %get3A_10 = arith.constant 0 : index
    %get3A_11 = vector.load %arg5[%get3A_9, %get3A_10] : memref<1x4xf32, #tpu.memory_space<vmem>>, vector<1x4xf32>
    %add3A = vector.broadcast %get3A_11 : vector<1x4xf32> to vector<512x4xf32>
    %add3A_12 = arith.addf %dot_general3A_8, %add3A : vector<512x4xf32>
    %max3A = arith.constant 0.000000e+00 : f32
    %max3A_13 = vector.broadcast %max3A : f32 to vector<512x4xf32>
    %max3A_14 = arith.maximumf %add3A_12, %max3A_13 : vector<512x4xf32>
    %get3A_15 = arith.constant 0 : index
    %get3A_16 = arith.constant 0 : index
    %get3A_17 = vector.load %arg6[%get3A_15, %get3A_16] : memref<4x8xf32, #tpu.memory_space<vmem>>, vector<4x8xf32>
    %convert_element_type3A_18 = arith.truncf %max3A_14 : vector<512x4xf32> to vector<512x4xbf16>
    %convert_element_type3A_19 = arith.truncf %get3A_17 : vector<4x8xf32> to vector<4x8xbf16>
    %dot_general3A_20 = arith.constant dense<0.000000e+00> : vector<512x8xf32>
    %dot_general3A_21 = tpu.matmul %convert_element_type3A_18, %convert_element_type3A_19, %dot_general3A_20 {dimension_numbers = #tpu.dot_dimension_numbers<[1], [0], [0], [1], [0, 0, 1, 1], [], []>, transpose_lhs_hint = false} : vector<512x4xbf16>, vector<4x8xbf16>, vector<512x8xf32> -> vector<512x8xf32>
    %get3A_22 = arith.constant 0 : index
    %get3A_23 = arith.constant 0 : index
    %get3A_24 = vector.load %arg7[%get3A_22, %get3A_23] : memref<1x8xf32, #tpu.memory_space<vmem>>, vector<1x8xf32>
    %add3A_25 = vector.broadcast %get3A_24 : vector<1x8xf32> to vector<512x8xf32>
    %add3A_26 = arith.addf %dot_general3A_21, %add3A_25 : vector<512x8xf32>
    %max3A_27 = arith.constant 0.000000e+00 : f32
    %max3A_28 = vector.broadcast %max3A_27 : f32 to vector<512x8xf32>
    %max3A_29 = arith.maximumf %add3A_26, %max3A_28 : vector<512x8xf32>
    %get3A_30 = arith.constant 0 : index
    %get3A_31 = arith.constant 0 : index
    %get3A_32 = vector.load %arg8[%get3A_30, %get3A_31] : memref<8x16xf32, #tpu.memory_space<vmem>>, vector<8x16xf32>
    %convert_element_type3A_33 = arith.truncf %max3A_29 : vector<512x8xf32> to vector<512x8xbf16>
    %convert_element_type3A_34 = arith.truncf %get3A_32 : vector<8x16xf32> to vector<8x16xbf16>
    %dot_general3A_35 = arith.constant dense<0.000000e+00> : vector<512x16xf32>
    %dot_general3A_36 = tpu.matmul %convert_element_type3A_33, %convert_element_type3A_34, %dot_general3A_35 {dimension_numbers = #tpu.dot_dimension_numbers<[1], [0], [0], [1], [0, 0, 1, 1], [], []>, transpose_lhs_hint = false} : vector<512x8xbf16>, vector<8x16xbf16>, vector<512x16xf32> -> vector<512x16xf32>
    %get3A_37 = arith.constant 0 : index
    %get3A_38 = arith.constant 0 : index
    %get3A_39 = vector.load %arg9[%get3A_37, %get3A_38] : memref<1x16xf32, #tpu.memory_space<vmem>>, vector<1x16xf32>
    %add3A_40 = vector.broadcast %get3A_39 : vector<1x16xf32> to vector<512x16xf32>
    %add3A_41 = arith.addf %dot_general3A_36, %add3A_40 : vector<512x16xf32>
    %max3A_42 = arith.constant 0.000000e+00 : f32
    %max3A_43 = vector.broadcast %max3A_42 : f32 to vector<512x16xf32>
    %max3A_44 = arith.maximumf %add3A_41, %max3A_43 : vector<512x16xf32>
    %get3A_45 = arith.constant 0 : index
    %get3A_46 = arith.constant 0 : index
    %get3A_47 = vector.load %arg10[%get3A_45, %get3A_46] : memref<16x128xf32, #tpu.memory_space<vmem>>, vector<16x128xf32>
    %convert_element_type3A_48 = arith.truncf %max3A_44 : vector<512x16xf32> to vector<512x16xbf16>
    %convert_element_type3A_49 = arith.truncf %get3A_47 : vector<16x128xf32> to vector<16x128xbf16>
    %dot_general3A_50 = arith.constant dense<0.000000e+00> : vector<512x128xf32>
    %dot_general3A_51 = tpu.matmul %convert_element_type3A_48, %convert_element_type3A_49, %dot_general3A_50 {dimension_numbers = #tpu.dot_dimension_numbers<[1], [0], [0], [1], [0, 0, 1, 1], [], []>, transpose_lhs_hint = false} : vector<512x16xbf16>, vector<16x128xbf16>, vector<512x128xf32> -> vector<512x128xf32>
    %get3A_52 = arith.constant 0 : index
    %get3A_53 = arith.constant 0 : index
    %get3A_54 = vector.load %arg11[%get3A_52, %get3A_53] : memref<1x128xf32, #tpu.memory_space<vmem>>, vector<1x128xf32>
    %add3A_55 = vector.broadcast %get3A_54 : vector<1x128xf32> to vector<512x128xf32>
    %add3A_56 = arith.addf %dot_general3A_51, %add3A_55 : vector<512x128xf32>
    %get3A_57 = arith.constant 0 : index
    %get3A_58 = arith.constant 0 : index
    %get3A_59 = arith.constant 0 : index
    %get3A_60 = vector.load %arg3[%get3A_57, %get3A_58, %get3A_59] : memref<1x1x128xf32, #tpu.memory_space<vmem>>, vector<1x1x128xf32>
    %get3A_61 = vector.shape_cast %get3A_60 : vector<1x1x128xf32> to vector<1x128xf32>
    %broadcast_in_dim3A = vector.shape_cast %get3A_61 : vector<1x128xf32> to vector<1x128xf32>
    %broadcast_in_dim3A_62 = vector.broadcast %broadcast_in_dim3A : vector<1x128xf32> to vector<512x128xf32>
    %get3A_63 = arith.constant 0 : index
    %get3A_64 = arith.constant 0 : index
    %get3A_65 = arith.constant 0 : index
    %get3A_66 = vector.load %arg1[%get3A_63, %get3A_64, %get3A_65] : memref<1x512x128xf32, #tpu.memory_space<vmem>>, vector<1x512x128xf32>
    %get3A_67 = vector.shape_cast %get3A_66 : vector<1x512x128xf32> to vector<512x128xf32>
    %add3A_68 = arith.addf %get3A_67, %add3A_56 : vector<512x128xf32>
    %concatenate3A = tpu.concatenate %add3A_68, %broadcast_in_dim3A_62 in 1 : vector<512x128xf32>, vector<512x128xf32> -> vector<512x256xf32>
    %swap3A = arith.constant 0 : index
    %swap3A_69 = arith.constant 0 : index
    %swap3A_70 = arith.constant 0 : index
    %swap3A_71 = vector.load %arg13[%swap3A, %swap3A_69, %swap3A_70] : memref<1x512x256xf32, #tpu.memory_space<vmem>>, vector<1x512x256xf32>
    %swap3A_72 = vector.shape_cast %swap3A_71 : vector<1x512x256xf32> to vector<512x256xf32>
    %swap3A_73 = vector.shape_cast %concatenate3A : vector<512x256xf32> to vector<1x512x256xf32>
    tpu.vector_store %arg13[%swap3A, %swap3A_69, %swap3A_70], %swap3A_73 {strides = array<i32>} : memref<1x512x256xf32, #tpu.memory_space<vmem>>, vector<1x512x256xf32>,
    %get3A_74 = arith.constant 0 : index
    %get3A_75 = arith.constant 0 : index
    %get3A_76 = vector.load %arg12[%get3A_74, %get3A_75] : memref<512x256xf32, #tpu.memory_space<vmem>>, vector<512x256xf32>
    %slice3A = vector.extract_strided_slice %get3A_76 {offsets = [0, 0], sizes = [256, 256], strides = [1, 1]} : vector<512x256xf32> to vector<256x256xf32>
    %convert_element_type3A_77 = arith.truncf %concatenate3A : vector<512x256xf32> to vector<512x256xbf16>
    %convert_element_type3A_78 = arith.truncf %slice3A : vector<256x256xf32> to vector<256x256xbf16>
    %dot_general3A_79 = arith.constant dense<0.000000e+00> : vector<512x256xf32>
    %dot_general3A_80 = tpu.matmul %convert_element_type3A_77, %convert_element_type3A_78, %dot_general3A_79 {dimension_numbers = #tpu.dot_dimension_numbers<[1], [0], [0], [1], [0, 0, 1, 1], [], []>, transpose_lhs_hint = false} : vector<512x256xbf16>, vector<256x256xbf16>, vector<512x256xf32> -> vector<512x256xf32>
    %swap3A_81 = arith.constant 0 : index
    %swap3A_82 = arith.constant 0 : index
    %swap3A_83 = arith.constant 0 : index
    %swap3A_84 = vector.load %arg14[%swap3A_81, %swap3A_82, %swap3A_83] : memref<1x512x256xf32, #tpu.memory_space<vmem>>, vector<1x512x256xf32>
    %swap3A_85 = vector.shape_cast %swap3A_84 : vector<1x512x256xf32> to vector<512x256xf32>
    %swap3A_86 = vector.shape_cast %dot_general3A_80 : vector<512x256xf32> to vector<1x512x256xf32>
    tpu.vector_store %arg14[%swap3A_81, %swap3A_82, %swap3A_83], %swap3A_86 {strides = array<i32>} : memref<1x512x256xf32, #tpu.memory_space<vmem>>, vector<1x512x256xf32>,
    %convert_element_type3A_87 = arith.truncf %concatenate3A : vector<512x256xf32> to vector<512x256xbf16>
    %dot_general3A_88 = arith.constant dense<0.000000e+00> : vector<512x512xf32>
    %dot_general3A_89 = tpu.matmul %convert_element_type3A_87, %convert_element_type3A_87, %dot_general3A_88 {dimension_numbers = #tpu.dot_dimension_numbers<[1], [1], [0], [0], [0, 0, 1, 0], [], []>, transpose_lhs_hint = false} : vector<512x256xbf16>, vector<512x256xbf16>, vector<512x512xf32> -> vector<512x512xf32>
    %iota3A = tpu.iota {dimensions = array<i32: 1>} : vector<512x512xi32>
    %iota3A_90 = tpu.iota {dimensions = array<i32: 0>} : vector<512x512xi32>
    %mul3A = arith.mulf %concatenate3A, %concatenate3A : vector<512x256xf32>
    %reduce_sum3A = arith.constant dense<0.000000e+00> : vector<512xf32>
    %reduce_sum3A_91 = vector.multi_reduction <add>, %mul3A, %reduce_sum3A [1] : vector<512x256xf32> to vector<512xf32>
    %broadcast_in_dim3A_92 = vector.shape_cast %reduce_sum3A_91 : vector<512xf32> to vector<512x1xf32>
    %eq3A = arith.cmpi eq, %iota3A_90, %iota3A : vector<512x512xi32>
    %jit3A = arith.constant 0.000000e+00 : f32
    %broadcast_in_dim3A_93 = vector.shape_cast %broadcast_in_dim3A_92 : vector<512x1xf32> to vector<512x1xf32>
    %broadcast_in_dim3A_94 = vector.broadcast %broadcast_in_dim3A_93 : vector<512x1xf32> to vector<512x512xf32>
    %broadcast_in_dim3A_95 = vector.broadcast %jit3A : f32 to vector<512x512xf32>
    %select_n3A = arith.select %eq3A, %broadcast_in_dim3A_94, %broadcast_in_dim3A_95 : vector<512x512xi1>, vector<512x512xf32>
    %reduce_sum3A_96 = arith.constant dense<0.000000e+00> : vector<512xf32>
    %reduce_sum3A_97 = vector.multi_reduction <add>, %select_n3A, %reduce_sum3A_96 [0] : vector<512x512xf32> to vector<512xf32>
    %broadcast_in_dim3A_98 = vector.shape_cast %reduce_sum3A_97 : vector<512xf32> to vector<1x512xf32>
    %add3A_99 = vector.broadcast %broadcast_in_dim3A_92 : vector<512x1xf32> to vector<512x512xf32>
    %add3A_100 = vector.broadcast %broadcast_in_dim3A_98 : vector<1x512xf32> to vector<512x512xf32>
    %add3A_101 = arith.addf %add3A_99, %add3A_100 : vector<512x512xf32>
    %mul3A_102 = arith.constant 2.000000e+00 : f32
    %mul3A_103 = vector.broadcast %mul3A_102 : f32 to vector<512x512xf32>
    %mul3A_104 = arith.mulf %mul3A_103, %dot_general3A_89 : vector<512x512xf32>
    %sub3A = arith.subf %add3A_101, %mul3A_104 : vector<512x512xf32>
    %mul3A_105 = arith.constant 512 : i32
    %mul3A_106 = arith.muli %arg0, %mul3A_105 : i32
    %reduce_min3A = arith.constant dense<0x7F800000> : vector<512xf32>
    %reduce_min3A_107 = vector.multi_reduction <minimumf>, %sub3A, %reduce_min3A [1] : vector<512x512xf32> to vector<512xf32>
    %broadcast_in_dim3A_108 = vector.shape_cast %reduce_min3A_107 : vector<512xf32> to vector<512x1xf32>
    %le3A = vector.broadcast %broadcast_in_dim3A_108 : vector<512x1xf32> to vector<512x512xf32>
    %le3A_109 = arith.cmpf ole, %sub3A, %le3A : vector<512x512xf32>
    %jit3A_110 = arith.constant 512 : i32
    %broadcast_in_dim3A_111 = vector.broadcast %jit3A_110 : i32 to vector<512x512xi32>
    %select_n3A_112 = arith.select %le3A_109, %iota3A, %broadcast_in_dim3A_111 : vector<512x512xi1>, vector<512x512xi32>
    %reduce_min3A_113 = arith.constant dense<2147483647> : vector<512xi32>
    %reduce_min3A_114 = vector.multi_reduction <minsi>, %select_n3A_112, %reduce_min3A_113 [1] : vector<512x512xi32> to vector<512xi32>
    %broadcast_in_dim3A_115 = vector.shape_cast %reduce_min3A_114 : vector<512xi32> to vector<512x1xi32>
    %eq3A_116 = vector.broadcast %broadcast_in_dim3A_115 : vector<512x1xi32> to vector<512x512xi32>
    %eq3A_117 = arith.cmpi eq, %iota3A, %eq3A_116 : vector<512x512xi32>
    %add3A_118 = vector.broadcast %mul3A_106 : i32 to vector<512x1xi32>
    %add3A_119 = arith.addi %broadcast_in_dim3A_115, %add3A_118 : vector<512x1xi32>
    %jit3A_120 = arith.constant 0x7F800000 : f32
    %broadcast_in_dim3A_121 = vector.broadcast %jit3A_120 : f32 to vector<512x512xf32>
    %select_n3A_122 = arith.select %eq3A_117, %broadcast_in_dim3A_121, %sub3A : vector<512x512xi1>, vector<512x512xf32>
    %reduce_min3A_123 = arith.constant dense<0x7F800000> : vector<512xf32>
    %reduce_min3A_124 = vector.multi_reduction <minimumf>, %select_n3A_122, %reduce_min3A_123 [1] : vector<512x512xf32> to vector<512xf32>
    %broadcast_in_dim3A_125 = vector.shape_cast %reduce_min3A_124 : vector<512xf32> to vector<512x1xf32>
    %le3A_126 = vector.broadcast %broadcast_in_dim3A_125 : vector<512x1xf32> to vector<512x512xf32>
    %le3A_127 = arith.cmpf ole, %select_n3A_122, %le3A_126 : vector<512x512xf32>
    %jit3A_128 = arith.constant 512 : i32
    %broadcast_in_dim3A_129 = vector.broadcast %jit3A_128 : i32 to vector<512x512xi32>
    %select_n3A_130 = arith.select %le3A_127, %iota3A, %broadcast_in_dim3A_129 : vector<512x512xi1>, vector<512x512xi32>
    %reduce_min3A_131 = arith.constant dense<2147483647> : vector<512xi32>
    %reduce_min3A_132 = vector.multi_reduction <minsi>, %select_n3A_130, %reduce_min3A_131 [1] : vector<512x512xi32> to vector<512xi32>
    %broadcast_in_dim3A_133 = vector.shape_cast %reduce_min3A_132 : vector<512xi32> to vector<512x1xi32>
    %eq3A_134 = vector.broadcast %broadcast_in_dim3A_133 : vector<512x1xi32> to vector<512x512xi32>
    %eq3A_135 = arith.cmpi eq, %iota3A, %eq3A_134 : vector<512x512xi32>
    %add3A_136 = vector.broadcast %mul3A_106 : i32 to vector<512x1xi32>
    %add3A_137 = arith.addi %broadcast_in_dim3A_133, %add3A_136 : vector<512x1xi32>
    %jit3A_138 = arith.constant 0x7F800000 : f32
    %broadcast_in_dim3A_139 = vector.broadcast %jit3A_138 : f32 to vector<512x512xf32>
    %select_n3A_140 = arith.select %eq3A_135, %broadcast_in_dim3A_139, %select_n3A_122 : vector<512x512xi1>, vector<512x512xf32>
    %reduce_min3A_141 = arith.constant dense<0x7F800000> : vector<512xf32>
    %reduce_min3A_142 = vector.multi_reduction <minimumf>, %select_n3A_140, %reduce_min3A_141 [1] : vector<512x512xf32> to vector<512xf32>
    %broadcast_in_dim3A_143 = vector.shape_cast %reduce_min3A_142 : vector<512xf32> to vector<512x1xf32>
    %le3A_144 = vector.broadcast %broadcast_in_dim3A_143 : vector<512x1xf32> to vector<512x512xf32>
    %le3A_145 = arith.cmpf ole, %select_n3A_140, %le3A_144 : vector<512x512xf32>
    %jit3A_146 = arith.constant 512 : i32
    %broadcast_in_dim3A_147 = vector.broadcast %jit3A_146 : i32 to vector<512x512xi32>
    %select_n3A_148 = arith.select %le3A_145, %iota3A, %broadcast_in_dim3A_147 : vector<512x512xi1>, vector<512x512xi32>
    %reduce_min3A_149 = arith.constant dense<2147483647> : vector<512xi32>
    %reduce_min3A_150 = vector.multi_reduction <minsi>, %select_n3A_148, %reduce_min3A_149 [1] : vector<512x512xi32> to vector<512xi32>
    %broadcast_in_dim3A_151 = vector.shape_cast %reduce_min3A_150 : vector<512xi32> to vector<512x1xi32>
    %eq3A_152 = vector.broadcast %broadcast_in_dim3A_151 : vector<512x1xi32> to vector<512x512xi32>
    %eq3A_153 = arith.cmpi eq, %iota3A, %eq3A_152 : vector<512x512xi32>
    %add3A_154 = vector.broadcast %mul3A_106 : i32 to vector<512x1xi32>
    %add3A_155 = arith.addi %broadcast_in_dim3A_151, %add3A_154 : vector<512x1xi32>
    %jit3A_156 = arith.constant 0x7F800000 : f32
    %broadcast_in_dim3A_157 = vector.broadcast %jit3A_156 : f32 to vector<512x512xf32>
    %select_n3A_158 = arith.select %eq3A_153, %broadcast_in_dim3A_157, %select_n3A_140 : vector<512x512xi1>, vector<512x512xf32>
    %reduce_min3A_159 = arith.constant dense<0x7F800000> : vector<512xf32>
    %reduce_min3A_160 = vector.multi_reduction <minimumf>, %select_n3A_158, %reduce_min3A_159 [1] : vector<512x512xf32> to vector<512xf32>
    %broadcast_in_dim3A_161 = vector.shape_cast %reduce_min3A_160 : vector<512xf32> to vector<512x1xf32>
    %le3A_162 = vector.broadcast %broadcast_in_dim3A_161 : vector<512x1xf32> to vector<512x512xf32>
    %le3A_163 = arith.cmpf ole, %select_n3A_158, %le3A_162 : vector<512x512xf32>
    %jit3A_164 = arith.constant 512 : i32
    %broadcast_in_dim3A_165 = vector.broadcast %jit3A_164 : i32 to vector<512x512xi32>
    %select_n3A_166 = arith.select %le3A_163, %iota3A, %broadcast_in_dim3A_165 : vector<512x512xi1>, vector<512x512xi32>
    %reduce_min3A_167 = arith.constant dense<2147483647> : vector<512xi32>
    %reduce_min3A_168 = vector.multi_reduction <minsi>, %select_n3A_166, %reduce_min3A_167 [1] : vector<512x512xi32> to vector<512xi32>
    %broadcast_in_dim3A_169 = vector.shape_cast %reduce_min3A_168 : vector<512xi32> to vector<512x1xi32>
    %eq3A_170 = vector.broadcast %broadcast_in_dim3A_169 : vector<512x1xi32> to vector<512x512xi32>
    %eq3A_171 = arith.cmpi eq, %iota3A, %eq3A_170 : vector<512x512xi32>
    %add3A_172 = vector.broadcast %mul3A_106 : i32 to vector<512x1xi32>
    %add3A_173 = arith.addi %broadcast_in_dim3A_169, %add3A_172 : vector<512x1xi32>
    %jit3A_174 = arith.constant 0x7F800000 : f32
    %broadcast_in_dim3A_175 = vector.broadcast %jit3A_174 : f32 to vector<512x512xf32>
    %select_n3A_176 = arith.select %eq3A_171, %broadcast_in_dim3A_175, %select_n3A_158 : vector<512x512xi1>, vector<512x512xf32>
    %reduce_min3A_177 = arith.constant dense<0x7F800000> : vector<512xf32>
    %reduce_min3A_178 = vector.multi_reduction <minimumf>, %select_n3A_176, %reduce_min3A_177 [1] : vector<512x512xf32> to vector<512xf32>
    %broadcast_in_dim3A_179 = vector.shape_cast %reduce_min3A_178 : vector<512xf32> to vector<512x1xf32>
    %le3A_180 = vector.broadcast %broadcast_in_dim3A_179 : vector<512x1xf32> to vector<512x512xf32>
    %le3A_181 = arith.cmpf ole, %select_n3A_176, %le3A_180 : vector<512x512xf32>
    %jit3A_182 = arith.constant 512 : i32
    %broadcast_in_dim3A_183 = vector.broadcast %jit3A_182 : i32 to vector<512x512xi32>
    %select_n3A_184 = arith.select %le3A_181, %iota3A, %broadcast_in_dim3A_183 : vector<512x512xi1>, vector<512x512xi32>
    %reduce_min3A_185 = arith.constant dense<2147483647> : vector<512xi32>
    %reduce_min3A_186 = vector.multi_reduction <minsi>, %select_n3A_184, %reduce_min3A_185 [1] : vector<512x512xi32> to vector<512xi32>
    %broadcast_in_dim3A_187 = vector.shape_cast %reduce_min3A_186 : vector<512xi32> to vector<512x1xi32>
    %eq3A_188 = vector.broadcast %broadcast_in_dim3A_187 : vector<512x1xi32> to vector<512x512xi32>
    %eq3A_189 = arith.cmpi eq, %iota3A, %eq3A_188 : vector<512x512xi32>
    %add3A_190 = vector.broadcast %mul3A_106 : i32 to vector<512x1xi32>
    %add3A_191 = arith.addi %broadcast_in_dim3A_187, %add3A_190 : vector<512x1xi32>
    %jit3A_192 = arith.constant 0x7F800000 : f32
    %broadcast_in_dim3A_193 = vector.broadcast %jit3A_192 : f32 to vector<512x512xf32>
    %select_n3A_194 = arith.select %eq3A_189, %broadcast_in_dim3A_193, %select_n3A_176 : vector<512x512xi1>, vector<512x512xf32>
    %reduce_min3A_195 = arith.constant dense<0x7F800000> : vector<512xf32>
    %reduce_min3A_196 = vector.multi_reduction <minimumf>, %select_n3A_194, %reduce_min3A_195 [1] : vector<512x512xf32> to vector<512xf32>
    %broadcast_in_dim3A_197 = vector.shape_cast %reduce_min3A_196 : vector<512xf32> to vector<512x1xf32>
    %le3A_198 = vector.broadcast %broadcast_in_dim3A_197 : vector<512x1xf32> to vector<512x512xf32>
    %le3A_199 = arith.cmpf ole, %select_n3A_194, %le3A_198 : vector<512x512xf32>
    %jit3A_200 = arith.constant 512 : i32
    %broadcast_in_dim3A_201 = vector.broadcast %jit3A_200 : i32 to vector<512x512xi32>
    %select_n3A_202 = arith.select %le3A_199, %iota3A, %broadcast_in_dim3A_201 : vector<512x512xi1>, vector<512x512xi32>
    %reduce_min3A_203 = arith.constant dense<2147483647> : vector<512xi32>
    %reduce_min3A_204 = vector.multi_reduction <minsi>, %select_n3A_202, %reduce_min3A_203 [1] : vector<512x512xi32> to vector<512xi32>
    %broadcast_in_dim3A_205 = vector.shape_cast %reduce_min3A_204 : vector<512xi32> to vector<512x1xi32>
    %eq3A_206 = vector.broadcast %broadcast_in_dim3A_205 : vector<512x1xi32> to vector<512x512xi32>
    %eq3A_207 = arith.cmpi eq, %iota3A, %eq3A_206 : vector<512x512xi32>
    %add3A_208 = vector.broadcast %mul3A_106 : i32 to vector<512x1xi32>
    %add3A_209 = arith.addi %broadcast_in_dim3A_205, %add3A_208 : vector<512x1xi32>
    %jit3A_210 = arith.constant 0x7F800000 : f32
    %broadcast_in_dim3A_211 = vector.broadcast %jit3A_210 : f32 to vector<512x512xf32>
    %select_n3A_212 = arith.select %eq3A_207, %broadcast_in_dim3A_211, %select_n3A_194 : vector<512x512xi1>, vector<512x512xf32>
    %reduce_min3A_213 = arith.constant dense<0x7F800000> : vector<512xf32>
    %reduce_min3A_214 = vector.multi_reduction <minimumf>, %select_n3A_212, %reduce_min3A_213 [1] : vector<512x512xf32> to vector<512xf32>
    %broadcast_in_dim3A_215 = vector.shape_cast %reduce_min3A_214 : vector<512xf32> to vector<512x1xf32>
    %le3A_216 = vector.broadcast %broadcast_in_dim3A_215 : vector<512x1xf32> to vector<512x512xf32>
    %le3A_217 = arith.cmpf ole, %select_n3A_212, %le3A_216 : vector<512x512xf32>
    %jit3A_218 = arith.constant 512 : i32
    %broadcast_in_dim3A_219 = vector.broadcast %jit3A_218 : i32 to vector<512x512xi32>
    %select_n3A_220 = arith.select %le3A_217, %iota3A, %broadcast_in_dim3A_219 : vector<512x512xi1>, vector<512x512xi32>
    %reduce_min3A_221 = arith.constant dense<2147483647> : vector<512xi32>
    %reduce_min3A_222 = vector.multi_reduction <minsi>, %select_n3A_220, %reduce_min3A_221 [1] : vector<512x512xi32> to vector<512xi32>
    %broadcast_in_dim3A_223 = vector.shape_cast %reduce_min3A_222 : vector<512xi32> to vector<512x1xi32>
    %eq3A_224 = vector.broadcast %broadcast_in_dim3A_223 : vector<512x1xi32> to vector<512x512xi32>
    %eq3A_225 = arith.cmpi eq, %iota3A, %eq3A_224 : vector<512x512xi32>
    %add3A_226 = vector.broadcast %mul3A_106 : i32 to vector<512x1xi32>
    %add3A_227 = arith.addi %broadcast_in_dim3A_223, %add3A_226 : vector<512x1xi32>
    %jit3A_228 = arith.constant 0x7F800000 : f32
    %broadcast_in_dim3A_229 = vector.broadcast %jit3A_228 : f32 to vector<512x512xf32>
    %select_n3A_230 = arith.select %eq3A_225, %broadcast_in_dim3A_229, %select_n3A_212 : vector<512x512xi1>, vector<512x512xf32>
    %reduce_min3A_231 = arith.constant dense<0x7F800000> : vector<512xf32>
    %reduce_min3A_232 = vector.multi_reduction <minimumf>, %select_n3A_230, %reduce_min3A_231 [1] : vector<512x512xf32> to vector<512xf32>
    %broadcast_in_dim3A_233 = vector.shape_cast %reduce_min3A_232 : vector<512xf32> to vector<512x1xf32>
    %le3A_234 = vector.broadcast %broadcast_in_dim3A_233 : vector<512x1xf32> to vector<512x512xf32>
    %le3A_235 = arith.cmpf ole, %select_n3A_230, %le3A_234 : vector<512x512xf32>
    %jit3A_236 = arith.constant 512 : i32
    %broadcast_in_dim3A_237 = vector.broadcast %jit3A_236 : i32 to vector<512x512xi32>
    %select_n3A_238 = arith.select %le3A_235, %iota3A, %broadcast_in_dim3A_237 : vector<512x512xi1>, vector<512x512xi32>
    %reduce_min3A_239 = arith.constant dense<2147483647> : vector<512xi32>
    %reduce_min3A_240 = vector.multi_reduction <minsi>, %select_n3A_238, %reduce_min3A_239 [1] : vector<512x512xi32> to vector<512xi32>
    %broadcast_in_dim3A_241 = vector.shape_cast %reduce_min3A_240 : vector<512xi32> to vector<512x1xi32>
    %eq3A_242 = vector.broadcast %broadcast_in_dim3A_241 : vector<512x1xi32> to vector<512x512xi32>
    %eq3A_243 = arith.cmpi eq, %iota3A, %eq3A_242 : vector<512x512xi32>
    %add3A_244 = vector.broadcast %mul3A_106 : i32 to vector<512x1xi32>
    %add3A_245 = arith.addi %broadcast_in_dim3A_241, %add3A_244 : vector<512x1xi32>
    %jit3A_246 = arith.constant 0x7F800000 : f32
    %broadcast_in_dim3A_247 = vector.broadcast %jit3A_246 : f32 to vector<512x512xf32>
    %select_n3A_248 = arith.select %eq3A_243, %broadcast_in_dim3A_247, %select_n3A_230 : vector<512x512xi1>, vector<512x512xf32>
    %reduce_min3A_249 = arith.constant dense<0x7F800000> : vector<512xf32>
    %reduce_min3A_250 = vector.multi_reduction <minimumf>, %select_n3A_248, %reduce_min3A_249 [1] : vector<512x512xf32> to vector<512xf32>
    %broadcast_in_dim3A_251 = vector.shape_cast %reduce_min3A_250 : vector<512xf32> to vector<512x1xf32>
    %le3A_252 = vector.broadcast %broadcast_in_dim3A_251 : vector<512x1xf32> to vector<512x512xf32>
    %le3A_253 = arith.cmpf ole, %select_n3A_248, %le3A_252 : vector<512x512xf32>
    %jit3A_254 = arith.constant 512 : i32
    %broadcast_in_dim3A_255 = vector.broadcast %jit3A_254 : i32 to vector<512x512xi32>
    %select_n3A_256 = arith.select %le3A_253, %iota3A, %broadcast_in_dim3A_255 : vector<512x512xi1>, vector<512x512xi32>
    %reduce_min3A_257 = arith.constant dense<2147483647> : vector<512xi32>
    %reduce_min3A_258 = vector.multi_reduction <minsi>, %select_n3A_256, %reduce_min3A_257 [1] : vector<512x512xi32> to vector<512xi32>
    %broadcast_in_dim3A_259 = vector.shape_cast %reduce_min3A_258 : vector<512xi32> to vector<512x1xi32>
    %eq3A_260 = vector.broadcast %broadcast_in_dim3A_259 : vector<512x1xi32> to vector<512x512xi32>
    %eq3A_261 = arith.cmpi eq, %iota3A, %eq3A_260 : vector<512x512xi32>
    %add3A_262 = vector.broadcast %mul3A_106 : i32 to vector<512x1xi32>
    %add3A_263 = arith.addi %broadcast_in_dim3A_259, %add3A_262 : vector<512x1xi32>
    %jit3A_264 = arith.constant 0x7F800000 : f32
    %broadcast_in_dim3A_265 = vector.broadcast %jit3A_264 : f32 to vector<512x512xf32>
    %select_n3A_266 = arith.select %eq3A_261, %broadcast_in_dim3A_265, %select_n3A_248 : vector<512x512xi1>, vector<512x512xf32>
    %reduce_min3A_267 = arith.constant dense<0x7F800000> : vector<512xf32>
    %reduce_min3A_268 = vector.multi_reduction <minimumf>, %select_n3A_266, %reduce_min3A_267 [1] : vector<512x512xf32> to vector<512xf32>
    %broadcast_in_dim3A_269 = vector.shape_cast %reduce_min3A_268 : vector<512xf32> to vector<512x1xf32>
    %le3A_270 = vector.broadcast %broadcast_in_dim3A_269 : vector<512x1xf32> to vector<512x512xf32>
    %le3A_271 = arith.cmpf ole, %select_n3A_266, %le3A_270 : vector<512x512xf32>
    %jit3A_272 = arith.constant 512 : i32
    %broadcast_in_dim3A_273 = vector.broadcast %jit3A_272 : i32 to vector<512x512xi32>
    %select_n3A_274 = arith.select %le3A_271, %iota3A, %broadcast_in_dim3A_273 : vector<512x512xi1>, vector<512x512xi32>
    %reduce_min3A_275 = arith.constant dense<2147483647> : vector<512xi32>
    %reduce_min3A_276 = vector.multi_reduction <minsi>, %select_n3A_274, %reduce_min3A_275 [1] : vector<512x512xi32> to vector<512xi32>
    %broadcast_in_dim3A_277 = vector.shape_cast %reduce_min3A_276 : vector<512xi32> to vector<512x1xi32>
    %eq3A_278 = vector.broadcast %broadcast_in_dim3A_277 : vector<512x1xi32> to vector<512x512xi32>
    %eq3A_279 = arith.cmpi eq, %iota3A, %eq3A_278 : vector<512x512xi32>
    %add3A_280 = vector.broadcast %mul3A_106 : i32 to vector<512x1xi32>
    %add3A_281 = arith.addi %broadcast_in_dim3A_277, %add3A_280 : vector<512x1xi32>
    %jit3A_282 = arith.constant 0x7F800000 : f32
    %broadcast_in_dim3A_283 = vector.broadcast %jit3A_282 : f32 to vector<512x512xf32>
    %select_n3A_284 = arith.select %eq3A_279, %broadcast_in_dim3A_283, %select_n3A_266 : vector<512x512xi1>, vector<512x512xf32>
    %reduce_min3A_285 = arith.constant dense<0x7F800000> : vector<512xf32>
    %reduce_min3A_286 = vector.multi_reduction <minimumf>, %select_n3A_284, %reduce_min3A_285 [1] : vector<512x512xf32> to vector<512xf32>
    %broadcast_in_dim3A_287 = vector.shape_cast %reduce_min3A_286 : vector<512xf32> to vector<512x1xf32>
    %le3A_288 = vector.broadcast %broadcast_in_dim3A_287 : vector<512x1xf32> to vector<512x512xf32>
    %le3A_289 = arith.cmpf ole, %select_n3A_284, %le3A_288 : vector<512x512xf32>
    %jit3A_290 = arith.constant 512 : i32
    %broadcast_in_dim3A_291 = vector.broadcast %jit3A_290 : i32 to vector<512x512xi32>
    %select_n3A_292 = arith.select %le3A_289, %iota3A, %broadcast_in_dim3A_291 : vector<512x512xi1>, vector<512x512xi32>
    %reduce_min3A_293 = arith.constant dense<2147483647> : vector<512xi32>
    %reduce_min3A_294 = vector.multi_reduction <minsi>, %select_n3A_292, %reduce_min3A_293 [1] : vector<512x512xi32> to vector<512xi32>
    %broadcast_in_dim3A_295 = vector.shape_cast %reduce_min3A_294 : vector<512xi32> to vector<512x1xi32>
    %eq3A_296 = vector.broadcast %broadcast_in_dim3A_295 : vector<512x1xi32> to vector<512x512xi32>
    %eq3A_297 = arith.cmpi eq, %iota3A, %eq3A_296 : vector<512x512xi32>
    %add3A_298 = vector.broadcast %mul3A_106 : i32 to vector<512x1xi32>
    %add3A_299 = arith.addi %broadcast_in_dim3A_295, %add3A_298 : vector<512x1xi32>
    %jit3A_300 = arith.constant 0x7F800000 : f32
    %broadcast_in_dim3A_301 = vector.broadcast %jit3A_300 : f32 to vector<512x512xf32>
    %select_n3A_302 = arith.select %eq3A_297, %broadcast_in_dim3A_301, %select_n3A_284 : vector<512x512xi1>, vector<512x512xf32>
    %reduce_min3A_303 = arith.constant dense<0x7F800000> : vector<512xf32>
    %reduce_min3A_304 = vector.multi_reduction <minimumf>, %select_n3A_302, %reduce_min3A_303 [1] : vector<512x512xf32> to vector<512xf32>
    %broadcast_in_dim3A_305 = vector.shape_cast %reduce_min3A_304 : vector<512xf32> to vector<512x1xf32>
    %le3A_306 = vector.broadcast %broadcast_in_dim3A_305 : vector<512x1xf32> to vector<512x512xf32>
    %le3A_307 = arith.cmpf ole, %select_n3A_302, %le3A_306 : vector<512x512xf32>
    %jit3A_308 = arith.constant 512 : i32
    %broadcast_in_dim3A_309 = vector.broadcast %jit3A_308 : i32 to vector<512x512xi32>
    %select_n3A_310 = arith.select %le3A_307, %iota3A, %broadcast_in_dim3A_309 : vector<512x512xi1>, vector<512x512xi32>
    %reduce_min3A_311 = arith.constant dense<2147483647> : vector<512xi32>
    %reduce_min3A_312 = vector.multi_reduction <minsi>, %select_n3A_310, %reduce_min3A_311 [1] : vector<512x512xi32> to vector<512xi32>
    %broadcast_in_dim3A_313 = vector.shape_cast %reduce_min3A_312 : vector<512xi32> to vector<512x1xi32>
    %eq3A_314 = vector.broadcast %broadcast_in_dim3A_313 : vector<512x1xi32> to vector<512x512xi32>
    %eq3A_315 = arith.cmpi eq, %iota3A, %eq3A_314 : vector<512x512xi32>
    %add3A_316 = vector.broadcast %mul3A_106 : i32 to vector<512x1xi32>
    %add3A_317 = arith.addi %broadcast_in_dim3A_313, %add3A_316 : vector<512x1xi32>
    %jit3A_318 = arith.constant 0x7F800000 : f32
    %broadcast_in_dim3A_319 = vector.broadcast %jit3A_318 : f32 to vector<512x512xf32>
    %select_n3A_320 = arith.select %eq3A_315, %broadcast_in_dim3A_319, %select_n3A_302 : vector<512x512xi1>, vector<512x512xf32>
    %reduce_min3A_321 = arith.constant dense<0x7F800000> : vector<512xf32>
    %reduce_min3A_322 = vector.multi_reduction <minimumf>, %select_n3A_320, %reduce_min3A_321 [1] : vector<512x512xf32> to vector<512xf32>
    %broadcast_in_dim3A_323 = vector.shape_cast %reduce_min3A_322 : vector<512xf32> to vector<512x1xf32>
    %le3A_324 = vector.broadcast %broadcast_in_dim3A_323 : vector<512x1xf32> to vector<512x512xf32>
    %le3A_325 = arith.cmpf ole, %select_n3A_320, %le3A_324 : vector<512x512xf32>
    %jit3A_326 = arith.constant 512 : i32
    %broadcast_in_dim3A_327 = vector.broadcast %jit3A_326 : i32 to vector<512x512xi32>
    %select_n3A_328 = arith.select %le3A_325, %iota3A, %broadcast_in_dim3A_327 : vector<512x512xi1>, vector<512x512xi32>
    %reduce_min3A_329 = arith.constant dense<2147483647> : vector<512xi32>
    %reduce_min3A_330 = vector.multi_reduction <minsi>, %select_n3A_328, %reduce_min3A_329 [1] : vector<512x512xi32> to vector<512xi32>
    %broadcast_in_dim3A_331 = vector.shape_cast %reduce_min3A_330 : vector<512xi32> to vector<512x1xi32>
    %eq3A_332 = vector.broadcast %broadcast_in_dim3A_331 : vector<512x1xi32> to vector<512x512xi32>
    %eq3A_333 = arith.cmpi eq, %iota3A, %eq3A_332 : vector<512x512xi32>
    %add3A_334 = vector.broadcast %mul3A_106 : i32 to vector<512x1xi32>
    %add3A_335 = arith.addi %broadcast_in_dim3A_331, %add3A_334 : vector<512x1xi32>
    %jit3A_336 = arith.constant 0x7F800000 : f32
    %broadcast_in_dim3A_337 = vector.broadcast %jit3A_336 : f32 to vector<512x512xf32>
    %select_n3A_338 = arith.select %eq3A_333, %broadcast_in_dim3A_337, %select_n3A_320 : vector<512x512xi1>, vector<512x512xf32>
    %reduce_min3A_339 = arith.constant dense<0x7F800000> : vector<512xf32>
    %reduce_min3A_340 = vector.multi_reduction <minimumf>, %select_n3A_338, %reduce_min3A_339 [1] : vector<512x512xf32> to vector<512xf32>
    %broadcast_in_dim3A_341 = vector.shape_cast %reduce_min3A_340 : vector<512xf32> to vector<512x1xf32>
    %le3A_342 = vector.broadcast %broadcast_in_dim3A_341 : vector<512x1xf32> to vector<512x512xf32>
    %le3A_343 = arith.cmpf ole, %select_n3A_338, %le3A_342 : vector<512x512xf32>
    %jit3A_344 = arith.constant 512 : i32
    %broadcast_in_dim3A_345 = vector.broadcast %jit3A_344 : i32 to vector<512x512xi32>
    %select_n3A_346 = arith.select %le3A_343, %iota3A, %broadcast_in_dim3A_345 : vector<512x512xi1>, vector<512x512xi32>
    %reduce_min3A_347 = arith.constant dense<2147483647> : vector<512xi32>
    %reduce_min3A_348 = vector.multi_reduction <minsi>, %select_n3A_346, %reduce_min3A_347 [1] : vector<512x512xi32> to vector<512xi32>
    %broadcast_in_dim3A_349 = vector.shape_cast %reduce_min3A_348 : vector<512xi32> to vector<512x1xi32>
    %eq3A_350 = vector.broadcast %broadcast_in_dim3A_349 : vector<512x1xi32> to vector<512x512xi32>
    %eq3A_351 = arith.cmpi eq, %iota3A, %eq3A_350 : vector<512x512xi32>
    %add3A_352 = vector.broadcast %mul3A_106 : i32 to vector<512x1xi32>
    %add3A_353 = arith.addi %broadcast_in_dim3A_349, %add3A_352 : vector<512x1xi32>
    %jit3A_354 = arith.constant 0x7F800000 : f32
    %broadcast_in_dim3A_355 = vector.broadcast %jit3A_354 : f32 to vector<512x512xf32>
    %select_n3A_356 = arith.select %eq3A_351, %broadcast_in_dim3A_355, %select_n3A_338 : vector<512x512xi1>, vector<512x512xf32>
    %reduce_min3A_357 = arith.constant dense<0x7F800000> : vector<512xf32>
    %reduce_min3A_358 = vector.multi_reduction <minimumf>, %select_n3A_356, %reduce_min3A_357 [1] : vector<512x512xf32> to vector<512xf32>
    %broadcast_in_dim3A_359 = vector.shape_cast %reduce_min3A_358 : vector<512xf32> to vector<512x1xf32>
    %le3A_360 = vector.broadcast %broadcast_in_dim3A_359 : vector<512x1xf32> to vector<512x512xf32>
    %le3A_361 = arith.cmpf ole, %select_n3A_356, %le3A_360 : vector<512x512xf32>
    %jit3A_362 = arith.constant 512 : i32
    %broadcast_in_dim3A_363 = vector.broadcast %jit3A_362 : i32 to vector<512x512xi32>
    %select_n3A_364 = arith.select %le3A_361, %iota3A, %broadcast_in_dim3A_363 : vector<512x512xi1>, vector<512x512xi32>
    %reduce_min3A_365 = arith.constant dense<2147483647> : vector<512xi32>
    %reduce_min3A_366 = vector.multi_reduction <minsi>, %select_n3A_364, %reduce_min3A_365 [1] : vector<512x512xi32> to vector<512xi32>
    %broadcast_in_dim3A_367 = vector.shape_cast %reduce_min3A_366 : vector<512xi32> to vector<512x1xi32>
    %eq3A_368 = vector.broadcast %broadcast_in_dim3A_367 : vector<512x1xi32> to vector<512x512xi32>
    %eq3A_369 = arith.cmpi eq, %iota3A, %eq3A_368 : vector<512x512xi32>
    %add3A_370 = vector.broadcast %mul3A_106 : i32 to vector<512x1xi32>
    %add3A_371 = arith.addi %broadcast_in_dim3A_367, %add3A_370 : vector<512x1xi32>
    %jit3A_372 = arith.constant 0x7F800000 : f32
    %broadcast_in_dim3A_373 = vector.broadcast %jit3A_372 : f32 to vector<512x512xf32>
    %select_n3A_374 = arith.select %eq3A_369, %broadcast_in_dim3A_373, %select_n3A_356 : vector<512x512xi1>, vector<512x512xf32>
    %reduce_min3A_375 = arith.constant dense<0x7F800000> : vector<512xf32>
    %reduce_min3A_376 = vector.multi_reduction <minimumf>, %select_n3A_374, %reduce_min3A_375 [1] : vector<512x512xf32> to vector<512xf32>
    %broadcast_in_dim3A_377 = vector.shape_cast %reduce_min3A_376 : vector<512xf32> to vector<512x1xf32>
    %le3A_378 = vector.broadcast %broadcast_in_dim3A_377 : vector<512x1xf32> to vector<512x512xf32>
    %le3A_379 = arith.cmpf ole, %select_n3A_374, %le3A_378 : vector<512x512xf32>
    %jit3A_380 = arith.constant 512 : i32
    %broadcast_in_dim3A_381 = vector.broadcast %jit3A_380 : i32 to vector<512x512xi32>
    %select_n3A_382 = arith.select %le3A_379, %iota3A, %broadcast_in_dim3A_381 : vector<512x512xi1>, vector<512x512xi32>
    %reduce_min3A_383 = arith.constant dense<2147483647> : vector<512xi32>
    %reduce_min3A_384 = vector.multi_reduction <minsi>, %select_n3A_382, %reduce_min3A_383 [1] : vector<512x512xi32> to vector<512xi32>
    %broadcast_in_dim3A_385 = vector.shape_cast %reduce_min3A_384 : vector<512xi32> to vector<512x1xi32>
    %add3A_386 = vector.broadcast %mul3A_106 : i32 to vector<512x1xi32>
    %add3A_387 = arith.addi %broadcast_in_dim3A_385, %add3A_386 : vector<512x1xi32>
    %concatenate3A_388 = tpu.concatenate %add3A_119, %add3A_137, %add3A_155, %add3A_173, %add3A_191, %add3A_209, %add3A_227, %add3A_245, %add3A_263, %add3A_281, %add3A_299, %add3A_317, %add3A_335, %add3A_353, %add3A_371, %add3A_387 in 1 : vector<512x1xi32>, vector<512x1xi32>, vector<512x1xi32>, vector<512x1xi32>, vector<512x1xi32>, vector<512x1xi32>, vector<512x1xi32>, vector<512x1xi32>, vector<512x1xi32>, vector<512x1xi32>, vector<512x1xi32>, vector<512x1xi32>, vector<512x1xi32>, vector<512x1xi32>, vector<512x1xi32>, vector<512x1xi32> -> vector<512x16xi32>
    %swap3A_389 = arith.constant 0 : index
    %swap3A_390 = arith.constant 0 : index
    %swap3A_391 = arith.constant 0 : index
    %swap3A_392 = vector.load %arg15[%swap3A_389, %swap3A_390, %swap3A_391] : memref<1x512x16xi32, #tpu.memory_space<vmem>>, vector<1x512x16xi32>
    %swap3A_393 = vector.shape_cast %swap3A_392 : vector<1x512x16xi32> to vector<512x16xi32>
    %swap3A_394 = vector.shape_cast %concatenate3A_388 : vector<512x16xi32> to vector<1x512x16xi32>
    tpu.vector_store %arg15[%swap3A_389, %swap3A_390, %swap3A_391], %swap3A_394 {strides = array<i32>} : memref<1x512x16xi32, #tpu.memory_space<vmem>>, vector<1x512x16xi32>,
    return
  }
  func.func @transform_0(%arg0: i32) -> (i32, i32, i32) {
    %c0_i32 = arith.constant 0 : i32
    %c0_i32_0 = arith.constant 0 : i32
    %c0_i32_1 = arith.constant 0 : i32
    return %arg0, %c0_i32, %c0_i32_0 : i32, i32, i32
  }
  func.func @transform_1(%arg0: i32) -> (i32, i32, i32) {
    %c0_i32 = arith.constant 0 : i32
    %c0_i32_0 = arith.constant 0 : i32
    %c0_i32_1 = arith.constant 0 : i32
    return %arg0, %c0_i32, %c0_i32_0 : i32, i32, i32
  }
  func.func @transform_2(%arg0: i32) -> (i32, i32, i32) {
    %c0_i32 = arith.constant 0 : i32
    %c0_i32_0 = arith.constant 0 : i32
    %c0_i32_1 = arith.constant 0 : i32
    return %arg0, %c0_i32, %c0_i32_0 : i32, i32, i32
  }
  func.func @transform_3(%arg0: i32) -> (i32, i32) {
    %c0_i32 = arith.constant 0 : i32
    %c0_i32_0 = arith.constant 0 : i32
    %c0_i32_1 = arith.constant 0 : i32
    return %c0_i32, %c0_i32_0 : i32, i32
  }
  func.func @transform_4(%arg0: i32) -> (i32, i32) {
    %c0_i32 = arith.constant 0 : i32
    %c0_i32_0 = arith.constant 0 : i32
    %c0_i32_1 = arith.constant 0 : i32
    return %c0_i32, %c0_i32_0 : i32, i32
  }
  func.func @transform_5(%arg0: i32) -> (i32, i32) {
    %c0_i32 = arith.constant 0 : i32
    %c0_i32_0 = arith.constant 0 : i32
    %c0_i32_1 = arith.constant 0 : i32
    return %c0_i32, %c0_i32_0 : i32, i32
  }
  func.func @transform_6(%arg0: i32) -> (i32, i32) {
    %c0_i32 = arith.constant 0 : i32
    %c0_i32_0 = arith.constant 0 : i32
    %c0_i32_1 = arith.constant 0 : i32
    return %c0_i32, %c0_i32_0 : i32, i32
  }
  func.func @transform_7(%arg0: i32) -> (i32, i32) {
    %c0_i32 = arith.constant 0 : i32
    %c0_i32_0 = arith.constant 0 : i32
    %c0_i32_1 = arith.constant 0 : i32
    return %c0_i32, %c0_i32_0 : i32, i32
  }
  func.func @transform_8(%arg0: i32) -> (i32, i32) {
    %c0_i32 = arith.constant 0 : i32
    %c0_i32_0 = arith.constant 0 : i32
    %c0_i32_1 = arith.constant 0 : i32
    return %c0_i32, %c0_i32_0 : i32, i32
  }
  func.func @transform_9(%arg0: i32) -> (i32, i32) {
    %c0_i32 = arith.constant 0 : i32
    %c0_i32_0 = arith.constant 0 : i32
    %c0_i32_1 = arith.constant 0 : i32
    return %c0_i32, %c0_i32_0 : i32, i32
  }
  func.func @transform_10(%arg0: i32) -> (i32, i32) {
    %c0_i32 = arith.constant 0 : i32
    %c0_i32_0 = arith.constant 0 : i32
    %c0_i32_1 = arith.constant 0 : i32
    return %c0_i32, %c0_i32_0 : i32, i32
  }
  func.func @transform_11(%arg0: i32) -> (i32, i32) {
    %c0_i32 = arith.constant 0 : i32
    %c0_i32_0 = arith.constant 0 : i32
    %c0_i32_1 = arith.constant 0 : i32
    return %c0_i32, %c0_i32_0 : i32, i32
  }
  func.func @transform_12(%arg0: i32) -> (i32, i32, i32) {
    %c0_i32 = arith.constant 0 : i32
    %c0_i32_0 = arith.constant 0 : i32
    %c0_i32_1 = arith.constant 0 : i32
    return %arg0, %c0_i32, %c0_i32_0 : i32, i32, i32
  }
  func.func @transform_13(%arg0: i32) -> (i32, i32, i32) {
    %c0_i32 = arith.constant 0 : i32
    %c0_i32_0 = arith.constant 0 : i32
    %c0_i32_1 = arith.constant 0 : i32
    return %arg0, %c0_i32, %c0_i32_0 : i32, i32, i32
  }
  func.func @transform_14(%arg0: i32) -> (i32, i32, i32) {
    %c0_i32 = arith.constant 0 : i32
    %c0_i32_0 = arith.constant 0 : i32
    %c0_i32_1 = arith.constant 0 : i32
    return %arg0, %c0_i32, %c0_i32_0 : i32, i32, i32
  }
}

module attributes {stable_mosaic.version = 14 : i64} {
  func.func @_stage_c_body(%arg0: i32, %arg1: memref<1x512x256xf32, #tpu.memory_space<vmem>>, %arg2: memref<1x8192x256xf32, #tpu.memory_space<vmem>>, %arg3: memref<1x512x256xf32, #tpu.memory_space<vmem>>, %arg4: memref<1x512x16xi32, #tpu.memory_space<vmem>>, %arg5: memref<512x256xf32, #tpu.memory_space<vmem>>, %arg6: memref<1x256xf32, #tpu.memory_space<vmem>>, %arg7: memref<512x256xf32, #tpu.memory_space<vmem>>, %arg8: memref<1x512x256xf32, #tpu.memory_space<vmem>>, %arg9: memref<1x512x256xf32, #tpu.memory_space<vmem>>, %arg10: memref<1x512x16xi32, #tpu.memory_space<vmem>>, %arg11: memref<512x256xf32, #tpu.memory_space<vmem>>) attributes {dimension_semantics = [#tpu.dimension_semantics<arbitrary>], iteration_bounds = array<i64: 4>, scalar_prefetch = 0 : i64, scratch_operands = 1 : i64, tpu.core_type = #tpu.core_type<tc>, window_params = [{transform_indices = @transform_0, window_bounds = array<i64: 1, 512, 256>}, {transform_indices = @transform_1, window_bounds = array<i64: 1, 8192, 256>}, {transform_indices = @transform_2, window_bounds = array<i64: 1, 512, 256>}, {transform_indices = @transform_3, window_bounds = array<i64: 1, 512, 16>}, {pipeline_mode = #tpu.pipeline_mode<synchronous>, transform_indices = @transform_4, window_bounds = array<i64: 512, 256>}, {pipeline_mode = #tpu.pipeline_mode<synchronous>, transform_indices = @transform_5, window_bounds = array<i64: 1, 256>}, {pipeline_mode = #tpu.pipeline_mode<synchronous>, transform_indices = @transform_6, window_bounds = array<i64: 512, 256>}, {transform_indices = @transform_7, window_bounds = array<i64: 1, 512, 256>}, {transform_indices = @transform_8, window_bounds = array<i64: 1, 512, 256>}, {transform_indices = @transform_9, window_bounds = array<i64: 1, 512, 16>}]} {
    %get3A = arith.constant 0 : index
    %get3A_0 = arith.constant 0 : index
    %get3A_1 = arith.constant 0 : index
    %get3A_2 = vector.load %arg1[%get3A, %get3A_0, %get3A_1] : memref<1x512x256xf32, #tpu.memory_space<vmem>>, vector<1x512x256xf32>
    %get3A_3 = vector.shape_cast %get3A_2 : vector<1x512x256xf32> to vector<512x256xf32>
    %get3A_4 = arith.constant 0 : index
    %get3A_5 = arith.constant 0 : index
    %get3A_6 = arith.constant 0 : index
    %get3A_7 = vector.load %arg3[%get3A_4, %get3A_5, %get3A_6] : memref<1x512x256xf32, #tpu.memory_space<vmem>>, vector<1x512x256xf32>
    %get3A_8 = vector.shape_cast %get3A_7 : vector<1x512x256xf32> to vector<512x256xf32>
    %get3A_9 = arith.constant 0 : index
    %get3A_10 = arith.constant 0 : index
    %get3A_11 = vector.load %arg5[%get3A_9, %get3A_10] : memref<512x256xf32, #tpu.memory_space<vmem>>, vector<512x256xf32>
    %get3A_12 = arith.constant 0 : index
    %get3A_13 = arith.constant 0 : index
    %get3A_14 = vector.load %arg6[%get3A_12, %get3A_13] : memref<1x256xf32, #tpu.memory_space<vmem>>, vector<1x256xf32>
    %lt3A = arith.constant 2 : i32
    %lt3A_15 = arith.cmpi slt, %arg0, %lt3A : i32
    %convert_element_type3A = arith.extui %lt3A_15 : i1 to i32
    %cond3A = arith.constant 0 : i32
    %cond3A_16 = arith.cmpi ne, %convert_element_type3A, %cond3A : i32
    scf.if %cond3A_16 {
      %get3A_349 = arith.constant 0 : index
      %get3A_350 = arith.constant 0 : index
      %get3A_351 = arith.constant 0 : index
      %get3A_352 = vector.load %arg2[%get3A_349, %get3A_350, %get3A_351] : memref<1x8192x256xf32, #tpu.memory_space<vmem>>, vector<1x8192x256xf32>
      %get3A_353 = vector.shape_cast %get3A_352 : vector<1x8192x256xf32> to vector<8192x256xf32>
      %reshape3A = vector.shape_cast %get3A_353 : vector<8192x256xf32> to vector<512x16x256xf32>
      %broadcast_in_dim3A_354 = vector.shape_cast %get3A_3 : vector<512x256xf32> to vector<512x1x256xf32>
      %sub3A_355 = vector.broadcast %broadcast_in_dim3A_354 : vector<512x1x256xf32> to vector<512x16x256xf32>
      %sub3A_356 = arith.subf %reshape3A, %sub3A_355 : vector<512x16x256xf32>
      %reshape3A_357 = vector.shape_cast %sub3A_356 : vector<512x16x256xf32> to vector<8192x256xf32>
      %slice3A_358 = vector.extract_strided_slice %get3A_11 {offsets = [256, 0], sizes = [256, 256], strides = [1, 1]} : vector<512x256xf32> to vector<256x256xf32>
      %convert_element_type3A_359 = arith.truncf %reshape3A_357 : vector<8192x256xf32> to vector<8192x256xbf16>
      %convert_element_type3A_360 = arith.truncf %slice3A_358 : vector<256x256xf32> to vector<256x256xbf16>
      %dot_general3A_361 = arith.constant dense<0.000000e+00> : vector<8192x256xf32>
      %dot_general3A_362 = tpu.matmul %convert_element_type3A_359, %convert_element_type3A_360, %dot_general3A_361 {dimension_numbers = #tpu.dot_dimension_numbers<[1], [0], [0], [1], [0, 0, 1, 1], [], []>, transpose_lhs_hint = false} : vector<8192x256xbf16>, vector<256x256xbf16>, vector<8192x256xf32> -> vector<8192x256xf32>
      %reshape3A_363 = vector.shape_cast %dot_general3A_362 : vector<8192x256xf32> to vector<512x16x256xf32>
      %reduce_max3A = arith.constant dense<0xFF800000> : vector<512x256xf32>
      %reduce_max3A_364 = vector.multi_reduction <maximumf>, %reshape3A_363, %reduce_max3A [1] : vector<512x16x256xf32> to vector<512x256xf32>
      %swap3A_365 = arith.constant 0 : index
      %swap3A_366 = arith.constant 0 : index
      %swap3A_367 = vector.load %arg11[%swap3A_365, %swap3A_366] : memref<512x256xf32, #tpu.memory_space<vmem>>, vector<512x256xf32>
      tpu.vector_store %arg11[%swap3A_365, %swap3A_366], %reduce_max3A_364 {strides = array<i32>} : memref<512x256xf32, #tpu.memory_space<vmem>>, vector<512x256xf32>,
    } else {
    }
    %ge3A = arith.constant 2 : i32
    %ge3A_17 = arith.cmpi sge, %arg0, %ge3A : i32
    %convert_element_type3A_18 = arith.extui %ge3A_17 : i1 to i32
    %cond3A_19 = arith.constant 0 : i32
    %cond3A_20 = arith.cmpi ne, %convert_element_type3A_18, %cond3A_19 : i32
    scf.if %cond3A_20 {
      %get3A_349 = arith.constant 0 : index
      %get3A_350 = arith.constant 0 : index
      %get3A_351 = arith.constant 0 : index
      %get3A_352 = vector.load %arg4[%get3A_349, %get3A_350, %get3A_351] : memref<1x512x16xi32, #tpu.memory_space<vmem>>, vector<1x512x16xi32>
      %get3A_353 = vector.shape_cast %get3A_352 : vector<1x512x16xi32> to vector<512x16xi32>
      %mul3A_354 = arith.constant 512 : i32
      %mul3A_355 = arith.muli %arg0, %mul3A_354 : i32
      %sub3A_356 = vector.broadcast %mul3A_355 : i32 to vector<512x16xi32>
      %sub3A_357 = arith.subi %get3A_353, %sub3A_356 : vector<512x16xi32>
      %iota3A_358 = tpu.iota {dimensions = array<i32: 1>} : vector<512x512xi32>
      %slice3A_359 = vector.extract_strided_slice %get3A_11 {offsets = [256, 0], sizes = [256, 256], strides = [1, 1]} : vector<512x256xf32> to vector<256x256xf32>
      %slice3A_360 = vector.extract_strided_slice %sub3A_357 {offsets = [0, 0], sizes = [512, 1], strides = [1, 1]} : vector<512x16xi32> to vector<512x1xi32>
      %eq3A_361 = vector.broadcast %slice3A_360 : vector<512x1xi32> to vector<512x512xi32>
      %eq3A_362 = arith.cmpi eq, %iota3A_358, %eq3A_361 : vector<512x512xi32>
      %jit3A_363 = arith.constant 1.000000e+00 : f32
      %jit3A_364 = arith.constant 0.000000e+00 : f32
      %broadcast_in_dim3A_365 = vector.broadcast %jit3A_363 : f32 to vector<512x512xf32>
      %broadcast_in_dim3A_366 = vector.broadcast %jit3A_364 : f32 to vector<512x512xf32>
      %select_n3A_367 = arith.select %eq3A_362, %broadcast_in_dim3A_365, %broadcast_in_dim3A_366 : vector<512x512xi1>, vector<512x512xf32>
      %dot_general3A_368 = arith.constant dense<0.000000e+00> : vector<512x256xf32>
      %dot_general3A_369 = tpu.matmul %select_n3A_367, %get3A_3, %dot_general3A_368 {dimension_numbers = #tpu.dot_dimension_numbers<[1], [0], [0], [1], [0, 0, 1, 1], [], []>, precision = #tpu.contract_precision<fp32>, transpose_lhs_hint = false} : vector<512x512xf32>, vector<512x256xf32>, vector<512x256xf32> -> vector<512x256xf32>
      %sub3A_370 = arith.subf %dot_general3A_369, %get3A_3 : vector<512x256xf32>
      %convert_element_type3A_371 = arith.truncf %sub3A_370 : vector<512x256xf32> to vector<512x256xbf16>
      %convert_element_type3A_372 = arith.truncf %slice3A_359 : vector<256x256xf32> to vector<256x256xbf16>
      %dot_general3A_373 = arith.constant dense<0.000000e+00> : vector<512x256xf32>
      %dot_general3A_374 = tpu.matmul %convert_element_type3A_371, %convert_element_type3A_372, %dot_general3A_373 {dimension_numbers = #tpu.dot_dimension_numbers<[1], [0], [0], [1], [0, 0, 1, 1], [], []>, transpose_lhs_hint = false} : vector<512x256xbf16>, vector<256x256xbf16>, vector<512x256xf32> -> vector<512x256xf32>
      %slice3A_375 = vector.extract_strided_slice %sub3A_357 {offsets = [0, 1], sizes = [512, 1], strides = [1, 1]} : vector<512x16xi32> to vector<512x1xi32>
      %eq3A_376 = vector.broadcast %slice3A_375 : vector<512x1xi32> to vector<512x512xi32>
      %eq3A_377 = arith.cmpi eq, %iota3A_358, %eq3A_376 : vector<512x512xi32>
      %jit3A_378 = arith.constant 1.000000e+00 : f32
      %jit3A_379 = arith.constant 0.000000e+00 : f32
      %broadcast_in_dim3A_380 = vector.broadcast %jit3A_378 : f32 to vector<512x512xf32>
      %broadcast_in_dim3A_381 = vector.broadcast %jit3A_379 : f32 to vector<512x512xf32>
      %select_n3A_382 = arith.select %eq3A_377, %broadcast_in_dim3A_380, %broadcast_in_dim3A_381 : vector<512x512xi1>, vector<512x512xf32>
      %dot_general3A_383 = arith.constant dense<0.000000e+00> : vector<512x256xf32>
      %dot_general3A_384 = tpu.matmul %select_n3A_382, %get3A_3, %dot_general3A_383 {dimension_numbers = #tpu.dot_dimension_numbers<[1], [0], [0], [1], [0, 0, 1, 1], [], []>, precision = #tpu.contract_precision<fp32>, transpose_lhs_hint = false} : vector<512x512xf32>, vector<512x256xf32>, vector<512x256xf32> -> vector<512x256xf32>
      %sub3A_385 = arith.subf %dot_general3A_384, %get3A_3 : vector<512x256xf32>
      %convert_element_type3A_386 = arith.truncf %sub3A_385 : vector<512x256xf32> to vector<512x256xbf16>
      %convert_element_type3A_387 = arith.truncf %slice3A_359 : vector<256x256xf32> to vector<256x256xbf16>
      %dot_general3A_388 = arith.constant dense<0.000000e+00> : vector<512x256xf32>
      %dot_general3A_389 = tpu.matmul %convert_element_type3A_386, %convert_element_type3A_387, %dot_general3A_388 {dimension_numbers = #tpu.dot_dimension_numbers<[1], [0], [0], [1], [0, 0, 1, 1], [], []>, transpose_lhs_hint = false} : vector<512x256xbf16>, vector<256x256xbf16>, vector<512x256xf32> -> vector<512x256xf32>
      %max3A = arith.maximumf %dot_general3A_374, %dot_general3A_389 : vector<512x256xf32>
      %slice3A_390 = vector.extract_strided_slice %sub3A_357 {offsets = [0, 2], sizes = [512, 1], strides = [1, 1]} : vector<512x16xi32> to vector<512x1xi32>
      %eq3A_391 = vector.broadcast %slice3A_390 : vector<512x1xi32> to vector<512x512xi32>
      %eq3A_392 = arith.cmpi eq, %iota3A_358, %eq3A_391 : vector<512x512xi32>
      %jit3A_393 = arith.constant 1.000000e+00 : f32
      %jit3A_394 = arith.constant 0.000000e+00 : f32
      %broadcast_in_dim3A_395 = vector.broadcast %jit3A_393 : f32 to vector<512x512xf32>
      %broadcast_in_dim3A_396 = vector.broadcast %jit3A_394 : f32 to vector<512x512xf32>
      %select_n3A_397 = arith.select %eq3A_392, %broadcast_in_dim3A_395, %broadcast_in_dim3A_396 : vector<512x512xi1>, vector<512x512xf32>
      %dot_general3A_398 = arith.constant dense<0.000000e+00> : vector<512x256xf32>
      %dot_general3A_399 = tpu.matmul %select_n3A_397, %get3A_3, %dot_general3A_398 {dimension_numbers = #tpu.dot_dimension_numbers<[1], [0], [0], [1], [0, 0, 1, 1], [], []>, precision = #tpu.contract_precision<fp32>, transpose_lhs_hint = false} : vector<512x512xf32>, vector<512x256xf32>, vector<512x256xf32> -> vector<512x256xf32>
      %sub3A_400 = arith.subf %dot_general3A_399, %get3A_3 : vector<512x256xf32>
      %convert_element_type3A_401 = arith.truncf %sub3A_400 : vector<512x256xf32> to vector<512x256xbf16>
      %convert_element_type3A_402 = arith.truncf %slice3A_359 : vector<256x256xf32> to vector<256x256xbf16>
      %dot_general3A_403 = arith.constant dense<0.000000e+00> : vector<512x256xf32>
      %dot_general3A_404 = tpu.matmul %convert_element_type3A_401, %convert_element_type3A_402, %dot_general3A_403 {dimension_numbers = #tpu.dot_dimension_numbers<[1], [0], [0], [1], [0, 0, 1, 1], [], []>, transpose_lhs_hint = false} : vector<512x256xbf16>, vector<256x256xbf16>, vector<512x256xf32> -> vector<512x256xf32>
      %max3A_405 = arith.maximumf %max3A, %dot_general3A_404 : vector<512x256xf32>
      %slice3A_406 = vector.extract_strided_slice %sub3A_357 {offsets = [0, 3], sizes = [512, 1], strides = [1, 1]} : vector<512x16xi32> to vector<512x1xi32>
      %eq3A_407 = vector.broadcast %slice3A_406 : vector<512x1xi32> to vector<512x512xi32>
      %eq3A_408 = arith.cmpi eq, %iota3A_358, %eq3A_407 : vector<512x512xi32>
      %jit3A_409 = arith.constant 1.000000e+00 : f32
      %jit3A_410 = arith.constant 0.000000e+00 : f32
      %broadcast_in_dim3A_411 = vector.broadcast %jit3A_409 : f32 to vector<512x512xf32>
      %broadcast_in_dim3A_412 = vector.broadcast %jit3A_410 : f32 to vector<512x512xf32>
      %select_n3A_413 = arith.select %eq3A_408, %broadcast_in_dim3A_411, %broadcast_in_dim3A_412 : vector<512x512xi1>, vector<512x512xf32>
      %dot_general3A_414 = arith.constant dense<0.000000e+00> : vector<512x256xf32>
      %dot_general3A_415 = tpu.matmul %select_n3A_413, %get3A_3, %dot_general3A_414 {dimension_numbers = #tpu.dot_dimension_numbers<[1], [0], [0], [1], [0, 0, 1, 1], [], []>, precision = #tpu.contract_precision<fp32>, transpose_lhs_hint = false} : vector<512x512xf32>, vector<512x256xf32>, vector<512x256xf32> -> vector<512x256xf32>
      %sub3A_416 = arith.subf %dot_general3A_415, %get3A_3 : vector<512x256xf32>
      %convert_element_type3A_417 = arith.truncf %sub3A_416 : vector<512x256xf32> to vector<512x256xbf16>
      %convert_element_type3A_418 = arith.truncf %slice3A_359 : vector<256x256xf32> to vector<256x256xbf16>
      %dot_general3A_419 = arith.constant dense<0.000000e+00> : vector<512x256xf32>
      %dot_general3A_420 = tpu.matmul %convert_element_type3A_417, %convert_element_type3A_418, %dot_general3A_419 {dimension_numbers = #tpu.dot_dimension_numbers<[1], [0], [0], [1], [0, 0, 1, 1], [], []>, transpose_lhs_hint = false} : vector<512x256xbf16>, vector<256x256xbf16>, vector<512x256xf32> -> vector<512x256xf32>
      %max3A_421 = arith.maximumf %max3A_405, %dot_general3A_420 : vector<512x256xf32>
      %slice3A_422 = vector.extract_strided_slice %sub3A_357 {offsets = [0, 4], sizes = [512, 1], strides = [1, 1]} : vector<512x16xi32> to vector<512x1xi32>
      %eq3A_423 = vector.broadcast %slice3A_422 : vector<512x1xi32> to vector<512x512xi32>
      %eq3A_424 = arith.cmpi eq, %iota3A_358, %eq3A_423 : vector<512x512xi32>
      %jit3A_425 = arith.constant 1.000000e+00 : f32
      %jit3A_426 = arith.constant 0.000000e+00 : f32
      %broadcast_in_dim3A_427 = vector.broadcast %jit3A_425 : f32 to vector<512x512xf32>
      %broadcast_in_dim3A_428 = vector.broadcast %jit3A_426 : f32 to vector<512x512xf32>
      %select_n3A_429 = arith.select %eq3A_424, %broadcast_in_dim3A_427, %broadcast_in_dim3A_428 : vector<512x512xi1>, vector<512x512xf32>
      %dot_general3A_430 = arith.constant dense<0.000000e+00> : vector<512x256xf32>
      %dot_general3A_431 = tpu.matmul %select_n3A_429, %get3A_3, %dot_general3A_430 {dimension_numbers = #tpu.dot_dimension_numbers<[1], [0], [0], [1], [0, 0, 1, 1], [], []>, precision = #tpu.contract_precision<fp32>, transpose_lhs_hint = false} : vector<512x512xf32>, vector<512x256xf32>, vector<512x256xf32> -> vector<512x256xf32>
      %sub3A_432 = arith.subf %dot_general3A_431, %get3A_3 : vector<512x256xf32>
      %convert_element_type3A_433 = arith.truncf %sub3A_432 : vector<512x256xf32> to vector<512x256xbf16>
      %convert_element_type3A_434 = arith.truncf %slice3A_359 : vector<256x256xf32> to vector<256x256xbf16>
      %dot_general3A_435 = arith.constant dense<0.000000e+00> : vector<512x256xf32>
      %dot_general3A_436 = tpu.matmul %convert_element_type3A_433, %convert_element_type3A_434, %dot_general3A_435 {dimension_numbers = #tpu.dot_dimension_numbers<[1], [0], [0], [1], [0, 0, 1, 1], [], []>, transpose_lhs_hint = false} : vector<512x256xbf16>, vector<256x256xbf16>, vector<512x256xf32> -> vector<512x256xf32>
      %max3A_437 = arith.maximumf %max3A_421, %dot_general3A_436 : vector<512x256xf32>
      %slice3A_438 = vector.extract_strided_slice %sub3A_357 {offsets = [0, 5], sizes = [512, 1], strides = [1, 1]} : vector<512x16xi32> to vector<512x1xi32>
      %eq3A_439 = vector.broadcast %slice3A_438 : vector<512x1xi32> to vector<512x512xi32>
      %eq3A_440 = arith.cmpi eq, %iota3A_358, %eq3A_439 : vector<512x512xi32>
      %jit3A_441 = arith.constant 1.000000e+00 : f32
      %jit3A_442 = arith.constant 0.000000e+00 : f32
      %broadcast_in_dim3A_443 = vector.broadcast %jit3A_441 : f32 to vector<512x512xf32>
      %broadcast_in_dim3A_444 = vector.broadcast %jit3A_442 : f32 to vector<512x512xf32>
      %select_n3A_445 = arith.select %eq3A_440, %broadcast_in_dim3A_443, %broadcast_in_dim3A_444 : vector<512x512xi1>, vector<512x512xf32>
      %dot_general3A_446 = arith.constant dense<0.000000e+00> : vector<512x256xf32>
      %dot_general3A_447 = tpu.matmul %select_n3A_445, %get3A_3, %dot_general3A_446 {dimension_numbers = #tpu.dot_dimension_numbers<[1], [0], [0], [1], [0, 0, 1, 1], [], []>, precision = #tpu.contract_precision<fp32>, transpose_lhs_hint = false} : vector<512x512xf32>, vector<512x256xf32>, vector<512x256xf32> -> vector<512x256xf32>
      %sub3A_448 = arith.subf %dot_general3A_447, %get3A_3 : vector<512x256xf32>
      %convert_element_type3A_449 = arith.truncf %sub3A_448 : vector<512x256xf32> to vector<512x256xbf16>
      %convert_element_type3A_450 = arith.truncf %slice3A_359 : vector<256x256xf32> to vector<256x256xbf16>
      %dot_general3A_451 = arith.constant dense<0.000000e+00> : vector<512x256xf32>
      %dot_general3A_452 = tpu.matmul %convert_element_type3A_449, %convert_element_type3A_450, %dot_general3A_451 {dimension_numbers = #tpu.dot_dimension_numbers<[1], [0], [0], [1], [0, 0, 1, 1], [], []>, transpose_lhs_hint = false} : vector<512x256xbf16>, vector<256x256xbf16>, vector<512x256xf32> -> vector<512x256xf32>
      %max3A_453 = arith.maximumf %max3A_437, %dot_general3A_452 : vector<512x256xf32>
      %slice3A_454 = vector.extract_strided_slice %sub3A_357 {offsets = [0, 6], sizes = [512, 1], strides = [1, 1]} : vector<512x16xi32> to vector<512x1xi32>
      %eq3A_455 = vector.broadcast %slice3A_454 : vector<512x1xi32> to vector<512x512xi32>
      %eq3A_456 = arith.cmpi eq, %iota3A_358, %eq3A_455 : vector<512x512xi32>
      %jit3A_457 = arith.constant 1.000000e+00 : f32
      %jit3A_458 = arith.constant 0.000000e+00 : f32
      %broadcast_in_dim3A_459 = vector.broadcast %jit3A_457 : f32 to vector<512x512xf32>
      %broadcast_in_dim3A_460 = vector.broadcast %jit3A_458 : f32 to vector<512x512xf32>
      %select_n3A_461 = arith.select %eq3A_456, %broadcast_in_dim3A_459, %broadcast_in_dim3A_460 : vector<512x512xi1>, vector<512x512xf32>
      %dot_general3A_462 = arith.constant dense<0.000000e+00> : vector<512x256xf32>
      %dot_general3A_463 = tpu.matmul %select_n3A_461, %get3A_3, %dot_general3A_462 {dimension_numbers = #tpu.dot_dimension_numbers<[1], [0], [0], [1], [0, 0, 1, 1], [], []>, precision = #tpu.contract_precision<fp32>, transpose_lhs_hint = false} : vector<512x512xf32>, vector<512x256xf32>, vector<512x256xf32> -> vector<512x256xf32>
      %sub3A_464 = arith.subf %dot_general3A_463, %get3A_3 : vector<512x256xf32>
      %convert_element_type3A_465 = arith.truncf %sub3A_464 : vector<512x256xf32> to vector<512x256xbf16>
      %convert_element_type3A_466 = arith.truncf %slice3A_359 : vector<256x256xf32> to vector<256x256xbf16>
      %dot_general3A_467 = arith.constant dense<0.000000e+00> : vector<512x256xf32>
      %dot_general3A_468 = tpu.matmul %convert_element_type3A_465, %convert_element_type3A_466, %dot_general3A_467 {dimension_numbers = #tpu.dot_dimension_numbers<[1], [0], [0], [1], [0, 0, 1, 1], [], []>, transpose_lhs_hint = false} : vector<512x256xbf16>, vector<256x256xbf16>, vector<512x256xf32> -> vector<512x256xf32>
      %max3A_469 = arith.maximumf %max3A_453, %dot_general3A_468 : vector<512x256xf32>
      %slice3A_470 = vector.extract_strided_slice %sub3A_357 {offsets = [0, 7], sizes = [512, 1], strides = [1, 1]} : vector<512x16xi32> to vector<512x1xi32>
      %eq3A_471 = vector.broadcast %slice3A_470 : vector<512x1xi32> to vector<512x512xi32>
      %eq3A_472 = arith.cmpi eq, %iota3A_358, %eq3A_471 : vector<512x512xi32>
      %jit3A_473 = arith.constant 1.000000e+00 : f32
      %jit3A_474 = arith.constant 0.000000e+00 : f32
      %broadcast_in_dim3A_475 = vector.broadcast %jit3A_473 : f32 to vector<512x512xf32>
      %broadcast_in_dim3A_476 = vector.broadcast %jit3A_474 : f32 to vector<512x512xf32>
      %select_n3A_477 = arith.select %eq3A_472, %broadcast_in_dim3A_475, %broadcast_in_dim3A_476 : vector<512x512xi1>, vector<512x512xf32>
      %dot_general3A_478 = arith.constant dense<0.000000e+00> : vector<512x256xf32>
      %dot_general3A_479 = tpu.matmul %select_n3A_477, %get3A_3, %dot_general3A_478 {dimension_numbers = #tpu.dot_dimension_numbers<[1], [0], [0], [1], [0, 0, 1, 1], [], []>, precision = #tpu.contract_precision<fp32>, transpose_lhs_hint = false} : vector<512x512xf32>, vector<512x256xf32>, vector<512x256xf32> -> vector<512x256xf32>
      %sub3A_480 = arith.subf %dot_general3A_479, %get3A_3 : vector<512x256xf32>
      %convert_element_type3A_481 = arith.truncf %sub3A_480 : vector<512x256xf32> to vector<512x256xbf16>
      %convert_element_type3A_482 = arith.truncf %slice3A_359 : vector<256x256xf32> to vector<256x256xbf16>
      %dot_general3A_483 = arith.constant dense<0.000000e+00> : vector<512x256xf32>
      %dot_general3A_484 = tpu.matmul %convert_element_type3A_481, %convert_element_type3A_482, %dot_general3A_483 {dimension_numbers = #tpu.dot_dimension_numbers<[1], [0], [0], [1], [0, 0, 1, 1], [], []>, transpose_lhs_hint = false} : vector<512x256xbf16>, vector<256x256xbf16>, vector<512x256xf32> -> vector<512x256xf32>
      %max3A_485 = arith.maximumf %max3A_469, %dot_general3A_484 : vector<512x256xf32>
      %slice3A_486 = vector.extract_strided_slice %sub3A_357 {offsets = [0, 8], sizes = [512, 1], strides = [1, 1]} : vector<512x16xi32> to vector<512x1xi32>
      %eq3A_487 = vector.broadcast %slice3A_486 : vector<512x1xi32> to vector<512x512xi32>
      %eq3A_488 = arith.cmpi eq, %iota3A_358, %eq3A_487 : vector<512x512xi32>
      %jit3A_489 = arith.constant 1.000000e+00 : f32
      %jit3A_490 = arith.constant 0.000000e+00 : f32
      %broadcast_in_dim3A_491 = vector.broadcast %jit3A_489 : f32 to vector<512x512xf32>
      %broadcast_in_dim3A_492 = vector.broadcast %jit3A_490 : f32 to vector<512x512xf32>
      %select_n3A_493 = arith.select %eq3A_488, %broadcast_in_dim3A_491, %broadcast_in_dim3A_492 : vector<512x512xi1>, vector<512x512xf32>
      %dot_general3A_494 = arith.constant dense<0.000000e+00> : vector<512x256xf32>
      %dot_general3A_495 = tpu.matmul %select_n3A_493, %get3A_3, %dot_general3A_494 {dimension_numbers = #tpu.dot_dimension_numbers<[1], [0], [0], [1], [0, 0, 1, 1], [], []>, precision = #tpu.contract_precision<fp32>, transpose_lhs_hint = false} : vector<512x512xf32>, vector<512x256xf32>, vector<512x256xf32> -> vector<512x256xf32>
      %sub3A_496 = arith.subf %dot_general3A_495, %get3A_3 : vector<512x256xf32>
      %convert_element_type3A_497 = arith.truncf %sub3A_496 : vector<512x256xf32> to vector<512x256xbf16>
      %convert_element_type3A_498 = arith.truncf %slice3A_359 : vector<256x256xf32> to vector<256x256xbf16>
      %dot_general3A_499 = arith.constant dense<0.000000e+00> : vector<512x256xf32>
      %dot_general3A_500 = tpu.matmul %convert_element_type3A_497, %convert_element_type3A_498, %dot_general3A_499 {dimension_numbers = #tpu.dot_dimension_numbers<[1], [0], [0], [1], [0, 0, 1, 1], [], []>, transpose_lhs_hint = false} : vector<512x256xbf16>, vector<256x256xbf16>, vector<512x256xf32> -> vector<512x256xf32>
      %max3A_501 = arith.maximumf %max3A_485, %dot_general3A_500 : vector<512x256xf32>
      %slice3A_502 = vector.extract_strided_slice %sub3A_357 {offsets = [0, 9], sizes = [512, 1], strides = [1, 1]} : vector<512x16xi32> to vector<512x1xi32>
      %eq3A_503 = vector.broadcast %slice3A_502 : vector<512x1xi32> to vector<512x512xi32>
      %eq3A_504 = arith.cmpi eq, %iota3A_358, %eq3A_503 : vector<512x512xi32>
      %jit3A_505 = arith.constant 1.000000e+00 : f32
      %jit3A_506 = arith.constant 0.000000e+00 : f32
      %broadcast_in_dim3A_507 = vector.broadcast %jit3A_505 : f32 to vector<512x512xf32>
      %broadcast_in_dim3A_508 = vector.broadcast %jit3A_506 : f32 to vector<512x512xf32>
      %select_n3A_509 = arith.select %eq3A_504, %broadcast_in_dim3A_507, %broadcast_in_dim3A_508 : vector<512x512xi1>, vector<512x512xf32>
      %dot_general3A_510 = arith.constant dense<0.000000e+00> : vector<512x256xf32>
      %dot_general3A_511 = tpu.matmul %select_n3A_509, %get3A_3, %dot_general3A_510 {dimension_numbers = #tpu.dot_dimension_numbers<[1], [0], [0], [1], [0, 0, 1, 1], [], []>, precision = #tpu.contract_precision<fp32>, transpose_lhs_hint = false} : vector<512x512xf32>, vector<512x256xf32>, vector<512x256xf32> -> vector<512x256xf32>
      %sub3A_512 = arith.subf %dot_general3A_511, %get3A_3 : vector<512x256xf32>
      %convert_element_type3A_513 = arith.truncf %sub3A_512 : vector<512x256xf32> to vector<512x256xbf16>
      %convert_element_type3A_514 = arith.truncf %slice3A_359 : vector<256x256xf32> to vector<256x256xbf16>
      %dot_general3A_515 = arith.constant dense<0.000000e+00> : vector<512x256xf32>
      %dot_general3A_516 = tpu.matmul %convert_element_type3A_513, %convert_element_type3A_514, %dot_general3A_515 {dimension_numbers = #tpu.dot_dimension_numbers<[1], [0], [0], [1], [0, 0, 1, 1], [], []>, transpose_lhs_hint = false} : vector<512x256xbf16>, vector<256x256xbf16>, vector<512x256xf32> -> vector<512x256xf32>
      %max3A_517 = arith.maximumf %max3A_501, %dot_general3A_516 : vector<512x256xf32>
      %slice3A_518 = vector.extract_strided_slice %sub3A_357 {offsets = [0, 10], sizes = [512, 1], strides = [1, 1]} : vector<512x16xi32> to vector<512x1xi32>
      %eq3A_519 = vector.broadcast %slice3A_518 : vector<512x1xi32> to vector<512x512xi32>
      %eq3A_520 = arith.cmpi eq, %iota3A_358, %eq3A_519 : vector<512x512xi32>
      %jit3A_521 = arith.constant 1.000000e+00 : f32
      %jit3A_522 = arith.constant 0.000000e+00 : f32
      %broadcast_in_dim3A_523 = vector.broadcast %jit3A_521 : f32 to vector<512x512xf32>
      %broadcast_in_dim3A_524 = vector.broadcast %jit3A_522 : f32 to vector<512x512xf32>
      %select_n3A_525 = arith.select %eq3A_520, %broadcast_in_dim3A_523, %broadcast_in_dim3A_524 : vector<512x512xi1>, vector<512x512xf32>
      %dot_general3A_526 = arith.constant dense<0.000000e+00> : vector<512x256xf32>
      %dot_general3A_527 = tpu.matmul %select_n3A_525, %get3A_3, %dot_general3A_526 {dimension_numbers = #tpu.dot_dimension_numbers<[1], [0], [0], [1], [0, 0, 1, 1], [], []>, precision = #tpu.contract_precision<fp32>, transpose_lhs_hint = false} : vector<512x512xf32>, vector<512x256xf32>, vector<512x256xf32> -> vector<512x256xf32>
      %sub3A_528 = arith.subf %dot_general3A_527, %get3A_3 : vector<512x256xf32>
      %convert_element_type3A_529 = arith.truncf %sub3A_528 : vector<512x256xf32> to vector<512x256xbf16>
      %convert_element_type3A_530 = arith.truncf %slice3A_359 : vector<256x256xf32> to vector<256x256xbf16>
      %dot_general3A_531 = arith.constant dense<0.000000e+00> : vector<512x256xf32>
      %dot_general3A_532 = tpu.matmul %convert_element_type3A_529, %convert_element_type3A_530, %dot_general3A_531 {dimension_numbers = #tpu.dot_dimension_numbers<[1], [0], [0], [1], [0, 0, 1, 1], [], []>, transpose_lhs_hint = false} : vector<512x256xbf16>, vector<256x256xbf16>, vector<512x256xf32> -> vector<512x256xf32>
      %max3A_533 = arith.maximumf %max3A_517, %dot_general3A_532 : vector<512x256xf32>
      %slice3A_534 = vector.extract_strided_slice %sub3A_357 {offsets = [0, 11], sizes = [512, 1], strides = [1, 1]} : vector<512x16xi32> to vector<512x1xi32>
      %eq3A_535 = vector.broadcast %slice3A_534 : vector<512x1xi32> to vector<512x512xi32>
      %eq3A_536 = arith.cmpi eq, %iota3A_358, %eq3A_535 : vector<512x512xi32>
      %jit3A_537 = arith.constant 1.000000e+00 : f32
      %jit3A_538 = arith.constant 0.000000e+00 : f32
      %broadcast_in_dim3A_539 = vector.broadcast %jit3A_537 : f32 to vector<512x512xf32>
      %broadcast_in_dim3A_540 = vector.broadcast %jit3A_538 : f32 to vector<512x512xf32>
      %select_n3A_541 = arith.select %eq3A_536, %broadcast_in_dim3A_539, %broadcast_in_dim3A_540 : vector<512x512xi1>, vector<512x512xf32>
      %dot_general3A_542 = arith.constant dense<0.000000e+00> : vector<512x256xf32>
      %dot_general3A_543 = tpu.matmul %select_n3A_541, %get3A_3, %dot_general3A_542 {dimension_numbers = #tpu.dot_dimension_numbers<[1], [0], [0], [1], [0, 0, 1, 1], [], []>, precision = #tpu.contract_precision<fp32>, transpose_lhs_hint = false} : vector<512x512xf32>, vector<512x256xf32>, vector<512x256xf32> -> vector<512x256xf32>
      %sub3A_544 = arith.subf %dot_general3A_543, %get3A_3 : vector<512x256xf32>
      %convert_element_type3A_545 = arith.truncf %sub3A_544 : vector<512x256xf32> to vector<512x256xbf16>
      %convert_element_type3A_546 = arith.truncf %slice3A_359 : vector<256x256xf32> to vector<256x256xbf16>
      %dot_general3A_547 = arith.constant dense<0.000000e+00> : vector<512x256xf32>
      %dot_general3A_548 = tpu.matmul %convert_element_type3A_545, %convert_element_type3A_546, %dot_general3A_547 {dimension_numbers = #tpu.dot_dimension_numbers<[1], [0], [0], [1], [0, 0, 1, 1], [], []>, transpose_lhs_hint = false} : vector<512x256xbf16>, vector<256x256xbf16>, vector<512x256xf32> -> vector<512x256xf32>
      %max3A_549 = arith.maximumf %max3A_533, %dot_general3A_548 : vector<512x256xf32>
      %slice3A_550 = vector.extract_strided_slice %sub3A_357 {offsets = [0, 12], sizes = [512, 1], strides = [1, 1]} : vector<512x16xi32> to vector<512x1xi32>
      %eq3A_551 = vector.broadcast %slice3A_550 : vector<512x1xi32> to vector<512x512xi32>
      %eq3A_552 = arith.cmpi eq, %iota3A_358, %eq3A_551 : vector<512x512xi32>
      %jit3A_553 = arith.constant 1.000000e+00 : f32
      %jit3A_554 = arith.constant 0.000000e+00 : f32
      %broadcast_in_dim3A_555 = vector.broadcast %jit3A_553 : f32 to vector<512x512xf32>
      %broadcast_in_dim3A_556 = vector.broadcast %jit3A_554 : f32 to vector<512x512xf32>
      %select_n3A_557 = arith.select %eq3A_552, %broadcast_in_dim3A_555, %broadcast_in_dim3A_556 : vector<512x512xi1>, vector<512x512xf32>
      %dot_general3A_558 = arith.constant dense<0.000000e+00> : vector<512x256xf32>
      %dot_general3A_559 = tpu.matmul %select_n3A_557, %get3A_3, %dot_general3A_558 {dimension_numbers = #tpu.dot_dimension_numbers<[1], [0], [0], [1], [0, 0, 1, 1], [], []>, precision = #tpu.contract_precision<fp32>, transpose_lhs_hint = false} : vector<512x512xf32>, vector<512x256xf32>, vector<512x256xf32> -> vector<512x256xf32>
      %sub3A_560 = arith.subf %dot_general3A_559, %get3A_3 : vector<512x256xf32>
      %convert_element_type3A_561 = arith.truncf %sub3A_560 : vector<512x256xf32> to vector<512x256xbf16>
      %convert_element_type3A_562 = arith.truncf %slice3A_359 : vector<256x256xf32> to vector<256x256xbf16>
      %dot_general3A_563 = arith.constant dense<0.000000e+00> : vector<512x256xf32>
      %dot_general3A_564 = tpu.matmul %convert_element_type3A_561, %convert_element_type3A_562, %dot_general3A_563 {dimension_numbers = #tpu.dot_dimension_numbers<[1], [0], [0], [1], [0, 0, 1, 1], [], []>, transpose_lhs_hint = false} : vector<512x256xbf16>, vector<256x256xbf16>, vector<512x256xf32> -> vector<512x256xf32>
      %max3A_565 = arith.maximumf %max3A_549, %dot_general3A_564 : vector<512x256xf32>
      %slice3A_566 = vector.extract_strided_slice %sub3A_357 {offsets = [0, 13], sizes = [512, 1], strides = [1, 1]} : vector<512x16xi32> to vector<512x1xi32>
      %eq3A_567 = vector.broadcast %slice3A_566 : vector<512x1xi32> to vector<512x512xi32>
      %eq3A_568 = arith.cmpi eq, %iota3A_358, %eq3A_567 : vector<512x512xi32>
      %jit3A_569 = arith.constant 1.000000e+00 : f32
      %jit3A_570 = arith.constant 0.000000e+00 : f32
      %broadcast_in_dim3A_571 = vector.broadcast %jit3A_569 : f32 to vector<512x512xf32>
      %broadcast_in_dim3A_572 = vector.broadcast %jit3A_570 : f32 to vector<512x512xf32>
      %select_n3A_573 = arith.select %eq3A_568, %broadcast_in_dim3A_571, %broadcast_in_dim3A_572 : vector<512x512xi1>, vector<512x512xf32>
      %dot_general3A_574 = arith.constant dense<0.000000e+00> : vector<512x256xf32>
      %dot_general3A_575 = tpu.matmul %select_n3A_573, %get3A_3, %dot_general3A_574 {dimension_numbers = #tpu.dot_dimension_numbers<[1], [0], [0], [1], [0, 0, 1, 1], [], []>, precision = #tpu.contract_precision<fp32>, transpose_lhs_hint = false} : vector<512x512xf32>, vector<512x256xf32>, vector<512x256xf32> -> vector<512x256xf32>
      %sub3A_576 = arith.subf %dot_general3A_575, %get3A_3 : vector<512x256xf32>
      %convert_element_type3A_577 = arith.truncf %sub3A_576 : vector<512x256xf32> to vector<512x256xbf16>
      %convert_element_type3A_578 = arith.truncf %slice3A_359 : vector<256x256xf32> to vector<256x256xbf16>
      %dot_general3A_579 = arith.constant dense<0.000000e+00> : vector<512x256xf32>
      %dot_general3A_580 = tpu.matmul %convert_element_type3A_577, %convert_element_type3A_578, %dot_general3A_579 {dimension_numbers = #tpu.dot_dimension_numbers<[1], [0], [0], [1], [0, 0, 1, 1], [], []>, transpose_lhs_hint = false} : vector<512x256xbf16>, vector<256x256xbf16>, vector<512x256xf32> -> vector<512x256xf32>
      %max3A_581 = arith.maximumf %max3A_565, %dot_general3A_580 : vector<512x256xf32>
      %slice3A_582 = vector.extract_strided_slice %sub3A_357 {offsets = [0, 14], sizes = [512, 1], strides = [1, 1]} : vector<512x16xi32> to vector<512x1xi32>
      %eq3A_583 = vector.broadcast %slice3A_582 : vector<512x1xi32> to vector<512x512xi32>
      %eq3A_584 = arith.cmpi eq, %iota3A_358, %eq3A_583 : vector<512x512xi32>
      %jit3A_585 = arith.constant 1.000000e+00 : f32
      %jit3A_586 = arith.constant 0.000000e+00 : f32
      %broadcast_in_dim3A_587 = vector.broadcast %jit3A_585 : f32 to vector<512x512xf32>
      %broadcast_in_dim3A_588 = vector.broadcast %jit3A_586 : f32 to vector<512x512xf32>
      %select_n3A_589 = arith.select %eq3A_584, %broadcast_in_dim3A_587, %broadcast_in_dim3A_588 : vector<512x512xi1>, vector<512x512xf32>
      %dot_general3A_590 = arith.constant dense<0.000000e+00> : vector<512x256xf32>
      %dot_general3A_591 = tpu.matmul %select_n3A_589, %get3A_3, %dot_general3A_590 {dimension_numbers = #tpu.dot_dimension_numbers<[1], [0], [0], [1], [0, 0, 1, 1], [], []>, precision = #tpu.contract_precision<fp32>, transpose_lhs_hint = false} : vector<512x512xf32>, vector<512x256xf32>, vector<512x256xf32> -> vector<512x256xf32>
      %sub3A_592 = arith.subf %dot_general3A_591, %get3A_3 : vector<512x256xf32>
      %convert_element_type3A_593 = arith.truncf %sub3A_592 : vector<512x256xf32> to vector<512x256xbf16>
      %convert_element_type3A_594 = arith.truncf %slice3A_359 : vector<256x256xf32> to vector<256x256xbf16>
      %dot_general3A_595 = arith.constant dense<0.000000e+00> : vector<512x256xf32>
      %dot_general3A_596 = tpu.matmul %convert_element_type3A_593, %convert_element_type3A_594, %dot_general3A_595 {dimension_numbers = #tpu.dot_dimension_numbers<[1], [0], [0], [1], [0, 0, 1, 1], [], []>, transpose_lhs_hint = false} : vector<512x256xbf16>, vector<256x256xbf16>, vector<512x256xf32> -> vector<512x256xf32>
      %max3A_597 = arith.maximumf %max3A_581, %dot_general3A_596 : vector<512x256xf32>
      %slice3A_598 = vector.extract_strided_slice %sub3A_357 {offsets = [0, 15], sizes = [512, 1], strides = [1, 1]} : vector<512x16xi32> to vector<512x1xi32>
      %eq3A_599 = vector.broadcast %slice3A_598 : vector<512x1xi32> to vector<512x512xi32>
      %eq3A_600 = arith.cmpi eq, %iota3A_358, %eq3A_599 : vector<512x512xi32>
      %jit3A_601 = arith.constant 1.000000e+00 : f32
      %jit3A_602 = arith.constant 0.000000e+00 : f32
      %broadcast_in_dim3A_603 = vector.broadcast %jit3A_601 : f32 to vector<512x512xf32>
      %broadcast_in_dim3A_604 = vector.broadcast %jit3A_602 : f32 to vector<512x512xf32>
      %select_n3A_605 = arith.select %eq3A_600, %broadcast_in_dim3A_603, %broadcast_in_dim3A_604 : vector<512x512xi1>, vector<512x512xf32>
      %dot_general3A_606 = arith.constant dense<0.000000e+00> : vector<512x256xf32>
      %dot_general3A_607 = tpu.matmul %select_n3A_605, %get3A_3, %dot_general3A_606 {dimension_numbers = #tpu.dot_dimension_numbers<[1], [0], [0], [1], [0, 0, 1, 1], [], []>, precision = #tpu.contract_precision<fp32>, transpose_lhs_hint = false} : vector<512x512xf32>, vector<512x256xf32>, vector<512x256xf32> -> vector<512x256xf32>
      %sub3A_608 = arith.subf %dot_general3A_607, %get3A_3 : vector<512x256xf32>
      %convert_element_type3A_609 = arith.truncf %sub3A_608 : vector<512x256xf32> to vector<512x256xbf16>
      %convert_element_type3A_610 = arith.truncf %slice3A_359 : vector<256x256xf32> to vector<256x256xbf16>
      %dot_general3A_611 = arith.constant dense<0.000000e+00> : vector<512x256xf32>
      %dot_general3A_612 = tpu.matmul %convert_element_type3A_609, %convert_element_type3A_610, %dot_general3A_611 {dimension_numbers = #tpu.dot_dimension_numbers<[1], [0], [0], [1], [0, 0, 1, 1], [], []>, transpose_lhs_hint = false} : vector<512x256xbf16>, vector<256x256xbf16>, vector<512x256xf32> -> vector<512x256xf32>
      %max3A_613 = arith.maximumf %max3A_597, %dot_general3A_612 : vector<512x256xf32>
      %swap3A_614 = arith.constant 0 : index
      %swap3A_615 = arith.constant 0 : index
      %swap3A_616 = vector.load %arg11[%swap3A_614, %swap3A_615] : memref<512x256xf32, #tpu.memory_space<vmem>>, vector<512x256xf32>
      tpu.vector_store %arg11[%swap3A_614, %swap3A_615], %max3A_613 {strides = array<i32>} : memref<512x256xf32, #tpu.memory_space<vmem>>, vector<512x256xf32>,
    } else {
    }
    %get3A_21 = arith.constant 0 : index
    %get3A_22 = arith.constant 0 : index
    %get3A_23 = vector.load %arg11[%get3A_21, %get3A_22] : memref<512x256xf32, #tpu.memory_space<vmem>>, vector<512x256xf32>
    %add3A = arith.addf %get3A_8, %get3A_23 : vector<512x256xf32>
    %add3A_24 = vector.broadcast %get3A_14 : vector<1x256xf32> to vector<512x256xf32>
    %add3A_25 = arith.addf %add3A, %add3A_24 : vector<512x256xf32>
    %swap3A = arith.constant 0 : index
    %swap3A_26 = arith.constant 0 : index
    %swap3A_27 = arith.constant 0 : index
    %swap3A_28 = vector.load %arg8[%swap3A, %swap3A_26, %swap3A_27] : memref<1x512x256xf32, #tpu.memory_space<vmem>>, vector<1x512x256xf32>
    %swap3A_29 = vector.shape_cast %swap3A_28 : vector<1x512x256xf32> to vector<512x256xf32>
    %swap3A_30 = vector.shape_cast %add3A_25 : vector<512x256xf32> to vector<1x512x256xf32>
    tpu.vector_store %arg8[%swap3A, %swap3A_26, %swap3A_27], %swap3A_30 {strides = array<i32>} : memref<1x512x256xf32, #tpu.memory_space<vmem>>, vector<1x512x256xf32>,
    %get3A_31 = arith.constant 0 : index
    %get3A_32 = arith.constant 0 : index
    %get3A_33 = vector.load %arg7[%get3A_31, %get3A_32] : memref<512x256xf32, #tpu.memory_space<vmem>>, vector<512x256xf32>
    %slice3A = vector.extract_strided_slice %get3A_33 {offsets = [0, 0], sizes = [256, 256], strides = [1, 1]} : vector<512x256xf32> to vector<256x256xf32>
    %convert_element_type3A_34 = arith.truncf %add3A_25 : vector<512x256xf32> to vector<512x256xbf16>
    %convert_element_type3A_35 = arith.truncf %slice3A : vector<256x256xf32> to vector<256x256xbf16>
    %dot_general3A = arith.constant dense<0.000000e+00> : vector<512x256xf32>
    %dot_general3A_36 = tpu.matmul %convert_element_type3A_34, %convert_element_type3A_35, %dot_general3A {dimension_numbers = #tpu.dot_dimension_numbers<[1], [0], [0], [1], [0, 0, 1, 1], [], []>, transpose_lhs_hint = false} : vector<512x256xbf16>, vector<256x256xbf16>, vector<512x256xf32> -> vector<512x256xf32>
    %swap3A_37 = arith.constant 0 : index
    %swap3A_38 = arith.constant 0 : index
    %swap3A_39 = arith.constant 0 : index
    %swap3A_40 = vector.load %arg9[%swap3A_37, %swap3A_38, %swap3A_39] : memref<1x512x256xf32, #tpu.memory_space<vmem>>, vector<1x512x256xf32>
    %swap3A_41 = vector.shape_cast %swap3A_40 : vector<1x512x256xf32> to vector<512x256xf32>
    %swap3A_42 = vector.shape_cast %dot_general3A_36 : vector<512x256xf32> to vector<1x512x256xf32>
    tpu.vector_store %arg9[%swap3A_37, %swap3A_38, %swap3A_39], %swap3A_42 {strides = array<i32>} : memref<1x512x256xf32, #tpu.memory_space<vmem>>, vector<1x512x256xf32>,
    %convert_element_type3A_43 = arith.truncf %add3A_25 : vector<512x256xf32> to vector<512x256xbf16>
    %dot_general3A_44 = arith.constant dense<0.000000e+00> : vector<512x512xf32>
    %dot_general3A_45 = tpu.matmul %convert_element_type3A_43, %convert_element_type3A_43, %dot_general3A_44 {dimension_numbers = #tpu.dot_dimension_numbers<[1], [1], [0], [0], [0, 0, 1, 0], [], []>, transpose_lhs_hint = false} : vector<512x256xbf16>, vector<512x256xbf16>, vector<512x512xf32> -> vector<512x512xf32>
    %iota3A = tpu.iota {dimensions = array<i32: 1>} : vector<512x512xi32>
    %iota3A_46 = tpu.iota {dimensions = array<i32: 0>} : vector<512x512xi32>
    %mul3A = arith.mulf %add3A_25, %add3A_25 : vector<512x256xf32>
    %reduce_sum3A = arith.constant dense<0.000000e+00> : vector<512xf32>
    %reduce_sum3A_47 = vector.multi_reduction <add>, %mul3A, %reduce_sum3A [1] : vector<512x256xf32> to vector<512xf32>
    %broadcast_in_dim3A = vector.shape_cast %reduce_sum3A_47 : vector<512xf32> to vector<512x1xf32>
    %eq3A = arith.cmpi eq, %iota3A_46, %iota3A : vector<512x512xi32>
    %jit3A = arith.constant 0.000000e+00 : f32
    %broadcast_in_dim3A_48 = vector.shape_cast %broadcast_in_dim3A : vector<512x1xf32> to vector<512x1xf32>
    %broadcast_in_dim3A_49 = vector.broadcast %broadcast_in_dim3A_48 : vector<512x1xf32> to vector<512x512xf32>
    %broadcast_in_dim3A_50 = vector.broadcast %jit3A : f32 to vector<512x512xf32>
    %select_n3A = arith.select %eq3A, %broadcast_in_dim3A_49, %broadcast_in_dim3A_50 : vector<512x512xi1>, vector<512x512xf32>
    %reduce_sum3A_51 = arith.constant dense<0.000000e+00> : vector<512xf32>
    %reduce_sum3A_52 = vector.multi_reduction <add>, %select_n3A, %reduce_sum3A_51 [0] : vector<512x512xf32> to vector<512xf32>
    %broadcast_in_dim3A_53 = vector.shape_cast %reduce_sum3A_52 : vector<512xf32> to vector<1x512xf32>
    %add3A_54 = vector.broadcast %broadcast_in_dim3A : vector<512x1xf32> to vector<512x512xf32>
    %add3A_55 = vector.broadcast %broadcast_in_dim3A_53 : vector<1x512xf32> to vector<512x512xf32>
    %add3A_56 = arith.addf %add3A_54, %add3A_55 : vector<512x512xf32>
    %mul3A_57 = arith.constant 2.000000e+00 : f32
    %mul3A_58 = vector.broadcast %mul3A_57 : f32 to vector<512x512xf32>
    %mul3A_59 = arith.mulf %mul3A_58, %dot_general3A_45 : vector<512x512xf32>
    %sub3A = arith.subf %add3A_56, %mul3A_59 : vector<512x512xf32>
    %mul3A_60 = arith.constant 512 : i32
    %mul3A_61 = arith.muli %arg0, %mul3A_60 : i32
    %reduce_min3A = arith.constant dense<0x7F800000> : vector<512xf32>
    %reduce_min3A_62 = vector.multi_reduction <minimumf>, %sub3A, %reduce_min3A [1] : vector<512x512xf32> to vector<512xf32>
    %broadcast_in_dim3A_63 = vector.shape_cast %reduce_min3A_62 : vector<512xf32> to vector<512x1xf32>
    %le3A = vector.broadcast %broadcast_in_dim3A_63 : vector<512x1xf32> to vector<512x512xf32>
    %le3A_64 = arith.cmpf ole, %sub3A, %le3A : vector<512x512xf32>
    %jit3A_65 = arith.constant 512 : i32
    %broadcast_in_dim3A_66 = vector.broadcast %jit3A_65 : i32 to vector<512x512xi32>
    %select_n3A_67 = arith.select %le3A_64, %iota3A, %broadcast_in_dim3A_66 : vector<512x512xi1>, vector<512x512xi32>
    %reduce_min3A_68 = arith.constant dense<2147483647> : vector<512xi32>
    %reduce_min3A_69 = vector.multi_reduction <minsi>, %select_n3A_67, %reduce_min3A_68 [1] : vector<512x512xi32> to vector<512xi32>
    %broadcast_in_dim3A_70 = vector.shape_cast %reduce_min3A_69 : vector<512xi32> to vector<512x1xi32>
    %eq3A_71 = vector.broadcast %broadcast_in_dim3A_70 : vector<512x1xi32> to vector<512x512xi32>
    %eq3A_72 = arith.cmpi eq, %iota3A, %eq3A_71 : vector<512x512xi32>
    %add3A_73 = vector.broadcast %mul3A_61 : i32 to vector<512x1xi32>
    %add3A_74 = arith.addi %broadcast_in_dim3A_70, %add3A_73 : vector<512x1xi32>
    %jit3A_75 = arith.constant 0x7F800000 : f32
    %broadcast_in_dim3A_76 = vector.broadcast %jit3A_75 : f32 to vector<512x512xf32>
    %select_n3A_77 = arith.select %eq3A_72, %broadcast_in_dim3A_76, %sub3A : vector<512x512xi1>, vector<512x512xf32>
    %reduce_min3A_78 = arith.constant dense<0x7F800000> : vector<512xf32>
    %reduce_min3A_79 = vector.multi_reduction <minimumf>, %select_n3A_77, %reduce_min3A_78 [1] : vector<512x512xf32> to vector<512xf32>
    %broadcast_in_dim3A_80 = vector.shape_cast %reduce_min3A_79 : vector<512xf32> to vector<512x1xf32>
    %le3A_81 = vector.broadcast %broadcast_in_dim3A_80 : vector<512x1xf32> to vector<512x512xf32>
    %le3A_82 = arith.cmpf ole, %select_n3A_77, %le3A_81 : vector<512x512xf32>
    %jit3A_83 = arith.constant 512 : i32
    %broadcast_in_dim3A_84 = vector.broadcast %jit3A_83 : i32 to vector<512x512xi32>
    %select_n3A_85 = arith.select %le3A_82, %iota3A, %broadcast_in_dim3A_84 : vector<512x512xi1>, vector<512x512xi32>
    %reduce_min3A_86 = arith.constant dense<2147483647> : vector<512xi32>
    %reduce_min3A_87 = vector.multi_reduction <minsi>, %select_n3A_85, %reduce_min3A_86 [1] : vector<512x512xi32> to vector<512xi32>
    %broadcast_in_dim3A_88 = vector.shape_cast %reduce_min3A_87 : vector<512xi32> to vector<512x1xi32>
    %eq3A_89 = vector.broadcast %broadcast_in_dim3A_88 : vector<512x1xi32> to vector<512x512xi32>
    %eq3A_90 = arith.cmpi eq, %iota3A, %eq3A_89 : vector<512x512xi32>
    %add3A_91 = vector.broadcast %mul3A_61 : i32 to vector<512x1xi32>
    %add3A_92 = arith.addi %broadcast_in_dim3A_88, %add3A_91 : vector<512x1xi32>
    %jit3A_93 = arith.constant 0x7F800000 : f32
    %broadcast_in_dim3A_94 = vector.broadcast %jit3A_93 : f32 to vector<512x512xf32>
    %select_n3A_95 = arith.select %eq3A_90, %broadcast_in_dim3A_94, %select_n3A_77 : vector<512x512xi1>, vector<512x512xf32>
    %reduce_min3A_96 = arith.constant dense<0x7F800000> : vector<512xf32>
    %reduce_min3A_97 = vector.multi_reduction <minimumf>, %select_n3A_95, %reduce_min3A_96 [1] : vector<512x512xf32> to vector<512xf32>
    %broadcast_in_dim3A_98 = vector.shape_cast %reduce_min3A_97 : vector<512xf32> to vector<512x1xf32>
    %le3A_99 = vector.broadcast %broadcast_in_dim3A_98 : vector<512x1xf32> to vector<512x512xf32>
    %le3A_100 = arith.cmpf ole, %select_n3A_95, %le3A_99 : vector<512x512xf32>
    %jit3A_101 = arith.constant 512 : i32
    %broadcast_in_dim3A_102 = vector.broadcast %jit3A_101 : i32 to vector<512x512xi32>
    %select_n3A_103 = arith.select %le3A_100, %iota3A, %broadcast_in_dim3A_102 : vector<512x512xi1>, vector<512x512xi32>
    %reduce_min3A_104 = arith.constant dense<2147483647> : vector<512xi32>
    %reduce_min3A_105 = vector.multi_reduction <minsi>, %select_n3A_103, %reduce_min3A_104 [1] : vector<512x512xi32> to vector<512xi32>
    %broadcast_in_dim3A_106 = vector.shape_cast %reduce_min3A_105 : vector<512xi32> to vector<512x1xi32>
    %eq3A_107 = vector.broadcast %broadcast_in_dim3A_106 : vector<512x1xi32> to vector<512x512xi32>
    %eq3A_108 = arith.cmpi eq, %iota3A, %eq3A_107 : vector<512x512xi32>
    %add3A_109 = vector.broadcast %mul3A_61 : i32 to vector<512x1xi32>
    %add3A_110 = arith.addi %broadcast_in_dim3A_106, %add3A_109 : vector<512x1xi32>
    %jit3A_111 = arith.constant 0x7F800000 : f32
    %broadcast_in_dim3A_112 = vector.broadcast %jit3A_111 : f32 to vector<512x512xf32>
    %select_n3A_113 = arith.select %eq3A_108, %broadcast_in_dim3A_112, %select_n3A_95 : vector<512x512xi1>, vector<512x512xf32>
    %reduce_min3A_114 = arith.constant dense<0x7F800000> : vector<512xf32>
    %reduce_min3A_115 = vector.multi_reduction <minimumf>, %select_n3A_113, %reduce_min3A_114 [1] : vector<512x512xf32> to vector<512xf32>
    %broadcast_in_dim3A_116 = vector.shape_cast %reduce_min3A_115 : vector<512xf32> to vector<512x1xf32>
    %le3A_117 = vector.broadcast %broadcast_in_dim3A_116 : vector<512x1xf32> to vector<512x512xf32>
    %le3A_118 = arith.cmpf ole, %select_n3A_113, %le3A_117 : vector<512x512xf32>
    %jit3A_119 = arith.constant 512 : i32
    %broadcast_in_dim3A_120 = vector.broadcast %jit3A_119 : i32 to vector<512x512xi32>
    %select_n3A_121 = arith.select %le3A_118, %iota3A, %broadcast_in_dim3A_120 : vector<512x512xi1>, vector<512x512xi32>
    %reduce_min3A_122 = arith.constant dense<2147483647> : vector<512xi32>
    %reduce_min3A_123 = vector.multi_reduction <minsi>, %select_n3A_121, %reduce_min3A_122 [1] : vector<512x512xi32> to vector<512xi32>
    %broadcast_in_dim3A_124 = vector.shape_cast %reduce_min3A_123 : vector<512xi32> to vector<512x1xi32>
    %eq3A_125 = vector.broadcast %broadcast_in_dim3A_124 : vector<512x1xi32> to vector<512x512xi32>
    %eq3A_126 = arith.cmpi eq, %iota3A, %eq3A_125 : vector<512x512xi32>
    %add3A_127 = vector.broadcast %mul3A_61 : i32 to vector<512x1xi32>
    %add3A_128 = arith.addi %broadcast_in_dim3A_124, %add3A_127 : vector<512x1xi32>
    %jit3A_129 = arith.constant 0x7F800000 : f32
    %broadcast_in_dim3A_130 = vector.broadcast %jit3A_129 : f32 to vector<512x512xf32>
    %select_n3A_131 = arith.select %eq3A_126, %broadcast_in_dim3A_130, %select_n3A_113 : vector<512x512xi1>, vector<512x512xf32>
    %reduce_min3A_132 = arith.constant dense<0x7F800000> : vector<512xf32>
    %reduce_min3A_133 = vector.multi_reduction <minimumf>, %select_n3A_131, %reduce_min3A_132 [1] : vector<512x512xf32> to vector<512xf32>
    %broadcast_in_dim3A_134 = vector.shape_cast %reduce_min3A_133 : vector<512xf32> to vector<512x1xf32>
    %le3A_135 = vector.broadcast %broadcast_in_dim3A_134 : vector<512x1xf32> to vector<512x512xf32>
    %le3A_136 = arith.cmpf ole, %select_n3A_131, %le3A_135 : vector<512x512xf32>
    %jit3A_137 = arith.constant 512 : i32
    %broadcast_in_dim3A_138 = vector.broadcast %jit3A_137 : i32 to vector<512x512xi32>
    %select_n3A_139 = arith.select %le3A_136, %iota3A, %broadcast_in_dim3A_138 : vector<512x512xi1>, vector<512x512xi32>
    %reduce_min3A_140 = arith.constant dense<2147483647> : vector<512xi32>
    %reduce_min3A_141 = vector.multi_reduction <minsi>, %select_n3A_139, %reduce_min3A_140 [1] : vector<512x512xi32> to vector<512xi32>
    %broadcast_in_dim3A_142 = vector.shape_cast %reduce_min3A_141 : vector<512xi32> to vector<512x1xi32>
    %eq3A_143 = vector.broadcast %broadcast_in_dim3A_142 : vector<512x1xi32> to vector<512x512xi32>
    %eq3A_144 = arith.cmpi eq, %iota3A, %eq3A_143 : vector<512x512xi32>
    %add3A_145 = vector.broadcast %mul3A_61 : i32 to vector<512x1xi32>
    %add3A_146 = arith.addi %broadcast_in_dim3A_142, %add3A_145 : vector<512x1xi32>
    %jit3A_147 = arith.constant 0x7F800000 : f32
    %broadcast_in_dim3A_148 = vector.broadcast %jit3A_147 : f32 to vector<512x512xf32>
    %select_n3A_149 = arith.select %eq3A_144, %broadcast_in_dim3A_148, %select_n3A_131 : vector<512x512xi1>, vector<512x512xf32>
    %reduce_min3A_150 = arith.constant dense<0x7F800000> : vector<512xf32>
    %reduce_min3A_151 = vector.multi_reduction <minimumf>, %select_n3A_149, %reduce_min3A_150 [1] : vector<512x512xf32> to vector<512xf32>
    %broadcast_in_dim3A_152 = vector.shape_cast %reduce_min3A_151 : vector<512xf32> to vector<512x1xf32>
    %le3A_153 = vector.broadcast %broadcast_in_dim3A_152 : vector<512x1xf32> to vector<512x512xf32>
    %le3A_154 = arith.cmpf ole, %select_n3A_149, %le3A_153 : vector<512x512xf32>
    %jit3A_155 = arith.constant 512 : i32
    %broadcast_in_dim3A_156 = vector.broadcast %jit3A_155 : i32 to vector<512x512xi32>
    %select_n3A_157 = arith.select %le3A_154, %iota3A, %broadcast_in_dim3A_156 : vector<512x512xi1>, vector<512x512xi32>
    %reduce_min3A_158 = arith.constant dense<2147483647> : vector<512xi32>
    %reduce_min3A_159 = vector.multi_reduction <minsi>, %select_n3A_157, %reduce_min3A_158 [1] : vector<512x512xi32> to vector<512xi32>
    %broadcast_in_dim3A_160 = vector.shape_cast %reduce_min3A_159 : vector<512xi32> to vector<512x1xi32>
    %eq3A_161 = vector.broadcast %broadcast_in_dim3A_160 : vector<512x1xi32> to vector<512x512xi32>
    %eq3A_162 = arith.cmpi eq, %iota3A, %eq3A_161 : vector<512x512xi32>
    %add3A_163 = vector.broadcast %mul3A_61 : i32 to vector<512x1xi32>
    %add3A_164 = arith.addi %broadcast_in_dim3A_160, %add3A_163 : vector<512x1xi32>
    %jit3A_165 = arith.constant 0x7F800000 : f32
    %broadcast_in_dim3A_166 = vector.broadcast %jit3A_165 : f32 to vector<512x512xf32>
    %select_n3A_167 = arith.select %eq3A_162, %broadcast_in_dim3A_166, %select_n3A_149 : vector<512x512xi1>, vector<512x512xf32>
    %reduce_min3A_168 = arith.constant dense<0x7F800000> : vector<512xf32>
    %reduce_min3A_169 = vector.multi_reduction <minimumf>, %select_n3A_167, %reduce_min3A_168 [1] : vector<512x512xf32> to vector<512xf32>
    %broadcast_in_dim3A_170 = vector.shape_cast %reduce_min3A_169 : vector<512xf32> to vector<512x1xf32>
    %le3A_171 = vector.broadcast %broadcast_in_dim3A_170 : vector<512x1xf32> to vector<512x512xf32>
    %le3A_172 = arith.cmpf ole, %select_n3A_167, %le3A_171 : vector<512x512xf32>
    %jit3A_173 = arith.constant 512 : i32
    %broadcast_in_dim3A_174 = vector.broadcast %jit3A_173 : i32 to vector<512x512xi32>
    %select_n3A_175 = arith.select %le3A_172, %iota3A, %broadcast_in_dim3A_174 : vector<512x512xi1>, vector<512x512xi32>
    %reduce_min3A_176 = arith.constant dense<2147483647> : vector<512xi32>
    %reduce_min3A_177 = vector.multi_reduction <minsi>, %select_n3A_175, %reduce_min3A_176 [1] : vector<512x512xi32> to vector<512xi32>
    %broadcast_in_dim3A_178 = vector.shape_cast %reduce_min3A_177 : vector<512xi32> to vector<512x1xi32>
    %eq3A_179 = vector.broadcast %broadcast_in_dim3A_178 : vector<512x1xi32> to vector<512x512xi32>
    %eq3A_180 = arith.cmpi eq, %iota3A, %eq3A_179 : vector<512x512xi32>
    %add3A_181 = vector.broadcast %mul3A_61 : i32 to vector<512x1xi32>
    %add3A_182 = arith.addi %broadcast_in_dim3A_178, %add3A_181 : vector<512x1xi32>
    %jit3A_183 = arith.constant 0x7F800000 : f32
    %broadcast_in_dim3A_184 = vector.broadcast %jit3A_183 : f32 to vector<512x512xf32>
    %select_n3A_185 = arith.select %eq3A_180, %broadcast_in_dim3A_184, %select_n3A_167 : vector<512x512xi1>, vector<512x512xf32>
    %reduce_min3A_186 = arith.constant dense<0x7F800000> : vector<512xf32>
    %reduce_min3A_187 = vector.multi_reduction <minimumf>, %select_n3A_185, %reduce_min3A_186 [1] : vector<512x512xf32> to vector<512xf32>
    %broadcast_in_dim3A_188 = vector.shape_cast %reduce_min3A_187 : vector<512xf32> to vector<512x1xf32>
    %le3A_189 = vector.broadcast %broadcast_in_dim3A_188 : vector<512x1xf32> to vector<512x512xf32>
    %le3A_190 = arith.cmpf ole, %select_n3A_185, %le3A_189 : vector<512x512xf32>
    %jit3A_191 = arith.constant 512 : i32
    %broadcast_in_dim3A_192 = vector.broadcast %jit3A_191 : i32 to vector<512x512xi32>
    %select_n3A_193 = arith.select %le3A_190, %iota3A, %broadcast_in_dim3A_192 : vector<512x512xi1>, vector<512x512xi32>
    %reduce_min3A_194 = arith.constant dense<2147483647> : vector<512xi32>
    %reduce_min3A_195 = vector.multi_reduction <minsi>, %select_n3A_193, %reduce_min3A_194 [1] : vector<512x512xi32> to vector<512xi32>
    %broadcast_in_dim3A_196 = vector.shape_cast %reduce_min3A_195 : vector<512xi32> to vector<512x1xi32>
    %eq3A_197 = vector.broadcast %broadcast_in_dim3A_196 : vector<512x1xi32> to vector<512x512xi32>
    %eq3A_198 = arith.cmpi eq, %iota3A, %eq3A_197 : vector<512x512xi32>
    %add3A_199 = vector.broadcast %mul3A_61 : i32 to vector<512x1xi32>
    %add3A_200 = arith.addi %broadcast_in_dim3A_196, %add3A_199 : vector<512x1xi32>
    %jit3A_201 = arith.constant 0x7F800000 : f32
    %broadcast_in_dim3A_202 = vector.broadcast %jit3A_201 : f32 to vector<512x512xf32>
    %select_n3A_203 = arith.select %eq3A_198, %broadcast_in_dim3A_202, %select_n3A_185 : vector<512x512xi1>, vector<512x512xf32>
    %reduce_min3A_204 = arith.constant dense<0x7F800000> : vector<512xf32>
    %reduce_min3A_205 = vector.multi_reduction <minimumf>, %select_n3A_203, %reduce_min3A_204 [1] : vector<512x512xf32> to vector<512xf32>
    %broadcast_in_dim3A_206 = vector.shape_cast %reduce_min3A_205 : vector<512xf32> to vector<512x1xf32>
    %le3A_207 = vector.broadcast %broadcast_in_dim3A_206 : vector<512x1xf32> to vector<512x512xf32>
    %le3A_208 = arith.cmpf ole, %select_n3A_203, %le3A_207 : vector<512x512xf32>
    %jit3A_209 = arith.constant 512 : i32
    %broadcast_in_dim3A_210 = vector.broadcast %jit3A_209 : i32 to vector<512x512xi32>
    %select_n3A_211 = arith.select %le3A_208, %iota3A, %broadcast_in_dim3A_210 : vector<512x512xi1>, vector<512x512xi32>
    %reduce_min3A_212 = arith.constant dense<2147483647> : vector<512xi32>
    %reduce_min3A_213 = vector.multi_reduction <minsi>, %select_n3A_211, %reduce_min3A_212 [1] : vector<512x512xi32> to vector<512xi32>
    %broadcast_in_dim3A_214 = vector.shape_cast %reduce_min3A_213 : vector<512xi32> to vector<512x1xi32>
    %eq3A_215 = vector.broadcast %broadcast_in_dim3A_214 : vector<512x1xi32> to vector<512x512xi32>
    %eq3A_216 = arith.cmpi eq, %iota3A, %eq3A_215 : vector<512x512xi32>
    %add3A_217 = vector.broadcast %mul3A_61 : i32 to vector<512x1xi32>
    %add3A_218 = arith.addi %broadcast_in_dim3A_214, %add3A_217 : vector<512x1xi32>
    %jit3A_219 = arith.constant 0x7F800000 : f32
    %broadcast_in_dim3A_220 = vector.broadcast %jit3A_219 : f32 to vector<512x512xf32>
    %select_n3A_221 = arith.select %eq3A_216, %broadcast_in_dim3A_220, %select_n3A_203 : vector<512x512xi1>, vector<512x512xf32>
    %reduce_min3A_222 = arith.constant dense<0x7F800000> : vector<512xf32>
    %reduce_min3A_223 = vector.multi_reduction <minimumf>, %select_n3A_221, %reduce_min3A_222 [1] : vector<512x512xf32> to vector<512xf32>
    %broadcast_in_dim3A_224 = vector.shape_cast %reduce_min3A_223 : vector<512xf32> to vector<512x1xf32>
    %le3A_225 = vector.broadcast %broadcast_in_dim3A_224 : vector<512x1xf32> to vector<512x512xf32>
    %le3A_226 = arith.cmpf ole, %select_n3A_221, %le3A_225 : vector<512x512xf32>
    %jit3A_227 = arith.constant 512 : i32
    %broadcast_in_dim3A_228 = vector.broadcast %jit3A_227 : i32 to vector<512x512xi32>
    %select_n3A_229 = arith.select %le3A_226, %iota3A, %broadcast_in_dim3A_228 : vector<512x512xi1>, vector<512x512xi32>
    %reduce_min3A_230 = arith.constant dense<2147483647> : vector<512xi32>
    %reduce_min3A_231 = vector.multi_reduction <minsi>, %select_n3A_229, %reduce_min3A_230 [1] : vector<512x512xi32> to vector<512xi32>
    %broadcast_in_dim3A_232 = vector.shape_cast %reduce_min3A_231 : vector<512xi32> to vector<512x1xi32>
    %eq3A_233 = vector.broadcast %broadcast_in_dim3A_232 : vector<512x1xi32> to vector<512x512xi32>
    %eq3A_234 = arith.cmpi eq, %iota3A, %eq3A_233 : vector<512x512xi32>
    %add3A_235 = vector.broadcast %mul3A_61 : i32 to vector<512x1xi32>
    %add3A_236 = arith.addi %broadcast_in_dim3A_232, %add3A_235 : vector<512x1xi32>
    %jit3A_237 = arith.constant 0x7F800000 : f32
    %broadcast_in_dim3A_238 = vector.broadcast %jit3A_237 : f32 to vector<512x512xf32>
    %select_n3A_239 = arith.select %eq3A_234, %broadcast_in_dim3A_238, %select_n3A_221 : vector<512x512xi1>, vector<512x512xf32>
    %reduce_min3A_240 = arith.constant dense<0x7F800000> : vector<512xf32>
    %reduce_min3A_241 = vector.multi_reduction <minimumf>, %select_n3A_239, %reduce_min3A_240 [1] : vector<512x512xf32> to vector<512xf32>
    %broadcast_in_dim3A_242 = vector.shape_cast %reduce_min3A_241 : vector<512xf32> to vector<512x1xf32>
    %le3A_243 = vector.broadcast %broadcast_in_dim3A_242 : vector<512x1xf32> to vector<512x512xf32>
    %le3A_244 = arith.cmpf ole, %select_n3A_239, %le3A_243 : vector<512x512xf32>
    %jit3A_245 = arith.constant 512 : i32
    %broadcast_in_dim3A_246 = vector.broadcast %jit3A_245 : i32 to vector<512x512xi32>
    %select_n3A_247 = arith.select %le3A_244, %iota3A, %broadcast_in_dim3A_246 : vector<512x512xi1>, vector<512x512xi32>
    %reduce_min3A_248 = arith.constant dense<2147483647> : vector<512xi32>
    %reduce_min3A_249 = vector.multi_reduction <minsi>, %select_n3A_247, %reduce_min3A_248 [1] : vector<512x512xi32> to vector<512xi32>
    %broadcast_in_dim3A_250 = vector.shape_cast %reduce_min3A_249 : vector<512xi32> to vector<512x1xi32>
    %eq3A_251 = vector.broadcast %broadcast_in_dim3A_250 : vector<512x1xi32> to vector<512x512xi32>
    %eq3A_252 = arith.cmpi eq, %iota3A, %eq3A_251 : vector<512x512xi32>
    %add3A_253 = vector.broadcast %mul3A_61 : i32 to vector<512x1xi32>
    %add3A_254 = arith.addi %broadcast_in_dim3A_250, %add3A_253 : vector<512x1xi32>
    %jit3A_255 = arith.constant 0x7F800000 : f32
    %broadcast_in_dim3A_256 = vector.broadcast %jit3A_255 : f32 to vector<512x512xf32>
    %select_n3A_257 = arith.select %eq3A_252, %broadcast_in_dim3A_256, %select_n3A_239 : vector<512x512xi1>, vector<512x512xf32>
    %reduce_min3A_258 = arith.constant dense<0x7F800000> : vector<512xf32>
    %reduce_min3A_259 = vector.multi_reduction <minimumf>, %select_n3A_257, %reduce_min3A_258 [1] : vector<512x512xf32> to vector<512xf32>
    %broadcast_in_dim3A_260 = vector.shape_cast %reduce_min3A_259 : vector<512xf32> to vector<512x1xf32>
    %le3A_261 = vector.broadcast %broadcast_in_dim3A_260 : vector<512x1xf32> to vector<512x512xf32>
    %le3A_262 = arith.cmpf ole, %select_n3A_257, %le3A_261 : vector<512x512xf32>
    %jit3A_263 = arith.constant 512 : i32
    %broadcast_in_dim3A_264 = vector.broadcast %jit3A_263 : i32 to vector<512x512xi32>
    %select_n3A_265 = arith.select %le3A_262, %iota3A, %broadcast_in_dim3A_264 : vector<512x512xi1>, vector<512x512xi32>
    %reduce_min3A_266 = arith.constant dense<2147483647> : vector<512xi32>
    %reduce_min3A_267 = vector.multi_reduction <minsi>, %select_n3A_265, %reduce_min3A_266 [1] : vector<512x512xi32> to vector<512xi32>
    %broadcast_in_dim3A_268 = vector.shape_cast %reduce_min3A_267 : vector<512xi32> to vector<512x1xi32>
    %eq3A_269 = vector.broadcast %broadcast_in_dim3A_268 : vector<512x1xi32> to vector<512x512xi32>
    %eq3A_270 = arith.cmpi eq, %iota3A, %eq3A_269 : vector<512x512xi32>
    %add3A_271 = vector.broadcast %mul3A_61 : i32 to vector<512x1xi32>
    %add3A_272 = arith.addi %broadcast_in_dim3A_268, %add3A_271 : vector<512x1xi32>
    %jit3A_273 = arith.constant 0x7F800000 : f32
    %broadcast_in_dim3A_274 = vector.broadcast %jit3A_273 : f32 to vector<512x512xf32>
    %select_n3A_275 = arith.select %eq3A_270, %broadcast_in_dim3A_274, %select_n3A_257 : vector<512x512xi1>, vector<512x512xf32>
    %reduce_min3A_276 = arith.constant dense<0x7F800000> : vector<512xf32>
    %reduce_min3A_277 = vector.multi_reduction <minimumf>, %select_n3A_275, %reduce_min3A_276 [1] : vector<512x512xf32> to vector<512xf32>
    %broadcast_in_dim3A_278 = vector.shape_cast %reduce_min3A_277 : vector<512xf32> to vector<512x1xf32>
    %le3A_279 = vector.broadcast %broadcast_in_dim3A_278 : vector<512x1xf32> to vector<512x512xf32>
    %le3A_280 = arith.cmpf ole, %select_n3A_275, %le3A_279 : vector<512x512xf32>
    %jit3A_281 = arith.constant 512 : i32
    %broadcast_in_dim3A_282 = vector.broadcast %jit3A_281 : i32 to vector<512x512xi32>
    %select_n3A_283 = arith.select %le3A_280, %iota3A, %broadcast_in_dim3A_282 : vector<512x512xi1>, vector<512x512xi32>
    %reduce_min3A_284 = arith.constant dense<2147483647> : vector<512xi32>
    %reduce_min3A_285 = vector.multi_reduction <minsi>, %select_n3A_283, %reduce_min3A_284 [1] : vector<512x512xi32> to vector<512xi32>
    %broadcast_in_dim3A_286 = vector.shape_cast %reduce_min3A_285 : vector<512xi32> to vector<512x1xi32>
    %eq3A_287 = vector.broadcast %broadcast_in_dim3A_286 : vector<512x1xi32> to vector<512x512xi32>
    %eq3A_288 = arith.cmpi eq, %iota3A, %eq3A_287 : vector<512x512xi32>
    %add3A_289 = vector.broadcast %mul3A_61 : i32 to vector<512x1xi32>
    %add3A_290 = arith.addi %broadcast_in_dim3A_286, %add3A_289 : vector<512x1xi32>
    %jit3A_291 = arith.constant 0x7F800000 : f32
    %broadcast_in_dim3A_292 = vector.broadcast %jit3A_291 : f32 to vector<512x512xf32>
    %select_n3A_293 = arith.select %eq3A_288, %broadcast_in_dim3A_292, %select_n3A_275 : vector<512x512xi1>, vector<512x512xf32>
    %reduce_min3A_294 = arith.constant dense<0x7F800000> : vector<512xf32>
    %reduce_min3A_295 = vector.multi_reduction <minimumf>, %select_n3A_293, %reduce_min3A_294 [1] : vector<512x512xf32> to vector<512xf32>
    %broadcast_in_dim3A_296 = vector.shape_cast %reduce_min3A_295 : vector<512xf32> to vector<512x1xf32>
    %le3A_297 = vector.broadcast %broadcast_in_dim3A_296 : vector<512x1xf32> to vector<512x512xf32>
    %le3A_298 = arith.cmpf ole, %select_n3A_293, %le3A_297 : vector<512x512xf32>
    %jit3A_299 = arith.constant 512 : i32
    %broadcast_in_dim3A_300 = vector.broadcast %jit3A_299 : i32 to vector<512x512xi32>
    %select_n3A_301 = arith.select %le3A_298, %iota3A, %broadcast_in_dim3A_300 : vector<512x512xi1>, vector<512x512xi32>
    %reduce_min3A_302 = arith.constant dense<2147483647> : vector<512xi32>
    %reduce_min3A_303 = vector.multi_reduction <minsi>, %select_n3A_301, %reduce_min3A_302 [1] : vector<512x512xi32> to vector<512xi32>
    %broadcast_in_dim3A_304 = vector.shape_cast %reduce_min3A_303 : vector<512xi32> to vector<512x1xi32>
    %eq3A_305 = vector.broadcast %broadcast_in_dim3A_304 : vector<512x1xi32> to vector<512x512xi32>
    %eq3A_306 = arith.cmpi eq, %iota3A, %eq3A_305 : vector<512x512xi32>
    %add3A_307 = vector.broadcast %mul3A_61 : i32 to vector<512x1xi32>
    %add3A_308 = arith.addi %broadcast_in_dim3A_304, %add3A_307 : vector<512x1xi32>
    %jit3A_309 = arith.constant 0x7F800000 : f32
    %broadcast_in_dim3A_310 = vector.broadcast %jit3A_309 : f32 to vector<512x512xf32>
    %select_n3A_311 = arith.select %eq3A_306, %broadcast_in_dim3A_310, %select_n3A_293 : vector<512x512xi1>, vector<512x512xf32>
    %reduce_min3A_312 = arith.constant dense<0x7F800000> : vector<512xf32>
    %reduce_min3A_313 = vector.multi_reduction <minimumf>, %select_n3A_311, %reduce_min3A_312 [1] : vector<512x512xf32> to vector<512xf32>
    %broadcast_in_dim3A_314 = vector.shape_cast %reduce_min3A_313 : vector<512xf32> to vector<512x1xf32>
    %le3A_315 = vector.broadcast %broadcast_in_dim3A_314 : vector<512x1xf32> to vector<512x512xf32>
    %le3A_316 = arith.cmpf ole, %select_n3A_311, %le3A_315 : vector<512x512xf32>
    %jit3A_317 = arith.constant 512 : i32
    %broadcast_in_dim3A_318 = vector.broadcast %jit3A_317 : i32 to vector<512x512xi32>
    %select_n3A_319 = arith.select %le3A_316, %iota3A, %broadcast_in_dim3A_318 : vector<512x512xi1>, vector<512x512xi32>
    %reduce_min3A_320 = arith.constant dense<2147483647> : vector<512xi32>
    %reduce_min3A_321 = vector.multi_reduction <minsi>, %select_n3A_319, %reduce_min3A_320 [1] : vector<512x512xi32> to vector<512xi32>
    %broadcast_in_dim3A_322 = vector.shape_cast %reduce_min3A_321 : vector<512xi32> to vector<512x1xi32>
    %eq3A_323 = vector.broadcast %broadcast_in_dim3A_322 : vector<512x1xi32> to vector<512x512xi32>
    %eq3A_324 = arith.cmpi eq, %iota3A, %eq3A_323 : vector<512x512xi32>
    %add3A_325 = vector.broadcast %mul3A_61 : i32 to vector<512x1xi32>
    %add3A_326 = arith.addi %broadcast_in_dim3A_322, %add3A_325 : vector<512x1xi32>
    %jit3A_327 = arith.constant 0x7F800000 : f32
    %broadcast_in_dim3A_328 = vector.broadcast %jit3A_327 : f32 to vector<512x512xf32>
    %select_n3A_329 = arith.select %eq3A_324, %broadcast_in_dim3A_328, %select_n3A_311 : vector<512x512xi1>, vector<512x512xf32>
    %reduce_min3A_330 = arith.constant dense<0x7F800000> : vector<512xf32>
    %reduce_min3A_331 = vector.multi_reduction <minimumf>, %select_n3A_329, %reduce_min3A_330 [1] : vector<512x512xf32> to vector<512xf32>
    %broadcast_in_dim3A_332 = vector.shape_cast %reduce_min3A_331 : vector<512xf32> to vector<512x1xf32>
    %le3A_333 = vector.broadcast %broadcast_in_dim3A_332 : vector<512x1xf32> to vector<512x512xf32>
    %le3A_334 = arith.cmpf ole, %select_n3A_329, %le3A_333 : vector<512x512xf32>
    %jit3A_335 = arith.constant 512 : i32
    %broadcast_in_dim3A_336 = vector.broadcast %jit3A_335 : i32 to vector<512x512xi32>
    %select_n3A_337 = arith.select %le3A_334, %iota3A, %broadcast_in_dim3A_336 : vector<512x512xi1>, vector<512x512xi32>
    %reduce_min3A_338 = arith.constant dense<2147483647> : vector<512xi32>
    %reduce_min3A_339 = vector.multi_reduction <minsi>, %select_n3A_337, %reduce_min3A_338 [1] : vector<512x512xi32> to vector<512xi32>
    %broadcast_in_dim3A_340 = vector.shape_cast %reduce_min3A_339 : vector<512xi32> to vector<512x1xi32>
    %add3A_341 = vector.broadcast %mul3A_61 : i32 to vector<512x1xi32>
    %add3A_342 = arith.addi %broadcast_in_dim3A_340, %add3A_341 : vector<512x1xi32>
    %concatenate3A = tpu.concatenate %add3A_74, %add3A_92, %add3A_110, %add3A_128, %add3A_146, %add3A_164, %add3A_182, %add3A_200, %add3A_218, %add3A_236, %add3A_254, %add3A_272, %add3A_290, %add3A_308, %add3A_326, %add3A_342 in 1 : vector<512x1xi32>, vector<512x1xi32>, vector<512x1xi32>, vector<512x1xi32>, vector<512x1xi32>, vector<512x1xi32>, vector<512x1xi32>, vector<512x1xi32>, vector<512x1xi32>, vector<512x1xi32>, vector<512x1xi32>, vector<512x1xi32>, vector<512x1xi32>, vector<512x1xi32>, vector<512x1xi32>, vector<512x1xi32> -> vector<512x16xi32>
    %swap3A_343 = arith.constant 0 : index
    %swap3A_344 = arith.constant 0 : index
    %swap3A_345 = arith.constant 0 : index
    %swap3A_346 = vector.load %arg10[%swap3A_343, %swap3A_344, %swap3A_345] : memref<1x512x16xi32, #tpu.memory_space<vmem>>, vector<1x512x16xi32>
    %swap3A_347 = vector.shape_cast %swap3A_346 : vector<1x512x16xi32> to vector<512x16xi32>
    %swap3A_348 = vector.shape_cast %concatenate3A : vector<512x16xi32> to vector<1x512x16xi32>
    tpu.vector_store %arg10[%swap3A_343, %swap3A_344, %swap3A_345], %swap3A_348 {strides = array<i32>} : memref<1x512x16xi32, #tpu.memory_space<vmem>>, vector<1x512x16xi32>,
    return
  }
  func.func @transform_0(%arg0: i32) -> (i32, i32, i32) {
    %c0_i32 = arith.constant 0 : i32
    %c0_i32_0 = arith.constant 0 : i32
    %c0_i32_1 = arith.constant 0 : i32
    return %arg0, %c0_i32, %c0_i32_0 : i32, i32, i32
  }
  func.func @transform_1(%arg0: i32) -> (i32, i32, i32) {
    %min3A = arith.constant 1 : i32
    %min3A_0 = arith.minsi %arg0, %min3A : i32
    %c0_i32 = arith.constant 0 : i32
    %c0_i32_1 = arith.constant 0 : i32
    %c0_i32_2 = arith.constant 0 : i32
    return %min3A_0, %c0_i32, %c0_i32_1 : i32, i32, i32
  }
  func.func @transform_2(%arg0: i32) -> (i32, i32, i32) {
    %c0_i32 = arith.constant 0 : i32
    %c0_i32_0 = arith.constant 0 : i32
    %c0_i32_1 = arith.constant 0 : i32
    return %arg0, %c0_i32, %c0_i32_0 : i32, i32, i32
  }
  func.func @transform_3(%arg0: i32) -> (i32, i32, i32) {
    %c0_i32 = arith.constant 0 : i32
    %c0_i32_0 = arith.constant 0 : i32
    %c0_i32_1 = arith.constant 0 : i32
    return %arg0, %c0_i32, %c0_i32_0 : i32, i32, i32
  }
  func.func @transform_4(%arg0: i32) -> (i32, i32) {
    %c0_i32 = arith.constant 0 : i32
    %c0_i32_0 = arith.constant 0 : i32
    %c0_i32_1 = arith.constant 0 : i32
    return %c0_i32, %c0_i32_0 : i32, i32
  }
  func.func @transform_5(%arg0: i32) -> (i32, i32) {
    %c0_i32 = arith.constant 0 : i32
    %c0_i32_0 = arith.constant 0 : i32
    %c0_i32_1 = arith.constant 0 : i32
    return %c0_i32, %c0_i32_0 : i32, i32
  }
  func.func @transform_6(%arg0: i32) -> (i32, i32) {
    %c0_i32 = arith.constant 0 : i32
    %c0_i32_0 = arith.constant 0 : i32
    %c0_i32_1 = arith.constant 0 : i32
    return %c0_i32, %c0_i32_0 : i32, i32
  }
  func.func @transform_7(%arg0: i32) -> (i32, i32, i32) {
    %c0_i32 = arith.constant 0 : i32
    %c0_i32_0 = arith.constant 0 : i32
    %c0_i32_1 = arith.constant 0 : i32
    return %arg0, %c0_i32, %c0_i32_0 : i32, i32, i32
  }
  func.func @transform_8(%arg0: i32) -> (i32, i32, i32) {
    %c0_i32 = arith.constant 0 : i32
    %c0_i32_0 = arith.constant 0 : i32
    %c0_i32_1 = arith.constant 0 : i32
    return %arg0, %c0_i32, %c0_i32_0 : i32, i32, i32
  }
  func.func @transform_9(%arg0: i32) -> (i32, i32, i32) {
    %c0_i32 = arith.constant 0 : i32
    %c0_i32_0 = arith.constant 0 : i32
    %c0_i32_1 = arith.constant 0 : i32
    return %arg0, %c0_i32, %c0_i32_0 : i32, i32, i32
  }
}

module attributes {stable_mosaic.version = 14 : i64} {
  func.func @_stage_e_body(%arg0: i32, %arg1: memref<1x512x256xf32, #tpu.memory_space<vmem>>, %arg2: memref<1x8192x256xf32, #tpu.memory_space<vmem>>, %arg3: memref<1x512x256xf32, #tpu.memory_space<vmem>>, %arg4: memref<1x512x16xi32, #tpu.memory_space<vmem>>, %arg5: memref<1x1x128xf32, #tpu.memory_space<vmem>>, %arg6: memref<512x256xf32, #tpu.memory_space<vmem>>, %arg7: memref<1x256xf32, #tpu.memory_space<vmem>>, %arg8: memref<640x256xf32, #tpu.memory_space<vmem>>, %arg9: memref<1x256xf32, #tpu.memory_space<vmem>>, %arg10: memref<256x128xf32, #tpu.memory_space<vmem>>, %arg11: memref<1x128xf32, #tpu.memory_space<vmem>>, %arg12: memref<128x64xf32, #tpu.memory_space<vmem>>, %arg13: memref<1x64xf32, #tpu.memory_space<vmem>>, %arg14: memref<64x32xf32, #tpu.memory_space<vmem>>, %arg15: memref<1x32xf32, #tpu.memory_space<vmem>>, %arg16: memref<32x1xf32, #tpu.memory_space<vmem>>, %arg17: memref<1x1xf32, #tpu.memory_space<vmem>>, %arg18: memref<128x16xf32, #tpu.memory_space<vmem>>, %arg19: memref<1x16xf32, #tpu.memory_space<vmem>>, %arg20: memref<16x1001xf32, #tpu.memory_space<vmem>>, %arg21: memref<1x1001xf32, #tpu.memory_space<vmem>>, %arg22: memref<256x128xf32, #tpu.memory_space<vmem>>, %arg23: memref<1x128xf32, #tpu.memory_space<vmem>>, %arg24: memref<128x16xf32, #tpu.memory_space<vmem>>, %arg25: memref<1x16xf32, #tpu.memory_space<vmem>>, %arg26: memref<16x1001xf32, #tpu.memory_space<vmem>>, %arg27: memref<1x1001xf32, #tpu.memory_space<vmem>>, %arg28: memref<256x128xf32, #tpu.memory_space<vmem>>, %arg29: memref<1x128xf32, #tpu.memory_space<vmem>>, %arg30: memref<128x64xf32, #tpu.memory_space<vmem>>, %arg31: memref<1x64xf32, #tpu.memory_space<vmem>>, %arg32: memref<64x2xf32, #tpu.memory_space<vmem>>, %arg33: memref<1x2xf32, #tpu.memory_space<vmem>>, %arg34: memref<1x512x256xf32, #tpu.memory_space<vmem>>, %arg35: memref<1x512x1xf32, #tpu.memory_space<vmem>>, %arg36: memref<1x1x1001xf32, #tpu.memory_space<vmem>>, %arg37: memref<1x512x1001xf32, #tpu.memory_space<vmem>>, %arg38: memref<1x512x2xf32, #tpu.memory_space<vmem>>, %arg39: memref<512x256xf32, #tpu.memory_space<vmem>>) attributes {dimension_semantics = [#tpu.dimension_semantics<arbitrary>], iteration_bounds = array<i64: 4>, scalar_prefetch = 0 : i64, scratch_operands = 1 : i64, tpu.core_type = #tpu.core_type<tc>, window_params = [{transform_indices = @transform_0, window_bounds = array<i64: 1, 512, 256>}, {transform_indices = @transform_1, window_bounds = array<i64: 1, 8192, 256>}, {transform_indices = @transform_2, window_bounds = array<i64: 1, 512, 256>}, {transform_indices = @transform_3, window_bounds = array<i64: 1, 512, 16>}, {transform_indices = @transform_4, window_bounds = array<i64: 1, 1, 128>}, {pipeline_mode = #tpu.pipeline_mode<synchronous>, transform_indices = @transform_5, window_bounds = array<i64: 512, 256>}, {pipeline_mode = #tpu.pipeline_mode<synchronous>, transform_indices = @transform_6, window_bounds = array<i64: 1, 256>}, {pipeline_mode = #tpu.pipeline_mode<synchronous>, transform_indices = @transform_7, window_bounds = array<i64: 640, 256>}, {pipeline_mode = #tpu.pipeline_mode<synchronous>, transform_indices = @transform_8, window_bounds = array<i64: 1, 256>}, {pipeline_mode = #tpu.pipeline_mode<synchronous>, transform_indices = @transform_9, window_bounds = array<i64: 256, 128>}, {pipeline_mode = #tpu.pipeline_mode<synchronous>, transform_indices = @transform_10, window_bounds = array<i64: 1, 128>}, {pipeline_mode = #tpu.pipeline_mode<synchronous>, transform_indices = @transform_11, window_bounds = array<i64: 128, 64>}, {pipeline_mode = #tpu.pipeline_mode<synchronous>, transform_indices = @transform_12, window_bounds = array<i64: 1, 64>}, {pipeline_mode = #tpu.pipeline_mode<synchronous>, transform_indices = @transform_13, window_bounds = array<i64: 64, 32>}, {pipeline_mode = #tpu.pipeline_mode<synchronous>, transform_indices = @transform_14, window_bounds = array<i64: 1, 32>}, {pipeline_mode = #tpu.pipeline_mode<synchronous>, transform_indices = @transform_15, window_bounds = array<i64: 32, 1>}, {pipeline_mode = #tpu.pipeline_mode<synchronous>, transform_indices = @transform_16, window_bounds = array<i64: 1, 1>}, {pipeline_mode = #tpu.pipeline_mode<synchronous>, transform_indices = @transform_17, window_bounds = array<i64: 128, 16>}, {pipeline_mode = #tpu.pipeline_mode<synchronous>, transform_indices = @transform_18, window_bounds = array<i64: 1, 16>}, {pipeline_mode = #tpu.pipeline_mode<synchronous>, transform_indices = @transform_19, window_bounds = array<i64: 16, 1001>}, {pipeline_mode = #tpu.pipeline_mode<synchronous>, transform_indices = @transform_20, window_bounds = array<i64: 1, 1001>}, {pipeline_mode = #tpu.pipeline_mode<synchronous>, transform_indices = @transform_21, window_bounds = array<i64: 256, 128>}, {pipeline_mode = #tpu.pipeline_mode<synchronous>, transform_indices = @transform_22, window_bounds = array<i64: 1, 128>}, {pipeline_mode = #tpu.pipeline_mode<synchronous>, transform_indices = @transform_23, window_bounds = array<i64: 128, 16>}, {pipeline_mode = #tpu.pipeline_mode<synchronous>, transform_indices = @transform_24, window_bounds = array<i64: 1, 16>}, {pipeline_mode = #tpu.pipeline_mode<synchronous>, transform_indices = @transform_25, window_bounds = array<i64: 16, 1001>}, {pipeline_mode = #tpu.pipeline_mode<synchronous>, transform_indices = @transform_26, window_bounds = array<i64: 1, 1001>}, {pipeline_mode = #tpu.pipeline_mode<synchronous>, transform_indices = @transform_27, window_bounds = array<i64: 256, 128>}, {pipeline_mode = #tpu.pipeline_mode<synchronous>, transform_indices = @transform_28, window_bounds = array<i64: 1, 128>}, {pipeline_mode = #tpu.pipeline_mode<synchronous>, transform_indices = @transform_29, window_bounds = array<i64: 128, 64>}, {pipeline_mode = #tpu.pipeline_mode<synchronous>, transform_indices = @transform_30, window_bounds = array<i64: 1, 64>}, {pipeline_mode = #tpu.pipeline_mode<synchronous>, transform_indices = @transform_31, window_bounds = array<i64: 64, 2>}, {pipeline_mode = #tpu.pipeline_mode<synchronous>, transform_indices = @transform_32, window_bounds = array<i64: 1, 2>}, {transform_indices = @transform_33, window_bounds = array<i64: 1, 512, 256>}, {transform_indices = @transform_34, window_bounds = array<i64: 1, 512, 1>}, {transform_indices = @transform_35, window_bounds = array<i64: 1, 1, 1001>}, {transform_indices = @transform_36, window_bounds = array<i64: 1, 512, 1001>}, {transform_indices = @transform_37, window_bounds = array<i64: 1, 512, 2>}]} {
    %get3A = arith.constant 0 : index
    %get3A_0 = arith.constant 0 : index
    %get3A_1 = arith.constant 0 : index
    %get3A_2 = vector.load %arg5[%get3A, %get3A_0, %get3A_1] : memref<1x1x128xf32, #tpu.memory_space<vmem>>, vector<1x1x128xf32>
    %get3A_3 = vector.shape_cast %get3A_2 : vector<1x1x128xf32> to vector<1x128xf32>
    %broadcast_in_dim3A = vector.shape_cast %get3A_3 : vector<1x128xf32> to vector<1x128xf32>
    %broadcast_in_dim3A_4 = vector.broadcast %broadcast_in_dim3A : vector<1x128xf32> to vector<512x128xf32>
    %get3A_5 = arith.constant 0 : index
    %get3A_6 = arith.constant 0 : index
    %get3A_7 = arith.constant 0 : index
    %get3A_8 = vector.load %arg1[%get3A_5, %get3A_6, %get3A_7] : memref<1x512x256xf32, #tpu.memory_space<vmem>>, vector<1x512x256xf32>
    %get3A_9 = vector.shape_cast %get3A_8 : vector<1x512x256xf32> to vector<512x256xf32>
    %get3A_10 = arith.constant 0 : index
    %get3A_11 = arith.constant 0 : index
    %get3A_12 = arith.constant 0 : index
    %get3A_13 = vector.load %arg3[%get3A_10, %get3A_11, %get3A_12] : memref<1x512x256xf32, #tpu.memory_space<vmem>>, vector<1x512x256xf32>
    %get3A_14 = vector.shape_cast %get3A_13 : vector<1x512x256xf32> to vector<512x256xf32>
    %get3A_15 = arith.constant 0 : index
    %get3A_16 = arith.constant 0 : index
    %get3A_17 = vector.load %arg6[%get3A_15, %get3A_16] : memref<512x256xf32, #tpu.memory_space<vmem>>, vector<512x256xf32>
    %get3A_18 = arith.constant 0 : index
    %get3A_19 = arith.constant 0 : index
    %get3A_20 = vector.load %arg7[%get3A_18, %get3A_19] : memref<1x256xf32, #tpu.memory_space<vmem>>, vector<1x256xf32>
    %lt3A = arith.constant 2 : i32
    %lt3A_21 = arith.cmpi slt, %arg0, %lt3A : i32
    %convert_element_type3A = arith.extui %lt3A_21 : i1 to i32
    %cond3A = arith.constant 0 : i32
    %cond3A_22 = arith.cmpi ne, %convert_element_type3A, %cond3A : i32
    scf.if %cond3A_22 {
      %get3A_242 = arith.constant 0 : index
      %get3A_243 = arith.constant 0 : index
      %get3A_244 = arith.constant 0 : index
      %get3A_245 = vector.load %arg2[%get3A_242, %get3A_243, %get3A_244] : memref<1x8192x256xf32, #tpu.memory_space<vmem>>, vector<1x8192x256xf32>
      %get3A_246 = vector.shape_cast %get3A_245 : vector<1x8192x256xf32> to vector<8192x256xf32>
      %reshape3A = vector.shape_cast %get3A_246 : vector<8192x256xf32> to vector<512x16x256xf32>
      %broadcast_in_dim3A_247 = vector.shape_cast %get3A_9 : vector<512x256xf32> to vector<512x1x256xf32>
      %sub3A = vector.broadcast %broadcast_in_dim3A_247 : vector<512x1x256xf32> to vector<512x16x256xf32>
      %sub3A_248 = arith.subf %reshape3A, %sub3A : vector<512x16x256xf32>
      %reshape3A_249 = vector.shape_cast %sub3A_248 : vector<512x16x256xf32> to vector<8192x256xf32>
      %slice3A = vector.extract_strided_slice %get3A_17 {offsets = [256, 0], sizes = [256, 256], strides = [1, 1]} : vector<512x256xf32> to vector<256x256xf32>
      %convert_element_type3A_250 = arith.truncf %reshape3A_249 : vector<8192x256xf32> to vector<8192x256xbf16>
      %convert_element_type3A_251 = arith.truncf %slice3A : vector<256x256xf32> to vector<256x256xbf16>
      %dot_general3A_252 = arith.constant dense<0.000000e+00> : vector<8192x256xf32>
      %dot_general3A_253 = tpu.matmul %convert_element_type3A_250, %convert_element_type3A_251, %dot_general3A_252 {dimension_numbers = #tpu.dot_dimension_numbers<[1], [0], [0], [1], [0, 0, 1, 1], [], []>, transpose_lhs_hint = false} : vector<8192x256xbf16>, vector<256x256xbf16>, vector<8192x256xf32> -> vector<8192x256xf32>
      %reshape3A_254 = vector.shape_cast %dot_general3A_253 : vector<8192x256xf32> to vector<512x16x256xf32>
      %reduce_max3A = arith.constant dense<0xFF800000> : vector<512x256xf32>
      %reduce_max3A_255 = vector.multi_reduction <maximumf>, %reshape3A_254, %reduce_max3A [1] : vector<512x16x256xf32> to vector<512x256xf32>
      %swap3A_256 = arith.constant 0 : index
      %swap3A_257 = arith.constant 0 : index
      %swap3A_258 = vector.load %arg39[%swap3A_256, %swap3A_257] : memref<512x256xf32, #tpu.memory_space<vmem>>, vector<512x256xf32>
      tpu.vector_store %arg39[%swap3A_256, %swap3A_257], %reduce_max3A_255 {strides = array<i32>} : memref<512x256xf32, #tpu.memory_space<vmem>>, vector<512x256xf32>,
    } else {
    }
    %ge3A = arith.constant 2 : i32
    %ge3A_23 = arith.cmpi sge, %arg0, %ge3A : i32
    %convert_element_type3A_24 = arith.extui %ge3A_23 : i1 to i32
    %cond3A_25 = arith.constant 0 : i32
    %cond3A_26 = arith.cmpi ne, %convert_element_type3A_24, %cond3A_25 : i32
    scf.if %cond3A_26 {
      %get3A_242 = arith.constant 0 : index
      %get3A_243 = arith.constant 0 : index
      %get3A_244 = arith.constant 0 : index
      %get3A_245 = vector.load %arg4[%get3A_242, %get3A_243, %get3A_244] : memref<1x512x16xi32, #tpu.memory_space<vmem>>, vector<1x512x16xi32>
      %get3A_246 = vector.shape_cast %get3A_245 : vector<1x512x16xi32> to vector<512x16xi32>
      %mul3A = arith.constant 512 : i32
      %mul3A_247 = arith.muli %arg0, %mul3A : i32
      %sub3A = vector.broadcast %mul3A_247 : i32 to vector<512x16xi32>
      %sub3A_248 = arith.subi %get3A_246, %sub3A : vector<512x16xi32>
      %iota3A = tpu.iota {dimensions = array<i32: 1>} : vector<512x512xi32>
      %slice3A = vector.extract_strided_slice %get3A_17 {offsets = [256, 0], sizes = [256, 256], strides = [1, 1]} : vector<512x256xf32> to vector<256x256xf32>
      %slice3A_249 = vector.extract_strided_slice %sub3A_248 {offsets = [0, 0], sizes = [512, 1], strides = [1, 1]} : vector<512x16xi32> to vector<512x1xi32>
      %eq3A = vector.broadcast %slice3A_249 : vector<512x1xi32> to vector<512x512xi32>
      %eq3A_250 = arith.cmpi eq, %iota3A, %eq3A : vector<512x512xi32>
      %jit3A = arith.constant 1.000000e+00 : f32
      %jit3A_251 = arith.constant 0.000000e+00 : f32
      %broadcast_in_dim3A_252 = vector.broadcast %jit3A : f32 to vector<512x512xf32>
      %broadcast_in_dim3A_253 = vector.broadcast %jit3A_251 : f32 to vector<512x512xf32>
      %select_n3A = arith.select %eq3A_250, %broadcast_in_dim3A_252, %broadcast_in_dim3A_253 : vector<512x512xi1>, vector<512x512xf32>
      %dot_general3A_254 = arith.constant dense<0.000000e+00> : vector<512x256xf32>
      %dot_general3A_255 = tpu.matmul %select_n3A, %get3A_9, %dot_general3A_254 {dimension_numbers = #tpu.dot_dimension_numbers<[1], [0], [0], [1], [0, 0, 1, 1], [], []>, precision = #tpu.contract_precision<fp32>, transpose_lhs_hint = false} : vector<512x512xf32>, vector<512x256xf32>, vector<512x256xf32> -> vector<512x256xf32>
      %sub3A_256 = arith.subf %dot_general3A_255, %get3A_9 : vector<512x256xf32>
      %convert_element_type3A_257 = arith.truncf %sub3A_256 : vector<512x256xf32> to vector<512x256xbf16>
      %convert_element_type3A_258 = arith.truncf %slice3A : vector<256x256xf32> to vector<256x256xbf16>
      %dot_general3A_259 = arith.constant dense<0.000000e+00> : vector<512x256xf32>
      %dot_general3A_260 = tpu.matmul %convert_element_type3A_257, %convert_element_type3A_258, %dot_general3A_259 {dimension_numbers = #tpu.dot_dimension_numbers<[1], [0], [0], [1], [0, 0, 1, 1], [], []>, transpose_lhs_hint = false} : vector<512x256xbf16>, vector<256x256xbf16>, vector<512x256xf32> -> vector<512x256xf32>
      %slice3A_261 = vector.extract_strided_slice %sub3A_248 {offsets = [0, 1], sizes = [512, 1], strides = [1, 1]} : vector<512x16xi32> to vector<512x1xi32>
      %eq3A_262 = vector.broadcast %slice3A_261 : vector<512x1xi32> to vector<512x512xi32>
      %eq3A_263 = arith.cmpi eq, %iota3A, %eq3A_262 : vector<512x512xi32>
      %jit3A_264 = arith.constant 1.000000e+00 : f32
      %jit3A_265 = arith.constant 0.000000e+00 : f32
      %broadcast_in_dim3A_266 = vector.broadcast %jit3A_264 : f32 to vector<512x512xf32>
      %broadcast_in_dim3A_267 = vector.broadcast %jit3A_265 : f32 to vector<512x512xf32>
      %select_n3A_268 = arith.select %eq3A_263, %broadcast_in_dim3A_266, %broadcast_in_dim3A_267 : vector<512x512xi1>, vector<512x512xf32>
      %dot_general3A_269 = arith.constant dense<0.000000e+00> : vector<512x256xf32>
      %dot_general3A_270 = tpu.matmul %select_n3A_268, %get3A_9, %dot_general3A_269 {dimension_numbers = #tpu.dot_dimension_numbers<[1], [0], [0], [1], [0, 0, 1, 1], [], []>, precision = #tpu.contract_precision<fp32>, transpose_lhs_hint = false} : vector<512x512xf32>, vector<512x256xf32>, vector<512x256xf32> -> vector<512x256xf32>
      %sub3A_271 = arith.subf %dot_general3A_270, %get3A_9 : vector<512x256xf32>
      %convert_element_type3A_272 = arith.truncf %sub3A_271 : vector<512x256xf32> to vector<512x256xbf16>
      %convert_element_type3A_273 = arith.truncf %slice3A : vector<256x256xf32> to vector<256x256xbf16>
      %dot_general3A_274 = arith.constant dense<0.000000e+00> : vector<512x256xf32>
      %dot_general3A_275 = tpu.matmul %convert_element_type3A_272, %convert_element_type3A_273, %dot_general3A_274 {dimension_numbers = #tpu.dot_dimension_numbers<[1], [0], [0], [1], [0, 0, 1, 1], [], []>, transpose_lhs_hint = false} : vector<512x256xbf16>, vector<256x256xbf16>, vector<512x256xf32> -> vector<512x256xf32>
      %max3A_276 = arith.maximumf %dot_general3A_260, %dot_general3A_275 : vector<512x256xf32>
      %slice3A_277 = vector.extract_strided_slice %sub3A_248 {offsets = [0, 2], sizes = [512, 1], strides = [1, 1]} : vector<512x16xi32> to vector<512x1xi32>
      %eq3A_278 = vector.broadcast %slice3A_277 : vector<512x1xi32> to vector<512x512xi32>
      %eq3A_279 = arith.cmpi eq, %iota3A, %eq3A_278 : vector<512x512xi32>
      %jit3A_280 = arith.constant 1.000000e+00 : f32
      %jit3A_281 = arith.constant 0.000000e+00 : f32
      %broadcast_in_dim3A_282 = vector.broadcast %jit3A_280 : f32 to vector<512x512xf32>
      %broadcast_in_dim3A_283 = vector.broadcast %jit3A_281 : f32 to vector<512x512xf32>
      %select_n3A_284 = arith.select %eq3A_279, %broadcast_in_dim3A_282, %broadcast_in_dim3A_283 : vector<512x512xi1>, vector<512x512xf32>
      %dot_general3A_285 = arith.constant dense<0.000000e+00> : vector<512x256xf32>
      %dot_general3A_286 = tpu.matmul %select_n3A_284, %get3A_9, %dot_general3A_285 {dimension_numbers = #tpu.dot_dimension_numbers<[1], [0], [0], [1], [0, 0, 1, 1], [], []>, precision = #tpu.contract_precision<fp32>, transpose_lhs_hint = false} : vector<512x512xf32>, vector<512x256xf32>, vector<512x256xf32> -> vector<512x256xf32>
      %sub3A_287 = arith.subf %dot_general3A_286, %get3A_9 : vector<512x256xf32>
      %convert_element_type3A_288 = arith.truncf %sub3A_287 : vector<512x256xf32> to vector<512x256xbf16>
      %convert_element_type3A_289 = arith.truncf %slice3A : vector<256x256xf32> to vector<256x256xbf16>
      %dot_general3A_290 = arith.constant dense<0.000000e+00> : vector<512x256xf32>
      %dot_general3A_291 = tpu.matmul %convert_element_type3A_288, %convert_element_type3A_289, %dot_general3A_290 {dimension_numbers = #tpu.dot_dimension_numbers<[1], [0], [0], [1], [0, 0, 1, 1], [], []>, transpose_lhs_hint = false} : vector<512x256xbf16>, vector<256x256xbf16>, vector<512x256xf32> -> vector<512x256xf32>
      %max3A_292 = arith.maximumf %max3A_276, %dot_general3A_291 : vector<512x256xf32>
      %slice3A_293 = vector.extract_strided_slice %sub3A_248 {offsets = [0, 3], sizes = [512, 1], strides = [1, 1]} : vector<512x16xi32> to vector<512x1xi32>
      %eq3A_294 = vector.broadcast %slice3A_293 : vector<512x1xi32> to vector<512x512xi32>
      %eq3A_295 = arith.cmpi eq, %iota3A, %eq3A_294 : vector<512x512xi32>
      %jit3A_296 = arith.constant 1.000000e+00 : f32
      %jit3A_297 = arith.constant 0.000000e+00 : f32
      %broadcast_in_dim3A_298 = vector.broadcast %jit3A_296 : f32 to vector<512x512xf32>
      %broadcast_in_dim3A_299 = vector.broadcast %jit3A_297 : f32 to vector<512x512xf32>
      %select_n3A_300 = arith.select %eq3A_295, %broadcast_in_dim3A_298, %broadcast_in_dim3A_299 : vector<512x512xi1>, vector<512x512xf32>
      %dot_general3A_301 = arith.constant dense<0.000000e+00> : vector<512x256xf32>
      %dot_general3A_302 = tpu.matmul %select_n3A_300, %get3A_9, %dot_general3A_301 {dimension_numbers = #tpu.dot_dimension_numbers<[1], [0], [0], [1], [0, 0, 1, 1], [], []>, precision = #tpu.contract_precision<fp32>, transpose_lhs_hint = false} : vector<512x512xf32>, vector<512x256xf32>, vector<512x256xf32> -> vector<512x256xf32>
      %sub3A_303 = arith.subf %dot_general3A_302, %get3A_9 : vector<512x256xf32>
      %convert_element_type3A_304 = arith.truncf %sub3A_303 : vector<512x256xf32> to vector<512x256xbf16>
      %convert_element_type3A_305 = arith.truncf %slice3A : vector<256x256xf32> to vector<256x256xbf16>
      %dot_general3A_306 = arith.constant dense<0.000000e+00> : vector<512x256xf32>
      %dot_general3A_307 = tpu.matmul %convert_element_type3A_304, %convert_element_type3A_305, %dot_general3A_306 {dimension_numbers = #tpu.dot_dimension_numbers<[1], [0], [0], [1], [0, 0, 1, 1], [], []>, transpose_lhs_hint = false} : vector<512x256xbf16>, vector<256x256xbf16>, vector<512x256xf32> -> vector<512x256xf32>
      %max3A_308 = arith.maximumf %max3A_292, %dot_general3A_307 : vector<512x256xf32>
      %slice3A_309 = vector.extract_strided_slice %sub3A_248 {offsets = [0, 4], sizes = [512, 1], strides = [1, 1]} : vector<512x16xi32> to vector<512x1xi32>
      %eq3A_310 = vector.broadcast %slice3A_309 : vector<512x1xi32> to vector<512x512xi32>
      %eq3A_311 = arith.cmpi eq, %iota3A, %eq3A_310 : vector<512x512xi32>
      %jit3A_312 = arith.constant 1.000000e+00 : f32
      %jit3A_313 = arith.constant 0.000000e+00 : f32
      %broadcast_in_dim3A_314 = vector.broadcast %jit3A_312 : f32 to vector<512x512xf32>
      %broadcast_in_dim3A_315 = vector.broadcast %jit3A_313 : f32 to vector<512x512xf32>
      %select_n3A_316 = arith.select %eq3A_311, %broadcast_in_dim3A_314, %broadcast_in_dim3A_315 : vector<512x512xi1>, vector<512x512xf32>
      %dot_general3A_317 = arith.constant dense<0.000000e+00> : vector<512x256xf32>
      %dot_general3A_318 = tpu.matmul %select_n3A_316, %get3A_9, %dot_general3A_317 {dimension_numbers = #tpu.dot_dimension_numbers<[1], [0], [0], [1], [0, 0, 1, 1], [], []>, precision = #tpu.contract_precision<fp32>, transpose_lhs_hint = false} : vector<512x512xf32>, vector<512x256xf32>, vector<512x256xf32> -> vector<512x256xf32>
      %sub3A_319 = arith.subf %dot_general3A_318, %get3A_9 : vector<512x256xf32>
      %convert_element_type3A_320 = arith.truncf %sub3A_319 : vector<512x256xf32> to vector<512x256xbf16>
      %convert_element_type3A_321 = arith.truncf %slice3A : vector<256x256xf32> to vector<256x256xbf16>
      %dot_general3A_322 = arith.constant dense<0.000000e+00> : vector<512x256xf32>
      %dot_general3A_323 = tpu.matmul %convert_element_type3A_320, %convert_element_type3A_321, %dot_general3A_322 {dimension_numbers = #tpu.dot_dimension_numbers<[1], [0], [0], [1], [0, 0, 1, 1], [], []>, transpose_lhs_hint = false} : vector<512x256xbf16>, vector<256x256xbf16>, vector<512x256xf32> -> vector<512x256xf32>
      %max3A_324 = arith.maximumf %max3A_308, %dot_general3A_323 : vector<512x256xf32>
      %slice3A_325 = vector.extract_strided_slice %sub3A_248 {offsets = [0, 5], sizes = [512, 1], strides = [1, 1]} : vector<512x16xi32> to vector<512x1xi32>
      %eq3A_326 = vector.broadcast %slice3A_325 : vector<512x1xi32> to vector<512x512xi32>
      %eq3A_327 = arith.cmpi eq, %iota3A, %eq3A_326 : vector<512x512xi32>
      %jit3A_328 = arith.constant 1.000000e+00 : f32
      %jit3A_329 = arith.constant 0.000000e+00 : f32
      %broadcast_in_dim3A_330 = vector.broadcast %jit3A_328 : f32 to vector<512x512xf32>
      %broadcast_in_dim3A_331 = vector.broadcast %jit3A_329 : f32 to vector<512x512xf32>
      %select_n3A_332 = arith.select %eq3A_327, %broadcast_in_dim3A_330, %broadcast_in_dim3A_331 : vector<512x512xi1>, vector<512x512xf32>
      %dot_general3A_333 = arith.constant dense<0.000000e+00> : vector<512x256xf32>
      %dot_general3A_334 = tpu.matmul %select_n3A_332, %get3A_9, %dot_general3A_333 {dimension_numbers = #tpu.dot_dimension_numbers<[1], [0], [0], [1], [0, 0, 1, 1], [], []>, precision = #tpu.contract_precision<fp32>, transpose_lhs_hint = false} : vector<512x512xf32>, vector<512x256xf32>, vector<512x256xf32> -> vector<512x256xf32>
      %sub3A_335 = arith.subf %dot_general3A_334, %get3A_9 : vector<512x256xf32>
      %convert_element_type3A_336 = arith.truncf %sub3A_335 : vector<512x256xf32> to vector<512x256xbf16>
      %convert_element_type3A_337 = arith.truncf %slice3A : vector<256x256xf32> to vector<256x256xbf16>
      %dot_general3A_338 = arith.constant dense<0.000000e+00> : vector<512x256xf32>
      %dot_general3A_339 = tpu.matmul %convert_element_type3A_336, %convert_element_type3A_337, %dot_general3A_338 {dimension_numbers = #tpu.dot_dimension_numbers<[1], [0], [0], [1], [0, 0, 1, 1], [], []>, transpose_lhs_hint = false} : vector<512x256xbf16>, vector<256x256xbf16>, vector<512x256xf32> -> vector<512x256xf32>
      %max3A_340 = arith.maximumf %max3A_324, %dot_general3A_339 : vector<512x256xf32>
      %slice3A_341 = vector.extract_strided_slice %sub3A_248 {offsets = [0, 6], sizes = [512, 1], strides = [1, 1]} : vector<512x16xi32> to vector<512x1xi32>
      %eq3A_342 = vector.broadcast %slice3A_341 : vector<512x1xi32> to vector<512x512xi32>
      %eq3A_343 = arith.cmpi eq, %iota3A, %eq3A_342 : vector<512x512xi32>
      %jit3A_344 = arith.constant 1.000000e+00 : f32
      %jit3A_345 = arith.constant 0.000000e+00 : f32
      %broadcast_in_dim3A_346 = vector.broadcast %jit3A_344 : f32 to vector<512x512xf32>
      %broadcast_in_dim3A_347 = vector.broadcast %jit3A_345 : f32 to vector<512x512xf32>
      %select_n3A_348 = arith.select %eq3A_343, %broadcast_in_dim3A_346, %broadcast_in_dim3A_347 : vector<512x512xi1>, vector<512x512xf32>
      %dot_general3A_349 = arith.constant dense<0.000000e+00> : vector<512x256xf32>
      %dot_general3A_350 = tpu.matmul %select_n3A_348, %get3A_9, %dot_general3A_349 {dimension_numbers = #tpu.dot_dimension_numbers<[1], [0], [0], [1], [0, 0, 1, 1], [], []>, precision = #tpu.contract_precision<fp32>, transpose_lhs_hint = false} : vector<512x512xf32>, vector<512x256xf32>, vector<512x256xf32> -> vector<512x256xf32>
      %sub3A_351 = arith.subf %dot_general3A_350, %get3A_9 : vector<512x256xf32>
      %convert_element_type3A_352 = arith.truncf %sub3A_351 : vector<512x256xf32> to vector<512x256xbf16>
      %convert_element_type3A_353 = arith.truncf %slice3A : vector<256x256xf32> to vector<256x256xbf16>
      %dot_general3A_354 = arith.constant dense<0.000000e+00> : vector<512x256xf32>
      %dot_general3A_355 = tpu.matmul %convert_element_type3A_352, %convert_element_type3A_353, %dot_general3A_354 {dimension_numbers = #tpu.dot_dimension_numbers<[1], [0], [0], [1], [0, 0, 1, 1], [], []>, transpose_lhs_hint = false} : vector<512x256xbf16>, vector<256x256xbf16>, vector<512x256xf32> -> vector<512x256xf32>
      %max3A_356 = arith.maximumf %max3A_340, %dot_general3A_355 : vector<512x256xf32>
      %slice3A_357 = vector.extract_strided_slice %sub3A_248 {offsets = [0, 7], sizes = [512, 1], strides = [1, 1]} : vector<512x16xi32> to vector<512x1xi32>
      %eq3A_358 = vector.broadcast %slice3A_357 : vector<512x1xi32> to vector<512x512xi32>
      %eq3A_359 = arith.cmpi eq, %iota3A, %eq3A_358 : vector<512x512xi32>
      %jit3A_360 = arith.constant 1.000000e+00 : f32
      %jit3A_361 = arith.constant 0.000000e+00 : f32
      %broadcast_in_dim3A_362 = vector.broadcast %jit3A_360 : f32 to vector<512x512xf32>
      %broadcast_in_dim3A_363 = vector.broadcast %jit3A_361 : f32 to vector<512x512xf32>
      %select_n3A_364 = arith.select %eq3A_359, %broadcast_in_dim3A_362, %broadcast_in_dim3A_363 : vector<512x512xi1>, vector<512x512xf32>
      %dot_general3A_365 = arith.constant dense<0.000000e+00> : vector<512x256xf32>
      %dot_general3A_366 = tpu.matmul %select_n3A_364, %get3A_9, %dot_general3A_365 {dimension_numbers = #tpu.dot_dimension_numbers<[1], [0], [0], [1], [0, 0, 1, 1], [], []>, precision = #tpu.contract_precision<fp32>, transpose_lhs_hint = false} : vector<512x512xf32>, vector<512x256xf32>, vector<512x256xf32> -> vector<512x256xf32>
      %sub3A_367 = arith.subf %dot_general3A_366, %get3A_9 : vector<512x256xf32>
      %convert_element_type3A_368 = arith.truncf %sub3A_367 : vector<512x256xf32> to vector<512x256xbf16>
      %convert_element_type3A_369 = arith.truncf %slice3A : vector<256x256xf32> to vector<256x256xbf16>
      %dot_general3A_370 = arith.constant dense<0.000000e+00> : vector<512x256xf32>
      %dot_general3A_371 = tpu.matmul %convert_element_type3A_368, %convert_element_type3A_369, %dot_general3A_370 {dimension_numbers = #tpu.dot_dimension_numbers<[1], [0], [0], [1], [0, 0, 1, 1], [], []>, transpose_lhs_hint = false} : vector<512x256xbf16>, vector<256x256xbf16>, vector<512x256xf32> -> vector<512x256xf32>
      %max3A_372 = arith.maximumf %max3A_356, %dot_general3A_371 : vector<512x256xf32>
      %slice3A_373 = vector.extract_strided_slice %sub3A_248 {offsets = [0, 8], sizes = [512, 1], strides = [1, 1]} : vector<512x16xi32> to vector<512x1xi32>
      %eq3A_374 = vector.broadcast %slice3A_373 : vector<512x1xi32> to vector<512x512xi32>
      %eq3A_375 = arith.cmpi eq, %iota3A, %eq3A_374 : vector<512x512xi32>
      %jit3A_376 = arith.constant 1.000000e+00 : f32
      %jit3A_377 = arith.constant 0.000000e+00 : f32
      %broadcast_in_dim3A_378 = vector.broadcast %jit3A_376 : f32 to vector<512x512xf32>
      %broadcast_in_dim3A_379 = vector.broadcast %jit3A_377 : f32 to vector<512x512xf32>
      %select_n3A_380 = arith.select %eq3A_375, %broadcast_in_dim3A_378, %broadcast_in_dim3A_379 : vector<512x512xi1>, vector<512x512xf32>
      %dot_general3A_381 = arith.constant dense<0.000000e+00> : vector<512x256xf32>
      %dot_general3A_382 = tpu.matmul %select_n3A_380, %get3A_9, %dot_general3A_381 {dimension_numbers = #tpu.dot_dimension_numbers<[1], [0], [0], [1], [0, 0, 1, 1], [], []>, precision = #tpu.contract_precision<fp32>, transpose_lhs_hint = false} : vector<512x512xf32>, vector<512x256xf32>, vector<512x256xf32> -> vector<512x256xf32>
      %sub3A_383 = arith.subf %dot_general3A_382, %get3A_9 : vector<512x256xf32>
      %convert_element_type3A_384 = arith.truncf %sub3A_383 : vector<512x256xf32> to vector<512x256xbf16>
      %convert_element_type3A_385 = arith.truncf %slice3A : vector<256x256xf32> to vector<256x256xbf16>
      %dot_general3A_386 = arith.constant dense<0.000000e+00> : vector<512x256xf32>
      %dot_general3A_387 = tpu.matmul %convert_element_type3A_384, %convert_element_type3A_385, %dot_general3A_386 {dimension_numbers = #tpu.dot_dimension_numbers<[1], [0], [0], [1], [0, 0, 1, 1], [], []>, transpose_lhs_hint = false} : vector<512x256xbf16>, vector<256x256xbf16>, vector<512x256xf32> -> vector<512x256xf32>
      %max3A_388 = arith.maximumf %max3A_372, %dot_general3A_387 : vector<512x256xf32>
      %slice3A_389 = vector.extract_strided_slice %sub3A_248 {offsets = [0, 9], sizes = [512, 1], strides = [1, 1]} : vector<512x16xi32> to vector<512x1xi32>
      %eq3A_390 = vector.broadcast %slice3A_389 : vector<512x1xi32> to vector<512x512xi32>
      %eq3A_391 = arith.cmpi eq, %iota3A, %eq3A_390 : vector<512x512xi32>
      %jit3A_392 = arith.constant 1.000000e+00 : f32
      %jit3A_393 = arith.constant 0.000000e+00 : f32
      %broadcast_in_dim3A_394 = vector.broadcast %jit3A_392 : f32 to vector<512x512xf32>
      %broadcast_in_dim3A_395 = vector.broadcast %jit3A_393 : f32 to vector<512x512xf32>
      %select_n3A_396 = arith.select %eq3A_391, %broadcast_in_dim3A_394, %broadcast_in_dim3A_395 : vector<512x512xi1>, vector<512x512xf32>
      %dot_general3A_397 = arith.constant dense<0.000000e+00> : vector<512x256xf32>
      %dot_general3A_398 = tpu.matmul %select_n3A_396, %get3A_9, %dot_general3A_397 {dimension_numbers = #tpu.dot_dimension_numbers<[1], [0], [0], [1], [0, 0, 1, 1], [], []>, precision = #tpu.contract_precision<fp32>, transpose_lhs_hint = false} : vector<512x512xf32>, vector<512x256xf32>, vector<512x256xf32> -> vector<512x256xf32>
      %sub3A_399 = arith.subf %dot_general3A_398, %get3A_9 : vector<512x256xf32>
      %convert_element_type3A_400 = arith.truncf %sub3A_399 : vector<512x256xf32> to vector<512x256xbf16>
      %convert_element_type3A_401 = arith.truncf %slice3A : vector<256x256xf32> to vector<256x256xbf16>
      %dot_general3A_402 = arith.constant dense<0.000000e+00> : vector<512x256xf32>
      %dot_general3A_403 = tpu.matmul %convert_element_type3A_400, %convert_element_type3A_401, %dot_general3A_402 {dimension_numbers = #tpu.dot_dimension_numbers<[1], [0], [0], [1], [0, 0, 1, 1], [], []>, transpose_lhs_hint = false} : vector<512x256xbf16>, vector<256x256xbf16>, vector<512x256xf32> -> vector<512x256xf32>
      %max3A_404 = arith.maximumf %max3A_388, %dot_general3A_403 : vector<512x256xf32>
      %slice3A_405 = vector.extract_strided_slice %sub3A_248 {offsets = [0, 10], sizes = [512, 1], strides = [1, 1]} : vector<512x16xi32> to vector<512x1xi32>
      %eq3A_406 = vector.broadcast %slice3A_405 : vector<512x1xi32> to vector<512x512xi32>
      %eq3A_407 = arith.cmpi eq, %iota3A, %eq3A_406 : vector<512x512xi32>
      %jit3A_408 = arith.constant 1.000000e+00 : f32
      %jit3A_409 = arith.constant 0.000000e+00 : f32
      %broadcast_in_dim3A_410 = vector.broadcast %jit3A_408 : f32 to vector<512x512xf32>
      %broadcast_in_dim3A_411 = vector.broadcast %jit3A_409 : f32 to vector<512x512xf32>
      %select_n3A_412 = arith.select %eq3A_407, %broadcast_in_dim3A_410, %broadcast_in_dim3A_411 : vector<512x512xi1>, vector<512x512xf32>
      %dot_general3A_413 = arith.constant dense<0.000000e+00> : vector<512x256xf32>
      %dot_general3A_414 = tpu.matmul %select_n3A_412, %get3A_9, %dot_general3A_413 {dimension_numbers = #tpu.dot_dimension_numbers<[1], [0], [0], [1], [0, 0, 1, 1], [], []>, precision = #tpu.contract_precision<fp32>, transpose_lhs_hint = false} : vector<512x512xf32>, vector<512x256xf32>, vector<512x256xf32> -> vector<512x256xf32>
      %sub3A_415 = arith.subf %dot_general3A_414, %get3A_9 : vector<512x256xf32>
      %convert_element_type3A_416 = arith.truncf %sub3A_415 : vector<512x256xf32> to vector<512x256xbf16>
      %convert_element_type3A_417 = arith.truncf %slice3A : vector<256x256xf32> to vector<256x256xbf16>
      %dot_general3A_418 = arith.constant dense<0.000000e+00> : vector<512x256xf32>
      %dot_general3A_419 = tpu.matmul %convert_element_type3A_416, %convert_element_type3A_417, %dot_general3A_418 {dimension_numbers = #tpu.dot_dimension_numbers<[1], [0], [0], [1], [0, 0, 1, 1], [], []>, transpose_lhs_hint = false} : vector<512x256xbf16>, vector<256x256xbf16>, vector<512x256xf32> -> vector<512x256xf32>
      %max3A_420 = arith.maximumf %max3A_404, %dot_general3A_419 : vector<512x256xf32>
      %slice3A_421 = vector.extract_strided_slice %sub3A_248 {offsets = [0, 11], sizes = [512, 1], strides = [1, 1]} : vector<512x16xi32> to vector<512x1xi32>
      %eq3A_422 = vector.broadcast %slice3A_421 : vector<512x1xi32> to vector<512x512xi32>
      %eq3A_423 = arith.cmpi eq, %iota3A, %eq3A_422 : vector<512x512xi32>
      %jit3A_424 = arith.constant 1.000000e+00 : f32
      %jit3A_425 = arith.constant 0.000000e+00 : f32
      %broadcast_in_dim3A_426 = vector.broadcast %jit3A_424 : f32 to vector<512x512xf32>
      %broadcast_in_dim3A_427 = vector.broadcast %jit3A_425 : f32 to vector<512x512xf32>
      %select_n3A_428 = arith.select %eq3A_423, %broadcast_in_dim3A_426, %broadcast_in_dim3A_427 : vector<512x512xi1>, vector<512x512xf32>
      %dot_general3A_429 = arith.constant dense<0.000000e+00> : vector<512x256xf32>
      %dot_general3A_430 = tpu.matmul %select_n3A_428, %get3A_9, %dot_general3A_429 {dimension_numbers = #tpu.dot_dimension_numbers<[1], [0], [0], [1], [0, 0, 1, 1], [], []>, precision = #tpu.contract_precision<fp32>, transpose_lhs_hint = false} : vector<512x512xf32>, vector<512x256xf32>, vector<512x256xf32> -> vector<512x256xf32>
      %sub3A_431 = arith.subf %dot_general3A_430, %get3A_9 : vector<512x256xf32>
      %convert_element_type3A_432 = arith.truncf %sub3A_431 : vector<512x256xf32> to vector<512x256xbf16>
      %convert_element_type3A_433 = arith.truncf %slice3A : vector<256x256xf32> to vector<256x256xbf16>
      %dot_general3A_434 = arith.constant dense<0.000000e+00> : vector<512x256xf32>
      %dot_general3A_435 = tpu.matmul %convert_element_type3A_432, %convert_element_type3A_433, %dot_general3A_434 {dimension_numbers = #tpu.dot_dimension_numbers<[1], [0], [0], [1], [0, 0, 1, 1], [], []>, transpose_lhs_hint = false} : vector<512x256xbf16>, vector<256x256xbf16>, vector<512x256xf32> -> vector<512x256xf32>
      %max3A_436 = arith.maximumf %max3A_420, %dot_general3A_435 : vector<512x256xf32>
      %slice3A_437 = vector.extract_strided_slice %sub3A_248 {offsets = [0, 12], sizes = [512, 1], strides = [1, 1]} : vector<512x16xi32> to vector<512x1xi32>
      %eq3A_438 = vector.broadcast %slice3A_437 : vector<512x1xi32> to vector<512x512xi32>
      %eq3A_439 = arith.cmpi eq, %iota3A, %eq3A_438 : vector<512x512xi32>
      %jit3A_440 = arith.constant 1.000000e+00 : f32
      %jit3A_441 = arith.constant 0.000000e+00 : f32
      %broadcast_in_dim3A_442 = vector.broadcast %jit3A_440 : f32 to vector<512x512xf32>
      %broadcast_in_dim3A_443 = vector.broadcast %jit3A_441 : f32 to vector<512x512xf32>
      %select_n3A_444 = arith.select %eq3A_439, %broadcast_in_dim3A_442, %broadcast_in_dim3A_443 : vector<512x512xi1>, vector<512x512xf32>
      %dot_general3A_445 = arith.constant dense<0.000000e+00> : vector<512x256xf32>
      %dot_general3A_446 = tpu.matmul %select_n3A_444, %get3A_9, %dot_general3A_445 {dimension_numbers = #tpu.dot_dimension_numbers<[1], [0], [0], [1], [0, 0, 1, 1], [], []>, precision = #tpu.contract_precision<fp32>, transpose_lhs_hint = false} : vector<512x512xf32>, vector<512x256xf32>, vector<512x256xf32> -> vector<512x256xf32>
      %sub3A_447 = arith.subf %dot_general3A_446, %get3A_9 : vector<512x256xf32>
      %convert_element_type3A_448 = arith.truncf %sub3A_447 : vector<512x256xf32> to vector<512x256xbf16>
      %convert_element_type3A_449 = arith.truncf %slice3A : vector<256x256xf32> to vector<256x256xbf16>
      %dot_general3A_450 = arith.constant dense<0.000000e+00> : vector<512x256xf32>
      %dot_general3A_451 = tpu.matmul %convert_element_type3A_448, %convert_element_type3A_449, %dot_general3A_450 {dimension_numbers = #tpu.dot_dimension_numbers<[1], [0], [0], [1], [0, 0, 1, 1], [], []>, transpose_lhs_hint = false} : vector<512x256xbf16>, vector<256x256xbf16>, vector<512x256xf32> -> vector<512x256xf32>
      %max3A_452 = arith.maximumf %max3A_436, %dot_general3A_451 : vector<512x256xf32>
      %slice3A_453 = vector.extract_strided_slice %sub3A_248 {offsets = [0, 13], sizes = [512, 1], strides = [1, 1]} : vector<512x16xi32> to vector<512x1xi32>
      %eq3A_454 = vector.broadcast %slice3A_453 : vector<512x1xi32> to vector<512x512xi32>
      %eq3A_455 = arith.cmpi eq, %iota3A, %eq3A_454 : vector<512x512xi32>
      %jit3A_456 = arith.constant 1.000000e+00 : f32
      %jit3A_457 = arith.constant 0.000000e+00 : f32
      %broadcast_in_dim3A_458 = vector.broadcast %jit3A_456 : f32 to vector<512x512xf32>
      %broadcast_in_dim3A_459 = vector.broadcast %jit3A_457 : f32 to vector<512x512xf32>
      %select_n3A_460 = arith.select %eq3A_455, %broadcast_in_dim3A_458, %broadcast_in_dim3A_459 : vector<512x512xi1>, vector<512x512xf32>
      %dot_general3A_461 = arith.constant dense<0.000000e+00> : vector<512x256xf32>
      %dot_general3A_462 = tpu.matmul %select_n3A_460, %get3A_9, %dot_general3A_461 {dimension_numbers = #tpu.dot_dimension_numbers<[1], [0], [0], [1], [0, 0, 1, 1], [], []>, precision = #tpu.contract_precision<fp32>, transpose_lhs_hint = false} : vector<512x512xf32>, vector<512x256xf32>, vector<512x256xf32> -> vector<512x256xf32>
      %sub3A_463 = arith.subf %dot_general3A_462, %get3A_9 : vector<512x256xf32>
      %convert_element_type3A_464 = arith.truncf %sub3A_463 : vector<512x256xf32> to vector<512x256xbf16>
      %convert_element_type3A_465 = arith.truncf %slice3A : vector<256x256xf32> to vector<256x256xbf16>
      %dot_general3A_466 = arith.constant dense<0.000000e+00> : vector<512x256xf32>
      %dot_general3A_467 = tpu.matmul %convert_element_type3A_464, %convert_element_type3A_465, %dot_general3A_466 {dimension_numbers = #tpu.dot_dimension_numbers<[1], [0], [0], [1], [0, 0, 1, 1], [], []>, transpose_lhs_hint = false} : vector<512x256xbf16>, vector<256x256xbf16>, vector<512x256xf32> -> vector<512x256xf32>
      %max3A_468 = arith.maximumf %max3A_452, %dot_general3A_467 : vector<512x256xf32>
      %slice3A_469 = vector.extract_strided_slice %sub3A_248 {offsets = [0, 14], sizes = [512, 1], strides = [1, 1]} : vector<512x16xi32> to vector<512x1xi32>
      %eq3A_470 = vector.broadcast %slice3A_469 : vector<512x1xi32> to vector<512x512xi32>
      %eq3A_471 = arith.cmpi eq, %iota3A, %eq3A_470 : vector<512x512xi32>
      %jit3A_472 = arith.constant 1.000000e+00 : f32
      %jit3A_473 = arith.constant 0.000000e+00 : f32
      %broadcast_in_dim3A_474 = vector.broadcast %jit3A_472 : f32 to vector<512x512xf32>
      %broadcast_in_dim3A_475 = vector.broadcast %jit3A_473 : f32 to vector<512x512xf32>
      %select_n3A_476 = arith.select %eq3A_471, %broadcast_in_dim3A_474, %broadcast_in_dim3A_475 : vector<512x512xi1>, vector<512x512xf32>
      %dot_general3A_477 = arith.constant dense<0.000000e+00> : vector<512x256xf32>
      %dot_general3A_478 = tpu.matmul %select_n3A_476, %get3A_9, %dot_general3A_477 {dimension_numbers = #tpu.dot_dimension_numbers<[1], [0], [0], [1], [0, 0, 1, 1], [], []>, precision = #tpu.contract_precision<fp32>, transpose_lhs_hint = false} : vector<512x512xf32>, vector<512x256xf32>, vector<512x256xf32> -> vector<512x256xf32>
      %sub3A_479 = arith.subf %dot_general3A_478, %get3A_9 : vector<512x256xf32>
      %convert_element_type3A_480 = arith.truncf %sub3A_479 : vector<512x256xf32> to vector<512x256xbf16>
      %convert_element_type3A_481 = arith.truncf %slice3A : vector<256x256xf32> to vector<256x256xbf16>
      %dot_general3A_482 = arith.constant dense<0.000000e+00> : vector<512x256xf32>
      %dot_general3A_483 = tpu.matmul %convert_element_type3A_480, %convert_element_type3A_481, %dot_general3A_482 {dimension_numbers = #tpu.dot_dimension_numbers<[1], [0], [0], [1], [0, 0, 1, 1], [], []>, transpose_lhs_hint = false} : vector<512x256xbf16>, vector<256x256xbf16>, vector<512x256xf32> -> vector<512x256xf32>
      %max3A_484 = arith.maximumf %max3A_468, %dot_general3A_483 : vector<512x256xf32>
      %slice3A_485 = vector.extract_strided_slice %sub3A_248 {offsets = [0, 15], sizes = [512, 1], strides = [1, 1]} : vector<512x16xi32> to vector<512x1xi32>
      %eq3A_486 = vector.broadcast %slice3A_485 : vector<512x1xi32> to vector<512x512xi32>
      %eq3A_487 = arith.cmpi eq, %iota3A, %eq3A_486 : vector<512x512xi32>
      %jit3A_488 = arith.constant 1.000000e+00 : f32
      %jit3A_489 = arith.constant 0.000000e+00 : f32
      %broadcast_in_dim3A_490 = vector.broadcast %jit3A_488 : f32 to vector<512x512xf32>
      %broadcast_in_dim3A_491 = vector.broadcast %jit3A_489 : f32 to vector<512x512xf32>
      %select_n3A_492 = arith.select %eq3A_487, %broadcast_in_dim3A_490, %broadcast_in_dim3A_491 : vector<512x512xi1>, vector<512x512xf32>
      %dot_general3A_493 = arith.constant dense<0.000000e+00> : vector<512x256xf32>
      %dot_general3A_494 = tpu.matmul %select_n3A_492, %get3A_9, %dot_general3A_493 {dimension_numbers = #tpu.dot_dimension_numbers<[1], [0], [0], [1], [0, 0, 1, 1], [], []>, precision = #tpu.contract_precision<fp32>, transpose_lhs_hint = false} : vector<512x512xf32>, vector<512x256xf32>, vector<512x256xf32> -> vector<512x256xf32>
      %sub3A_495 = arith.subf %dot_general3A_494, %get3A_9 : vector<512x256xf32>
      %convert_element_type3A_496 = arith.truncf %sub3A_495 : vector<512x256xf32> to vector<512x256xbf16>
      %convert_element_type3A_497 = arith.truncf %slice3A : vector<256x256xf32> to vector<256x256xbf16>
      %dot_general3A_498 = arith.constant dense<0.000000e+00> : vector<512x256xf32>
      %dot_general3A_499 = tpu.matmul %convert_element_type3A_496, %convert_element_type3A_497, %dot_general3A_498 {dimension_numbers = #tpu.dot_dimension_numbers<[1], [0], [0], [1], [0, 0, 1, 1], [], []>, transpose_lhs_hint = false} : vector<512x256xbf16>, vector<256x256xbf16>, vector<512x256xf32> -> vector<512x256xf32>
      %max3A_500 = arith.maximumf %max3A_484, %dot_general3A_499 : vector<512x256xf32>
      %swap3A_501 = arith.constant 0 : index
      %swap3A_502 = arith.constant 0 : index
      %swap3A_503 = vector.load %arg39[%swap3A_501, %swap3A_502] : memref<512x256xf32, #tpu.memory_space<vmem>>, vector<512x256xf32>
      tpu.vector_store %arg39[%swap3A_501, %swap3A_502], %max3A_500 {strides = array<i32>} : memref<512x256xf32, #tpu.memory_space<vmem>>, vector<512x256xf32>,
    } else {
    }
    %get3A_27 = arith.constant 0 : index
    %get3A_28 = arith.constant 0 : index
    %get3A_29 = vector.load %arg39[%get3A_27, %get3A_28] : memref<512x256xf32, #tpu.memory_space<vmem>>, vector<512x256xf32>
    %add3A = arith.addf %get3A_14, %get3A_29 : vector<512x256xf32>
    %add3A_30 = vector.broadcast %get3A_20 : vector<1x256xf32> to vector<512x256xf32>
    %add3A_31 = arith.addf %add3A, %add3A_30 : vector<512x256xf32>
    %get3A_32 = arith.constant 0 : index
    %get3A_33 = arith.constant 0 : index
    %get3A_34 = arith.constant 0 : index
    %get3A_35 = vector.load %arg1[%get3A_32, %get3A_33, %get3A_34] : memref<1x512x256xf32, #tpu.memory_space<vmem>>, vector<1x512x256xf32>
    %get3A_36 = vector.shape_cast %get3A_35 : vector<1x512x256xf32> to vector<512x256xf32>
    %concatenate3A = tpu.concatenate %get3A_36, %add3A_31, %broadcast_in_dim3A_4 in 1 : vector<512x256xf32>, vector<512x256xf32>, vector<512x128xf32> -> vector<512x640xf32>
    %get3A_37 = arith.constant 0 : index
    %get3A_38 = arith.constant 0 : index
    %get3A_39 = vector.load %arg8[%get3A_37, %get3A_38] : memref<640x256xf32, #tpu.memory_space<vmem>>, vector<640x256xf32>
    %convert_element_type3A_40 = arith.truncf %concatenate3A : vector<512x640xf32> to vector<512x640xbf16>
    %convert_element_type3A_41 = arith.truncf %get3A_39 : vector<640x256xf32> to vector<640x256xbf16>
    %dot_general3A = arith.constant dense<0.000000e+00> : vector<512x256xf32>
    %dot_general3A_42 = tpu.matmul %convert_element_type3A_40, %convert_element_type3A_41, %dot_general3A {dimension_numbers = #tpu.dot_dimension_numbers<[1], [0], [0], [1], [0, 0, 1, 1], [], []>, transpose_lhs_hint = false} : vector<512x640xbf16>, vector<640x256xbf16>, vector<512x256xf32> -> vector<512x256xf32>
    %get3A_43 = arith.constant 0 : index
    %get3A_44 = arith.constant 0 : index
    %get3A_45 = vector.load %arg9[%get3A_43, %get3A_44] : memref<1x256xf32, #tpu.memory_space<vmem>>, vector<1x256xf32>
    %add3A_46 = vector.broadcast %get3A_45 : vector<1x256xf32> to vector<512x256xf32>
    %add3A_47 = arith.addf %dot_general3A_42, %add3A_46 : vector<512x256xf32>
    %swap3A = arith.constant 0 : index
    %swap3A_48 = arith.constant 0 : index
    %swap3A_49 = arith.constant 0 : index
    %swap3A_50 = vector.load %arg34[%swap3A, %swap3A_48, %swap3A_49] : memref<1x512x256xf32, #tpu.memory_space<vmem>>, vector<1x512x256xf32>
    %swap3A_51 = vector.shape_cast %swap3A_50 : vector<1x512x256xf32> to vector<512x256xf32>
    %swap3A_52 = vector.shape_cast %add3A_47 : vector<512x256xf32> to vector<1x512x256xf32>
    tpu.vector_store %arg34[%swap3A, %swap3A_48, %swap3A_49], %swap3A_52 {strides = array<i32>} : memref<1x512x256xf32, #tpu.memory_space<vmem>>, vector<1x512x256xf32>,
    %get3A_53 = arith.constant 0 : index
    %get3A_54 = arith.constant 0 : index
    %get3A_55 = vector.load %arg10[%get3A_53, %get3A_54] : memref<256x128xf32, #tpu.memory_space<vmem>>, vector<256x128xf32>
    %convert_element_type3A_56 = arith.truncf %add3A_47 : vector<512x256xf32> to vector<512x256xbf16>
    %convert_element_type3A_57 = arith.truncf %get3A_55 : vector<256x128xf32> to vector<256x128xbf16>
    %dot_general3A_58 = arith.constant dense<0.000000e+00> : vector<512x128xf32>
    %dot_general3A_59 = tpu.matmul %convert_element_type3A_56, %convert_element_type3A_57, %dot_general3A_58 {dimension_numbers = #tpu.dot_dimension_numbers<[1], [0], [0], [1], [0, 0, 1, 1], [], []>, transpose_lhs_hint = false} : vector<512x256xbf16>, vector<256x128xbf16>, vector<512x128xf32> -> vector<512x128xf32>
    %get3A_60 = arith.constant 0 : index
    %get3A_61 = arith.constant 0 : index
    %get3A_62 = vector.load %arg11[%get3A_60, %get3A_61] : memref<1x128xf32, #tpu.memory_space<vmem>>, vector<1x128xf32>
    %add3A_63 = vector.broadcast %get3A_62 : vector<1x128xf32> to vector<512x128xf32>
    %add3A_64 = arith.addf %dot_general3A_59, %add3A_63 : vector<512x128xf32>
    %max3A = arith.constant 0.000000e+00 : f32
    %max3A_65 = vector.broadcast %max3A : f32 to vector<512x128xf32>
    %max3A_66 = arith.maximumf %add3A_64, %max3A_65 : vector<512x128xf32>
    %get3A_67 = arith.constant 0 : index
    %get3A_68 = arith.constant 0 : index
    %get3A_69 = vector.load %arg12[%get3A_67, %get3A_68] : memref<128x64xf32, #tpu.memory_space<vmem>>, vector<128x64xf32>
    %convert_element_type3A_70 = arith.truncf %max3A_66 : vector<512x128xf32> to vector<512x128xbf16>
    %convert_element_type3A_71 = arith.truncf %get3A_69 : vector<128x64xf32> to vector<128x64xbf16>
    %dot_general3A_72 = arith.constant dense<0.000000e+00> : vector<512x64xf32>
    %dot_general3A_73 = tpu.matmul %convert_element_type3A_70, %convert_element_type3A_71, %dot_general3A_72 {dimension_numbers = #tpu.dot_dimension_numbers<[1], [0], [0], [1], [0, 0, 1, 1], [], []>, transpose_lhs_hint = false} : vector<512x128xbf16>, vector<128x64xbf16>, vector<512x64xf32> -> vector<512x64xf32>
    %get3A_74 = arith.constant 0 : index
    %get3A_75 = arith.constant 0 : index
    %get3A_76 = vector.load %arg13[%get3A_74, %get3A_75] : memref<1x64xf32, #tpu.memory_space<vmem>>, vector<1x64xf32>
    %add3A_77 = vector.broadcast %get3A_76 : vector<1x64xf32> to vector<512x64xf32>
    %add3A_78 = arith.addf %dot_general3A_73, %add3A_77 : vector<512x64xf32>
    %max3A_79 = arith.constant 0.000000e+00 : f32
    %max3A_80 = vector.broadcast %max3A_79 : f32 to vector<512x64xf32>
    %max3A_81 = arith.maximumf %add3A_78, %max3A_80 : vector<512x64xf32>
    %get3A_82 = arith.constant 0 : index
    %get3A_83 = arith.constant 0 : index
    %get3A_84 = vector.load %arg14[%get3A_82, %get3A_83] : memref<64x32xf32, #tpu.memory_space<vmem>>, vector<64x32xf32>
    %convert_element_type3A_85 = arith.truncf %max3A_81 : vector<512x64xf32> to vector<512x64xbf16>
    %convert_element_type3A_86 = arith.truncf %get3A_84 : vector<64x32xf32> to vector<64x32xbf16>
    %dot_general3A_87 = arith.constant dense<0.000000e+00> : vector<512x32xf32>
    %dot_general3A_88 = tpu.matmul %convert_element_type3A_85, %convert_element_type3A_86, %dot_general3A_87 {dimension_numbers = #tpu.dot_dimension_numbers<[1], [0], [0], [1], [0, 0, 1, 1], [], []>, transpose_lhs_hint = false} : vector<512x64xbf16>, vector<64x32xbf16>, vector<512x32xf32> -> vector<512x32xf32>
    %get3A_89 = arith.constant 0 : index
    %get3A_90 = arith.constant 0 : index
    %get3A_91 = vector.load %arg15[%get3A_89, %get3A_90] : memref<1x32xf32, #tpu.memory_space<vmem>>, vector<1x32xf32>
    %add3A_92 = vector.broadcast %get3A_91 : vector<1x32xf32> to vector<512x32xf32>
    %add3A_93 = arith.addf %dot_general3A_88, %add3A_92 : vector<512x32xf32>
    %max3A_94 = arith.constant 0.000000e+00 : f32
    %max3A_95 = vector.broadcast %max3A_94 : f32 to vector<512x32xf32>
    %max3A_96 = arith.maximumf %add3A_93, %max3A_95 : vector<512x32xf32>
    %get3A_97 = arith.constant 0 : index
    %get3A_98 = arith.constant 0 : index
    %get3A_99 = vector.load %arg16[%get3A_97, %get3A_98] : memref<32x1xf32, #tpu.memory_space<vmem>>, vector<32x1xf32>
    %convert_element_type3A_100 = arith.truncf %max3A_96 : vector<512x32xf32> to vector<512x32xbf16>
    %convert_element_type3A_101 = arith.truncf %get3A_99 : vector<32x1xf32> to vector<32x1xbf16>
    %dot_general3A_102 = arith.constant dense<0.000000e+00> : vector<512x1xf32>
    %dot_general3A_103 = tpu.matmul %convert_element_type3A_100, %convert_element_type3A_101, %dot_general3A_102 {dimension_numbers = #tpu.dot_dimension_numbers<[1], [0], [0], [1], [0, 0, 1, 1], [], []>, transpose_lhs_hint = false} : vector<512x32xbf16>, vector<32x1xbf16>, vector<512x1xf32> -> vector<512x1xf32>
    %get3A_104 = arith.constant 0 : index
    %get3A_105 = arith.constant 0 : index
    %get3A_106 = vector.load %arg17[%get3A_104, %get3A_105] : memref<1x1xf32, #tpu.memory_space<vmem>>, vector<1x1xf32>
    %add3A_107 = vector.broadcast %get3A_106 : vector<1x1xf32> to vector<512x1xf32>
    %add3A_108 = arith.addf %dot_general3A_103, %add3A_107 : vector<512x1xf32>
    %swap3A_109 = arith.constant 0 : index
    %swap3A_110 = arith.constant 0 : index
    %swap3A_111 = arith.constant 0 : index
    %swap3A_112 = vector.load %arg35[%swap3A_109, %swap3A_110, %swap3A_111] : memref<1x512x1xf32, #tpu.memory_space<vmem>>, vector<1x512x1xf32>
    %swap3A_113 = vector.shape_cast %swap3A_112 : vector<1x512x1xf32> to vector<512x1xf32>
    %swap3A_114 = vector.shape_cast %add3A_108 : vector<512x1xf32> to vector<1x512x1xf32>
    tpu.vector_store %arg35[%swap3A_109, %swap3A_110, %swap3A_111], %swap3A_114 {strides = array<i32>} : memref<1x512x1xf32, #tpu.memory_space<vmem>>, vector<1x512x1xf32>,
    %get3A_115 = arith.constant 0 : index
    %get3A_116 = arith.constant 0 : index
    %get3A_117 = vector.load %arg18[%get3A_115, %get3A_116] : memref<128x16xf32, #tpu.memory_space<vmem>>, vector<128x16xf32>
    %convert_element_type3A_118 = arith.truncf %get3A_3 : vector<1x128xf32> to vector<1x128xbf16>
    %convert_element_type3A_119 = arith.truncf %get3A_117 : vector<128x16xf32> to vector<128x16xbf16>
    %dot_general3A_120 = arith.constant dense<0.000000e+00> : vector<1x16xf32>
    %dot_general3A_121 = tpu.matmul %convert_element_type3A_118, %convert_element_type3A_119, %dot_general3A_120 {dimension_numbers = #tpu.dot_dimension_numbers<[1], [0], [0], [1], [0, 0, 1, 1], [], []>, transpose_lhs_hint = false} : vector<1x128xbf16>, vector<128x16xbf16>, vector<1x16xf32> -> vector<1x16xf32>
    %get3A_122 = arith.constant 0 : index
    %get3A_123 = arith.constant 0 : index
    %get3A_124 = vector.load %arg19[%get3A_122, %get3A_123] : memref<1x16xf32, #tpu.memory_space<vmem>>, vector<1x16xf32>
    %add3A_125 = arith.addf %dot_general3A_121, %get3A_124 : vector<1x16xf32>
    %max3A_126 = arith.constant 0.000000e+00 : f32
    %max3A_127 = vector.broadcast %max3A_126 : f32 to vector<1x16xf32>
    %max3A_128 = arith.maximumf %add3A_125, %max3A_127 : vector<1x16xf32>
    %get3A_129 = arith.constant 0 : index
    %get3A_130 = arith.constant 0 : index
    %get3A_131 = vector.load %arg20[%get3A_129, %get3A_130] : memref<16x1001xf32, #tpu.memory_space<vmem>>, vector<16x1001xf32>
    %convert_element_type3A_132 = arith.truncf %max3A_128 : vector<1x16xf32> to vector<1x16xbf16>
    %convert_element_type3A_133 = arith.truncf %get3A_131 : vector<16x1001xf32> to vector<16x1001xbf16>
    %dot_general3A_134 = arith.constant dense<0.000000e+00> : vector<1x1001xf32>
    %dot_general3A_135 = tpu.matmul %convert_element_type3A_132, %convert_element_type3A_133, %dot_general3A_134 {dimension_numbers = #tpu.dot_dimension_numbers<[1], [0], [0], [1], [0, 0, 1, 1], [], []>, transpose_lhs_hint = false} : vector<1x16xbf16>, vector<16x1001xbf16>, vector<1x1001xf32> -> vector<1x1001xf32>
    %get3A_136 = arith.constant 0 : index
    %get3A_137 = arith.constant 0 : index
    %get3A_138 = vector.load %arg21[%get3A_136, %get3A_137] : memref<1x1001xf32, #tpu.memory_space<vmem>>, vector<1x1001xf32>
    %add3A_139 = arith.addf %dot_general3A_135, %get3A_138 : vector<1x1001xf32>
    %swap3A_140 = arith.constant 0 : index
    %swap3A_141 = arith.constant 0 : index
    %swap3A_142 = arith.constant 0 : index
    %swap3A_143 = vector.load %arg36[%swap3A_140, %swap3A_141, %swap3A_142] : memref<1x1x1001xf32, #tpu.memory_space<vmem>>, vector<1x1x1001xf32>
    %swap3A_144 = vector.shape_cast %swap3A_143 : vector<1x1x1001xf32> to vector<1x1001xf32>
    %swap3A_145 = vector.shape_cast %add3A_139 : vector<1x1001xf32> to vector<1x1x1001xf32>
    tpu.vector_store %arg36[%swap3A_140, %swap3A_141, %swap3A_142], %swap3A_145 {strides = array<i32>} : memref<1x1x1001xf32, #tpu.memory_space<vmem>>, vector<1x1x1001xf32>,
    %get3A_146 = arith.constant 0 : index
    %get3A_147 = arith.constant 0 : index
    %get3A_148 = vector.load %arg22[%get3A_146, %get3A_147] : memref<256x128xf32, #tpu.memory_space<vmem>>, vector<256x128xf32>
    %convert_element_type3A_149 = arith.truncf %add3A_47 : vector<512x256xf32> to vector<512x256xbf16>
    %convert_element_type3A_150 = arith.truncf %get3A_148 : vector<256x128xf32> to vector<256x128xbf16>
    %dot_general3A_151 = arith.constant dense<0.000000e+00> : vector<512x128xf32>
    %dot_general3A_152 = tpu.matmul %convert_element_type3A_149, %convert_element_type3A_150, %dot_general3A_151 {dimension_numbers = #tpu.dot_dimension_numbers<[1], [0], [0], [1], [0, 0, 1, 1], [], []>, transpose_lhs_hint = false} : vector<512x256xbf16>, vector<256x128xbf16>, vector<512x128xf32> -> vector<512x128xf32>
    %get3A_153 = arith.constant 0 : index
    %get3A_154 = arith.constant 0 : index
    %get3A_155 = vector.load %arg23[%get3A_153, %get3A_154] : memref<1x128xf32, #tpu.memory_space<vmem>>, vector<1x128xf32>
    %add3A_156 = vector.broadcast %get3A_155 : vector<1x128xf32> to vector<512x128xf32>
    %add3A_157 = arith.addf %dot_general3A_152, %add3A_156 : vector<512x128xf32>
    %max3A_158 = arith.constant 0.000000e+00 : f32
    %max3A_159 = vector.broadcast %max3A_158 : f32 to vector<512x128xf32>
    %max3A_160 = arith.maximumf %add3A_157, %max3A_159 : vector<512x128xf32>
    %get3A_161 = arith.constant 0 : index
    %get3A_162 = arith.constant 0 : index
    %get3A_163 = vector.load %arg24[%get3A_161, %get3A_162] : memref<128x16xf32, #tpu.memory_space<vmem>>, vector<128x16xf32>
    %convert_element_type3A_164 = arith.truncf %max3A_160 : vector<512x128xf32> to vector<512x128xbf16>
    %convert_element_type3A_165 = arith.truncf %get3A_163 : vector<128x16xf32> to vector<128x16xbf16>
    %dot_general3A_166 = arith.constant dense<0.000000e+00> : vector<512x16xf32>
    %dot_general3A_167 = tpu.matmul %convert_element_type3A_164, %convert_element_type3A_165, %dot_general3A_166 {dimension_numbers = #tpu.dot_dimension_numbers<[1], [0], [0], [1], [0, 0, 1, 1], [], []>, transpose_lhs_hint = false} : vector<512x128xbf16>, vector<128x16xbf16>, vector<512x16xf32> -> vector<512x16xf32>
    %get3A_168 = arith.constant 0 : index
    %get3A_169 = arith.constant 0 : index
    %get3A_170 = vector.load %arg25[%get3A_168, %get3A_169] : memref<1x16xf32, #tpu.memory_space<vmem>>, vector<1x16xf32>
    %add3A_171 = vector.broadcast %get3A_170 : vector<1x16xf32> to vector<512x16xf32>
    %add3A_172 = arith.addf %dot_general3A_167, %add3A_171 : vector<512x16xf32>
    %max3A_173 = arith.constant 0.000000e+00 : f32
    %max3A_174 = vector.broadcast %max3A_173 : f32 to vector<512x16xf32>
    %max3A_175 = arith.maximumf %add3A_172, %max3A_174 : vector<512x16xf32>
    %get3A_176 = arith.constant 0 : index
    %get3A_177 = arith.constant 0 : index
    %get3A_178 = vector.load %arg26[%get3A_176, %get3A_177] : memref<16x1001xf32, #tpu.memory_space<vmem>>, vector<16x1001xf32>
    %convert_element_type3A_179 = arith.truncf %max3A_175 : vector<512x16xf32> to vector<512x16xbf16>
    %convert_element_type3A_180 = arith.truncf %get3A_178 : vector<16x1001xf32> to vector<16x1001xbf16>
    %dot_general3A_181 = arith.constant dense<0.000000e+00> : vector<512x1001xf32>
    %dot_general3A_182 = tpu.matmul %convert_element_type3A_179, %convert_element_type3A_180, %dot_general3A_181 {dimension_numbers = #tpu.dot_dimension_numbers<[1], [0], [0], [1], [0, 0, 1, 1], [], []>, transpose_lhs_hint = false} : vector<512x16xbf16>, vector<16x1001xbf16>, vector<512x1001xf32> -> vector<512x1001xf32>
    %get3A_183 = arith.constant 0 : index
    %get3A_184 = arith.constant 0 : index
    %get3A_185 = vector.load %arg27[%get3A_183, %get3A_184] : memref<1x1001xf32, #tpu.memory_space<vmem>>, vector<1x1001xf32>
    %add3A_186 = vector.broadcast %get3A_185 : vector<1x1001xf32> to vector<512x1001xf32>
    %add3A_187 = arith.addf %dot_general3A_182, %add3A_186 : vector<512x1001xf32>
    %swap3A_188 = arith.constant 0 : index
    %swap3A_189 = arith.constant 0 : index
    %swap3A_190 = arith.constant 0 : index
    %swap3A_191 = vector.load %arg37[%swap3A_188, %swap3A_189, %swap3A_190] : memref<1x512x1001xf32, #tpu.memory_space<vmem>>, vector<1x512x1001xf32>
    %swap3A_192 = vector.shape_cast %swap3A_191 : vector<1x512x1001xf32> to vector<512x1001xf32>
    %swap3A_193 = vector.shape_cast %add3A_187 : vector<512x1001xf32> to vector<1x512x1001xf32>
    tpu.vector_store %arg37[%swap3A_188, %swap3A_189, %swap3A_190], %swap3A_193 {strides = array<i32>} : memref<1x512x1001xf32, #tpu.memory_space<vmem>>, vector<1x512x1001xf32>,
    %get3A_194 = arith.constant 0 : index
    %get3A_195 = arith.constant 0 : index
    %get3A_196 = vector.load %arg28[%get3A_194, %get3A_195] : memref<256x128xf32, #tpu.memory_space<vmem>>, vector<256x128xf32>
    %convert_element_type3A_197 = arith.truncf %add3A_47 : vector<512x256xf32> to vector<512x256xbf16>
    %convert_element_type3A_198 = arith.truncf %get3A_196 : vector<256x128xf32> to vector<256x128xbf16>
    %dot_general3A_199 = arith.constant dense<0.000000e+00> : vector<512x128xf32>
    %dot_general3A_200 = tpu.matmul %convert_element_type3A_197, %convert_element_type3A_198, %dot_general3A_199 {dimension_numbers = #tpu.dot_dimension_numbers<[1], [0], [0], [1], [0, 0, 1, 1], [], []>, transpose_lhs_hint = false} : vector<512x256xbf16>, vector<256x128xbf16>, vector<512x128xf32> -> vector<512x128xf32>
    %get3A_201 = arith.constant 0 : index
    %get3A_202 = arith.constant 0 : index
    %get3A_203 = vector.load %arg29[%get3A_201, %get3A_202] : memref<1x128xf32, #tpu.memory_space<vmem>>, vector<1x128xf32>
    %add3A_204 = vector.broadcast %get3A_203 : vector<1x128xf32> to vector<512x128xf32>
    %add3A_205 = arith.addf %dot_general3A_200, %add3A_204 : vector<512x128xf32>
    %max3A_206 = arith.constant 0.000000e+00 : f32
    %max3A_207 = vector.broadcast %max3A_206 : f32 to vector<512x128xf32>
    %max3A_208 = arith.maximumf %add3A_205, %max3A_207 : vector<512x128xf32>
    %get3A_209 = arith.constant 0 : index
    %get3A_210 = arith.constant 0 : index
    %get3A_211 = vector.load %arg30[%get3A_209, %get3A_210] : memref<128x64xf32, #tpu.memory_space<vmem>>, vector<128x64xf32>
    %convert_element_type3A_212 = arith.truncf %max3A_208 : vector<512x128xf32> to vector<512x128xbf16>
    %convert_element_type3A_213 = arith.truncf %get3A_211 : vector<128x64xf32> to vector<128x64xbf16>
    %dot_general3A_214 = arith.constant dense<0.000000e+00> : vector<512x64xf32>
    %dot_general3A_215 = tpu.matmul %convert_element_type3A_212, %convert_element_type3A_213, %dot_general3A_214 {dimension_numbers = #tpu.dot_dimension_numbers<[1], [0], [0], [1], [0, 0, 1, 1], [], []>, transpose_lhs_hint = false} : vector<512x128xbf16>, vector<128x64xbf16>, vector<512x64xf32> -> vector<512x64xf32>
    %get3A_216 = arith.constant 0 : index
    %get3A_217 = arith.constant 0 : index
    %get3A_218 = vector.load %arg31[%get3A_216, %get3A_217] : memref<1x64xf32, #tpu.memory_space<vmem>>, vector<1x64xf32>
    %add3A_219 = vector.broadcast %get3A_218 : vector<1x64xf32> to vector<512x64xf32>
    %add3A_220 = arith.addf %dot_general3A_215, %add3A_219 : vector<512x64xf32>
    %max3A_221 = arith.constant 0.000000e+00 : f32
    %max3A_222 = vector.broadcast %max3A_221 : f32 to vector<512x64xf32>
    %max3A_223 = arith.maximumf %add3A_220, %max3A_222 : vector<512x64xf32>
    %get3A_224 = arith.constant 0 : index
    %get3A_225 = arith.constant 0 : index
    %get3A_226 = vector.load %arg32[%get3A_224, %get3A_225] : memref<64x2xf32, #tpu.memory_space<vmem>>, vector<64x2xf32>
    %convert_element_type3A_227 = arith.truncf %max3A_223 : vector<512x64xf32> to vector<512x64xbf16>
    %convert_element_type3A_228 = arith.truncf %get3A_226 : vector<64x2xf32> to vector<64x2xbf16>
    %dot_general3A_229 = arith.constant dense<0.000000e+00> : vector<512x2xf32>
    %dot_general3A_230 = tpu.matmul %convert_element_type3A_227, %convert_element_type3A_228, %dot_general3A_229 {dimension_numbers = #tpu.dot_dimension_numbers<[1], [0], [0], [1], [0, 0, 1, 1], [], []>, transpose_lhs_hint = false} : vector<512x64xbf16>, vector<64x2xbf16>, vector<512x2xf32> -> vector<512x2xf32>
    %get3A_231 = arith.constant 0 : index
    %get3A_232 = arith.constant 0 : index
    %get3A_233 = vector.load %arg33[%get3A_231, %get3A_232] : memref<1x2xf32, #tpu.memory_space<vmem>>, vector<1x2xf32>
    %add3A_234 = vector.broadcast %get3A_233 : vector<1x2xf32> to vector<512x2xf32>
    %add3A_235 = arith.addf %dot_general3A_230, %add3A_234 : vector<512x2xf32>
    %swap3A_236 = arith.constant 0 : index
    %swap3A_237 = arith.constant 0 : index
    %swap3A_238 = arith.constant 0 : index
    %swap3A_239 = vector.load %arg38[%swap3A_236, %swap3A_237, %swap3A_238] : memref<1x512x2xf32, #tpu.memory_space<vmem>>, vector<1x512x2xf32>
    %swap3A_240 = vector.shape_cast %swap3A_239 : vector<1x512x2xf32> to vector<512x2xf32>
    %swap3A_241 = vector.shape_cast %add3A_235 : vector<512x2xf32> to vector<1x512x2xf32>
    tpu.vector_store %arg38[%swap3A_236, %swap3A_237, %swap3A_238], %swap3A_241 {strides = array<i32>} : memref<1x512x2xf32, #tpu.memory_space<vmem>>, vector<1x512x2xf32>,
    return
  }
  func.func @transform_0(%arg0: i32) -> (i32, i32, i32) {
    %c0_i32 = arith.constant 0 : i32
    %c0_i32_0 = arith.constant 0 : i32
    %c0_i32_1 = arith.constant 0 : i32
    return %arg0, %c0_i32, %c0_i32_0 : i32, i32, i32
  }
  func.func @transform_1(%arg0: i32) -> (i32, i32, i32) {
    %min3A = arith.constant 1 : i32
    %min3A_0 = arith.minsi %arg0, %min3A : i32
    %c0_i32 = arith.constant 0 : i32
    %c0_i32_1 = arith.constant 0 : i32
    %c0_i32_2 = arith.constant 0 : i32
    return %min3A_0, %c0_i32, %c0_i32_1 : i32, i32, i32
  }
  func.func @transform_2(%arg0: i32) -> (i32, i32, i32) {
    %c0_i32 = arith.constant 0 : i32
    %c0_i32_0 = arith.constant 0 : i32
    %c0_i32_1 = arith.constant 0 : i32
    return %arg0, %c0_i32, %c0_i32_0 : i32, i32, i32
  }
  func.func @transform_3(%arg0: i32) -> (i32, i32, i32) {
    %c0_i32 = arith.constant 0 : i32
    %c0_i32_0 = arith.constant 0 : i32
    %c0_i32_1 = arith.constant 0 : i32
    return %arg0, %c0_i32, %c0_i32_0 : i32, i32, i32
  }
  func.func @transform_4(%arg0: i32) -> (i32, i32, i32) {
    %c0_i32 = arith.constant 0 : i32
    %c0_i32_0 = arith.constant 0 : i32
    %c0_i32_1 = arith.constant 0 : i32
    return %arg0, %c0_i32, %c0_i32_0 : i32, i32, i32
  }
  func.func @transform_5(%arg0: i32) -> (i32, i32) {
    %c0_i32 = arith.constant 0 : i32
    %c0_i32_0 = arith.constant 0 : i32
    %c0_i32_1 = arith.constant 0 : i32
    return %c0_i32, %c0_i32_0 : i32, i32
  }
  func.func @transform_6(%arg0: i32) -> (i32, i32) {
    %c0_i32 = arith.constant 0 : i32
    %c0_i32_0 = arith.constant 0 : i32
    %c0_i32_1 = arith.constant 0 : i32
    return %c0_i32, %c0_i32_0 : i32, i32
  }
  func.func @transform_7(%arg0: i32) -> (i32, i32) {
    %c0_i32 = arith.constant 0 : i32
    %c0_i32_0 = arith.constant 0 : i32
    %c0_i32_1 = arith.constant 0 : i32
    return %c0_i32, %c0_i32_0 : i32, i32
  }
  func.func @transform_8(%arg0: i32) -> (i32, i32) {
    %c0_i32 = arith.constant 0 : i32
    %c0_i32_0 = arith.constant 0 : i32
    %c0_i32_1 = arith.constant 0 : i32
    return %c0_i32, %c0_i32_0 : i32, i32
  }
  func.func @transform_9(%arg0: i32) -> (i32, i32) {
    %c0_i32 = arith.constant 0 : i32
    %c0_i32_0 = arith.constant 0 : i32
    %c0_i32_1 = arith.constant 0 : i32
    return %c0_i32, %c0_i32_0 : i32, i32
  }
  func.func @transform_10(%arg0: i32) -> (i32, i32) {
    %c0_i32 = arith.constant 0 : i32
    %c0_i32_0 = arith.constant 0 : i32
    %c0_i32_1 = arith.constant 0 : i32
    return %c0_i32, %c0_i32_0 : i32, i32
  }
  func.func @transform_11(%arg0: i32) -> (i32, i32) {
    %c0_i32 = arith.constant 0 : i32
    %c0_i32_0 = arith.constant 0 : i32
    %c0_i32_1 = arith.constant 0 : i32
    return %c0_i32, %c0_i32_0 : i32, i32
  }
  func.func @transform_12(%arg0: i32) -> (i32, i32) {
    %c0_i32 = arith.constant 0 : i32
    %c0_i32_0 = arith.constant 0 : i32
    %c0_i32_1 = arith.constant 0 : i32
    return %c0_i32, %c0_i32_0 : i32, i32
  }
  func.func @transform_13(%arg0: i32) -> (i32, i32) {
    %c0_i32 = arith.constant 0 : i32
    %c0_i32_0 = arith.constant 0 : i32
    %c0_i32_1 = arith.constant 0 : i32
    return %c0_i32, %c0_i32_0 : i32, i32
  }
  func.func @transform_14(%arg0: i32) -> (i32, i32) {
    %c0_i32 = arith.constant 0 : i32
    %c0_i32_0 = arith.constant 0 : i32
    %c0_i32_1 = arith.constant 0 : i32
    return %c0_i32, %c0_i32_0 : i32, i32
  }
  func.func @transform_15(%arg0: i32) -> (i32, i32) {
    %c0_i32 = arith.constant 0 : i32
    %c0_i32_0 = arith.constant 0 : i32
    %c0_i32_1 = arith.constant 0 : i32
    return %c0_i32, %c0_i32_0 : i32, i32
  }
  func.func @transform_16(%arg0: i32) -> (i32, i32) {
    %c0_i32 = arith.constant 0 : i32
    %c0_i32_0 = arith.constant 0 : i32
    %c0_i32_1 = arith.constant 0 : i32
    return %c0_i32, %c0_i32_0 : i32, i32
  }
  func.func @transform_17(%arg0: i32) -> (i32, i32) {
    %c0_i32 = arith.constant 0 : i32
    %c0_i32_0 = arith.constant 0 : i32
    %c0_i32_1 = arith.constant 0 : i32
    return %c0_i32, %c0_i32_0 : i32, i32
  }
  func.func @transform_18(%arg0: i32) -> (i32, i32) {
    %c0_i32 = arith.constant 0 : i32
    %c0_i32_0 = arith.constant 0 : i32
    %c0_i32_1 = arith.constant 0 : i32
    return %c0_i32, %c0_i32_0 : i32, i32
  }
  func.func @transform_19(%arg0: i32) -> (i32, i32) {
    %c0_i32 = arith.constant 0 : i32
    %c0_i32_0 = arith.constant 0 : i32
    %c0_i32_1 = arith.constant 0 : i32
    return %c0_i32, %c0_i32_0 : i32, i32
  }
  func.func @transform_20(%arg0: i32) -> (i32, i32) {
    %c0_i32 = arith.constant 0 : i32
    %c0_i32_0 = arith.constant 0 : i32
    %c0_i32_1 = arith.constant 0 : i32
    return %c0_i32, %c0_i32_0 : i32, i32
  }
  func.func @transform_21(%arg0: i32) -> (i32, i32) {
    %c0_i32 = arith.constant 0 : i32
    %c0_i32_0 = arith.constant 0 : i32
    %c0_i32_1 = arith.constant 0 : i32
    return %c0_i32, %c0_i32_0 : i32, i32
  }
  func.func @transform_22(%arg0: i32) -> (i32, i32) {
    %c0_i32 = arith.constant 0 : i32
    %c0_i32_0 = arith.constant 0 : i32
    %c0_i32_1 = arith.constant 0 : i32
    return %c0_i32, %c0_i32_0 : i32, i32
  }
  func.func @transform_23(%arg0: i32) -> (i32, i32) {
    %c0_i32 = arith.constant 0 : i32
    %c0_i32_0 = arith.constant 0 : i32
    %c0_i32_1 = arith.constant 0 : i32
    return %c0_i32, %c0_i32_0 : i32, i32
  }
  func.func @transform_24(%arg0: i32) -> (i32, i32) {
    %c0_i32 = arith.constant 0 : i32
    %c0_i32_0 = arith.constant 0 : i32
    %c0_i32_1 = arith.constant 0 : i32
    return %c0_i32, %c0_i32_0 : i32, i32
  }
  func.func @transform_25(%arg0: i32) -> (i32, i32) {
    %c0_i32 = arith.constant 0 : i32
    %c0_i32_0 = arith.constant 0 : i32
    %c0_i32_1 = arith.constant 0 : i32
    return %c0_i32, %c0_i32_0 : i32, i32
  }
  func.func @transform_26(%arg0: i32) -> (i32, i32) {
    %c0_i32 = arith.constant 0 : i32
    %c0_i32_0 = arith.constant 0 : i32
    %c0_i32_1 = arith.constant 0 : i32
    return %c0_i32, %c0_i32_0 : i32, i32
  }
  func.func @transform_27(%arg0: i32) -> (i32, i32) {
    %c0_i32 = arith.constant 0 : i32
    %c0_i32_0 = arith.constant 0 : i32
    %c0_i32_1 = arith.constant 0 : i32
    return %c0_i32, %c0_i32_0 : i32, i32
  }
  func.func @transform_28(%arg0: i32) -> (i32, i32) {
    %c0_i32 = arith.constant 0 : i32
    %c0_i32_0 = arith.constant 0 : i32
    %c0_i32_1 = arith.constant 0 : i32
    return %c0_i32, %c0_i32_0 : i32, i32
  }
  func.func @transform_29(%arg0: i32) -> (i32, i32) {
    %c0_i32 = arith.constant 0 : i32
    %c0_i32_0 = arith.constant 0 : i32
    %c0_i32_1 = arith.constant 0 : i32
    return %c0_i32, %c0_i32_0 : i32, i32
  }
  func.func @transform_30(%arg0: i32) -> (i32, i32) {
    %c0_i32 = arith.constant 0 : i32
    %c0_i32_0 = arith.constant 0 : i32
    %c0_i32_1 = arith.constant 0 : i32
    return %c0_i32, %c0_i32_0 : i32, i32
  }
  func.func @transform_31(%arg0: i32) -> (i32, i32) {
    %c0_i32 = arith.constant 0 : i32
    %c0_i32_0 = arith.constant 0 : i32
    %c0_i32_1 = arith.constant 0 : i32
    return %c0_i32, %c0_i32_0 : i32, i32
  }
  func.func @transform_32(%arg0: i32) -> (i32, i32) {
    %c0_i32 = arith.constant 0 : i32
    %c0_i32_0 = arith.constant 0 : i32
    %c0_i32_1 = arith.constant 0 : i32
    return %c0_i32, %c0_i32_0 : i32, i32
  }
  func.func @transform_33(%arg0: i32) -> (i32, i32, i32) {
    %c0_i32 = arith.constant 0 : i32
    %c0_i32_0 = arith.constant 0 : i32
    %c0_i32_1 = arith.constant 0 : i32
    return %arg0, %c0_i32, %c0_i32_0 : i32, i32, i32
  }
  func.func @transform_34(%arg0: i32) -> (i32, i32, i32) {
    %c0_i32 = arith.constant 0 : i32
    %c0_i32_0 = arith.constant 0 : i32
    %c0_i32_1 = arith.constant 0 : i32
    return %arg0, %c0_i32, %c0_i32_0 : i32, i32, i32
  }
  func.func @transform_35(%arg0: i32) -> (i32, i32, i32) {
    %c0_i32 = arith.constant 0 : i32
    %c0_i32_0 = arith.constant 0 : i32
    %c0_i32_1 = arith.constant 0 : i32
    return %arg0, %c0_i32, %c0_i32_0 : i32, i32, i32
  }
  func.func @transform_36(%arg0: i32) -> (i32, i32, i32) {
    %c0_i32 = arith.constant 0 : i32
    %c0_i32_0 = arith.constant 0 : i32
    %c0_i32_1 = arith.constant 0 : i32
    return %arg0, %c0_i32, %c0_i32_0 : i32, i32, i32
  }
  func.func @transform_37(%arg0: i32) -> (i32, i32, i32) {
    %c0_i32 = arith.constant 0 : i32
    %c0_i32_0 = arith.constant 0 : i32
    %c0_i32_1 = arith.constant 0 : i32
    return %arg0, %c0_i32, %c0_i32_0 : i32, i32, i32
  }
}

</mosaic_0001>

<sc_bundles>
// kernel: kernel.11.cloned.1.call-start
scs
__scs_entry_jumppad:
0x0: {  	(pc) =	sbr.rel $0x88, $3  }
0x1: {  	(tag) =	ssettag $0x0;
	lr =	simm.s32 $0x1  }
0x2: {  	[smem:$0x3F77] =	sst lr;
	_ =	strace $0xD0000000  }
0x3: {  	_ = 	snop  }
0x4: {  	_ = 	snop  }
0x5: {  	_ = 	snop  }
0x6: {  	_ = 	snop  }
0x7: {  	_ = 	snop  }
__scs_overlays_trampoline_lowered:
0x8: {  	[smem:$0x3F86] =	sst s0  }
0x9: {  	[smem:$0x3F87] =	sst s1  }
0xa: {  	[smem:$0x3F88] =	sst s2  }
0xb: {  	[smem:$0x3F89] =	sst s3  }
0xc: {  	[smem:$0x3F8A] =	sst s4  }
0xd: {  	[smem:$0x3F8B] =	sst s5  }
0xe: {  	[smem:$0x3F8C] =	sst s6  }
0xf: {  	[smem:$0x3F8D] =	sst s7  }
0x10: {  	[smem:$0x3F8E] =	sst s8  }
0x11: {  	[smem:$0x3F8F] =	sst s9;
	s0 =	simm.s32 @!p0 $0x0  }
0x12: {  	s1 =	sld [smem:$0x3F75];
	s0 =	simm.s32 @p0 $0x1  }
0x13: {  	[smem:$0x3F90] =	sst s0;
	s0 =	simm.s32 @!p1 $0x0  }
0x14: {  	s2 =	sld [smem:$0x3F74];
	s0 =	simm.s32 @p1 $0x1  }
0x15: {  	[smem:$0x3F91] =	sst s0;
	s0 =	simm.s32 @!p2 $0x0  }
0x16: {  	s3 =	sld [smem:$0x3FDB];
	s0 =	simm.s32 @p2 $0x1  }
0x17: {  	s4 =	simm.s32 $0x1BF5;
	[smem:$0x3F93] =	sst s0  }
0x18: {  	s0 =	sld [smem:$0x3F76];
	_ =	swait.ge [sflag:s4], $0x0  }
0x19: {  	s7 =	sld [smem:$0x3F77]  }
0x1a: {  	s8 =	sadd.s32 $0xFFFFE003, lr  }
0x1b: {  	s9 =	sadd.s32 $0xFFFFFEF7, lr;
	s5 =	simm.s32 $0xFFFFFFFF;
	p2 =	slt.u32 s8, $0xFFFFF086  }
0x1c: {  	p1 =	slt.u32 s9, $0xF7A;
	s5 =	simm.s32 @!p2 $0x0  }
0x1d: {  	s5 =	simm.s32 @p1 $0x1;
	p0 =	seq.s32 s7, s2  }
0x1e: {  	s7 =	smul.u32 @!p0 $0xF7A, s2;
	p2 =	seq.s32 @!p0 s5, $0x0  }
0x1f: {  	s9 =	smul.u32 $0xF7A, s1;
	s8 =	simm.s32 @!p0 $0x1BF5;
	p2 =	por !p2, p0  }
0x20: {  	[sflag:s8] =	ssyncset.s32 @!p0 $0xFFFFF086;
	s6 =	sadd.s32 @!p0 s3, s7;
	s7 =	simm.s32 @!p0 $0x108  }
0x21: {  	s3 =	sadd.s32 s3, s9;
	s6 =	sadd.s32 @!p0 $0x88, s6;
	s7 =	simm.s32 @p2 $0x1082  }
0x22: {  	[simem:s7], [sflag:s8] =	dma.local @!p0 [hbm:s6], $0xF7A  }
0x23: {  	s9 =	sor.u32 $0xD0000000, s2;
	s6 =	simm.s32 $0x108;
	_ =	swait.ge @!p0 [sflag:s8], $0x0  }
0x24: {  	s3 =	sadd.s32 $0x88, s3;
	s6 =	simm.s32 @!p1 $0x1082;
	[sflag:s4] =	ssyncset.s32 $0xFFFFF086  }
0x25: {  	[simem:s6], [sflag:s4] =	dma.local [hbm:s3], $0xF7A  }
0x26: {  	[smem:$0x3F77] =	sst s1;
	(tag) =	ssettag s2;
	_ =	strace s9  }
0x27: {  	s1 =	sld [smem:$0x3F87]  }
0x28: {  	s2 =	sld [smem:$0x3F88]  }
0x29: {  	s4 =	sld [smem:$0x3F8A]  }
0x2a: {  	p0 =	seq.s32 s5, $0x0;
	s5 =	sld [smem:$0x3F8B]  }
0x2b: {  	s6 =	sld [smem:$0x3F8C]  }
0x2c: {  	s7 =	sld [smem:$0x3F8D]  }
0x2d: {  	s3 =	simm.s32 $0x108;
	s8 =	sld [smem:$0x3F8E]  }
0x2e: {  	s3 =	simm.s32 @!p0 $0x1082;
	s9 =	sld [smem:$0x3F8F]  }
0x2f: {  	lr =	sadd.s32 s0, s3;
	s0 =	sld [smem:$0x3F86]  }
0x30: {  	s3 =	sld [smem:$0x3F89]  }
0x31: {  	[smem:$0x3F92] =	sst s10  }
0x32: {  	s10 =	sld [smem:$0x3F90];
	_ =	sdelay $0x3  }
0x33: {  	p0 =	seq.s32 s10, $0x1;
	s10 =	sld [smem:$0x3F92];
	_ =	sdelay $0x3  }
0x34: {  	[smem:$0x3F92] =	sst s10  }
0x35: {  	s10 =	sld [smem:$0x3F91];
	_ =	sdelay $0x3  }
0x36: {  	p1 =	seq.s32 s10, $0x1;
	s10 =	sld [smem:$0x3F92];
	_ =	sdelay $0x3  }
0x37: {  	[smem:$0x3F92] =	sst s10  }
0x38: {  	s10 =	sld [smem:$0x3F93]  }
0x39: {  	_ = 	snop;
	(pc) =	sbr.ind lr, $3  }
0x3a: {  	_ = 	snop  }
0x3b: {  	_ = 	snop  }
0x3c: {  	p2 =	seq.s32 s10, $0x1;
	s10 =	sld [smem:$0x3F92]  }
0x3d: {  	_ =	shalt  }
0x3e: {  	_ =	shalt  }
0x3f: {  	_ =	shalt  }
0x40: {  	_ =	shalt  }
0x41: {  	_ =	shalt  }
0x42: {  	_ =	shalt  }
0x43: {  	_ =	shalt  }
0x44: {  	_ =	shalt  }
0x45: {  	_ =	shalt  }
0x46: {  	_ =	shalt  }
0x47: {  	_ =	shalt  }
0x48: {  	_ =	shalt  }
0x49: {  	_ =	shalt  }
0x4a: {  	_ =	shalt  }
0x4b: {  	_ =	shalt  }
0x4c: {  	_ =	shalt  }
0x4d: {  	_ =	shalt  }
0x4e: {  	_ =	shalt  }
0x4f: {  	_ =	shalt  }
0x50: {  	_ =	shalt  }
0x51: {  	_ =	shalt  }
0x52: {  	_ =	shalt  }
0x53: {  	_ =	shalt  }
0x54: {  	_ =	shalt  }
0x55: {  	_ =	shalt  }
0x56: {  	_ =	shalt  }
0x57: {  	_ =	shalt  }
0x58: {  	_ =	shalt  }
0x59: {  	_ =	shalt  }
0x5a: {  	_ =	shalt  }
0x5b: {  	_ =	shalt  }
0x5c: {  	_ =	shalt  }
0x5d: {  	_ =	shalt  }
0x5e: {  	_ =	shalt  }
0x5f: {  	_ =	shalt  }
0x60: {  	_ =	shalt  }
0x61: {  	_ =	shalt  }
0x62: {  	_ =	shalt  }
0x63: {  	_ =	shalt  }
0x64: {  	_ =	shalt  }
0x65: {  	_ =	shalt  }
0x66: {  	_ =	shalt  }
0x67: {  	_ =	shalt  }
0x68: {  	_ =	shalt  }
0x69: {  	_ =	shalt  }
0x6a: {  	_ =	shalt  }
0x6b: {  	_ =	shalt  }
0x6c: {  	_ =	shalt  }
0x6d: {  	_ =	shalt  }
0x6e: {  	_ =	shalt  }
0x6f: {  	_ =	shalt  }
0x70: {  	_ =	shalt  }
0x71: {  	_ =	shalt  }
0x72: {  	_ =	shalt  }
0x73: {  	_ =	shalt  }
0x74: {  	_ =	shalt  }
0x75: {  	_ =	shalt  }
0x76: {  	_ =	shalt  }
0x77: {  	_ =	shalt  }
0x78: {  	_ =	shalt  }
0x79: {  	_ =	shalt  }
0x7a: {  	_ =	shalt  }
0x7b: {  	_ =	shalt  }
0x7c: {  	_ =	shalt  }
0x7d: {  	_ =	shalt  }
0x7e: {  	_ =	shalt  }
0x7f: {  	_ =	shalt  }
0x80: {  	_ =	shalt  }
0x81: {  	_ =	shalt  }
0x82: {  	_ =	shalt  }
0x83: {  	_ =	shalt  }
0x84: {  	_ =	shalt  }
0x85: {  	_ =	shalt  }
0x86: {  	_ =	shalt  }
0x87: {  	_ =	shalt  }
.Lfunc_end0:
.L_simem_size_0:
called_computation.1_lowered:
.L_overlay_start_0:
0x88: {  	s2 =	sld [smem:$0x3FD9]  }
0x89: {  	s3 =	sld [smem:$0x3FFE];
	_ =	sdelay $0x1  }
0x8a: {  	s1 =	srdreg.scid  }
0x8b: {  	s0 =	sand.u32 $0x1, s1  }
0x8c: {  	s14 =	sshll.u32 s0, $0xA;
	s2 =	sadd.s32 s3, s2  }
0x8d: {  	s2 =	sadd.s32 s2, s14  }
0x8e: {  	[smem:$0x3F9E] =	sst s2  }
0x8f: {  	_ = 	snop  }
0x90: {  	s2 =	sld [smem:$0x3FD0];
	_ =	sdelay $0x2  }
0x91: {  	s15 =	simm.s32 $0xA;
	s4 =	simm.s32 $0x10  }
0x92: {  	[smem:s4], [sflag:s15] =	dma.local [hbm:s2], $0x1  }
0x93: {  	_ =	swait.eq [sflag:s15], $0x1  }
0x94: {  	[sflag:s15] =	ssyncset.done $0x0  }
0x95: {  	s16 =	sld [smem:$0x10];
	[sflag:s15] =	ssyncadd.s32 $0xFFFFFFFF  }
0x96: {  	s17 =	sld [smem:$0x13];
	(tm) =	ssettm $0x1  }
0x97: {  	s18 =	sld [smem:$0x3FFB];
	_ =	sdelay $0x3  }
0x98: {  	_ =	strace s18  }
0x99: {  	s4 =	sld [smem:$0x3FFC];
	_ =	sdelay $0x3  }
0x9a: {  	_ =	strace s4  }
0x9b: {  	s4 =	sld [smem:$0x3FFD];
	_ =	sdelay $0x3  }
0x9c: {  	_ =	strace s4  }
0x9d: {  	_ =	strace $0x8FFFFFFF  }
0x9e: {  	s19 =	sld [smem:$0x3FDB];
	_ =	sdelay $0x1  }
0x9f: {  	s5 =	simm.s32 $_scs_section_size  }
0xa0: {  	s6 =	simm.s32 $_size__tile_overlayer_lowered;
	s7 =	simm.s32 $_tile_overlayer_lowered  }
0xa1: {  	s22 =	simm.s32 $0x1BFF;
	s21 =	sshll.u32 s7, $0x1;
	s4 =	sadd.s32 s5, s19  }
0xa2: {  	s8 =	simm.s32 $0x0;
	s20 =	sshll.u32 s6, $0x1;
	s6 =	sadd.s32 s21, s4  }
0xa3: {  	[timem:s8], [sflag:s22] =	dma.local [hbm:s6], s20  }
0xa4: {  	_ =	swait.ge [sflag:s22], s20  }
0xa5: {  	s5 =	ssub.s32 $0x0, s20;
	[sflag:s22] =	ssyncset.done $0x0  }
0xa6: {  	[sflag:s22] =	ssyncadd.s32 s5;
	_ =	sdelay $0x1  }
0xa7: {  	s23 =	simm.s32 $0x1B8B  }
0xa8: {  	_ =	swait.ge [sflag:s23], $0x1  }
0xa9: {  	[sflag:s23] =	ssyncset.done $0x0  }
0xaa: {  	s25 =	simm.s32 $0x1B8E;
	s24 =	sld [smem:$0x3FFE];
	[sflag:s23] =	ssyncadd.s32 $0xFFFFFFFF  }
0xab: {  	s26 =	simm.s32 $execute0_lowered;
	[smem:$0x3FD2] =	sst s25  }
0xac: {  	s6 =	sshll.u32 s26, $0x1;
	_ =	strace $0x80000049;
	[dreg:$0x1] =	wrdreg $0xFFFFFFFF  }
0xad: {  	s28 =	simm.s32 $_size_execute0_lowered;
	s4 =	sadd.s32 s4, s6;
	[dreg:$0x0] =	wrdreg $0x0  }
0xae: {  	s6 =	sshll.u32 s28, $0x1;
	[dreg:$0x2] =	wrdreg s4  }
0xaf: {  	[dreg:$0x3] =	wrdreg s6  }
0xb0: {  	[dreg:$0x4] =	wrdreg $0xC0  }
0xb1: {  	_ =	task [dreg:s8], $0x5FFFF  }
0xb2: {  	[dreg:$0x1] =	wrdreg $0xFFFFFFFF  }
0xb3: {  	[dreg:$0x0] =	wrdreg $0x60  }
0xb4: {  	[dreg:$0x2] =	wrdreg s16  }
0xb5: {  	[dreg:$0x3] =	wrdreg s17  }
0xb6: {  	[dreg:$0x4] =	wrdreg s24  }
0xb7: {  	[dreg:$0x5] =	wrdreg $0x9  }
0xb8: {  	_ =	task.clear_ibuf [dreg:s8], $0x6FFFF;
	_ =	strace $0x90000049  }
0xb9: {  	s29 =	simm.s32 $0x9;
	_ =	strace $0x8000004B  }
0xba: {  	_ =	swait.ge [sflag:s29], $0x1  }
0xbb: {  	[sflag:s29] =	ssyncadd.s32 $0xFFFFFFFF  }
0xbc: {  	_ =	strace $0x9000004B  }
0xbd: {  	_ =	sfence  }
0xbe: {  	s30 =	sld [smem:$0x0];
	_ =	sdelay $0x2  }
0xbf: {  	s31 =	sshll.u32 s1, $0xD;
	s1 =	sshrl.u32 s1, $0x2  }
0xc0: {  	s3 =	sand.u32 $0x4000, s31;
	s1 =	sadd.s32 s1, s30  }
0xc1: {  	s0 =	sor.u32 s3, s0;
	s1 =	sshll.u32 s1, $0x11  }
0xc2: {  	s0 =	sor.u32 s1, s0  }
0xc3: {  	s0 =	sadd.s32 $0x8F2B, s0  }
0xc4: {  	[sflag:s0] =	ssyncadd.remote.s32 $0x1  }
0xc5: {  	_ =	sfence.sel $0xFFFF  }
0xc6: {  	[dreg:$0x0] =	wrdreg $0xFFFFFFFF;
	(pc) =	sbr.abs _section_cstart, $3  }
0xc7: {  	[dreg:$0x1] =	wrdreg $0xFFFFFFFF  }
0xc8: {  	_ =	task.clear_ibuf [dreg:s8], $0x2FFFF;
	_ =	strace $0x9FFFFFFF  }
0xc9: {  	(tm) =	ssettm $0x7FFFFFFF  }
tec
execute0_lowered:
.L_overlay_start_1:
0x0: {  	(tag) =	ssettag $0x1  }
0x1: {  	s1 =	rddreg [dreg:$0x0]  }
0x2: {  	s2 =	srdreg.scid;
	s4 =	rddreg [dreg:$0x1]  }
0x3: {  	s0 =	stileid.u32;
	s5 =	rddreg [dreg:$0x2];
	s3 =	simm.s32 $0x0  }
0x4: {  	s20 =	simm.s32 $0x8A00;
	s21 =	simm.s32 $0x9200;
	[smem:$0x7FF] =	sst s3  }
0x5: {  	s22 =	simm.s32 $0x9A00;
	_ =	strace $0x8000004A;
	[dreg:$0x9] =	wrdreg s20  }
0x6: {  	s23 =	simm.s32 $0xA200;
	s24 =	simm.s32 $0xAA00;
	[dreg:$0xa] =	wrdreg s21  }
0x7: {  	s25 =	simm.s32 $0xB200;
	s8 =	simm.s32 $0xD200;
	[dreg:$0xb] =	wrdreg s22  }
0x8: {  	s9 =	simm.s32 $0xDA00;
	s10 =	simm.s32 $0xE200;
	[dreg:$0xc] =	wrdreg s23  }
0x9: {  	s11 =	simm.s32 $0xEA00;
	s12 =	simm.s32 $0xF200;
	[dreg:$0xd] =	wrdreg s24  }
0xa: {  	s6 =	sshll.u32 s0, $0xA;
	s0 =	simm.s32 $0xBA00;
	[dreg:$0xe] =	wrdreg s25  }
0xb: {  	s13 =	simm.s32 $0xFA00;
	s14 =	simm.s32 $0x10A00;
	[dreg:$0xf] =	wrdreg s0  }
0xc: {  	s15 =	simm.s32 $0x11200;
	s28 =	simm.s32 $0x4;
	[dreg:$0x12] =	wrdreg s8  }
0xd: {  	s29 =	simm.s32 $0x2;
	s30 =	simm.s32 $0x3;
	[dreg:$0x13] =	wrdreg s9  }
0xe: {  	s31 =	simm.s32 $0x5;
	s2 =	sand.u32 $0x1, s2;
	[dreg:$0x14] =	wrdreg s10  }
0xf: {  	s7 =	sshll.u32 s2, $0x9;
	s2 =	ssub.s32 $0x2, s2;
	[dreg:$0x15] =	wrdreg s11  }
0x10: {  	s8 =	simm.s32 $0x1200;
	s9 =	simm.s32 $0x1A00;
	[dreg:$0x16] =	wrdreg s12  }
0x11: {  	s10 =	simm.s32 $0x2200;
	s11 =	simm.s32 $0x2A00;
	[dreg:$0x17] =	wrdreg s13  }
0x12: {  	s12 =	simm.s32 $0x3200;
	[dreg:$0x18] =	wrdreg s14;
	s13 =	simm.s32 $0x3A00  }
0x13: {  	[dreg:$0x19] =	wrdreg s15;
	s14 =	simm.s32 $0x4200;
	s20 =	simm.s32 $0x13A00  }
0x14: {  	s15 =	simm.s32 $0x4A00;
	s21 =	simm.s32 $0x14200;
	[dreg:$0x1e] =	wrdreg s20  }
0x15: {  	s22 =	simm.s32 $0x14A00;
	s23 =	simm.s32 $0x15200;
	[dreg:$0x1f] =	wrdreg s21  }
0x16: {  	s24 =	simm.s32 $0x15A00;
	s25 =	simm.s32 $0x16200;
	[smem:$0x7F9] =	sst s22  }
0x17: {  	s6 =	sor.u32 s7, s6;
	s26 =	sshrl.u32 s2, $0x1;
	[smem:$0x7FA] =	sst s23  }
0x18: {  	s20 =	simm.s32 $0x7200;
	s21 =	simm.s32 $0x7A00;
	[smem:$0x7FB] =	sst s24  }
0x19: {  	s22 =	simm.s32 $0x8200;
	[smem:$0x7FC] =	sst s25;
	s7 =	sshll.u32 s6, $0x5  }
0x1a: {  	s6 =	sshrl.u32 s6, $0x3;
	s2 =	ssub.s32 s2, s26;
	s26 =	simm.s32 $0x16A00  }
0x1b: {  	s23 =	simm.s32 $0x10200;
	s4 =	sadd.s32 s4, s6;
	[smem:$0x7FD] =	sst s26  }
0x1c: {  	s25 =	simm.s32 $0x17A00;
	s6 =	simm.s32 $0xC200;
	[dreg:$0x4] =	wrdreg s4  }
0x1d: {  	s5 =	sadd.s32 s7, s5;
	s7 =	simm.s32 $0xCA00;
	[dreg:$0x10] =	wrdreg s6  }
0x1e: {  	s26 =	simm.s32 $0x1;
	s16 =	sadd.s32 $0x6600, s5;
	[dreg:$0x11] =	wrdreg s7  }
0x1f: {  	s17 =	sadd.s32 $0x7600, s5;
	s18 =	sadd.s32 $0x8600, s5;
	[dreg:$0x5] =	wrdreg s16  }
0x20: {  	s19 =	sadd.s32 $0x9600, s5;
	s4 =	smax.u32 s2, $0x1;
	[dreg:$0x6] =	wrdreg s17  }
0x21: {  	s5 =	simm.s32 $0x7;
	s6 =	simm.s32 $0x200;
	[dreg:$0x7] =	wrdreg s18  }
0x22: {  	s7 =	simm.s32 $0xA00;
	[dreg:$0x8] =	wrdreg s19;
	s16 =	simm.s32 $0x11A00  }
0x23: {  	s2 =	simm.s32 $0x6;
	s17 =	simm.s32 $0x12200;
	[dreg:$0x1a] =	wrdreg s16  }
0x24: {  	v2 =	vlaneseq.u32;
	s18 =	simm.s32 $0x12A00;
	s19 =	simm.s32 $0x13200;
	[dreg:$0x1b] =	wrdreg s17  }
0x25: {  	vm0 =	vmmov $0xffff;
	v1 =	vshrl.u32 v2, $0x3;
	s16 =	simm.s32 $0x5200;
	[dreg:$0x1c] =	wrdreg s18;
	s17 =	simm.s32 $0x5A00  }
0x26: {  	v0 =	vand.u32 $0x7, v2;
	v2 =	vor.u32 $0x8, v2;
	v1 =	vmul.u32 $0x8, v1;
	[dreg:$0x1d] =	wrdreg s19;
	s18 =	simm.s32 $0x6200;
	s19 =	simm.s32 $0x6A00  }
.LBB2_1:
0x27: {  	s0 =	rddreg [dreg:$0x4]  }
0x28: {  	[tilespmem:s3], [sflag:$0x7] =	stream.linear.gather [hbm4b:s0+s3], $0x200, $0x38;
	[tilespmem:$0x18200] =	vst v63  }
0x29: {  	_ =	swait.ge [sflag:s5], $0x200  }
0x2a: {  	[sflag:s5] =	ssyncset.done $0x0  }
0x2b: {  	[sflag:s5] =	ssyncadd.s32 $0xFFFFFE00  }
0x2c: {  	v3 =	vld [tilespmem:$0x0];
	_ =	sdelay $0x4  }
0x2d: {  	v4 =	vshll.u32 v3, $0x1  }
0x2e: {  	v3 =	vand.u32 $0x7, v3;
	v4 =	vand.u32 $0xFFFFFFF0, v4  }
0x2f: {  	v3 =	vor.u32 v3, v4  }
0x30: {  	v4 =	vperm.xlane v3, v0;
	_ =	sdelay $0x1  }
0x31: {  	v3 =	vperm.xlane v3, v2;
	v4 =	vadd.s32 v1, v4;
	_ =	sdelay $0x1  }
0x32: {  	v3 =	vadd.s32 v1, v3;
	_ =	sdelay $0x2  }
0x33: {  	[tilespmem:s6], [sflag:$0x1] =	stream.indirect_vreg.gather [hbm4b:s1+s3], $0x80, v4, vm0, $0xb8;
	[tilespmem:$0x18200] =	vst v63  }
0x34: {  	_ = 	snop  }
0x35: {  	[tilespmem:s7], [sflag:$0x1] =	stream.indirect_vreg.gather [hbm4b:s1+s3], $0x80, v3, vm0, $0xb8;
	[tilespmem:$0x18200] =	vst v63  }
0x36: {  	v3 =	vld [tilespmem:$0x10];
	_ =	sdelay $0x4  }
0x37: {  	v33 =	vshll.u32 v3, $0x1  }
0x38: {  	v3 =	vand.u32 $0x7, v3;
	v4 =	vand.u32 $0xFFFFFFF0, v33  }
0x39: {  	v3 =	vor.u32 v3, v4  }
0x3a: {  	v4 =	vperm.xlane v3, v0;
	_ =	sdelay $0x1  }
0x3b: {  	v3 =	vperm.xlane v3, v2;
	v4 =	vadd.s32 v1, v4;
	_ =	sdelay $0x1  }
0x3c: {  	v3 =	vadd.s32 v1, v3;
	_ =	sdelay $0x2  }
0x3d: {  	[tilespmem:s8], [sflag:$0x1] =	stream.indirect_vreg.gather [hbm4b:s1+s3], $0x80, v4, vm0, $0xb8;
	[tilespmem:$0x18200] =	vst v63  }
0x3e: {  	_ = 	snop  }
0x3f: {  	[tilespmem:s9], [sflag:$0x1] =	stream.indirect_vreg.gather [hbm4b:s1+s3], $0x80, v3, vm0, $0xb8;
	[tilespmem:$0x18200] =	vst v63  }
0x40: {  	v3 =	vld [tilespmem:$0x20];
	_ =	sdelay $0x4  }
0x41: {  	v34 =	vshll.u32 v3, $0x1  }
0x42: {  	v3 =	vand.u32 $0x7, v3;
	v4 =	vand.u32 $0xFFFFFFF0, v34  }
0x43: {  	v3 =	vor.u32 v3, v4  }
0x44: {  	v4 =	vperm.xlane v3, v0;
	_ =	sdelay $0x1  }
0x45: {  	v3 =	vperm.xlane v3, v2;
	v4 =	vadd.s32 v1, v4;
	_ =	sdelay $0x1  }
0x46: {  	v3 =	vadd.s32 v1, v3;
	_ =	sdelay $0x2  }
0x47: {  	[tilespmem:s10], [sflag:$0x1] =	stream.indirect_vreg.gather [hbm4b:s1+s3], $0x80, v4, vm0, $0xb8;
	[tilespmem:$0x18200] =	vst v63  }
0x48: {  	_ = 	snop  }
0x49: {  	[tilespmem:s11], [sflag:$0x1] =	stream.indirect_vreg.gather [hbm4b:s1+s3], $0x80, v3, vm0, $0xb8;
	[tilespmem:$0x18200] =	vst v63  }
0x4a: {  	v3 =	vld [tilespmem:$0x30];
	_ =	sdelay $0x4  }
0x4b: {  	v35 =	vshll.u32 v3, $0x1  }
0x4c: {  	v3 =	vand.u32 $0x7, v3;
	v4 =	vand.u32 $0xFFFFFFF0, v35  }
0x4d: {  	v3 =	vor.u32 v3, v4  }
0x4e: {  	v4 =	vperm.xlane v3, v0;
	_ =	sdelay $0x1  }
0x4f: {  	v3 =	vperm.xlane v3, v2;
	v4 =	vadd.s32 v1, v4;
	_ =	sdelay $0x1  }
0x50: {  	v3 =	vadd.s32 v1, v3;
	_ =	sdelay $0x2  }
0x51: {  	[tilespmem:s12], [sflag:$0x1] =	stream.indirect_vreg.gather [hbm4b:s1+s3], $0x80, v4, vm0, $0xb8;
	[tilespmem:$0x18200] =	vst v63  }
0x52: {  	_ = 	snop  }
0x53: {  	[tilespmem:s13], [sflag:$0x1] =	stream.indirect_vreg.gather [hbm4b:s1+s3], $0x80, v3, vm0, $0xb8;
	[tilespmem:$0x18200] =	vst v63  }
0x54: {  	v3 =	vld [tilespmem:$0x40];
	_ =	sdelay $0x4  }
0x55: {  	v36 =	vshll.u32 v3, $0x1  }
0x56: {  	v3 =	vand.u32 $0x7, v3;
	v4 =	vand.u32 $0xFFFFFFF0, v36  }
0x57: {  	v3 =	vor.u32 v3, v4  }
0x58: {  	v4 =	vperm.xlane v3, v0;
	_ =	sdelay $0x1  }
0x59: {  	v3 =	vperm.xlane v3, v2;
	v4 =	vadd.s32 v1, v4;
	_ =	sdelay $0x1  }
0x5a: {  	v3 =	vadd.s32 v1, v3;
	_ =	sdelay $0x2  }
0x5b: {  	[tilespmem:s14], [sflag:$0x1] =	stream.indirect_vreg.gather [hbm4b:s1+s3], $0x80, v4, vm0, $0xb8;
	[tilespmem:$0x18200] =	vst v63  }
0x5c: {  	_ = 	snop  }
0x5d: {  	[tilespmem:s15], [sflag:$0x1] =	stream.indirect_vreg.gather [hbm4b:s1+s3], $0x80, v3, vm0, $0xb8;
	[tilespmem:$0x18200] =	vst v63  }
0x5e: {  	v3 =	vld [tilespmem:$0x50];
	_ =	sdelay $0x4  }
0x5f: {  	v37 =	vshll.u32 v3, $0x1  }
0x60: {  	v3 =	vand.u32 $0x7, v3;
	v4 =	vand.u32 $0xFFFFFFF0, v37  }
0x61: {  	v3 =	vor.u32 v3, v4  }
0x62: {  	v4 =	vperm.xlane v3, v0;
	_ =	sdelay $0x1  }
0x63: {  	v3 =	vperm.xlane v3, v2;
	v4 =	vadd.s32 v1, v4;
	_ =	sdelay $0x1  }
0x64: {  	v3 =	vadd.s32 v1, v3;
	_ =	sdelay $0x2  }
0x65: {  	[tilespmem:s16], [sflag:$0x1] =	stream.indirect_vreg.gather [hbm4b:s1+s3], $0x80, v4, vm0, $0xb8;
	[tilespmem:$0x18200] =	vst v63  }
0x66: {  	_ = 	snop  }
0x67: {  	[tilespmem:s17], [sflag:$0x1] =	stream.indirect_vreg.gather [hbm4b:s1+s3], $0x80, v3, vm0, $0xb8;
	[tilespmem:$0x18200] =	vst v63  }
0x68: {  	v3 =	vld [tilespmem:$0x60];
	_ =	sdelay $0x4  }
0x69: {  	v38 =	vshll.u32 v3, $0x1  }
0x6a: {  	v3 =	vand.u32 $0x7, v3;
	v4 =	vand.u32 $0xFFFFFFF0, v38  }
0x6b: {  	v3 =	vor.u32 v3, v4  }
0x6c: {  	v4 =	vperm.xlane v3, v0;
	_ =	sdelay $0x1  }
0x6d: {  	v3 =	vperm.xlane v3, v2;
	v4 =	vadd.s32 v1, v4;
	_ =	sdelay $0x1  }
0x6e: {  	v3 =	vadd.s32 v1, v3;
	_ =	sdelay $0x2  }
0x6f: {  	[tilespmem:s18], [sflag:$0x1] =	stream.indirect_vreg.gather [hbm4b:s1+s3], $0x80, v4, vm0, $0xb8;
	[tilespmem:$0x18200] =	vst v63  }
0x70: {  	_ = 	snop  }
0x71: {  	[tilespmem:s19], [sflag:$0x1] =	stream.indirect_vreg.gather [hbm4b:s1+s3], $0x80, v3, vm0, $0xb8;
	[tilespmem:$0x18200] =	vst v63  }
0x72: {  	v3 =	vld [tilespmem:$0x70];
	_ =	sdelay $0x4  }
0x73: {  	v39 =	vshll.u32 v3, $0x1  }
0x74: {  	v3 =	vand.u32 $0x7, v3;
	v4 =	vand.u32 $0xFFFFFFF0, v39  }
0x75: {  	v3 =	vor.u32 v3, v4  }
0x76: {  	v4 =	vperm.xlane v3, v0;
	_ =	sdelay $0x1  }
0x77: {  	v3 =	vperm.xlane v3, v2;
	v4 =	vadd.s32 v1, v4;
	_ =	sdelay $0x1  }
0x78: {  	v3 =	vadd.s32 v1, v3;
	_ =	sdelay $0x2  }
0x79: {  	[tilespmem:s20], [sflag:$0x1] =	stream.indirect_vreg.gather [hbm4b:s1+s3], $0x80, v4, vm0, $0xb8;
	[tilespmem:$0x18200] =	vst v63  }
0x7a: {  	_ = 	snop  }
0x7b: {  	[tilespmem:s21], [sflag:$0x1] =	stream.indirect_vreg.gather [hbm4b:s1+s3], $0x80, v3, vm0, $0xb8;
	[tilespmem:$0x18200] =	vst v63  }
0x7c: {  	v3 =	vld [tilespmem:$0x80];
	_ =	sdelay $0x4  }
0x7d: {  	v40 =	vshll.u32 v3, $0x1  }
0x7e: {  	v3 =	vand.u32 $0x7, v3;
	v4 =	vand.u32 $0xFFFFFFF0, v40  }
0x7f: {  	v3 =	vor.u32 v3, v4  }
0x80: {  	v4 =	vperm.xlane v3, v0;
	_ =	sdelay $0x1  }
0x81: {  	v3 =	vperm.xlane v3, v2;
	v4 =	vadd.s32 v1, v4;
	_ =	sdelay $0x1  }
0x82: {  	v3 =	vadd.s32 v1, v3;
	_ =	sdelay $0x2  }
0x83: {  	[tilespmem:s22], [sflag:$0x2] =	stream.indirect_vreg.gather [hbm4b:s1+s3], $0x80, v4, vm0, $0xb8;
	[tilespmem:$0x18200] =	vst v63  }
0x84: {  	s24 =	rddreg [dreg:$0x9]  }
0x85: {  	[tilespmem:s24], [sflag:$0x2] =	stream.indirect_vreg.gather [hbm4b:s1+s3], $0x80, v3, vm0, $0xb8;
	[tilespmem:$0x18200] =	vst v63  }
0x86: {  	v3 =	vld [tilespmem:$0x90];
	_ =	sdelay $0x4  }
0x87: {  	v41 =	vshll.u32 v3, $0x1  }
0x88: {  	v3 =	vand.u32 $0x7, v3;
	v4 =	vand.u32 $0xFFFFFFF0, v41  }
0x89: {  	v3 =	vor.u32 v3, v4  }
0x8a: {  	v4 =	vperm.xlane v3, v0;
	_ =	sdelay $0x1  }
0x8b: {  	v3 =	vperm.xlane v3, v2;
	v4 =	vadd.s32 v1, v4;
	_ =	sdelay $0x1  }
0x8c: {  	v3 =	vadd.s32 v1, v3;
	_ =	sdelay $0x1  }
0x8d: {  	s0 =	rddreg [dreg:$0xa]  }
0x8e: {  	[tilespmem:s0], [sflag:$0x2] =	stream.indirect_vreg.gather [hbm4b:s1+s3], $0x80, v4, vm0, $0xb8;
	[tilespmem:$0x18200] =	vst v63  }
0x8f: {  	s24 =	rddreg [dreg:$0xb]  }
0x90: {  	[tilespmem:s24], [sflag:$0x2] =	stream.indirect_vreg.gather [hbm4b:s1+s3], $0x80, v3, vm0, $0xb8;
	[tilespmem:$0x18200] =	vst v63  }
0x91: {  	v3 =	vld [tilespmem:$0xA0];
	_ =	sdelay $0x4  }
0x92: {  	v42 =	vshll.u32 v3, $0x1  }
0x93: {  	v3 =	vand.u32 $0x7, v3;
	v4 =	vand.u32 $0xFFFFFFF0, v42  }
0x94: {  	v3 =	vor.u32 v3, v4  }
0x95: {  	v4 =	vperm.xlane v3, v0;
	_ =	sdelay $0x1  }
0x96: {  	v3 =	vperm.xlane v3, v2;
	v4 =	vadd.s32 v1, v4;
	_ =	sdelay $0x1  }
0x97: {  	v3 =	vadd.s32 v1, v3;
	_ =	sdelay $0x1  }
0x98: {  	s0 =	rddreg [dreg:$0xc]  }
0x99: {  	[tilespmem:s0], [sflag:$0x2] =	stream.indirect_vreg.gather [hbm4b:s1+s3], $0x80, v4, vm0, $0xb8;
	[tilespmem:$0x18200] =	vst v63  }
0x9a: {  	s24 =	rddreg [dreg:$0xd]  }
0x9b: {  	[tilespmem:s24], [sflag:$0x2] =	stream.indirect_vreg.gather [hbm4b:s1+s3], $0x80, v3, vm0, $0xb8;
	[tilespmem:$0x18200] =	vst v63  }
0x9c: {  	v3 =	vld [tilespmem:$0xB0];
	_ =	sdelay $0x4  }
0x9d: {  	v43 =	vshll.u32 v3, $0x1  }
0x9e: {  	v3 =	vand.u32 $0x7, v3;
	v4 =	vand.u32 $0xFFFFFFF0, v43  }
0x9f: {  	v3 =	vor.u32 v3, v4  }
0xa0: {  	v4 =	vperm.xlane v3, v0;
	_ =	sdelay $0x1  }
0xa1: {  	v3 =	vperm.xlane v3, v2;
	v4 =	vadd.s32 v1, v4;
	_ =	sdelay $0x1  }
0xa2: {  	v3 =	vadd.s32 v1, v3;
	_ =	sdelay $0x1  }
0xa3: {  	s0 =	rddreg [dreg:$0xe]  }
0xa4: {  	[tilespmem:s0], [sflag:$0x2] =	stream.indirect_vreg.gather [hbm4b:s1+s3], $0x80, v4, vm0, $0xb8;
	[tilespmem:$0x18200] =	vst v63  }
0xa5: {  	s24 =	rddreg [dreg:$0xf]  }
0xa6: {  	[tilespmem:s24], [sflag:$0x2] =	stream.indirect_vreg.gather [hbm4b:s1+s3], $0x80, v3, vm0, $0xb8;
	[tilespmem:$0x18200] =	vst v63  }
0xa7: {  	v3 =	vld [tilespmem:$0xC0];
	_ =	sdelay $0x4  }
0xa8: {  	v44 =	vshll.u32 v3, $0x1  }
0xa9: {  	v3 =	vand.u32 $0x7, v3;
	v4 =	vand.u32 $0xFFFFFFF0, v44  }
0xaa: {  	v3 =	vor.u32 v3, v4  }
0xab: {  	v4 =	vperm.xlane v3, v0;
	_ =	sdelay $0x1  }
0xac: {  	v3 =	vperm.xlane v3, v2;
	v4 =	vadd.s32 v1, v4;
	_ =	sdelay $0x1  }
0xad: {  	v3 =	vadd.s32 v1, v3;
	_ =	sdelay $0x1  }
0xae: {  	s0 =	rddreg [dreg:$0x10]  }
0xaf: {  	[tilespmem:s0], [sflag:$0x2] =	stream.indirect_vreg.gather [hbm4b:s1+s3], $0x80, v4, vm0, $0xb8;
	[tilespmem:$0x18200] =	vst v63  }
0xb0: {  	s24 =	rddreg [dreg:$0x11]  }
0xb1: {  	[tilespmem:s24], [sflag:$0x2] =	stream.indirect_vreg.gather [hbm4b:s1+s3], $0x80, v3, vm0, $0xb8;
	[tilespmem:$0x18200] =	vst v63  }
0xb2: {  	v3 =	vld [tilespmem:$0xD0];
	_ =	sdelay $0x4  }
0xb3: {  	v45 =	vshll.u32 v3, $0x1  }
0xb4: {  	v3 =	vand.u32 $0x7, v3;
	v4 =	vand.u32 $0xFFFFFFF0, v45  }
0xb5: {  	v3 =	vor.u32 v3, v4  }
0xb6: {  	v4 =	vperm.xlane v3, v0;
	_ =	sdelay $0x1  }
0xb7: {  	v3 =	vperm.xlane v3, v2;
	v4 =	vadd.s32 v1, v4;
	_ =	sdelay $0x1  }
0xb8: {  	v3 =	vadd.s32 v1, v3;
	_ =	sdelay $0x1  }
0xb9: {  	s0 =	rddreg [dreg:$0x12]  }
0xba: {  	[tilespmem:s0], [sflag:$0x2] =	stream.indirect_vreg.gather [hbm4b:s1+s3], $0x80, v4, vm0, $0xb8;
	[tilespmem:$0x18200] =	vst v63  }
0xbb: {  	s24 =	rddreg [dreg:$0x13]  }
0xbc: {  	[tilespmem:s24], [sflag:$0x2] =	stream.indirect_vreg.gather [hbm4b:s1+s3], $0x80, v3, vm0, $0xb8;
	[tilespmem:$0x18200] =	vst v63  }
0xbd: {  	v3 =	vld [tilespmem:$0xE0];
	_ =	sdelay $0x4  }
0xbe: {  	v46 =	vshll.u32 v3, $0x1  }
0xbf: {  	v3 =	vand.u32 $0x7, v3;
	v4 =	vand.u32 $0xFFFFFFF0, v46  }
0xc0: {  	v3 =	vor.u32 v3, v4  }
0xc1: {  	v4 =	vperm.xlane v3, v0;
	_ =	sdelay $0x1  }
0xc2: {  	v3 =	vperm.xlane v3, v2;
	v4 =	vadd.s32 v1, v4;
	_ =	sdelay $0x1  }
0xc3: {  	v3 =	vadd.s32 v1, v3;
	_ =	sdelay $0x1  }
0xc4: {  	s0 =	rddreg [dreg:$0x14]  }
0xc5: {  	[tilespmem:s0], [sflag:$0x2] =	stream.indirect_vreg.gather [hbm4b:s1+s3], $0x80, v4, vm0, $0xb8;
	[tilespmem:$0x18200] =	vst v63  }
0xc6: {  	s24 =	rddreg [dreg:$0x15]  }
0xc7: {  	[tilespmem:s24], [sflag:$0x2] =	stream.indirect_vreg.gather [hbm4b:s1+s3], $0x80, v3, vm0, $0xb8;
	[tilespmem:$0x18200] =	vst v63  }
0xc8: {  	v3 =	vld [tilespmem:$0xF0];
	_ =	sdelay $0x4  }
0xc9: {  	v47 =	vshll.u32 v3, $0x1  }
0xca: {  	v3 =	vand.u32 $0x7, v3;
	v4 =	vand.u32 $0xFFFFFFF0, v47  }
0xcb: {  	v3 =	vor.u32 v3, v4  }
0xcc: {  	v4 =	vperm.xlane v3, v0;
	_ =	sdelay $0x1  }
0xcd: {  	v3 =	vperm.xlane v3, v2;
	v4 =	vadd.s32 v1, v4;
	_ =	sdelay $0x1  }
0xce: {  	v3 =	vadd.s32 v1, v3;
	_ =	sdelay $0x1  }
0xcf: {  	s0 =	rddreg [dreg:$0x16]  }
0xd0: {  	[tilespmem:s0], [sflag:$0x2] =	stream.indirect_vreg.gather [hbm4b:s1+s3], $0x80, v4, vm0, $0xb8;
	[tilespmem:$0x18200] =	vst v63  }
0xd1: {  	s24 =	rddreg [dreg:$0x17]  }
0xd2: {  	[tilespmem:s24], [sflag:$0x2] =	stream.indirect_vreg.gather [hbm4b:s1+s3], $0x80, v3, vm0, $0xb8;
	[tilespmem:$0x18200] =	vst v63  }
0xd3: {  	v3 =	vld [tilespmem:$0x100];
	_ =	sdelay $0x4  }
0xd4: {  	v48 =	vshll.u32 v3, $0x1  }
0xd5: {  	v3 =	vand.u32 $0x7, v3;
	v4 =	vand.u32 $0xFFFFFFF0, v48  }
0xd6: {  	v3 =	vor.u32 v3, v4  }
0xd7: {  	v4 =	vperm.xlane v3, v0;
	_ =	sdelay $0x1  }
0xd8: {  	v3 =	vperm.xlane v3, v2;
	v4 =	vadd.s32 v1, v4;
	_ =	sdelay $0x1  }
0xd9: {  	v3 =	vadd.s32 v1, v3;
	_ =	sdelay $0x2  }
0xda: {  	[tilespmem:s23], [sflag:$0x3] =	stream.indirect_vreg.gather [hbm4b:s1+s3], $0x80, v4, vm0, $0xb8;
	[tilespmem:$0x18200] =	vst v63  }
0xdb: {  	s24 =	rddreg [dreg:$0x18]  }
0xdc: {  	[tilespmem:s24], [sflag:$0x3] =	stream.indirect_vreg.gather [hbm4b:s1+s3], $0x80, v3, vm0, $0xb8;
	[tilespmem:$0x18200] =	vst v63  }
0xdd: {  	v3 =	vld [tilespmem:$0x110];
	_ =	sdelay $0x4  }
0xde: {  	v49 =	vshll.u32 v3, $0x1  }
0xdf: {  	v3 =	vand.u32 $0x7, v3;
	v4 =	vand.u32 $0xFFFFFFF0, v49  }
0xe0: {  	v3 =	vor.u32 v3, v4  }
0xe1: {  	v4 =	vperm.xlane v3, v0;
	_ =	sdelay $0x1  }
0xe2: {  	v3 =	vperm.xlane v3, v2;
	v4 =	vadd.s32 v1, v4;
	_ =	sdelay $0x1  }
0xe3: {  	v3 =	vadd.s32 v1, v3;
	_ =	sdelay $0x1  }
0xe4: {  	s0 =	rddreg [dreg:$0x19]  }
0xe5: {  	[tilespmem:s0], [sflag:$0x3] =	stream.indirect_vreg.gather [hbm4b:s1+s3], $0x80, v4, vm0, $0xb8;
	[tilespmem:$0x18200] =	vst v63  }
0xe6: {  	s24 =	rddreg [dreg:$0x1a]  }
0xe7: {  	[tilespmem:s24], [sflag:$0x3] =	stream.indirect_vreg.gather [hbm4b:s1+s3], $0x80, v3, vm0, $0xb8;
	[tilespmem:$0x18200] =	vst v63  }
0xe8: {  	v3 =	vld [tilespmem:$0x120];
	_ =	sdelay $0x4  }
0xe9: {  	v50 =	vshll.u32 v3, $0x1  }
0xea: {  	v3 =	vand.u32 $0x7, v3;
	v4 =	vand.u32 $0xFFFFFFF0, v50  }
0xeb: {  	v3 =	vor.u32 v3, v4  }
0xec: {  	v4 =	vperm.xlane v3, v0;
	_ =	sdelay $0x1  }
0xed: {  	v3 =	vperm.xlane v3, v2;
	v4 =	vadd.s32 v1, v4;
	_ =	sdelay $0x1  }
0xee: {  	v3 =	vadd.s32 v1, v3;
	_ =	sdelay $0x1  }
0xef: {  	s0 =	rddreg [dreg:$0x1b]  }
0xf0: {  	[tilespmem:s0], [sflag:$0x3] =	stream.indirect_vreg.gather [hbm4b:s1+s3], $0x80, v4, vm0, $0xb8;
	[tilespmem:$0x18200] =	vst v63  }
0xf1: {  	s24 =	rddreg [dreg:$0x1c]  }
0xf2: {  	[tilespmem:s24], [sflag:$0x3] =	stream.indirect_vreg.gather [hbm4b:s1+s3], $0x80, v3, vm0, $0xb8;
	[tilespmem:$0x18200] =	vst v63  }
0xf3: {  	v3 =	vld [tilespmem:$0x130];
	_ =	sdelay $0x4  }
0xf4: {  	v51 =	vshll.u32 v3, $0x1  }
0xf5: {  	v3 =	vand.u32 $0x7, v3;
	v4 =	vand.u32 $0xFFFFFFF0, v51  }
0xf6: {  	v3 =	vor.u32 v3, v4  }
0xf7: {  	v4 =	vperm.xlane v3, v0;
	_ =	sdelay $0x1  }
0xf8: {  	v3 =	vperm.xlane v3, v2;
	v4 =	vadd.s32 v1, v4;
	_ =	sdelay $0x1  }
0xf9: {  	v3 =	vadd.s32 v1, v3;
	_ =	sdelay $0x1  }
0xfa: {  	s0 =	rddreg [dreg:$0x1d]  }
0xfb: {  	[tilespmem:s0], [sflag:$0x3] =	stream.indirect_vreg.gather [hbm4b:s1+s3], $0x80, v4, vm0, $0xb8;
	[tilespmem:$0x18200] =	vst v63  }
0xfc: {  	s24 =	rddreg [dreg:$0x1e]  }
0xfd: {  	[tilespmem:s24], [sflag:$0x3] =	stream.indirect_vreg.gather [hbm4b:s1+s3], $0x80, v3, vm0, $0xb8;
	[tilespmem:$0x18200] =	vst v63  }
0xfe: {  	v3 =	vld [tilespmem:$0x140];
	_ =	sdelay $0x4  }
0xff: {  	v52 =	vshll.u32 v3, $0x1  }
0x100: {  	v3 =	vand.u32 $0x7, v3;
	v4 =	vand.u32 $0xFFFFFFF0, v52  }
0x101: {  	v3 =	vor.u32 v3, v4  }
0x102: {  	v4 =	vperm.xlane v3, v0;
	_ =	sdelay $0x1  }
0x103: {  	v3 =	vperm.xlane v3, v2;
	v4 =	vadd.s32 v1, v4;
	_ =	sdelay $0x1  }
0x104: {  	v3 =	vadd.s32 v1, v3  }
0x105: {  	s0 =	rddreg [dreg:$0x1f]  }
0x106: {  	s24 =	sld [smem:$0x7F9]  }
0x107: {  	[tilespmem:s0], [sflag:$0x3] =	stream.indirect_vreg.gather [hbm4b:s1+s3], $0x80, v4, vm0, $0xb8;
	[tilespmem:$0x18200] =	vst v63  }
0x108: {  	_ = 	snop  }
0x109: {  	[tilespmem:s24], [sflag:$0x3] =	stream.indirect_vreg.gather [hbm4b:s1+s3], $0x80, v3, vm0, $0xb8;
	[tilespmem:$0x18200] =	vst v63  }
0x10a: {  	v3 =	vld [tilespmem:$0x150];
	_ =	sdelay $0x4  }
0x10b: {  	v53 =	vshll.u32 v3, $0x1  }
0x10c: {  	v3 =	vand.u32 $0x7, v3;
	v4 =	vand.u32 $0xFFFFFFF0, v53  }
0x10d: {  	v3 =	vor.u32 v3, v4  }
0x10e: {  	v4 =	vperm.xlane v3, v0;
	_ =	sdelay $0x1  }
0x10f: {  	v3 =	vperm.xlane v3, v2;
	v4 =	vadd.s32 v1, v4;
	_ =	sdelay $0x1  }
0x110: {  	s0 =	sld [smem:$0x7FA];
	v3 =	vadd.s32 v1, v3;
	_ =	sdelay $0x1  }
0x111: {  	s24 =	sld [smem:$0x7FB]  }
0x112: {  	[tilespmem:s0], [sflag:$0x3] =	stream.indirect_vreg.gather [hbm4b:s1+s3], $0x80, v4, vm0, $0xb8;
	[tilespmem:$0x18200] =	vst v63  }
0x113: {  	_ = 	snop  }
0x114: {  	[tilespmem:s24], [sflag:$0x3] =	stream.indirect_vreg.gather [hbm4b:s1+s3], $0x80, v3, vm0, $0xb8;
	[tilespmem:$0x18200] =	vst v63  }
0x115: {  	v3 =	vld [tilespmem:$0x160];
	_ =	sdelay $0x4  }
0x116: {  	v54 =	vshll.u32 v3, $0x1  }
0x117: {  	v3 =	vand.u32 $0x7, v3;
	v4 =	vand.u32 $0xFFFFFFF0, v54  }
0x118: {  	v3 =	vor.u32 v3, v4  }
0x119: {  	v4 =	vperm.xlane v3, v0;
	_ =	sdelay $0x1  }
0x11a: {  	v3 =	vperm.xlane v3, v2;
	v4 =	vadd.s32 v1, v4;
	_ =	sdelay $0x1  }
0x11b: {  	s0 =	sld [smem:$0x7FC];
	v3 =	vadd.s32 v1, v3;
	_ =	sdelay $0x1  }
0x11c: {  	s24 =	sld [smem:$0x7FD]  }
0x11d: {  	[tilespmem:s0], [sflag:$0x3] =	stream.indirect_vreg.gather [hbm4b:s1+s3], $0x80, v4, vm0, $0xb8;
	[tilespmem:$0x18200] =	vst v63  }
0x11e: {  	_ = 	snop  }
0x11f: {  	[tilespmem:s24], [sflag:$0x3] =	stream.indirect_vreg.gather [hbm4b:s1+s3], $0x80, v3, vm0, $0xb8;
	[tilespmem:$0x18200] =	vst v63  }
0x120: {  	v3 =	vld [tilespmem:$0x170];
	_ =	sdelay $0x4  }
0x121: {  	v55 =	vshll.u32 v3, $0x1  }
0x122: {  	v3 =	vand.u32 $0x7, v3;
	v4 =	vand.u32 $0xFFFFFFF0, v55  }
0x123: {  	v3 =	vor.u32 v3, v4  }
0x124: {  	v4 =	vperm.xlane v3, v0;
	_ =	sdelay $0x1  }
0x125: {  	v3 =	vperm.xlane v3, v2;
	v4 =	vadd.s32 v1, v4;
	_ =	sdelay $0x1  }
0x126: {  	v3 =	vadd.s32 v1, v3;
	_ =	sdelay $0x1  }
0x127: {  	s24 =	simm.s32 $0x17200  }
0x128: {  	[tilespmem:s24], [sflag:$0x3] =	stream.indirect_vreg.gather [hbm4b:s1+s3], $0x80, v4, vm0, $0xb8;
	[tilespmem:$0x18200] =	vst v63  }
0x129: {  	_ = 	snop  }
0x12a: {  	[tilespmem:s25], [sflag:$0x3] =	stream.indirect_vreg.gather [hbm4b:s1+s3], $0x80, v3, vm0, $0xb8;
	[tilespmem:$0x18200] =	vst v63  }
0x12b: {  	_ =	swait.ge [sflag:s26], $0x8000  }
0x12c: {  	[sflag:s26] =	ssyncset.done $0x0  }
0x12d: {  	s24 =	rddreg [dreg:$0x5];
	[sflag:s26] =	ssyncadd.s32 $0xFFFF8000  }
0x12e: {  	[hbm4b:s24+s3] =	stream.linear.scatter [tilespmem:s6], [sflag:$0x4], $0x8000, $0x38;
	[tilespmem:$0x18200] =	vst v63  }
0x12f: {  	_ =	swait.ge [sflag:s28], $0x8000  }
0x130: {  	[sflag:s28] =	ssyncset.done $0x0  }
0x131: {  	[sflag:s28] =	ssyncadd.s32 $0xFFFF8000  }
0x132: {  	v3 =	vld [tilespmem:$0x180];
	_ =	sdelay $0x4  }
0x133: {  	v56 =	vshll.u32 v3, $0x1  }
0x134: {  	v3 =	vand.u32 $0x7, v3;
	v4 =	vand.u32 $0xFFFFFFF0, v56  }
0x135: {  	v3 =	vor.u32 v3, v4  }
0x136: {  	v4 =	vperm.xlane v3, v0;
	_ =	sdelay $0x1  }
0x137: {  	v3 =	vperm.xlane v3, v2;
	v4 =	vadd.s32 v1, v4;
	_ =	sdelay $0x1  }
0x138: {  	v3 =	vadd.s32 v1, v3;
	_ =	sdelay $0x2  }
0x139: {  	[tilespmem:s6], [sflag:$0x1] =	stream.indirect_vreg.gather [hbm4b:s1+s3], $0x80, v4, vm0, $0xb8;
	[tilespmem:$0x18200] =	vst v63  }
0x13a: {  	_ = 	snop  }
0x13b: {  	[tilespmem:s7], [sflag:$0x1] =	stream.indirect_vreg.gather [hbm4b:s1+s3], $0x80, v3, vm0, $0xb8;
	[tilespmem:$0x18200] =	vst v63  }
0x13c: {  	v3 =	vld [tilespmem:$0x190];
	_ =	sdelay $0x4  }
0x13d: {  	v57 =	vshll.u32 v3, $0x1  }
0x13e: {  	v3 =	vand.u32 $0x7, v3;
	v4 =	vand.u32 $0xFFFFFFF0, v57  }
0x13f: {  	v3 =	vor.u32 v3, v4  }
0x140: {  	v4 =	vperm.xlane v3, v0;
	_ =	sdelay $0x1  }
0x141: {  	v3 =	vperm.xlane v3, v2;
	v4 =	vadd.s32 v1, v4;
	_ =	sdelay $0x1  }
0x142: {  	v3 =	vadd.s32 v1, v3;
	_ =	sdelay $0x2  }
0x143: {  	[tilespmem:s8], [sflag:$0x1] =	stream.indirect_vreg.gather [hbm4b:s1+s3], $0x80, v4, vm0, $0xb8;
	[tilespmem:$0x18200] =	vst v63  }
0x144: {  	_ = 	snop  }
0x145: {  	[tilespmem:s9], [sflag:$0x1] =	stream.indirect_vreg.gather [hbm4b:s1+s3], $0x80, v3, vm0, $0xb8;
	[tilespmem:$0x18200] =	vst v63  }
0x146: {  	v3 =	vld [tilespmem:$0x1A0];
	_ =	sdelay $0x4  }
0x147: {  	v58 =	vshll.u32 v3, $0x1  }
0x148: {  	v3 =	vand.u32 $0x7, v3;
	v4 =	vand.u32 $0xFFFFFFF0, v58  }
0x149: {  	v3 =	vor.u32 v3, v4  }
0x14a: {  	v4 =	vperm.xlane v3, v0;
	_ =	sdelay $0x1  }
0x14b: {  	v3 =	vperm.xlane v3, v2;
	v4 =	vadd.s32 v1, v4;
	_ =	sdelay $0x1  }
0x14c: {  	v3 =	vadd.s32 v1, v3;
	_ =	sdelay $0x2  }
0x14d: {  	[tilespmem:s10], [sflag:$0x1] =	stream.indirect_vreg.gather [hbm4b:s1+s3], $0x80, v4, vm0, $0xb8;
	[tilespmem:$0x18200] =	vst v63  }
0x14e: {  	_ = 	snop  }
0x14f: {  	[tilespmem:s11], [sflag:$0x1] =	stream.indirect_vreg.gather [hbm4b:s1+s3], $0x80, v3, vm0, $0xb8;
	[tilespmem:$0x18200] =	vst v63  }
0x150: {  	v3 =	vld [tilespmem:$0x1B0];
	_ =	sdelay $0x4  }
0x151: {  	v59 =	vshll.u32 v3, $0x1  }
0x152: {  	v3 =	vand.u32 $0x7, v3;
	v4 =	vand.u32 $0xFFFFFFF0, v59  }
0x153: {  	v3 =	vor.u32 v3, v4  }
0x154: {  	v4 =	vperm.xlane v3, v0;
	_ =	sdelay $0x1  }
0x155: {  	v3 =	vperm.xlane v3, v2;
	v4 =	vadd.s32 v1, v4;
	_ =	sdelay $0x1  }
0x156: {  	v3 =	vadd.s32 v1, v3;
	_ =	sdelay $0x2  }
0x157: {  	[tilespmem:s12], [sflag:$0x1] =	stream.indirect_vreg.gather [hbm4b:s1+s3], $0x80, v4, vm0, $0xb8;
	[tilespmem:$0x18200] =	vst v63  }
0x158: {  	_ = 	snop  }
0x159: {  	[tilespmem:s13], [sflag:$0x1] =	stream.indirect_vreg.gather [hbm4b:s1+s3], $0x80, v3, vm0, $0xb8;
	[tilespmem:$0x18200] =	vst v63  }
0x15a: {  	v3 =	vld [tilespmem:$0x1C0];
	_ =	sdelay $0x4  }
0x15b: {  	v60 =	vshll.u32 v3, $0x1  }
0x15c: {  	v3 =	vand.u32 $0x7, v3;
	v4 =	vand.u32 $0xFFFFFFF0, v60  }
0x15d: {  	v3 =	vor.u32 v3, v4  }
0x15e: {  	v4 =	vperm.xlane v3, v0;
	_ =	sdelay $0x1  }
0x15f: {  	v3 =	vperm.xlane v3, v2;
	v4 =	vadd.s32 v1, v4;
	_ =	sdelay $0x1  }
0x160: {  	v3 =	vadd.s32 v1, v3;
	_ =	sdelay $0x2  }
0x161: {  	[tilespmem:s14], [sflag:$0x1] =	stream.indirect_vreg.gather [hbm4b:s1+s3], $0x80, v4, vm0, $0xb8;
	[tilespmem:$0x18200] =	vst v63  }
0x162: {  	_ = 	snop  }
0x163: {  	[tilespmem:s15], [sflag:$0x1] =	stream.indirect_vreg.gather [hbm4b:s1+s3], $0x80, v3, vm0, $0xb8;
	[tilespmem:$0x18200] =	vst v63  }
0x164: {  	v3 =	vld [tilespmem:$0x1D0];
	_ =	sdelay $0x4  }
0x165: {  	v61 =	vshll.u32 v3, $0x1  }
0x166: {  	v3 =	vand.u32 $0x7, v3;
	v4 =	vand.u32 $0xFFFFFFF0, v61  }
0x167: {  	v3 =	vor.u32 v3, v4  }
0x168: {  	v4 =	vperm.xlane v3, v0;
	_ =	sdelay $0x1  }
0x169: {  	v3 =	vperm.xlane v3, v2;
	v4 =	vadd.s32 v1, v4;
	_ =	sdelay $0x1  }
0x16a: {  	v3 =	vadd.s32 v1, v3;
	_ =	sdelay $0x2  }
0x16b: {  	[tilespmem:s16], [sflag:$0x1] =	stream.indirect_vreg.gather [hbm4b:s1+s3], $0x80, v4, vm0, $0xb8;
	[tilespmem:$0x18200] =	vst v63  }
0x16c: {  	_ = 	snop  }
0x16d: {  	[tilespmem:s17], [sflag:$0x1] =	stream.indirect_vreg.gather [hbm4b:s1+s3], $0x80, v3, vm0, $0xb8;
	[tilespmem:$0x18200] =	vst v63  }
0x16e: {  	v3 =	vld [tilespmem:$0x1E0];
	_ =	sdelay $0x4  }
0x16f: {  	v62 =	vshll.u32 v3, $0x1  }
0x170: {  	v3 =	vand.u32 $0x7, v3;
	v4 =	vand.u32 $0xFFFFFFF0, v62  }
0x171: {  	v3 =	vor.u32 v3, v4  }
0x172: {  	v4 =	vperm.xlane v3, v0;
	_ =	sdelay $0x1  }
0x173: {  	v3 =	vperm.xlane v3, v2;
	v4 =	vadd.s32 v1, v4;
	_ =	sdelay $0x1  }
0x174: {  	v3 =	vadd.s32 v1, v3;
	_ =	sdelay $0x2  }
0x175: {  	[tilespmem:s18], [sflag:$0x1] =	stream.indirect_vreg.gather [hbm4b:s1+s3], $0x80, v4, vm0, $0xb8;
	[tilespmem:$0x18200] =	vst v63  }
0x176: {  	_ = 	snop  }
0x177: {  	[tilespmem:s19], [sflag:$0x1] =	stream.indirect_vreg.gather [hbm4b:s1+s3], $0x80, v3, vm0, $0xb8;
	[tilespmem:$0x18200] =	vst v63  }
0x178: {  	v3 =	vld [tilespmem:$0x1F0];
	_ =	sdelay $0x4  }
0x179: {  	v63 =	vshll.u32 v3, $0x1  }
0x17a: {  	v3 =	vand.u32 $0x7, v3;
	v4 =	vand.u32 $0xFFFFFFF0, v63  }
0x17b: {  	v3 =	vor.u32 v3, v4  }
0x17c: {  	v4 =	vperm.xlane v3, v0;
	_ =	sdelay $0x1  }
0x17d: {  	v3 =	vperm.xlane v3, v2;
	v4 =	vadd.s32 v1, v4;
	_ =	sdelay $0x1  }
0x17e: {  	v3 =	vadd.s32 v1, v3;
	_ =	sdelay $0x2  }
0x17f: {  	[tilespmem:s20], [sflag:$0x1] =	stream.indirect_vreg.gather [hbm4b:s1+s3], $0x80, v4, vm0, $0xb8;
	[tilespmem:$0x18200] =	vst v63  }
0x180: {  	_ = 	snop  }
0x181: {  	[tilespmem:s21], [sflag:$0x1] =	stream.indirect_vreg.gather [hbm4b:s1+s3], $0x80, v3, vm0, $0xb8;
	[tilespmem:$0x18200] =	vst v63  }
0x182: {  	_ =	swait.ge [sflag:s29], $0x8000  }
0x183: {  	[sflag:s29] =	ssyncset.done $0x0  }
0x184: {  	s24 =	rddreg [dreg:$0x6];
	[sflag:s29] =	ssyncadd.s32 $0xFFFF8000  }
0x185: {  	[hbm4b:s24+s3] =	stream.linear.scatter [tilespmem:s22], [sflag:$0x5], $0x8000, $0x38;
	[tilespmem:$0x18200] =	vst v63  }
0x186: {  	_ =	swait.ge [sflag:s30], $0x8000  }
0x187: {  	[sflag:s30] =	ssyncset.done $0x0  }
0x188: {  	s24 =	rddreg [dreg:$0x7];
	[sflag:s30] =	ssyncadd.s32 $0xFFFF8000  }
0x189: {  	[hbm4b:s24+s3] =	stream.linear.scatter [tilespmem:s23], [sflag:$0x6], $0x8000, $0x38;
	[tilespmem:$0x18200] =	vst v63  }
0x18a: {  	_ =	swait.ge [sflag:s26], $0x8000  }
0x18b: {  	[sflag:s26] =	ssyncset.done $0x0  }
0x18c: {  	s24 =	rddreg [dreg:$0x8];
	[sflag:s26] =	ssyncadd.s32 $0xFFFF8000  }
0x18d: {  	[hbm4b:s24+s3] =	stream.linear.scatter [tilespmem:s6], [sflag:$0x4], $0x8000, $0x38;
	[tilespmem:$0x18200] =	vst v63  }
0x18e: {  	_ =	swait.ge [sflag:s28], $0x8000  }
0x18f: {  	[sflag:s28] =	ssyncset.done $0x0  }
0x190: {  	[sflag:s28] =	ssyncadd.s32 $0xFFFF8000  }
0x191: {  	p0 =	sne.s32 s4, $0x1;
	_ =	swait.ge [sflag:s31], $0x8000  }
.Ltmp0:
0x192: {  	[sflag:s31] =	ssyncset.done $0x0;
	(pc) =	sbr.rel @p0 .LBB2_1-.Ltmp0, $4  }
0x193: {  	[sflag:s31] =	ssyncadd.s32 $0xFFFF8000  }
0x194: {  	_ =	swait.ge [sflag:s2], $0x8000  }
0x195: {  	[sflag:s2] =	ssyncset.done $0x0  }
0x196: {  	s4 =	sadd.s32 $0xFFFFFFFF, s4;
	[sflag:s2] =	ssyncadd.s32 $0xFFFF8000  }
0x197: {  	_ =	sfence.sel $0x180000  }
0x198: {  	[bflag:$0x0] =	sbarrier.arrive $0xFFFF  }
0x199: {  	_ =	strace $0x9000004A  }
0x19a: {  	s0 =	stileid.u32;
	[bflag:$0x2] =	sbarrier.arrive $0xFFFF  }
0x19b: {  	p0 =	sne.s32 s0, $0x0;
	s0 =	rddreg [dreg:$0x3]  }
0x19c: {  	s0 =	sadd.s32 @!p0 $0x100000, s0  }
0x19d: {  	[sflag:s0] =	ssyncadd.tile.s32 @!p0 $0x1;
	_ =	shalt  }
.Lfunc_end2:
_tile_overlayer_lowered:
.L_overlay_start_2:
0x19e: {  	(tag) =	ssettag $0x2  }
0x19f: {  	s0 =	rddreg [dreg:$0x0];
	s2 =	stileid.u32  }
0x1a0: {  	s1 =	rddreg [dreg:$0x1];
	p0 =	sne.s32 s2, $0x0  }
0x1a1: {  	s3 =	rddreg [dreg:$0x2];
	[bflag:$0x3] =	sbarrier.arrive $0xFFFF;
	s2 =	simm.s32 @!p0 $0x1C07  }
0x1a2: {  	[timem:s3], [sflag:s2] =	dma.local @!p0 [hbm:s0], s1  }
0x1a3: {  	s0 =	simm.s32 @!p0 $0x7  }
0x1a4: {  	_ =	swait.ge @!p0 [sflag:s0], s1  }
0x1a5: {  	s1 =	ssub.s32 @!p0 $0x0, s1;
	[sflag:s0] =	ssyncset.done @!p0 $0x0  }
0x1a6: {  	[sflag:s0] =	ssyncadd.s32 @!p0 s1  }
0x1a7: {  	[bflag:$0x3] =	sbarrier.arrive $0xFFFF  }
0x1a8: {  	_ =	shalt  }

// kernel: kernel.14.cloned.1.call-start
scs
__scs_entry_jumppad:
0x0: {  	(pc) =	sbr.rel $0x88, $3  }
0x1: {  	(tag) =	ssettag $0x0;
	lr =	simm.s32 $0x1  }
0x2: {  	[smem:$0x3F77] =	sst lr;
	_ =	strace $0xD0000000  }
0x3: {  	_ = 	snop  }
0x4: {  	_ = 	snop  }
0x5: {  	_ = 	snop  }
0x6: {  	_ = 	snop  }
0x7: {  	_ = 	snop  }
__scs_overlays_trampoline_lowered:
0x8: {  	[smem:$0x3F86] =	sst s0  }
0x9: {  	[smem:$0x3F87] =	sst s1  }
0xa: {  	[smem:$0x3F88] =	sst s2  }
0xb: {  	[smem:$0x3F89] =	sst s3  }
0xc: {  	[smem:$0x3F8A] =	sst s4  }
0xd: {  	[smem:$0x3F8B] =	sst s5  }
0xe: {  	[smem:$0x3F8C] =	sst s6  }
0xf: {  	[smem:$0x3F8D] =	sst s7  }
0x10: {  	[smem:$0x3F8E] =	sst s8  }
0x11: {  	[smem:$0x3F8F] =	sst s9;
	s0 =	simm.s32 @!p0 $0x0  }
0x12: {  	s1 =	sld [smem:$0x3F75];
	s0 =	simm.s32 @p0 $0x1  }
0x13: {  	[smem:$0x3F90] =	sst s0;
	s0 =	simm.s32 @!p1 $0x0  }
0x14: {  	s2 =	sld [smem:$0x3F74];
	s0 =	simm.s32 @p1 $0x1  }
0x15: {  	[smem:$0x3F91] =	sst s0;
	s0 =	simm.s32 @!p2 $0x0  }
0x16: {  	s3 =	sld [smem:$0x3FDB];
	s0 =	simm.s32 @p2 $0x1  }
0x17: {  	s4 =	simm.s32 $0x1BF5;
	[smem:$0x3F93] =	sst s0  }
0x18: {  	s0 =	sld [smem:$0x3F76];
	_ =	swait.ge [sflag:s4], $0x0  }
0x19: {  	s7 =	sld [smem:$0x3F77]  }
0x1a: {  	s8 =	sadd.s32 $0xFFFFE003, lr  }
0x1b: {  	s9 =	sadd.s32 $0xFFFFFEF7, lr;
	s5 =	simm.s32 $0xFFFFFFFF;
	p2 =	slt.u32 s8, $0xFFFFF086  }
0x1c: {  	p1 =	slt.u32 s9, $0xF7A;
	s5 =	simm.s32 @!p2 $0x0  }
0x1d: {  	s5 =	simm.s32 @p1 $0x1;
	p0 =	seq.s32 s7, s2  }
0x1e: {  	s7 =	smul.u32 @!p0 $0xF7A, s2;
	p2 =	seq.s32 @!p0 s5, $0x0  }
0x1f: {  	s9 =	smul.u32 $0xF7A, s1;
	s8 =	simm.s32 @!p0 $0x1BF5;
	p2 =	por !p2, p0  }
0x20: {  	[sflag:s8] =	ssyncset.s32 @!p0 $0xFFFFF086;
	s6 =	sadd.s32 @!p0 s3, s7;
	s7 =	simm.s32 @!p0 $0x108  }
0x21: {  	s3 =	sadd.s32 s3, s9;
	s6 =	sadd.s32 @!p0 $0x88, s6;
	s7 =	simm.s32 @p2 $0x1082  }
0x22: {  	[simem:s7], [sflag:s8] =	dma.local @!p0 [hbm:s6], $0xF7A  }
0x23: {  	s9 =	sor.u32 $0xD0000000, s2;
	s6 =	simm.s32 $0x108;
	_ =	swait.ge @!p0 [sflag:s8], $0x0  }
0x24: {  	s3 =	sadd.s32 $0x88, s3;
	s6 =	simm.s32 @!p1 $0x1082;
	[sflag:s4] =	ssyncset.s32 $0xFFFFF086  }
0x25: {  	[simem:s6], [sflag:s4] =	dma.local [hbm:s3], $0xF7A  }
0x26: {  	[smem:$0x3F77] =	sst s1;
	(tag) =	ssettag s2;
	_ =	strace s9  }
0x27: {  	s1 =	sld [smem:$0x3F87]  }
0x28: {  	s2 =	sld [smem:$0x3F88]  }
0x29: {  	s4 =	sld [smem:$0x3F8A]  }
0x2a: {  	p0 =	seq.s32 s5, $0x0;
	s5 =	sld [smem:$0x3F8B]  }
0x2b: {  	s6 =	sld [smem:$0x3F8C]  }
0x2c: {  	s7 =	sld [smem:$0x3F8D]  }
0x2d: {  	s3 =	simm.s32 $0x108;
	s8 =	sld [smem:$0x3F8E]  }
0x2e: {  	s3 =	simm.s32 @!p0 $0x1082;
	s9 =	sld [smem:$0x3F8F]  }
0x2f: {  	lr =	sadd.s32 s0, s3;
	s0 =	sld [smem:$0x3F86]  }
0x30: {  	s3 =	sld [smem:$0x3F89]  }
0x31: {  	[smem:$0x3F92] =	sst s10  }
0x32: {  	s10 =	sld [smem:$0x3F90];
	_ =	sdelay $0x3  }
0x33: {  	p0 =	seq.s32 s10, $0x1;
	s10 =	sld [smem:$0x3F92];
	_ =	sdelay $0x3  }
0x34: {  	[smem:$0x3F92] =	sst s10  }
0x35: {  	s10 =	sld [smem:$0x3F91];
	_ =	sdelay $0x3  }
0x36: {  	p1 =	seq.s32 s10, $0x1;
	s10 =	sld [smem:$0x3F92];
	_ =	sdelay $0x3  }
0x37: {  	[smem:$0x3F92] =	sst s10  }
0x38: {  	s10 =	sld [smem:$0x3F93]  }
0x39: {  	_ = 	snop;
	(pc) =	sbr.ind lr, $3  }
0x3a: {  	_ = 	snop  }
0x3b: {  	_ = 	snop  }
0x3c: {  	p2 =	seq.s32 s10, $0x1;
	s10 =	sld [smem:$0x3F92]  }
0x3d: {  	_ =	shalt  }
0x3e: {  	_ =	shalt  }
0x3f: {  	_ =	shalt  }
0x40: {  	_ =	shalt  }
0x41: {  	_ =	shalt  }
0x42: {  	_ =	shalt  }
0x43: {  	_ =	shalt  }
0x44: {  	_ =	shalt  }
0x45: {  	_ =	shalt  }
0x46: {  	_ =	shalt  }
0x47: {  	_ =	shalt  }
0x48: {  	_ =	shalt  }
0x49: {  	_ =	shalt  }
0x4a: {  	_ =	shalt  }
0x4b: {  	_ =	shalt  }
0x4c: {  	_ =	shalt  }
0x4d: {  	_ =	shalt  }
0x4e: {  	_ =	shalt  }
0x4f: {  	_ =	shalt  }
0x50: {  	_ =	shalt  }
0x51: {  	_ =	shalt  }
0x52: {  	_ =	shalt  }
0x53: {  	_ =	shalt  }
0x54: {  	_ =	shalt  }
0x55: {  	_ =	shalt  }
0x56: {  	_ =	shalt  }
0x57: {  	_ =	shalt  }
0x58: {  	_ =	shalt  }
0x59: {  	_ =	shalt  }
0x5a: {  	_ =	shalt  }
0x5b: {  	_ =	shalt  }
0x5c: {  	_ =	shalt  }
0x5d: {  	_ =	shalt  }
0x5e: {  	_ =	shalt  }
0x5f: {  	_ =	shalt  }
0x60: {  	_ =	shalt  }
0x61: {  	_ =	shalt  }
0x62: {  	_ =	shalt  }
0x63: {  	_ =	shalt  }
0x64: {  	_ =	shalt  }
0x65: {  	_ =	shalt  }
0x66: {  	_ =	shalt  }
0x67: {  	_ =	shalt  }
0x68: {  	_ =	shalt  }
0x69: {  	_ =	shalt  }
0x6a: {  	_ =	shalt  }
0x6b: {  	_ =	shalt  }
0x6c: {  	_ =	shalt  }
0x6d: {  	_ =	shalt  }
0x6e: {  	_ =	shalt  }
0x6f: {  	_ =	shalt  }
0x70: {  	_ =	shalt  }
0x71: {  	_ =	shalt  }
0x72: {  	_ =	shalt  }
0x73: {  	_ =	shalt  }
0x74: {  	_ =	shalt  }
0x75: {  	_ =	shalt  }
0x76: {  	_ =	shalt  }
0x77: {  	_ =	shalt  }
0x78: {  	_ =	shalt  }
0x79: {  	_ =	shalt  }
0x7a: {  	_ =	shalt  }
0x7b: {  	_ =	shalt  }
0x7c: {  	_ =	shalt  }
0x7d: {  	_ =	shalt  }
0x7e: {  	_ =	shalt  }
0x7f: {  	_ =	shalt  }
0x80: {  	_ =	shalt  }
0x81: {  	_ =	shalt  }
0x82: {  	_ =	shalt  }
0x83: {  	_ =	shalt  }
0x84: {  	_ =	shalt  }
0x85: {  	_ =	shalt  }
0x86: {  	_ =	shalt  }
0x87: {  	_ =	shalt  }
.Lfunc_end0:
.L_simem_size_0:
called_computation.2_lowered:
.L_overlay_start_0:
0x88: {  	s2 =	sld [smem:$0x3FD9]  }
0x89: {  	s3 =	sld [smem:$0x3FFE];
	_ =	sdelay $0x1  }
0x8a: {  	s1 =	srdreg.scid  }
0x8b: {  	s0 =	sand.u32 $0x1, s1  }
0x8c: {  	s14 =	sshll.u32 s0, $0xA;
	s2 =	sadd.s32 s3, s2  }
0x8d: {  	s2 =	sadd.s32 s2, s14  }
0x8e: {  	[smem:$0x3F9E] =	sst s2  }
0x8f: {  	_ = 	snop  }
0x90: {  	s2 =	sld [smem:$0x3FD0];
	_ =	sdelay $0x2  }
0x91: {  	s15 =	simm.s32 $0xA;
	s4 =	simm.s32 $0x10  }
0x92: {  	[smem:s4], [sflag:s15] =	dma.local [hbm:s2], $0x1  }
0x93: {  	_ =	swait.eq [sflag:s15], $0x1  }
0x94: {  	[sflag:s15] =	ssyncset.done $0x0  }
0x95: {  	s16 =	sld [smem:$0x10];
	[sflag:s15] =	ssyncadd.s32 $0xFFFFFFFF  }
0x96: {  	s17 =	sld [smem:$0x13];
	(tm) =	ssettm $0x1  }
0x97: {  	s18 =	sld [smem:$0x3FFB];
	_ =	sdelay $0x3  }
0x98: {  	_ =	strace s18  }
0x99: {  	s4 =	sld [smem:$0x3FFC];
	_ =	sdelay $0x3  }
0x9a: {  	_ =	strace s4  }
0x9b: {  	s4 =	sld [smem:$0x3FFD];
	_ =	sdelay $0x3  }
0x9c: {  	_ =	strace s4  }
0x9d: {  	_ =	strace $0x8FFFFFFF  }
0x9e: {  	s19 =	sld [smem:$0x3FDB];
	_ =	sdelay $0x1  }
0x9f: {  	s5 =	simm.s32 $_scs_section_size  }
0xa0: {  	s6 =	simm.s32 $_size__tile_overlayer_lowered;
	s7 =	simm.s32 $_tile_overlayer_lowered  }
0xa1: {  	s22 =	simm.s32 $0x1BFF;
	s21 =	sshll.u32 s7, $0x1;
	s4 =	sadd.s32 s5, s19  }
0xa2: {  	s8 =	simm.s32 $0x0;
	s20 =	sshll.u32 s6, $0x1;
	s6 =	sadd.s32 s21, s4  }
0xa3: {  	[timem:s8], [sflag:s22] =	dma.local [hbm:s6], s20  }
0xa4: {  	_ =	swait.ge [sflag:s22], s20  }
0xa5: {  	s5 =	ssub.s32 $0x0, s20;
	[sflag:s22] =	ssyncset.done $0x0  }
0xa6: {  	[sflag:s22] =	ssyncadd.s32 s5;
	_ =	sdelay $0x1  }
0xa7: {  	s23 =	simm.s32 $0x1B8B  }
0xa8: {  	_ =	swait.ge [sflag:s23], $0x1  }
0xa9: {  	[sflag:s23] =	ssyncset.done $0x0  }
0xaa: {  	s25 =	simm.s32 $0x1B8E;
	s24 =	sld [smem:$0x3FFE];
	[sflag:s23] =	ssyncadd.s32 $0xFFFFFFFF  }
0xab: {  	s26 =	simm.s32 $execute0_lowered;
	[smem:$0x3FD2] =	sst s25  }
0xac: {  	s6 =	sshll.u32 s26, $0x1;
	_ =	strace $0x8000004C;
	[dreg:$0x1] =	wrdreg $0xFFFFFFFF  }
0xad: {  	s28 =	simm.s32 $_size_execute0_lowered;
	s4 =	sadd.s32 s4, s6;
	[dreg:$0x0] =	wrdreg $0x0  }
0xae: {  	s6 =	sshll.u32 s28, $0x1;
	[dreg:$0x2] =	wrdreg s4  }
0xaf: {  	[dreg:$0x3] =	wrdreg s6  }
0xb0: {  	[dreg:$0x4] =	wrdreg $0xC0  }
0xb1: {  	_ =	task [dreg:s8], $0x5FFFF  }
0xb2: {  	[dreg:$0x1] =	wrdreg $0xFFFFFFFF  }
0xb3: {  	[dreg:$0x0] =	wrdreg $0x60  }
0xb4: {  	[dreg:$0x2] =	wrdreg s16  }
0xb5: {  	[dreg:$0x3] =	wrdreg s17  }
0xb6: {  	[dreg:$0x4] =	wrdreg s24  }
0xb7: {  	[dreg:$0x5] =	wrdreg $0x9  }
0xb8: {  	_ =	task.clear_ibuf [dreg:s8], $0x6FFFF;
	_ =	strace $0x9000004C  }
0xb9: {  	s29 =	simm.s32 $0x9;
	_ =	strace $0x8000004E  }
0xba: {  	_ =	swait.ge [sflag:s29], $0x1  }
0xbb: {  	[sflag:s29] =	ssyncadd.s32 $0xFFFFFFFF  }
0xbc: {  	_ =	strace $0x9000004E  }
0xbd: {  	_ =	sfence  }
0xbe: {  	s30 =	sld [smem:$0x0];
	_ =	sdelay $0x2  }
0xbf: {  	s31 =	sshll.u32 s1, $0xD;
	s1 =	sshrl.u32 s1, $0x2  }
0xc0: {  	s3 =	sand.u32 $0x4000, s31;
	s1 =	sadd.s32 s1, s30  }
0xc1: {  	s0 =	sor.u32 s3, s0;
	s1 =	sshll.u32 s1, $0x11  }
0xc2: {  	s0 =	sor.u32 s1, s0  }
0xc3: {  	s0 =	sadd.s32 $0x8F2B, s0  }
0xc4: {  	[sflag:s0] =	ssyncadd.remote.s32 $0x1  }
0xc5: {  	_ =	sfence.sel $0xFFFF  }
0xc6: {  	[dreg:$0x0] =	wrdreg $0xFFFFFFFF;
	(pc) =	sbr.abs _section_cstart, $3  }
0xc7: {  	[dreg:$0x1] =	wrdreg $0xFFFFFFFF  }
0xc8: {  	_ =	task.clear_ibuf [dreg:s8], $0x2FFFF;
	_ =	strace $0x9FFFFFFF  }
0xc9: {  	(tm) =	ssettm $0x7FFFFFFF  }
tec
execute0_lowered:
.L_overlay_start_1:
0x0: {  	(tag) =	ssettag $0x1  }
0x1: {  	s1 =	rddreg [dreg:$0x0]  }
0x2: {  	s2 =	srdreg.scid;
	s4 =	rddreg [dreg:$0x1]  }
0x3: {  	s0 =	stileid.u32;
	s5 =	rddreg [dreg:$0x2];
	s3 =	simm.s32 $0x0  }
0x4: {  	s20 =	simm.s32 $0x8A00;
	s21 =	simm.s32 $0x9200;
	[smem:$0x7FF] =	sst s3  }
0x5: {  	s22 =	simm.s32 $0x9A00;
	_ =	strace $0x8000004D;
	[dreg:$0x9] =	wrdreg s20  }
0x6: {  	s23 =	simm.s32 $0xA200;
	s24 =	simm.s32 $0xAA00;
	[dreg:$0xa] =	wrdreg s21  }
0x7: {  	s25 =	simm.s32 $0xB200;
	s8 =	simm.s32 $0xD200;
	[dreg:$0xb] =	wrdreg s22  }
0x8: {  	s9 =	simm.s32 $0xDA00;
	s10 =	simm.s32 $0xE200;
	[dreg:$0xc] =	wrdreg s23  }
0x9: {  	s11 =	simm.s32 $0xEA00;
	s12 =	simm.s32 $0xF200;
	[dreg:$0xd] =	wrdreg s24  }
0xa: {  	s6 =	sshll.u32 s0, $0xA;
	s0 =	simm.s32 $0xBA00;
	[dreg:$0xe] =	wrdreg s25  }
0xb: {  	s13 =	simm.s32 $0xFA00;
	s14 =	simm.s32 $0x10A00;
	[dreg:$0xf] =	wrdreg s0  }
0xc: {  	s15 =	simm.s32 $0x11200;
	s28 =	simm.s32 $0x4;
	[dreg:$0x12] =	wrdreg s8  }
0xd: {  	s29 =	simm.s32 $0x2;
	s30 =	simm.s32 $0x3;
	[dreg:$0x13] =	wrdreg s9  }
0xe: {  	s31 =	simm.s32 $0x5;
	s2 =	sand.u32 $0x1, s2;
	[dreg:$0x14] =	wrdreg s10  }
0xf: {  	s7 =	sshll.u32 s2, $0x9;
	s2 =	ssub.s32 $0x2, s2;
	[dreg:$0x15] =	wrdreg s11  }
0x10: {  	s8 =	simm.s32 $0x1200;
	s9 =	simm.s32 $0x1A00;
	[dreg:$0x16] =	wrdreg s12  }
0x11: {  	s10 =	simm.s32 $0x2200;
	s11 =	simm.s32 $0x2A00;
	[dreg:$0x17] =	wrdreg s13  }
0x12: {  	s12 =	simm.s32 $0x3200;
	[dreg:$0x18] =	wrdreg s14;
	s13 =	simm.s32 $0x3A00  }
0x13: {  	[dreg:$0x19] =	wrdreg s15;
	s14 =	simm.s32 $0x4200;
	s20 =	simm.s32 $0x13A00  }
0x14: {  	s15 =	simm.s32 $0x4A00;
	s21 =	simm.s32 $0x14200;
	[dreg:$0x1e] =	wrdreg s20  }
0x15: {  	s22 =	simm.s32 $0x14A00;
	s23 =	simm.s32 $0x15200;
	[dreg:$0x1f] =	wrdreg s21  }
0x16: {  	s24 =	simm.s32 $0x15A00;
	s25 =	simm.s32 $0x16200;
	[smem:$0x7F9] =	sst s22  }
0x17: {  	s6 =	sor.u32 s7, s6;
	s26 =	sshrl.u32 s2, $0x1;
	[smem:$0x7FA] =	sst s23  }
0x18: {  	s20 =	simm.s32 $0x7200;
	s21 =	simm.s32 $0x7A00;
	[smem:$0x7FB] =	sst s24  }
0x19: {  	s22 =	simm.s32 $0x8200;
	[smem:$0x7FC] =	sst s25;
	s7 =	sshll.u32 s6, $0x5  }
0x1a: {  	s6 =	sshrl.u32 s6, $0x3;
	s2 =	ssub.s32 s2, s26;
	s26 =	simm.s32 $0x16A00  }
0x1b: {  	s23 =	simm.s32 $0x10200;
	s4 =	sadd.s32 s4, s6;
	[smem:$0x7FD] =	sst s26  }
0x1c: {  	s25 =	simm.s32 $0x17A00;
	s6 =	simm.s32 $0xC200;
	[dreg:$0x4] =	wrdreg s4  }
0x1d: {  	s5 =	sadd.s32 s7, s5;
	s7 =	simm.s32 $0xCA00;
	[dreg:$0x10] =	wrdreg s6  }
0x1e: {  	s26 =	simm.s32 $0x1;
	s16 =	sadd.s32 $0x6600, s5;
	[dreg:$0x11] =	wrdreg s7  }
0x1f: {  	s17 =	sadd.s32 $0x7600, s5;
	s18 =	sadd.s32 $0x8600, s5;
	[dreg:$0x5] =	wrdreg s16  }
0x20: {  	s19 =	sadd.s32 $0x9600, s5;
	s4 =	smax.u32 s2, $0x1;
	[dreg:$0x6] =	wrdreg s17  }
0x21: {  	s5 =	simm.s32 $0x7;
	s6 =	simm.s32 $0x200;
	[dreg:$0x7] =	wrdreg s18  }
0x22: {  	s7 =	simm.s32 $0xA00;
	[dreg:$0x8] =	wrdreg s19;
	s16 =	simm.s32 $0x11A00  }
0x23: {  	s2 =	simm.s32 $0x6;
	s17 =	simm.s32 $0x12200;
	[dreg:$0x1a] =	wrdreg s16  }
0x24: {  	v2 =	vlaneseq.u32;
	s18 =	simm.s32 $0x12A00;
	s19 =	simm.s32 $0x13200;
	[dreg:$0x1b] =	wrdreg s17  }
0x25: {  	vm0 =	vmmov $0xffff;
	v1 =	vshrl.u32 v2, $0x3;
	s16 =	simm.s32 $0x5200;
	[dreg:$0x1c] =	wrdreg s18;
	s17 =	simm.s32 $0x5A00  }
0x26: {  	v0 =	vand.u32 $0x7, v2;
	v2 =	vor.u32 $0x8, v2;
	v1 =	vmul.u32 $0x8, v1;
	[dreg:$0x1d] =	wrdreg s19;
	s18 =	simm.s32 $0x6200;
	s19 =	simm.s32 $0x6A00  }
.LBB2_1:
0x27: {  	s0 =	rddreg [dreg:$0x4]  }
0x28: {  	[tilespmem:s3], [sflag:$0x7] =	stream.linear.gather [hbm4b:s0+s3], $0x200, $0x38;
	[tilespmem:$0x18200] =	vst v63  }
0x29: {  	_ =	swait.ge [sflag:s5], $0x200  }
0x2a: {  	[sflag:s5] =	ssyncset.done $0x0  }
0x2b: {  	[sflag:s5] =	ssyncadd.s32 $0xFFFFFE00  }
0x2c: {  	v3 =	vld [tilespmem:$0x0];
	_ =	sdelay $0x4  }
0x2d: {  	v4 =	vshll.u32 v3, $0x1  }
0x2e: {  	v3 =	vand.u32 $0x7, v3;
	v4 =	vand.u32 $0xFFFFFFF0, v4  }
0x2f: {  	v3 =	vor.u32 v3, v4  }
0x30: {  	v4 =	vperm.xlane v3, v0;
	_ =	sdelay $0x1  }
0x31: {  	v3 =	vperm.xlane v3, v2;
	v4 =	vadd.s32 v1, v4;
	_ =	sdelay $0x1  }
0x32: {  	v3 =	vadd.s32 v1, v3;
	_ =	sdelay $0x2  }
0x33: {  	[tilespmem:s6], [sflag:$0x1] =	stream.indirect_vreg.gather [hbm4b:s1+s3], $0x80, v4, vm0, $0xb8;
	[tilespmem:$0x18200] =	vst v63  }
0x34: {  	_ = 	snop  }
0x35: {  	[tilespmem:s7], [sflag:$0x1] =	stream.indirect_vreg.gather [hbm4b:s1+s3], $0x80, v3, vm0, $0xb8;
	[tilespmem:$0x18200] =	vst v63  }
0x36: {  	v3 =	vld [tilespmem:$0x10];
	_ =	sdelay $0x4  }
0x37: {  	v33 =	vshll.u32 v3, $0x1  }
0x38: {  	v3 =	vand.u32 $0x7, v3;
	v4 =	vand.u32 $0xFFFFFFF0, v33  }
0x39: {  	v3 =	vor.u32 v3, v4  }
0x3a: {  	v4 =	vperm.xlane v3, v0;
	_ =	sdelay $0x1  }
0x3b: {  	v3 =	vperm.xlane v3, v2;
	v4 =	vadd.s32 v1, v4;
	_ =	sdelay $0x1  }
0x3c: {  	v3 =	vadd.s32 v1, v3;
	_ =	sdelay $0x2  }
0x3d: {  	[tilespmem:s8], [sflag:$0x1] =	stream.indirect_vreg.gather [hbm4b:s1+s3], $0x80, v4, vm0, $0xb8;
	[tilespmem:$0x18200] =	vst v63  }
0x3e: {  	_ = 	snop  }
0x3f: {  	[tilespmem:s9], [sflag:$0x1] =	stream.indirect_vreg.gather [hbm4b:s1+s3], $0x80, v3, vm0, $0xb8;
	[tilespmem:$0x18200] =	vst v63  }
0x40: {  	v3 =	vld [tilespmem:$0x20];
	_ =	sdelay $0x4  }
0x41: {  	v34 =	vshll.u32 v3, $0x1  }
0x42: {  	v3 =	vand.u32 $0x7, v3;
	v4 =	vand.u32 $0xFFFFFFF0, v34  }
0x43: {  	v3 =	vor.u32 v3, v4  }
0x44: {  	v4 =	vperm.xlane v3, v0;
	_ =	sdelay $0x1  }
0x45: {  	v3 =	vperm.xlane v3, v2;
	v4 =	vadd.s32 v1, v4;
	_ =	sdelay $0x1  }
0x46: {  	v3 =	vadd.s32 v1, v3;
	_ =	sdelay $0x2  }
0x47: {  	[tilespmem:s10], [sflag:$0x1] =	stream.indirect_vreg.gather [hbm4b:s1+s3], $0x80, v4, vm0, $0xb8;
	[tilespmem:$0x18200] =	vst v63  }
0x48: {  	_ = 	snop  }
0x49: {  	[tilespmem:s11], [sflag:$0x1] =	stream.indirect_vreg.gather [hbm4b:s1+s3], $0x80, v3, vm0, $0xb8;
	[tilespmem:$0x18200] =	vst v63  }
0x4a: {  	v3 =	vld [tilespmem:$0x30];
	_ =	sdelay $0x4  }
0x4b: {  	v35 =	vshll.u32 v3, $0x1  }
0x4c: {  	v3 =	vand.u32 $0x7, v3;
	v4 =	vand.u32 $0xFFFFFFF0, v35  }
0x4d: {  	v3 =	vor.u32 v3, v4  }
0x4e: {  	v4 =	vperm.xlane v3, v0;
	_ =	sdelay $0x1  }
0x4f: {  	v3 =	vperm.xlane v3, v2;
	v4 =	vadd.s32 v1, v4;
	_ =	sdelay $0x1  }
0x50: {  	v3 =	vadd.s32 v1, v3;
	_ =	sdelay $0x2  }
0x51: {  	[tilespmem:s12], [sflag:$0x1] =	stream.indirect_vreg.gather [hbm4b:s1+s3], $0x80, v4, vm0, $0xb8;
	[tilespmem:$0x18200] =	vst v63  }
0x52: {  	_ = 	snop  }
0x53: {  	[tilespmem:s13], [sflag:$0x1] =	stream.indirect_vreg.gather [hbm4b:s1+s3], $0x80, v3, vm0, $0xb8;
	[tilespmem:$0x18200] =	vst v63  }
0x54: {  	v3 =	vld [tilespmem:$0x40];
	_ =	sdelay $0x4  }
0x55: {  	v36 =	vshll.u32 v3, $0x1  }
0x56: {  	v3 =	vand.u32 $0x7, v3;
	v4 =	vand.u32 $0xFFFFFFF0, v36  }
0x57: {  	v3 =	vor.u32 v3, v4  }
0x58: {  	v4 =	vperm.xlane v3, v0;
	_ =	sdelay $0x1  }
0x59: {  	v3 =	vperm.xlane v3, v2;
	v4 =	vadd.s32 v1, v4;
	_ =	sdelay $0x1  }
0x5a: {  	v3 =	vadd.s32 v1, v3;
	_ =	sdelay $0x2  }
0x5b: {  	[tilespmem:s14], [sflag:$0x1] =	stream.indirect_vreg.gather [hbm4b:s1+s3], $0x80, v4, vm0, $0xb8;
	[tilespmem:$0x18200] =	vst v63  }
0x5c: {  	_ = 	snop  }
0x5d: {  	[tilespmem:s15], [sflag:$0x1] =	stream.indirect_vreg.gather [hbm4b:s1+s3], $0x80, v3, vm0, $0xb8;
	[tilespmem:$0x18200] =	vst v63  }
0x5e: {  	v3 =	vld [tilespmem:$0x50];
	_ =	sdelay $0x4  }
0x5f: {  	v37 =	vshll.u32 v3, $0x1  }
0x60: {  	v3 =	vand.u32 $0x7, v3;
	v4 =	vand.u32 $0xFFFFFFF0, v37  }
0x61: {  	v3 =	vor.u32 v3, v4  }
0x62: {  	v4 =	vperm.xlane v3, v0;
	_ =	sdelay $0x1  }
0x63: {  	v3 =	vperm.xlane v3, v2;
	v4 =	vadd.s32 v1, v4;
	_ =	sdelay $0x1  }
0x64: {  	v3 =	vadd.s32 v1, v3;
	_ =	sdelay $0x2  }
0x65: {  	[tilespmem:s16], [sflag:$0x1] =	stream.indirect_vreg.gather [hbm4b:s1+s3], $0x80, v4, vm0, $0xb8;
	[tilespmem:$0x18200] =	vst v63  }
0x66: {  	_ = 	snop  }
0x67: {  	[tilespmem:s17], [sflag:$0x1] =	stream.indirect_vreg.gather [hbm4b:s1+s3], $0x80, v3, vm0, $0xb8;
	[tilespmem:$0x18200] =	vst v63  }
0x68: {  	v3 =	vld [tilespmem:$0x60];
	_ =	sdelay $0x4  }
0x69: {  	v38 =	vshll.u32 v3, $0x1  }
0x6a: {  	v3 =	vand.u32 $0x7, v3;
	v4 =	vand.u32 $0xFFFFFFF0, v38  }
0x6b: {  	v3 =	vor.u32 v3, v4  }
0x6c: {  	v4 =	vperm.xlane v3, v0;
	_ =	sdelay $0x1  }
0x6d: {  	v3 =	vperm.xlane v3, v2;
	v4 =	vadd.s32 v1, v4;
	_ =	sdelay $0x1  }
0x6e: {  	v3 =	vadd.s32 v1, v3;
	_ =	sdelay $0x2  }
0x6f: {  	[tilespmem:s18], [sflag:$0x1] =	stream.indirect_vreg.gather [hbm4b:s1+s3], $0x80, v4, vm0, $0xb8;
	[tilespmem:$0x18200] =	vst v63  }
0x70: {  	_ = 	snop  }
0x71: {  	[tilespmem:s19], [sflag:$0x1] =	stream.indirect_vreg.gather [hbm4b:s1+s3], $0x80, v3, vm0, $0xb8;
	[tilespmem:$0x18200] =	vst v63  }
0x72: {  	v3 =	vld [tilespmem:$0x70];
	_ =	sdelay $0x4  }
0x73: {  	v39 =	vshll.u32 v3, $0x1  }
0x74: {  	v3 =	vand.u32 $0x7, v3;
	v4 =	vand.u32 $0xFFFFFFF0, v39  }
0x75: {  	v3 =	vor.u32 v3, v4  }
0x76: {  	v4 =	vperm.xlane v3, v0;
	_ =	sdelay $0x1  }
0x77: {  	v3 =	vperm.xlane v3, v2;
	v4 =	vadd.s32 v1, v4;
	_ =	sdelay $0x1  }
0x78: {  	v3 =	vadd.s32 v1, v3;
	_ =	sdelay $0x2  }
0x79: {  	[tilespmem:s20], [sflag:$0x1] =	stream.indirect_vreg.gather [hbm4b:s1+s3], $0x80, v4, vm0, $0xb8;
	[tilespmem:$0x18200] =	vst v63  }
0x7a: {  	_ = 	snop  }
0x7b: {  	[tilespmem:s21], [sflag:$0x1] =	stream.indirect_vreg.gather [hbm4b:s1+s3], $0x80, v3, vm0, $0xb8;
	[tilespmem:$0x18200] =	vst v63  }
0x7c: {  	v3 =	vld [tilespmem:$0x80];
	_ =	sdelay $0x4  }
0x7d: {  	v40 =	vshll.u32 v3, $0x1  }
0x7e: {  	v3 =	vand.u32 $0x7, v3;
	v4 =	vand.u32 $0xFFFFFFF0, v40  }
0x7f: {  	v3 =	vor.u32 v3, v4  }
0x80: {  	v4 =	vperm.xlane v3, v0;
	_ =	sdelay $0x1  }
0x81: {  	v3 =	vperm.xlane v3, v2;
	v4 =	vadd.s32 v1, v4;
	_ =	sdelay $0x1  }
0x82: {  	v3 =	vadd.s32 v1, v3;
	_ =	sdelay $0x2  }
0x83: {  	[tilespmem:s22], [sflag:$0x2] =	stream.indirect_vreg.gather [hbm4b:s1+s3], $0x80, v4, vm0, $0xb8;
	[tilespmem:$0x18200] =	vst v63  }
0x84: {  	s24 =	rddreg [dreg:$0x9]  }
0x85: {  	[tilespmem:s24], [sflag:$0x2] =	stream.indirect_vreg.gather [hbm4b:s1+s3], $0x80, v3, vm0, $0xb8;
	[tilespmem:$0x18200] =	vst v63  }
0x86: {  	v3 =	vld [tilespmem:$0x90];
	_ =	sdelay $0x4  }
0x87: {  	v41 =	vshll.u32 v3, $0x1  }
0x88: {  	v3 =	vand.u32 $0x7, v3;
	v4 =	vand.u32 $0xFFFFFFF0, v41  }
0x89: {  	v3 =	vor.u32 v3, v4  }
0x8a: {  	v4 =	vperm.xlane v3, v0;
	_ =	sdelay $0x1  }
0x8b: {  	v3 =	vperm.xlane v3, v2;
	v4 =	vadd.s32 v1, v4;
	_ =	sdelay $0x1  }
0x8c: {  	v3 =	vadd.s32 v1, v3;
	_ =	sdelay $0x1  }
0x8d: {  	s0 =	rddreg [dreg:$0xa]  }
0x8e: {  	[tilespmem:s0], [sflag:$0x2] =	stream.indirect_vreg.gather [hbm4b:s1+s3], $0x80, v4, vm0, $0xb8;
	[tilespmem:$0x18200] =	vst v63  }
0x8f: {  	s24 =	rddreg [dreg:$0xb]  }
0x90: {  	[tilespmem:s24], [sflag:$0x2] =	stream.indirect_vreg.gather [hbm4b:s1+s3], $0x80, v3, vm0, $0xb8;
	[tilespmem:$0x18200] =	vst v63  }
0x91: {  	v3 =	vld [tilespmem:$0xA0];
	_ =	sdelay $0x4  }
0x92: {  	v42 =	vshll.u32 v3, $0x1  }
0x93: {  	v3 =	vand.u32 $0x7, v3;
	v4 =	vand.u32 $0xFFFFFFF0, v42  }
0x94: {  	v3 =	vor.u32 v3, v4  }
0x95: {  	v4 =	vperm.xlane v3, v0;
	_ =	sdelay $0x1  }
0x96: {  	v3 =	vperm.xlane v3, v2;
	v4 =	vadd.s32 v1, v4;
	_ =	sdelay $0x1  }
0x97: {  	v3 =	vadd.s32 v1, v3;
	_ =	sdelay $0x1  }
0x98: {  	s0 =	rddreg [dreg:$0xc]  }
0x99: {  	[tilespmem:s0], [sflag:$0x2] =	stream.indirect_vreg.gather [hbm4b:s1+s3], $0x80, v4, vm0, $0xb8;
	[tilespmem:$0x18200] =	vst v63  }
0x9a: {  	s24 =	rddreg [dreg:$0xd]  }
0x9b: {  	[tilespmem:s24], [sflag:$0x2] =	stream.indirect_vreg.gather [hbm4b:s1+s3], $0x80, v3, vm0, $0xb8;
	[tilespmem:$0x18200] =	vst v63  }
0x9c: {  	v3 =	vld [tilespmem:$0xB0];
	_ =	sdelay $0x4  }
0x9d: {  	v43 =	vshll.u32 v3, $0x1  }
0x9e: {  	v3 =	vand.u32 $0x7, v3;
	v4 =	vand.u32 $0xFFFFFFF0, v43  }
0x9f: {  	v3 =	vor.u32 v3, v4  }
0xa0: {  	v4 =	vperm.xlane v3, v0;
	_ =	sdelay $0x1  }
0xa1: {  	v3 =	vperm.xlane v3, v2;
	v4 =	vadd.s32 v1, v4;
	_ =	sdelay $0x1  }
0xa2: {  	v3 =	vadd.s32 v1, v3;
	_ =	sdelay $0x1  }
0xa3: {  	s0 =	rddreg [dreg:$0xe]  }
0xa4: {  	[tilespmem:s0], [sflag:$0x2] =	stream.indirect_vreg.gather [hbm4b:s1+s3], $0x80, v4, vm0, $0xb8;
	[tilespmem:$0x18200] =	vst v63  }
0xa5: {  	s24 =	rddreg [dreg:$0xf]  }
0xa6: {  	[tilespmem:s24], [sflag:$0x2] =	stream.indirect_vreg.gather [hbm4b:s1+s3], $0x80, v3, vm0, $0xb8;
	[tilespmem:$0x18200] =	vst v63  }
0xa7: {  	v3 =	vld [tilespmem:$0xC0];
	_ =	sdelay $0x4  }
0xa8: {  	v44 =	vshll.u32 v3, $0x1  }
0xa9: {  	v3 =	vand.u32 $0x7, v3;
	v4 =	vand.u32 $0xFFFFFFF0, v44  }
0xaa: {  	v3 =	vor.u32 v3, v4  }
0xab: {  	v4 =	vperm.xlane v3, v0;
	_ =	sdelay $0x1  }
0xac: {  	v3 =	vperm.xlane v3, v2;
	v4 =	vadd.s32 v1, v4;
	_ =	sdelay $0x1  }
0xad: {  	v3 =	vadd.s32 v1, v3;
	_ =	sdelay $0x1  }
0xae: {  	s0 =	rddreg [dreg:$0x10]  }
0xaf: {  	[tilespmem:s0], [sflag:$0x2] =	stream.indirect_vreg.gather [hbm4b:s1+s3], $0x80, v4, vm0, $0xb8;
	[tilespmem:$0x18200] =	vst v63  }
0xb0: {  	s24 =	rddreg [dreg:$0x11]  }
0xb1: {  	[tilespmem:s24], [sflag:$0x2] =	stream.indirect_vreg.gather [hbm4b:s1+s3], $0x80, v3, vm0, $0xb8;
	[tilespmem:$0x18200] =	vst v63  }
0xb2: {  	v3 =	vld [tilespmem:$0xD0];
	_ =	sdelay $0x4  }
0xb3: {  	v45 =	vshll.u32 v3, $0x1  }
0xb4: {  	v3 =	vand.u32 $0x7, v3;
	v4 =	vand.u32 $0xFFFFFFF0, v45  }
0xb5: {  	v3 =	vor.u32 v3, v4  }
0xb6: {  	v4 =	vperm.xlane v3, v0;
	_ =	sdelay $0x1  }
0xb7: {  	v3 =	vperm.xlane v3, v2;
	v4 =	vadd.s32 v1, v4;
	_ =	sdelay $0x1  }
0xb8: {  	v3 =	vadd.s32 v1, v3;
	_ =	sdelay $0x1  }
0xb9: {  	s0 =	rddreg [dreg:$0x12]  }
0xba: {  	[tilespmem:s0], [sflag:$0x2] =	stream.indirect_vreg.gather [hbm4b:s1+s3], $0x80, v4, vm0, $0xb8;
	[tilespmem:$0x18200] =	vst v63  }
0xbb: {  	s24 =	rddreg [dreg:$0x13]  }
0xbc: {  	[tilespmem:s24], [sflag:$0x2] =	stream.indirect_vreg.gather [hbm4b:s1+s3], $0x80, v3, vm0, $0xb8;
	[tilespmem:$0x18200] =	vst v63  }
0xbd: {  	v3 =	vld [tilespmem:$0xE0];
	_ =	sdelay $0x4  }
0xbe: {  	v46 =	vshll.u32 v3, $0x1  }
0xbf: {  	v3 =	vand.u32 $0x7, v3;
	v4 =	vand.u32 $0xFFFFFFF0, v46  }
0xc0: {  	v3 =	vor.u32 v3, v4  }
0xc1: {  	v4 =	vperm.xlane v3, v0;
	_ =	sdelay $0x1  }
0xc2: {  	v3 =	vperm.xlane v3, v2;
	v4 =	vadd.s32 v1, v4;
	_ =	sdelay $0x1  }
0xc3: {  	v3 =	vadd.s32 v1, v3;
	_ =	sdelay $0x1  }
0xc4: {  	s0 =	rddreg [dreg:$0x14]  }
0xc5: {  	[tilespmem:s0], [sflag:$0x2] =	stream.indirect_vreg.gather [hbm4b:s1+s3], $0x80, v4, vm0, $0xb8;
	[tilespmem:$0x18200] =	vst v63  }
0xc6: {  	s24 =	rddreg [dreg:$0x15]  }
0xc7: {  	[tilespmem:s24], [sflag:$0x2] =	stream.indirect_vreg.gather [hbm4b:s1+s3], $0x80, v3, vm0, $0xb8;
	[tilespmem:$0x18200] =	vst v63  }
0xc8: {  	v3 =	vld [tilespmem:$0xF0];
	_ =	sdelay $0x4  }
0xc9: {  	v47 =	vshll.u32 v3, $0x1  }
0xca: {  	v3 =	vand.u32 $0x7, v3;
	v4 =	vand.u32 $0xFFFFFFF0, v47  }
0xcb: {  	v3 =	vor.u32 v3, v4  }
0xcc: {  	v4 =	vperm.xlane v3, v0;
	_ =	sdelay $0x1  }
0xcd: {  	v3 =	vperm.xlane v3, v2;
	v4 =	vadd.s32 v1, v4;
	_ =	sdelay $0x1  }
0xce: {  	v3 =	vadd.s32 v1, v3;
	_ =	sdelay $0x1  }
0xcf: {  	s0 =	rddreg [dreg:$0x16]  }
0xd0: {  	[tilespmem:s0], [sflag:$0x2] =	stream.indirect_vreg.gather [hbm4b:s1+s3], $0x80, v4, vm0, $0xb8;
	[tilespmem:$0x18200] =	vst v63  }
0xd1: {  	s24 =	rddreg [dreg:$0x17]  }
0xd2: {  	[tilespmem:s24], [sflag:$0x2] =	stream.indirect_vreg.gather [hbm4b:s1+s3], $0x80, v3, vm0, $0xb8;
	[tilespmem:$0x18200] =	vst v63  }
0xd3: {  	v3 =	vld [tilespmem:$0x100];
	_ =	sdelay $0x4  }
0xd4: {  	v48 =	vshll.u32 v3, $0x1  }
0xd5: {  	v3 =	vand.u32 $0x7, v3;
	v4 =	vand.u32 $0xFFFFFFF0, v48  }
0xd6: {  	v3 =	vor.u32 v3, v4  }
0xd7: {  	v4 =	vperm.xlane v3, v0;
	_ =	sdelay $0x1  }
0xd8: {  	v3 =	vperm.xlane v3, v2;
	v4 =	vadd.s32 v1, v4;
	_ =	sdelay $0x1  }
0xd9: {  	v3 =	vadd.s32 v1, v3;
	_ =	sdelay $0x2  }
0xda: {  	[tilespmem:s23], [sflag:$0x3] =	stream.indirect_vreg.gather [hbm4b:s1+s3], $0x80, v4, vm0, $0xb8;
	[tilespmem:$0x18200] =	vst v63  }
0xdb: {  	s24 =	rddreg [dreg:$0x18]  }
0xdc: {  	[tilespmem:s24], [sflag:$0x3] =	stream.indirect_vreg.gather [hbm4b:s1+s3], $0x80, v3, vm0, $0xb8;
	[tilespmem:$0x18200] =	vst v63  }
0xdd: {  	v3 =	vld [tilespmem:$0x110];
	_ =	sdelay $0x4  }
0xde: {  	v49 =	vshll.u32 v3, $0x1  }
0xdf: {  	v3 =	vand.u32 $0x7, v3;
	v4 =	vand.u32 $0xFFFFFFF0, v49  }
0xe0: {  	v3 =	vor.u32 v3, v4  }
0xe1: {  	v4 =	vperm.xlane v3, v0;
	_ =	sdelay $0x1  }
0xe2: {  	v3 =	vperm.xlane v3, v2;
	v4 =	vadd.s32 v1, v4;
	_ =	sdelay $0x1  }
0xe3: {  	v3 =	vadd.s32 v1, v3;
	_ =	sdelay $0x1  }
0xe4: {  	s0 =	rddreg [dreg:$0x19]  }
0xe5: {  	[tilespmem:s0], [sflag:$0x3] =	stream.indirect_vreg.gather [hbm4b:s1+s3], $0x80, v4, vm0, $0xb8;
	[tilespmem:$0x18200] =	vst v63  }
0xe6: {  	s24 =	rddreg [dreg:$0x1a]  }
0xe7: {  	[tilespmem:s24], [sflag:$0x3] =	stream.indirect_vreg.gather [hbm4b:s1+s3], $0x80, v3, vm0, $0xb8;
	[tilespmem:$0x18200] =	vst v63  }
0xe8: {  	v3 =	vld [tilespmem:$0x120];
	_ =	sdelay $0x4  }
0xe9: {  	v50 =	vshll.u32 v3, $0x1  }
0xea: {  	v3 =	vand.u32 $0x7, v3;
	v4 =	vand.u32 $0xFFFFFFF0, v50  }
0xeb: {  	v3 =	vor.u32 v3, v4  }
0xec: {  	v4 =	vperm.xlane v3, v0;
	_ =	sdelay $0x1  }
0xed: {  	v3 =	vperm.xlane v3, v2;
	v4 =	vadd.s32 v1, v4;
	_ =	sdelay $0x1  }
0xee: {  	v3 =	vadd.s32 v1, v3;
	_ =	sdelay $0x1  }
0xef: {  	s0 =	rddreg [dreg:$0x1b]  }
0xf0: {  	[tilespmem:s0], [sflag:$0x3] =	stream.indirect_vreg.gather [hbm4b:s1+s3], $0x80, v4, vm0, $0xb8;
	[tilespmem:$0x18200] =	vst v63  }
0xf1: {  	s24 =	rddreg [dreg:$0x1c]  }
0xf2: {  	[tilespmem:s24], [sflag:$0x3] =	stream.indirect_vreg.gather [hbm4b:s1+s3], $0x80, v3, vm0, $0xb8;
	[tilespmem:$0x18200] =	vst v63  }
0xf3: {  	v3 =	vld [tilespmem:$0x130];
	_ =	sdelay $0x4  }
0xf4: {  	v51 =	vshll.u32 v3, $0x1  }
0xf5: {  	v3 =	vand.u32 $0x7, v3;
	v4 =	vand.u32 $0xFFFFFFF0, v51  }
0xf6: {  	v3 =	vor.u32 v3, v4  }
0xf7: {  	v4 =	vperm.xlane v3, v0;
	_ =	sdelay $0x1  }
0xf8: {  	v3 =	vperm.xlane v3, v2;
	v4 =	vadd.s32 v1, v4;
	_ =	sdelay $0x1  }
0xf9: {  	v3 =	vadd.s32 v1, v3;
	_ =	sdelay $0x1  }
0xfa: {  	s0 =	rddreg [dreg:$0x1d]  }
0xfb: {  	[tilespmem:s0], [sflag:$0x3] =	stream.indirect_vreg.gather [hbm4b:s1+s3], $0x80, v4, vm0, $0xb8;
	[tilespmem:$0x18200] =	vst v63  }
0xfc: {  	s24 =	rddreg [dreg:$0x1e]  }
0xfd: {  	[tilespmem:s24], [sflag:$0x3] =	stream.indirect_vreg.gather [hbm4b:s1+s3], $0x80, v3, vm0, $0xb8;
	[tilespmem:$0x18200] =	vst v63  }
0xfe: {  	v3 =	vld [tilespmem:$0x140];
	_ =	sdelay $0x4  }
0xff: {  	v52 =	vshll.u32 v3, $0x1  }
0x100: {  	v3 =	vand.u32 $0x7, v3;
	v4 =	vand.u32 $0xFFFFFFF0, v52  }
0x101: {  	v3 =	vor.u32 v3, v4  }
0x102: {  	v4 =	vperm.xlane v3, v0;
	_ =	sdelay $0x1  }
0x103: {  	v3 =	vperm.xlane v3, v2;
	v4 =	vadd.s32 v1, v4;
	_ =	sdelay $0x1  }
0x104: {  	v3 =	vadd.s32 v1, v3  }
0x105: {  	s0 =	rddreg [dreg:$0x1f]  }
0x106: {  	s24 =	sld [smem:$0x7F9]  }
0x107: {  	[tilespmem:s0], [sflag:$0x3] =	stream.indirect_vreg.gather [hbm4b:s1+s3], $0x80, v4, vm0, $0xb8;
	[tilespmem:$0x18200] =	vst v63  }
0x108: {  	_ = 	snop  }
0x109: {  	[tilespmem:s24], [sflag:$0x3] =	stream.indirect_vreg.gather [hbm4b:s1+s3], $0x80, v3, vm0, $0xb8;
	[tilespmem:$0x18200] =	vst v63  }
0x10a: {  	v3 =	vld [tilespmem:$0x150];
	_ =	sdelay $0x4  }
0x10b: {  	v53 =	vshll.u32 v3, $0x1  }
0x10c: {  	v3 =	vand.u32 $0x7, v3;
	v4 =	vand.u32 $0xFFFFFFF0, v53  }
0x10d: {  	v3 =	vor.u32 v3, v4  }
0x10e: {  	v4 =	vperm.xlane v3, v0;
	_ =	sdelay $0x1  }
0x10f: {  	v3 =	vperm.xlane v3, v2;
	v4 =	vadd.s32 v1, v4;
	_ =	sdelay $0x1  }
0x110: {  	s0 =	sld [smem:$0x7FA];
	v3 =	vadd.s32 v1, v3;
	_ =	sdelay $0x1  }
0x111: {  	s24 =	sld [smem:$0x7FB]  }
0x112: {  	[tilespmem:s0], [sflag:$0x3] =	stream.indirect_vreg.gather [hbm4b:s1+s3], $0x80, v4, vm0, $0xb8;
	[tilespmem:$0x18200] =	vst v63  }
0x113: {  	_ = 	snop  }
0x114: {  	[tilespmem:s24], [sflag:$0x3] =	stream.indirect_vreg.gather [hbm4b:s1+s3], $0x80, v3, vm0, $0xb8;
	[tilespmem:$0x18200] =	vst v63  }
0x115: {  	v3 =	vld [tilespmem:$0x160];
	_ =	sdelay $0x4  }
0x116: {  	v54 =	vshll.u32 v3, $0x1  }
0x117: {  	v3 =	vand.u32 $0x7, v3;
	v4 =	vand.u32 $0xFFFFFFF0, v54  }
0x118: {  	v3 =	vor.u32 v3, v4  }
0x119: {  	v4 =	vperm.xlane v3, v0;
	_ =	sdelay $0x1  }
0x11a: {  	v3 =	vperm.xlane v3, v2;
	v4 =	vadd.s32 v1, v4;
	_ =	sdelay $0x1  }
0x11b: {  	s0 =	sld [smem:$0x7FC];
	v3 =	vadd.s32 v1, v3;
	_ =	sdelay $0x1  }
0x11c: {  	s24 =	sld [smem:$0x7FD]  }
0x11d: {  	[tilespmem:s0], [sflag:$0x3] =	stream.indirect_vreg.gather [hbm4b:s1+s3], $0x80, v4, vm0, $0xb8;
	[tilespmem:$0x18200] =	vst v63  }
0x11e: {  	_ = 	snop  }
0x11f: {  	[tilespmem:s24], [sflag:$0x3] =	stream.indirect_vreg.gather [hbm4b:s1+s3], $0x80, v3, vm0, $0xb8;
	[tilespmem:$0x18200] =	vst v63  }
0x120: {  	v3 =	vld [tilespmem:$0x170];
	_ =	sdelay $0x4  }
0x121: {  	v55 =	vshll.u32 v3, $0x1  }
0x122: {  	v3 =	vand.u32 $0x7, v3;
	v4 =	vand.u32 $0xFFFFFFF0, v55  }
0x123: {  	v3 =	vor.u32 v3, v4  }
0x124: {  	v4 =	vperm.xlane v3, v0;
	_ =	sdelay $0x1  }
0x125: {  	v3 =	vperm.xlane v3, v2;
	v4 =	vadd.s32 v1, v4;
	_ =	sdelay $0x1  }
0x126: {  	v3 =	vadd.s32 v1, v3;
	_ =	sdelay $0x1  }
0x127: {  	s24 =	simm.s32 $0x17200  }
0x128: {  	[tilespmem:s24], [sflag:$0x3] =	stream.indirect_vreg.gather [hbm4b:s1+s3], $0x80, v4, vm0, $0xb8;
	[tilespmem:$0x18200] =	vst v63  }
0x129: {  	_ = 	snop  }
0x12a: {  	[tilespmem:s25], [sflag:$0x3] =	stream.indirect_vreg.gather [hbm4b:s1+s3], $0x80, v3, vm0, $0xb8;
	[tilespmem:$0x18200] =	vst v63  }
0x12b: {  	_ =	swait.ge [sflag:s26], $0x8000  }
0x12c: {  	[sflag:s26] =	ssyncset.done $0x0  }
0x12d: {  	s24 =	rddreg [dreg:$0x5];
	[sflag:s26] =	ssyncadd.s32 $0xFFFF8000  }
0x12e: {  	[hbm4b:s24+s3] =	stream.linear.scatter [tilespmem:s6], [sflag:$0x4], $0x8000, $0x38;
	[tilespmem:$0x18200] =	vst v63  }
0x12f: {  	_ =	swait.ge [sflag:s28], $0x8000  }
0x130: {  	[sflag:s28] =	ssyncset.done $0x0  }
0x131: {  	[sflag:s28] =	ssyncadd.s32 $0xFFFF8000  }
0x132: {  	v3 =	vld [tilespmem:$0x180];
	_ =	sdelay $0x4  }
0x133: {  	v56 =	vshll.u32 v3, $0x1  }
0x134: {  	v3 =	vand.u32 $0x7, v3;
	v4 =	vand.u32 $0xFFFFFFF0, v56  }
0x135: {  	v3 =	vor.u32 v3, v4  }
0x136: {  	v4 =	vperm.xlane v3, v0;
	_ =	sdelay $0x1  }
0x137: {  	v3 =	vperm.xlane v3, v2;
	v4 =	vadd.s32 v1, v4;
	_ =	sdelay $0x1  }
0x138: {  	v3 =	vadd.s32 v1, v3;
	_ =	sdelay $0x2  }
0x139: {  	[tilespmem:s6], [sflag:$0x1] =	stream.indirect_vreg.gather [hbm4b:s1+s3], $0x80, v4, vm0, $0xb8;
	[tilespmem:$0x18200] =	vst v63  }
0x13a: {  	_ = 	snop  }
0x13b: {  	[tilespmem:s7], [sflag:$0x1] =	stream.indirect_vreg.gather [hbm4b:s1+s3], $0x80, v3, vm0, $0xb8;
	[tilespmem:$0x18200] =	vst v63  }
0x13c: {  	v3 =	vld [tilespmem:$0x190];
	_ =	sdelay $0x4  }
0x13d: {  	v57 =	vshll.u32 v3, $0x1  }
0x13e: {  	v3 =	vand.u32 $0x7, v3;
	v4 =	vand.u32 $0xFFFFFFF0, v57  }
0x13f: {  	v3 =	vor.u32 v3, v4  }
0x140: {  	v4 =	vperm.xlane v3, v0;
	_ =	sdelay $0x1  }
0x141: {  	v3 =	vperm.xlane v3, v2;
	v4 =	vadd.s32 v1, v4;
	_ =	sdelay $0x1  }
0x142: {  	v3 =	vadd.s32 v1, v3;
	_ =	sdelay $0x2  }
0x143: {  	[tilespmem:s8], [sflag:$0x1] =	stream.indirect_vreg.gather [hbm4b:s1+s3], $0x80, v4, vm0, $0xb8;
	[tilespmem:$0x18200] =	vst v63  }
0x144: {  	_ = 	snop  }
0x145: {  	[tilespmem:s9], [sflag:$0x1] =	stream.indirect_vreg.gather [hbm4b:s1+s3], $0x80, v3, vm0, $0xb8;
	[tilespmem:$0x18200] =	vst v63  }
0x146: {  	v3 =	vld [tilespmem:$0x1A0];
	_ =	sdelay $0x4  }
0x147: {  	v58 =	vshll.u32 v3, $0x1  }
0x148: {  	v3 =	vand.u32 $0x7, v3;
	v4 =	vand.u32 $0xFFFFFFF0, v58  }
0x149: {  	v3 =	vor.u32 v3, v4  }
0x14a: {  	v4 =	vperm.xlane v3, v0;
	_ =	sdelay $0x1  }
0x14b: {  	v3 =	vperm.xlane v3, v2;
	v4 =	vadd.s32 v1, v4;
	_ =	sdelay $0x1  }
0x14c: {  	v3 =	vadd.s32 v1, v3;
	_ =	sdelay $0x2  }
0x14d: {  	[tilespmem:s10], [sflag:$0x1] =	stream.indirect_vreg.gather [hbm4b:s1+s3], $0x80, v4, vm0, $0xb8;
	[tilespmem:$0x18200] =	vst v63  }
0x14e: {  	_ = 	snop  }
0x14f: {  	[tilespmem:s11], [sflag:$0x1] =	stream.indirect_vreg.gather [hbm4b:s1+s3], $0x80, v3, vm0, $0xb8;
	[tilespmem:$0x18200] =	vst v63  }
0x150: {  	v3 =	vld [tilespmem:$0x1B0];
	_ =	sdelay $0x4  }
0x151: {  	v59 =	vshll.u32 v3, $0x1  }
0x152: {  	v3 =	vand.u32 $0x7, v3;
	v4 =	vand.u32 $0xFFFFFFF0, v59  }
0x153: {  	v3 =	vor.u32 v3, v4  }
0x154: {  	v4 =	vperm.xlane v3, v0;
	_ =	sdelay $0x1  }
0x155: {  	v3 =	vperm.xlane v3, v2;
	v4 =	vadd.s32 v1, v4;
	_ =	sdelay $0x1  }
0x156: {  	v3 =	vadd.s32 v1, v3;
	_ =	sdelay $0x2  }
0x157: {  	[tilespmem:s12], [sflag:$0x1] =	stream.indirect_vreg.gather [hbm4b:s1+s3], $0x80, v4, vm0, $0xb8;
	[tilespmem:$0x18200] =	vst v63  }
0x158: {  	_ = 	snop  }
0x159: {  	[tilespmem:s13], [sflag:$0x1] =	stream.indirect_vreg.gather [hbm4b:s1+s3], $0x80, v3, vm0, $0xb8;
	[tilespmem:$0x18200] =	vst v63  }
0x15a: {  	v3 =	vld [tilespmem:$0x1C0];
	_ =	sdelay $0x4  }
0x15b: {  	v60 =	vshll.u32 v3, $0x1  }
0x15c: {  	v3 =	vand.u32 $0x7, v3;
	v4 =	vand.u32 $0xFFFFFFF0, v60  }
0x15d: {  	v3 =	vor.u32 v3, v4  }
0x15e: {  	v4 =	vperm.xlane v3, v0;
	_ =	sdelay $0x1  }
0x15f: {  	v3 =	vperm.xlane v3, v2;
	v4 =	vadd.s32 v1, v4;
	_ =	sdelay $0x1  }
0x160: {  	v3 =	vadd.s32 v1, v3;
	_ =	sdelay $0x2  }
0x161: {  	[tilespmem:s14], [sflag:$0x1] =	stream.indirect_vreg.gather [hbm4b:s1+s3], $0x80, v4, vm0, $0xb8;
	[tilespmem:$0x18200] =	vst v63  }
0x162: {  	_ = 	snop  }
0x163: {  	[tilespmem:s15], [sflag:$0x1] =	stream.indirect_vreg.gather [hbm4b:s1+s3], $0x80, v3, vm0, $0xb8;
	[tilespmem:$0x18200] =	vst v63  }
0x164: {  	v3 =	vld [tilespmem:$0x1D0];
	_ =	sdelay $0x4  }
0x165: {  	v61 =	vshll.u32 v3, $0x1  }
0x166: {  	v3 =	vand.u32 $0x7, v3;
	v4 =	vand.u32 $0xFFFFFFF0, v61  }
0x167: {  	v3 =	vor.u32 v3, v4  }
0x168: {  	v4 =	vperm.xlane v3, v0;
	_ =	sdelay $0x1  }
0x169: {  	v3 =	vperm.xlane v3, v2;
	v4 =	vadd.s32 v1, v4;
	_ =	sdelay $0x1  }
0x16a: {  	v3 =	vadd.s32 v1, v3;
	_ =	sdelay $0x2  }
0x16b: {  	[tilespmem:s16], [sflag:$0x1] =	stream.indirect_vreg.gather [hbm4b:s1+s3], $0x80, v4, vm0, $0xb8;
	[tilespmem:$0x18200] =	vst v63  }
0x16c: {  	_ = 	snop  }
0x16d: {  	[tilespmem:s17], [sflag:$0x1] =	stream.indirect_vreg.gather [hbm4b:s1+s3], $0x80, v3, vm0, $0xb8;
	[tilespmem:$0x18200] =	vst v63  }
0x16e: {  	v3 =	vld [tilespmem:$0x1E0];
	_ =	sdelay $0x4  }
0x16f: {  	v62 =	vshll.u32 v3, $0x1  }
0x170: {  	v3 =	vand.u32 $0x7, v3;
	v4 =	vand.u32 $0xFFFFFFF0, v62  }
0x171: {  	v3 =	vor.u32 v3, v4  }
0x172: {  	v4 =	vperm.xlane v3, v0;
	_ =	sdelay $0x1  }
0x173: {  	v3 =	vperm.xlane v3, v2;
	v4 =	vadd.s32 v1, v4;
	_ =	sdelay $0x1  }
0x174: {  	v3 =	vadd.s32 v1, v3;
	_ =	sdelay $0x2  }
0x175: {  	[tilespmem:s18], [sflag:$0x1] =	stream.indirect_vreg.gather [hbm4b:s1+s3], $0x80, v4, vm0, $0xb8;
	[tilespmem:$0x18200] =	vst v63  }
0x176: {  	_ = 	snop  }
0x177: {  	[tilespmem:s19], [sflag:$0x1] =	stream.indirect_vreg.gather [hbm4b:s1+s3], $0x80, v3, vm0, $0xb8;
	[tilespmem:$0x18200] =	vst v63  }
0x178: {  	v3 =	vld [tilespmem:$0x1F0];
	_ =	sdelay $0x4  }
0x179: {  	v63 =	vshll.u32 v3, $0x1  }
0x17a: {  	v3 =	vand.u32 $0x7, v3;
	v4 =	vand.u32 $0xFFFFFFF0, v63  }
0x17b: {  	v3 =	vor.u32 v3, v4  }
0x17c: {  	v4 =	vperm.xlane v3, v0;
	_ =	sdelay $0x1  }
0x17d: {  	v3 =	vperm.xlane v3, v2;
	v4 =	vadd.s32 v1, v4;
	_ =	sdelay $0x1  }
0x17e: {  	v3 =	vadd.s32 v1, v3;
	_ =	sdelay $0x2  }
0x17f: {  	[tilespmem:s20], [sflag:$0x1] =	stream.indirect_vreg.gather [hbm4b:s1+s3], $0x80, v4, vm0, $0xb8;
	[tilespmem:$0x18200] =	vst v63  }
0x180: {  	_ = 	snop  }
0x181: {  	[tilespmem:s21], [sflag:$0x1] =	stream.indirect_vreg.gather [hbm4b:s1+s3], $0x80, v3, vm0, $0xb8;
	[tilespmem:$0x18200] =	vst v63  }
0x182: {  	_ =	swait.ge [sflag:s29], $0x8000  }
0x183: {  	[sflag:s29] =	ssyncset.done $0x0  }
0x184: {  	s24 =	rddreg [dreg:$0x6];
	[sflag:s29] =	ssyncadd.s32 $0xFFFF8000  }
0x185: {  	[hbm4b:s24+s3] =	stream.linear.scatter [tilespmem:s22], [sflag:$0x5], $0x8000, $0x38;
	[tilespmem:$0x18200] =	vst v63  }
0x186: {  	_ =	swait.ge [sflag:s30], $0x8000  }
0x187: {  	[sflag:s30] =	ssyncset.done $0x0  }
0x188: {  	s24 =	rddreg [dreg:$0x7];
	[sflag:s30] =	ssyncadd.s32 $0xFFFF8000  }
0x189: {  	[hbm4b:s24+s3] =	stream.linear.scatter [tilespmem:s23], [sflag:$0x6], $0x8000, $0x38;
	[tilespmem:$0x18200] =	vst v63  }
0x18a: {  	_ =	swait.ge [sflag:s26], $0x8000  }
0x18b: {  	[sflag:s26] =	ssyncset.done $0x0  }
0x18c: {  	s24 =	rddreg [dreg:$0x8];
	[sflag:s26] =	ssyncadd.s32 $0xFFFF8000  }
0x18d: {  	[hbm4b:s24+s3] =	stream.linear.scatter [tilespmem:s6], [sflag:$0x4], $0x8000, $0x38;
	[tilespmem:$0x18200] =	vst v63  }
0x18e: {  	_ =	swait.ge [sflag:s28], $0x8000  }
0x18f: {  	[sflag:s28] =	ssyncset.done $0x0  }
0x190: {  	[sflag:s28] =	ssyncadd.s32 $0xFFFF8000  }
0x191: {  	p0 =	sne.s32 s4, $0x1;
	_ =	swait.ge [sflag:s31], $0x8000  }
.Ltmp0:
0x192: {  	[sflag:s31] =	ssyncset.done $0x0;
	(pc) =	sbr.rel @p0 .LBB2_1-.Ltmp0, $4  }
0x193: {  	[sflag:s31] =	ssyncadd.s32 $0xFFFF8000  }
0x194: {  	_ =	swait.ge [sflag:s2], $0x8000  }
0x195: {  	[sflag:s2] =	ssyncset.done $0x0  }
0x196: {  	s4 =	sadd.s32 $0xFFFFFFFF, s4;
	[sflag:s2] =	ssyncadd.s32 $0xFFFF8000  }
0x197: {  	_ =	sfence.sel $0x180000  }
0x198: {  	[bflag:$0x0] =	sbarrier.arrive $0xFFFF  }
0x199: {  	_ =	strace $0x9000004D  }
0x19a: {  	s0 =	stileid.u32;
	[bflag:$0x2] =	sbarrier.arrive $0xFFFF  }
0x19b: {  	p0 =	sne.s32 s0, $0x0;
	s0 =	rddreg [dreg:$0x3]  }
0x19c: {  	s0 =	sadd.s32 @!p0 $0x100000, s0  }
0x19d: {  	[sflag:s0] =	ssyncadd.tile.s32 @!p0 $0x1;
	_ =	shalt  }
.Lfunc_end2:
_tile_overlayer_lowered:
.L_overlay_start_2:
0x19e: {  	(tag) =	ssettag $0x2  }
0x19f: {  	s0 =	rddreg [dreg:$0x0];
	s2 =	stileid.u32  }
0x1a0: {  	s1 =	rddreg [dreg:$0x1];
	p0 =	sne.s32 s2, $0x0  }
0x1a1: {  	s3 =	rddreg [dreg:$0x2];
	[bflag:$0x3] =	sbarrier.arrive $0xFFFF;
	s2 =	simm.s32 @!p0 $0x1C07  }
0x1a2: {  	[timem:s3], [sflag:s2] =	dma.local @!p0 [hbm:s0], s1  }
0x1a3: {  	s0 =	simm.s32 @!p0 $0x7  }
0x1a4: {  	_ =	swait.ge @!p0 [sflag:s0], s1  }
0x1a5: {  	s1 =	ssub.s32 @!p0 $0x0, s1;
	[sflag:s0] =	ssyncset.done @!p0 $0x0  }
0x1a6: {  	[sflag:s0] =	ssyncadd.s32 @!p0 s1  }
0x1a7: {  	[bflag:$0x3] =	sbarrier.arrive $0xFFFF  }
0x1a8: {  	_ =	shalt  }

// kernel: kernel.8.cloned.1.call-start
scs
__scs_entry_jumppad:
0x0: {  	(pc) =	sbr.rel $0x88, $3  }
0x1: {  	(tag) =	ssettag $0x0;
	lr =	simm.s32 $0x1  }
0x2: {  	[smem:$0x3F77] =	sst lr;
	_ =	strace $0xD0000000  }
0x3: {  	_ = 	snop  }
0x4: {  	_ = 	snop  }
0x5: {  	_ = 	snop  }
0x6: {  	_ = 	snop  }
0x7: {  	_ = 	snop  }
__scs_overlays_trampoline_lowered:
0x8: {  	[smem:$0x3F86] =	sst s0  }
0x9: {  	[smem:$0x3F87] =	sst s1  }
0xa: {  	[smem:$0x3F88] =	sst s2  }
0xb: {  	[smem:$0x3F89] =	sst s3  }
0xc: {  	[smem:$0x3F8A] =	sst s4  }
0xd: {  	[smem:$0x3F8B] =	sst s5  }
0xe: {  	[smem:$0x3F8C] =	sst s6  }
0xf: {  	[smem:$0x3F8D] =	sst s7  }
0x10: {  	[smem:$0x3F8E] =	sst s8  }
0x11: {  	[smem:$0x3F8F] =	sst s9;
	s0 =	simm.s32 @!p0 $0x0  }
0x12: {  	s1 =	sld [smem:$0x3F75];
	s0 =	simm.s32 @p0 $0x1  }
0x13: {  	[smem:$0x3F90] =	sst s0;
	s0 =	simm.s32 @!p1 $0x0  }
0x14: {  	s2 =	sld [smem:$0x3F74];
	s0 =	simm.s32 @p1 $0x1  }
0x15: {  	[smem:$0x3F91] =	sst s0;
	s0 =	simm.s32 @!p2 $0x0  }
0x16: {  	s3 =	sld [smem:$0x3FDB];
	s0 =	simm.s32 @p2 $0x1  }
0x17: {  	s4 =	simm.s32 $0x1BF5;
	[smem:$0x3F93] =	sst s0  }
0x18: {  	s0 =	sld [smem:$0x3F76];
	_ =	swait.ge [sflag:s4], $0x0  }
0x19: {  	s7 =	sld [smem:$0x3F77]  }
0x1a: {  	s8 =	sadd.s32 $0xFFFFE003, lr  }
0x1b: {  	s9 =	sadd.s32 $0xFFFFFEF7, lr;
	s5 =	simm.s32 $0xFFFFFFFF;
	p2 =	slt.u32 s8, $0xFFFFF086  }
0x1c: {  	p1 =	slt.u32 s9, $0xF7A;
	s5 =	simm.s32 @!p2 $0x0  }
0x1d: {  	s5 =	simm.s32 @p1 $0x1;
	p0 =	seq.s32 s7, s2  }
0x1e: {  	s7 =	smul.u32 @!p0 $0xF7A, s2;
	p2 =	seq.s32 @!p0 s5, $0x0  }
0x1f: {  	s9 =	smul.u32 $0xF7A, s1;
	s8 =	simm.s32 @!p0 $0x1BF5;
	p2 =	por !p2, p0  }
0x20: {  	[sflag:s8] =	ssyncset.s32 @!p0 $0xFFFFF086;
	s6 =	sadd.s32 @!p0 s3, s7;
	s7 =	simm.s32 @!p0 $0x108  }
0x21: {  	s3 =	sadd.s32 s3, s9;
	s6 =	sadd.s32 @!p0 $0x88, s6;
	s7 =	simm.s32 @p2 $0x1082  }
0x22: {  	[simem:s7], [sflag:s8] =	dma.local @!p0 [hbm:s6], $0xF7A  }
0x23: {  	s9 =	sor.u32 $0xD0000000, s2;
	s6 =	simm.s32 $0x108;
	_ =	swait.ge @!p0 [sflag:s8], $0x0  }
0x24: {  	s3 =	sadd.s32 $0x88, s3;
	s6 =	simm.s32 @!p1 $0x1082;
	[sflag:s4] =	ssyncset.s32 $0xFFFFF086  }
0x25: {  	[simem:s6], [sflag:s4] =	dma.local [hbm:s3], $0xF7A  }
0x26: {  	[smem:$0x3F77] =	sst s1;
	(tag) =	ssettag s2;
	_ =	strace s9  }
0x27: {  	s1 =	sld [smem:$0x3F87]  }
0x28: {  	s2 =	sld [smem:$0x3F88]  }
0x29: {  	s4 =	sld [smem:$0x3F8A]  }
0x2a: {  	p0 =	seq.s32 s5, $0x0;
	s5 =	sld [smem:$0x3F8B]  }
0x2b: {  	s6 =	sld [smem:$0x3F8C]  }
0x2c: {  	s7 =	sld [smem:$0x3F8D]  }
0x2d: {  	s3 =	simm.s32 $0x108;
	s8 =	sld [smem:$0x3F8E]  }
0x2e: {  	s3 =	simm.s32 @!p0 $0x1082;
	s9 =	sld [smem:$0x3F8F]  }
0x2f: {  	lr =	sadd.s32 s0, s3;
	s0 =	sld [smem:$0x3F86]  }
0x30: {  	s3 =	sld [smem:$0x3F89]  }
0x31: {  	[smem:$0x3F92] =	sst s10  }
0x32: {  	s10 =	sld [smem:$0x3F90];
	_ =	sdelay $0x3  }
0x33: {  	p0 =	seq.s32 s10, $0x1;
	s10 =	sld [smem:$0x3F92];
	_ =	sdelay $0x3  }
0x34: {  	[smem:$0x3F92] =	sst s10  }
0x35: {  	s10 =	sld [smem:$0x3F91];
	_ =	sdelay $0x3  }
0x36: {  	p1 =	seq.s32 s10, $0x1;
	s10 =	sld [smem:$0x3F92];
	_ =	sdelay $0x3  }
0x37: {  	[smem:$0x3F92] =	sst s10  }
0x38: {  	s10 =	sld [smem:$0x3F93]  }
0x39: {  	_ = 	snop;
	(pc) =	sbr.ind lr, $3  }
0x3a: {  	_ = 	snop  }
0x3b: {  	_ = 	snop  }
0x3c: {  	p2 =	seq.s32 s10, $0x1;
	s10 =	sld [smem:$0x3F92]  }
0x3d: {  	_ =	shalt  }
0x3e: {  	_ =	shalt  }
0x3f: {  	_ =	shalt  }
0x40: {  	_ =	shalt  }
0x41: {  	_ =	shalt  }
0x42: {  	_ =	shalt  }
0x43: {  	_ =	shalt  }
0x44: {  	_ =	shalt  }
0x45: {  	_ =	shalt  }
0x46: {  	_ =	shalt  }
0x47: {  	_ =	shalt  }
0x48: {  	_ =	shalt  }
0x49: {  	_ =	shalt  }
0x4a: {  	_ =	shalt  }
0x4b: {  	_ =	shalt  }
0x4c: {  	_ =	shalt  }
0x4d: {  	_ =	shalt  }
0x4e: {  	_ =	shalt  }
0x4f: {  	_ =	shalt  }
0x50: {  	_ =	shalt  }
0x51: {  	_ =	shalt  }
0x52: {  	_ =	shalt  }
0x53: {  	_ =	shalt  }
0x54: {  	_ =	shalt  }
0x55: {  	_ =	shalt  }
0x56: {  	_ =	shalt  }
0x57: {  	_ =	shalt  }
0x58: {  	_ =	shalt  }
0x59: {  	_ =	shalt  }
0x5a: {  	_ =	shalt  }
0x5b: {  	_ =	shalt  }
0x5c: {  	_ =	shalt  }
0x5d: {  	_ =	shalt  }
0x5e: {  	_ =	shalt  }
0x5f: {  	_ =	shalt  }
0x60: {  	_ =	shalt  }
0x61: {  	_ =	shalt  }
0x62: {  	_ =	shalt  }
0x63: {  	_ =	shalt  }
0x64: {  	_ =	shalt  }
0x65: {  	_ =	shalt  }
0x66: {  	_ =	shalt  }
0x67: {  	_ =	shalt  }
0x68: {  	_ =	shalt  }
0x69: {  	_ =	shalt  }
0x6a: {  	_ =	shalt  }
0x6b: {  	_ =	shalt  }
0x6c: {  	_ =	shalt  }
0x6d: {  	_ =	shalt  }
0x6e: {  	_ =	shalt  }
0x6f: {  	_ =	shalt  }
0x70: {  	_ =	shalt  }
0x71: {  	_ =	shalt  }
0x72: {  	_ =	shalt  }
0x73: {  	_ =	shalt  }
0x74: {  	_ =	shalt  }
0x75: {  	_ =	shalt  }
0x76: {  	_ =	shalt  }
0x77: {  	_ =	shalt  }
0x78: {  	_ =	shalt  }
0x79: {  	_ =	shalt  }
0x7a: {  	_ =	shalt  }
0x7b: {  	_ =	shalt  }
0x7c: {  	_ =	shalt  }
0x7d: {  	_ =	shalt  }
0x7e: {  	_ =	shalt  }
0x7f: {  	_ =	shalt  }
0x80: {  	_ =	shalt  }
0x81: {  	_ =	shalt  }
0x82: {  	_ =	shalt  }
0x83: {  	_ =	shalt  }
0x84: {  	_ =	shalt  }
0x85: {  	_ =	shalt  }
0x86: {  	_ =	shalt  }
0x87: {  	_ =	shalt  }
.Lfunc_end0:
.L_simem_size_0:
called_computation_lowered:
.L_overlay_start_0:
0x88: {  	s2 =	sld [smem:$0x3FD9]  }
0x89: {  	s3 =	sld [smem:$0x3FFE];
	_ =	sdelay $0x1  }
0x8a: {  	s1 =	srdreg.scid  }
0x8b: {  	s0 =	sand.u32 $0x1, s1  }
0x8c: {  	s15 =	sshll.u32 s0, $0xA;
	s2 =	sadd.s32 s3, s2  }
0x8d: {  	s2 =	sadd.s32 s2, s15  }
0x8e: {  	[smem:$0x3F9E] =	sst s2  }
0x8f: {  	_ = 	snop  }
0x90: {  	s2 =	sld [smem:$0x3FD0];
	_ =	sdelay $0x2  }
0x91: {  	s4 =	simm.s32 $0xA;
	s5 =	simm.s32 $0x10;
	s16 =	sld [smem:$0x3FC6]  }
0x92: {  	[smem:s5], [sflag:s4] =	dma.local [hbm:s2], $0x1  }
0x93: {  	_ =	swait.eq [sflag:s4], $0x1  }
0x94: {  	[sflag:s4] =	ssyncset.done $0x0  }
0x95: {  	s17 =	sld [smem:$0x10];
	[sflag:s4] =	ssyncadd.s32 $0xFFFFFFFF  }
0x96: {  	s18 =	sld [smem:$0x11];
	(tm) =	ssettm $0x1  }
0x97: {  	s19 =	sld [smem:$0x3FFB];
	_ =	sdelay $0x3  }
0x98: {  	_ =	strace s19  }
0x99: {  	s5 =	sld [smem:$0x3FFC];
	_ =	sdelay $0x3  }
0x9a: {  	_ =	strace s5  }
0x9b: {  	s5 =	sld [smem:$0x3FFD];
	_ =	sdelay $0x3  }
0x9c: {  	_ =	strace s5  }
0x9d: {  	_ =	strace $0x8FFFFFFF  }
0x9e: {  	s20 =	sld [smem:$0x3FDB];
	_ =	sdelay $0x1  }
0x9f: {  	s6 =	simm.s32 $_scs_section_size  }
0xa0: {  	s7 =	simm.s32 $_size__tile_overlayer_lowered;
	s8 =	simm.s32 $_tile_overlayer_lowered  }
0xa1: {  	s23 =	simm.s32 $0x1BFF;
	s22 =	sshll.u32 s8, $0x1;
	s5 =	sadd.s32 s6, s20  }
0xa2: {  	s9 =	simm.s32 $0x0;
	s21 =	sshll.u32 s7, $0x1;
	s7 =	sadd.s32 s22, s5  }
0xa3: {  	[timem:s9], [sflag:s23] =	dma.local [hbm:s7], s21  }
0xa4: {  	_ =	swait.ge [sflag:s23], s21  }
0xa5: {  	s6 =	ssub.s32 $0x0, s21;
	[sflag:s23] =	ssyncset.done $0x0  }
0xa6: {  	[sflag:s23] =	ssyncadd.s32 s6;
	_ =	sdelay $0x1  }
0xa7: {  	s24 =	simm.s32 $0x1B8B  }
0xa8: {  	_ =	swait.ge [sflag:s24], $0x1  }
0xa9: {  	[sflag:s24] =	ssyncset.done $0x0  }
0xaa: {  	s25 =	simm.s32 $0x1B8E;
	[sflag:s24] =	ssyncadd.s32 $0xFFFFFFFF  }
0xab: {  	s26 =	simm.s32 $execute0_lowered;
	[smem:$0x3FD2] =	sst s25  }
0xac: {  	s6 =	sshll.u32 s26, $0x1;
	_ =	strace $0x80000046;
	[dreg:$0x1] =	wrdreg $0xFFFFFFFF  }
0xad: {  	s28 =	simm.s32 $_size_execute0_lowered;
	s5 =	sadd.s32 s5, s6;
	[dreg:$0x0] =	wrdreg $0x0  }
0xae: {  	s6 =	sshll.u32 s28, $0x1;
	[dreg:$0x2] =	wrdreg s5  }
0xaf: {  	[dreg:$0x3] =	wrdreg s6  }
0xb0: {  	[dreg:$0x4] =	wrdreg $0xC0  }
0xb1: {  	_ =	task [dreg:s9], $0x5FFFF  }
0xb2: {  	[dreg:$0x1] =	wrdreg $0xFFFFFFFF  }
0xb3: {  	[dreg:$0x0] =	wrdreg $0x60  }
0xb4: {  	[dreg:$0x2] =	wrdreg s16  }
0xb5: {  	[dreg:$0x3] =	wrdreg s18  }
0xb6: {  	[dreg:$0x4] =	wrdreg s17  }
0xb7: {  	[dreg:$0x5] =	wrdreg $0x9  }
0xb8: {  	_ =	task.clear_ibuf [dreg:s9], $0x6FFFF;
	_ =	strace $0x90000046  }
0xb9: {  	s29 =	simm.s32 $0x9;
	_ =	strace $0x80000048  }
0xba: {  	_ =	swait.ge [sflag:s29], $0x1  }
0xbb: {  	[sflag:s29] =	ssyncadd.s32 $0xFFFFFFFF  }
0xbc: {  	_ =	strace $0x90000048  }
0xbd: {  	_ =	sfence  }
0xbe: {  	s30 =	sld [smem:$0x0];
	_ =	sdelay $0x2  }
0xbf: {  	s31 =	sshll.u32 s1, $0xD;
	s1 =	sshrl.u32 s1, $0x2  }
0xc0: {  	s3 =	sand.u32 $0x4000, s31;
	s1 =	sadd.s32 s1, s30  }
0xc1: {  	s0 =	sor.u32 s3, s0;
	s1 =	sshll.u32 s1, $0x11  }
0xc2: {  	s0 =	sor.u32 s1, s0  }
0xc3: {  	s0 =	sadd.s32 $0x8F2B, s0  }
0xc4: {  	[sflag:s0] =	ssyncadd.remote.s32 $0x1  }
0xc5: {  	_ =	sfence.sel $0xFFFF  }
0xc6: {  	[dreg:$0x0] =	wrdreg $0xFFFFFFFF;
	(pc) =	sbr.abs _section_cstart, $3  }
0xc7: {  	[dreg:$0x1] =	wrdreg $0xFFFFFFFF  }
0xc8: {  	_ =	task.clear_ibuf [dreg:s9], $0x2FFFF;
	_ =	strace $0x9FFFFFFF  }
0xc9: {  	(tm) =	ssettm $0x7FFFFFFF  }
tec
execute0_lowered:
.L_overlay_start_1:
0x0: {  	(tag) =	ssettag $0x1  }
0x1: {  	s1 =	rddreg [dreg:$0x0]  }
0x2: {  	s2 =	srdreg.scid;
	s4 =	rddreg [dreg:$0x1]  }
0x3: {  	s0 =	stileid.u32;
	s9 =	rddreg [dreg:$0x2];
	s6 =	sand.u32 $0x1, s2  }
0x4: {  	s3 =	simm.s32 $0x0;
	s5 =	sshll.u32 s0, $0x7;
	s7 =	sshll.u32 s6, $0x6  }
0x5: {  	[smem:$0x7FF] =	sst s3;
	s10 =	sor.u32 s7, s5  }
0x6: {  	s2 =	rddreg [dreg:$0x3];
	_ =	strace $0x80000047;
	s5 =	sshrl.u32 s10, $0x3  }
0x7: {  	s11 =	ssub.s32 $0x2, s6;
	s5 =	sadd.s32 s4, s5;
	s4 =	simm.s32 $0x2  }
0x8: {  	[tilespmem:s3], [sflag:$0x2] =	stream.linear.gather [hbm4b:s5+s3], $0x40, $0x38;
	[tilespmem:$0x2080] =	vst v63  }
0x9: {  	s8 =	simm.s32 $0x1;
	s12 =	sshrl.u32 s11, $0x1;
	_ =	swait.ge [sflag:s4], $0x40  }
0xa: {  	s6 =	simm.s32 $0x40;
	s11 =	ssub.s32 s11, s12;
	[sflag:s4] =	ssyncset.done $0x0  }
0xb: {  	s7 =	simm.s32 $0x80;
	s31 =	smax.u32 s11, $0x1;
	[sflag:s4] =	ssyncadd.s32 $0xFFFFFFC0  }
0xc: {  	[tilespmem:s7], [sflag:$0x1] =	stream.indirect.gather [hbm4b:s1+s6], $0x80, s3, s6, $0xb8;
	[tilespmem:$0x2080] =	vst v63  }
0xd: {  	p0 =	sne.s32 s31, $0x1;
	_ =	swait.ge [sflag:s8], $0x2000  }
.Ltmp0:
0xe: {  	s10 =	sshll.u32 s10, $0x4;
	[sflag:s8] =	ssyncset.done $0x0;
	(pc) =	sbr.rel @!p0 .LBB2_2-.Ltmp0, $4  }
0xf: {  	s9 =	sadd.s32 s9, s10;
	[sflag:s8] =	ssyncadd.s32 $0xFFFFE000  }
0x10: {  	[hbm4b:s9+s3] =	stream.linear.scatter [tilespmem:s7], [sflag:$0x2], $0x2000, $0x38;
	[tilespmem:$0x2080] =	vst v63  }
0x11: {  	_ =	swait.ge [sflag:s4], $0x2000  }
0x12: {  	s10 =	sadd.s32 $0xFFFFFFFF, s31;
	[sflag:s4] =	ssyncset.done $0x0  }
.LBB2_1:
0x13: {  	p0 =	sne.s32 s10, $0x1;
	s10 =	sadd.s32 $0xFFFFFFFF, s10;
	[sflag:s4] =	ssyncadd.s32 $0xFFFFE000  }
0x14: {  	[tilespmem:s3], [sflag:$0x2] =	stream.linear.gather [hbm4b:s5+s3], $0x40, $0x38;
	[tilespmem:$0x2080] =	vst v63  }
0x15: {  	_ =	swait.ge [sflag:s4], $0x40  }
0x16: {  	[sflag:s4] =	ssyncset.done $0x0  }
0x17: {  	[sflag:s4] =	ssyncadd.s32 $0xFFFFFFC0  }
0x18: {  	[tilespmem:s7], [sflag:$0x1] =	stream.indirect.gather [hbm4b:s1+s6], $0x80, s3, s6, $0xb8;
	[tilespmem:$0x2080] =	vst v63  }
0x19: {  	_ =	swait.ge [sflag:s8], $0x2000  }
.Ltmp1:
0x1a: {  	[sflag:s8] =	ssyncset.done $0x0;
	(pc) =	sbr.rel @p0 .LBB2_1-.Ltmp1, $4  }
0x1b: {  	[sflag:s8] =	ssyncadd.s32 $0xFFFFE000  }
0x1c: {  	[hbm4b:s9+s3] =	stream.linear.scatter [tilespmem:s7], [sflag:$0x2], $0x2000, $0x38;
	[tilespmem:$0x2080] =	vst v63  }
0x1d: {  	_ =	swait.ge [sflag:s4], $0x2000  }
0x1e: {  	[sflag:s4] =	ssyncset.done $0x0  }
.LBB2_2:
0x1f: {  	[sflag:s4] =	ssyncadd.s32 $0xFFFFE000  }
0x20: {  	_ =	sfence.sel $0x180000  }
0x21: {  	[bflag:$0x0] =	sbarrier.arrive $0xFFFF  }
0x22: {  	p0 =	sne.s32 s0, $0x0;
	_ =	strace $0x90000047  }
0x23: {  	s0 =	sadd.s32 @!p0 $0x100000, s2;
	[bflag:$0x2] =	sbarrier.arrive $0xFFFF  }
0x24: {  	[sflag:s0] =	ssyncadd.tile.s32 @!p0 $0x1;
	_ =	shalt  }
.Lfunc_end2:
_tile_overlayer_lowered:
.L_overlay_start_2:
0x25: {  	(tag) =	ssettag $0x2  }
0x26: {  	s0 =	rddreg [dreg:$0x0];
	s2 =	stileid.u32  }
0x27: {  	s1 =	rddreg [dreg:$0x1];
	p0 =	sne.s32 s2, $0x0  }
0x28: {  	s3 =	rddreg [dreg:$0x2];
	[bflag:$0x3] =	sbarrier.arrive $0xFFFF;
	s2 =	simm.s32 @!p0 $0x1C02  }
0x29: {  	[timem:s3], [sflag:s2] =	dma.local @!p0 [hbm:s0], s1  }
0x2a: {  	s0 =	simm.s32 @!p0 $0x2  }
0x2b: {  	_ =	swait.ge @!p0 [sflag:s0], s1  }
0x2c: {  	s1 =	ssub.s32 @!p0 $0x0, s1;
	[sflag:s0] =	ssyncset.done @!p0 $0x0  }
0x2d: {  	[sflag:s0] =	ssyncadd.s32 @!p0 s1  }
0x2e: {  	[bflag:$0x3] =	sbarrier.arrive $0xFFFF  }
0x2f: {  	_ =	shalt  }

</sc_bundles>
